<compile_context>
chip_gen: v7x
topology: tpu7x:2x2x1
jax: 0.10.2.dev20260603
libtpu: 0.0.44.dev20260713+nightly
codegen_flags: <defaults>
</compile_context>

<pallas_src>
import functools

import jax
import jax.numpy as jnp
from jax import lax
from jax.experimental import pallas as pl
from jax.experimental.pallas import tpu as pltpu
from jax.experimental.pallas import tpu_sc as plsc

N = 10000
E = 320000
D = 128
NRA = 10240

NC = 2
NS = 16
NW = NC * NS
B = 125
KB = 8
CPT = 80
NG = CPT // KB
NG2 = NG // 2
NCH = NW * CPT
RPT = NRA // NS

_MESH = plsc.VectorSubcoreMesh(core_axis_name="c", subcore_axis_name="s")


def _worker_id():
    return lax.axis_index("s") * NC + lax.axis_index("c")


def _gather_scatter_2groups(table, sb0, db0, sb1, db1, acc_sh, vals, gsem,
                            ssem, at_idx_wait, at_prefetch):
    nbuf = len(vals)
    n = 2 * KB
    h_g = [None] * nbuf
    h_s = [None] * nbuf
    state = {"started": 0, "waited": False}

    def start_one():
        j = state["started"]
        if j >= KB and not state["waited"]:
            at_idx_wait()
            state["waited"] = True
        sb = sb0 if j < KB else sb1
        p = j % nbuf
        if h_s[p] is not None:
            h_s[p].wait()
        h_g[p] = pltpu.async_copy(table.at[sb.at[j % KB]], vals[p], gsem[p])
        state["started"] = j + 1

    for _ in range(min(nbuf, n)):
        start_one()
    for k in range(n):
        db = db0 if k < KB else db1
        p = k % nbuf
        h_g[p].wait()
        if k == KB - 1:
            at_prefetch()
        h_s[p] = pltpu.async_copy(vals[p], acc_sh.at[db.at[k % KB]], ssem[p],
                                  add=True)
        if state["started"] < n:
            start_one()
    for p in range(nbuf):
        if h_s[p] is not None:
            h_s[p].wait()


def _make_edge_pass(d_feat, stage_table, nbuf):
    if d_feat == 1:
        tshape = (NRA,)
        ashape = (NRA,)
        vshape = (B,)
        zshape = (RPT,)
    else:
        tshape = (N, d_feat)
        ashape = (NRA, d_feat)
        vshape = (B, d_feat)
        zshape = (RPT, d_feat)

    scratch = (
        [pltpu.VMEM((KB, B), jnp.int32)] * 4
        + [pltpu.VMEM(vshape, jnp.float32)] * nbuf
        + [pltpu.VMEM_SHARED(ashape, jnp.float32)]
        + ([pltpu.VMEM_SHARED(tshape, jnp.float32)] if stage_table else [])
        + [pltpu.SemaphoreType.DMA] * (2 * nbuf + 2)
    )

    @functools.partial(
        pl.kernel,
        mesh=_MESH,
        out_type=jax.ShapeDtypeStruct((NC,) + ashape, jnp.float32),
        scratch_types=scratch,
    )
    def edge_pass(table_hbm, srcm_hbm, dstm_hbm, zeros_hbm, out_hbm,
                  sb0, sb1, db0, db1, *rest):
        vals = tuple(rest[:nbuf])
        acc_sh = rest[nbuf]
        rest = rest[nbuf + 1:]
        if stage_table:
            tab_sh = rest[0]
            rest = rest[1:]
        else:
            tab_sh = None
        gsem = tuple(rest[:nbuf])
        ssem = tuple(rest[nbuf:2 * nbuf])
        semi0, semi1 = rest[2 * nbuf:]

        c = lax.axis_index("c")
        s = lax.axis_index("s")
        wid = _worker_id()
        r0 = s * RPT
        row0 = wid * CPT

        pltpu.async_copy(srcm_hbm.at[pl.ds(row0, KB)], sb0, semi0)
        pltpu.async_copy(dstm_hbm.at[pl.ds(row0, KB)], db0, semi0)
        pltpu.sync_copy(zeros_hbm, acc_sh.at[pl.ds(r0, RPT)])
        if stage_table:
            pltpu.sync_copy(table_hbm.at[pl.ds(r0, RPT)],
                            tab_sh.at[pl.ds(r0, RPT)])
            table = tab_sh
        else:
            table = table_hbm
        plsc.subcore_barrier()

        def body(t, carry):
            grow1 = row0 + (2 * t + 1) * KB
            hi_s = pltpu.async_copy(srcm_hbm.at[pl.ds(grow1, KB)], sb1, semi1)
            hi_d = pltpu.async_copy(dstm_hbm.at[pl.ds(grow1, KB)], db1, semi1)
            pltpu.make_async_copy(srcm_hbm.at[pl.ds(row0, KB)], sb0, semi0).wait()
            pltpu.make_async_copy(dstm_hbm.at[pl.ds(row0, KB)], db0, semi0).wait()

            def at_idx_wait():
                hi_s.wait()
                hi_d.wait()

            def at_prefetch():
                @pl.when(t < NG2 - 1)
                def _():
                    grow2 = row0 + (2 * t + 2) * KB
                    pltpu.async_copy(srcm_hbm.at[pl.ds(grow2, KB)], sb0, semi0)
                    pltpu.async_copy(dstm_hbm.at[pl.ds(grow2, KB)], db0, semi0)

            _gather_scatter_2groups(table, sb0, db0, sb1, db1, acc_sh, vals,
                                    gsem, ssem, at_idx_wait, at_prefetch)
            return carry

        lax.fori_loop(0, NG2, body, 0)
        plsc.subcore_barrier()
        pltpu.sync_copy(acc_sh.at[pl.ds(r0, RPT)],
                        out_hbm.at[c].at[pl.ds(r0, RPT)])

    return edge_pass


def _make_deg_pass():

    @functools.partial(
        pl.kernel,
        mesh=_MESH,
        out_type=jax.ShapeDtypeStruct((NC, NRA), jnp.float32),
        scratch_types=[
            pltpu.VMEM((KB, B), jnp.int32),
            pltpu.VMEM((KB, B), jnp.int32),
            pltpu.VMEM((B,), jnp.float32),
            pltpu.VMEM_SHARED((NRA,), jnp.float32),
            pltpu.SemaphoreType.DMA,
            pltpu.SemaphoreType.DMA,
            pltpu.SemaphoreType.DMA,
        ],
    )
    def deg_pass(dstm_hbm, ones_hbm, zeros_hbm, out_hbm, db0, db1, ones_v,
                 acc_sh, ssem, semi0, semi1):
        c = lax.axis_index("c")
        s = lax.axis_index("s")
        wid = _worker_id()
        r0 = s * RPT
        pltpu.sync_copy(zeros_hbm, acc_sh.at[pl.ds(r0, RPT)])
        pltpu.sync_copy(ones_hbm, ones_v)
        plsc.subcore_barrier()

        row0 = wid * CPT

        def scatter_group(db):
            hs = [pltpu.async_copy(ones_v, acc_sh.at[db.at[k]], ssem, add=True)
                  for k in range(KB)]
            for h in hs:
                h.wait()

        pltpu.async_copy(dstm_hbm.at[pl.ds(row0, KB)], db0, semi0)

        def body(t, carry):
            grow1 = row0 + (2 * t + 1) * KB
            hi_d = pltpu.async_copy(dstm_hbm.at[pl.ds(grow1, KB)], db1, semi1)
            pltpu.make_async_copy(dstm_hbm.at[pl.ds(row0, KB)], db0, semi0).wait()
            scatter_group(db0)

            @pl.when(t < NG2 - 1)
            def _():
                grow2 = row0 + (2 * t + 2) * KB
                pltpu.async_copy(dstm_hbm.at[pl.ds(grow2, KB)], db0, semi0)

            hi_d.wait()
            scatter_group(db1)
            return carry

        lax.fori_loop(0, NG2, body, 0)
        plsc.subcore_barrier()
        pltpu.sync_copy(acc_sh.at[pl.ds(r0, RPT)],
                        out_hbm.at[c].at[pl.ds(r0, RPT)])

    return deg_pass


_BR = 1000
_GRID = N // _BR


def _tc_matmul(x, W1):

    def body(x_ref, w_ref, xw_ref):
        xw_ref[...] = jnp.dot(x_ref[...], w_ref[...],
                              preferred_element_type=jnp.float32)

    return pl.pallas_call(
        body,
        grid=(_GRID,),
        in_specs=[
            pl.BlockSpec((_BR, D), lambda i: (i, 0)),
            pl.BlockSpec((D, D), lambda i: (0, 0)),
        ],
        out_specs=pl.BlockSpec((_BR, D), lambda i: (i, 0)),
        out_shape=jax.ShapeDtypeStruct((N, D), jnp.float32),
    )(x, W1)


def _tc_scale(xw, degp):

    def body(xw_ref, degp_ref, xwp_ref, dis_ref):
        deg = degp_ref[0] + degp_ref[1] + 1.0
        dis = lax.rsqrt(deg)
        xwp_ref[...] = dis * xw_ref[...]
        dis_ref[...] = dis

    return pl.pallas_call(
        body,
        grid=(_GRID,),
        in_specs=[
            pl.BlockSpec((_BR, D), lambda i: (i, 0)),
            pl.BlockSpec((NC, _BR, 1), lambda i: (0, i, 0)),
        ],
        out_specs=[
            pl.BlockSpec((_BR, D), lambda i: (i, 0)),
            pl.BlockSpec((_BR, 1), lambda i: (i, 0)),
        ],
        out_shape=[
            jax.ShapeDtypeStruct((N, D), jnp.float32),
            jax.ShapeDtypeStruct((N, 1), jnp.float32),
        ],
    )(xw, degp)


def _tc_layer2(accp, xwp, dis, b1, W2, fc_W):

    def body(accp_ref, xwp_ref, dis_ref, b1_ref, w2_ref, fcw_ref, zp_ref):
        acc = accp_ref[0] + accp_ref[1] + xwp_ref[...]
        h1 = jnp.maximum(dis_ref[...] * acc + b1_ref[...], 0.0)
        w2f = jnp.dot(w2_ref[...], fcw_ref[...], preferred_element_type=jnp.float32)
        z = jnp.dot(h1, w2f, preferred_element_type=jnp.float32)
        zp_ref[...] = dis_ref[...] * z

    return pl.pallas_call(
        body,
        grid=(_GRID,),
        in_specs=[
            pl.BlockSpec((NC, _BR, D), lambda i: (0, i, 0)),
            pl.BlockSpec((_BR, D), lambda i: (i, 0)),
            pl.BlockSpec((_BR, 1), lambda i: (i, 0)),
            pl.BlockSpec((1, D), lambda i: (0, 0)),
            pl.BlockSpec((D, 64), lambda i: (0, 0)),
            pl.BlockSpec((64, 1), lambda i: (0, 0)),
        ],
        out_specs=pl.BlockSpec((_BR, 1), lambda i: (i, 0)),
        out_shape=jax.ShapeDtypeStruct((N, 1), jnp.float32),
    )(accp, xwp, dis, b1, W2, fc_W)


def _tc_final(acc2p, zp, dis, b2, fc_W, fc_b):

    def body(acc2p_ref, zp_ref, dis_ref, b2_ref, fcw_ref, fcb_ref, out_ref):
        t = dis_ref[...] * (acc2p_ref[0] + acc2p_ref[1] + zp_ref[...])
        bias = jnp.dot(b2_ref[...], fcw_ref[...],
                       preferred_element_type=jnp.float32) + fcb_ref[...]
        out_ref[...] = jax.nn.sigmoid(t + bias)

    return pl.pallas_call(
        body,
        grid=(_GRID,),
        in_specs=[
            pl.BlockSpec((NC, _BR, 1), lambda i: (0, i, 0)),
            pl.BlockSpec((_BR, 1), lambda i: (i, 0)),
            pl.BlockSpec((_BR, 1), lambda i: (i, 0)),
            pl.BlockSpec((1, 64), lambda i: (0, 0)),
            pl.BlockSpec((64, 1), lambda i: (0, 0)),
            pl.BlockSpec((1, 1), lambda i: (0, 0)),
        ],
        out_specs=pl.BlockSpec((_BR, 1), lambda i: (i, 0)),
        out_shape=jax.ShapeDtypeStruct((N, 1), jnp.float32),
    )(acc2p, zp, dis, b2, fc_W, fc_b)


def kernel(x, edge_index, W1, b1, W2, b2, fc_W, fc_b):
    srcm = edge_index[0].astype(jnp.int32).reshape(NCH, B)
    dstm = edge_index[1].astype(jnp.int32).reshape(NCH, B)

    zeros2d = jnp.zeros((RPT, D), jnp.float32)
    zeros1d = jnp.zeros((RPT,), jnp.float32)
    ones_b = jnp.ones((B,), jnp.float32)
    x = x.astype(jnp.float32)

    xw = _tc_matmul(x, W1)
    degp = _make_deg_pass()(dstm, ones_b, zeros1d)
    degp = degp.reshape(NC, NRA, 1)

    xwp, dis = _tc_scale(xw, degp)

    accp = _make_edge_pass(D, stage_table=False, nbuf=2)(xwp, srcm, dstm,
                                                         zeros2d)

    zp = _tc_layer2(accp, xwp, dis, b1.reshape(1, D), W2, fc_W)

    zp_pad = jnp.concatenate([zp.reshape(N), jnp.zeros((NRA - N,), jnp.float32)])
    acc2p = _make_edge_pass(1, stage_table=True, nbuf=4)(zp_pad, srcm, dstm,
                                                         zeros1d)
    acc2p = acc2p.reshape(NC, NRA, 1)

    return _tc_final(acc2p, zp, dis, b2.reshape(1, 64), fc_W,
                     fc_b.reshape(1, 1))

# --- scband reference (transcript-rebuilt; emitter-appended) ---
"""Pipeline reference for scband-gnnmodel-17626545783539 (READ-ONLY COPY).

The authoritative reference and input builder live on the scoring server;
editing this copy changes nothing except your own understanding.
"""

import jax, jax.numpy as jnp
import numpy as np

N_NODES = 10000
N_EDGES = 320000
D_IN = 128
D_HID = 128
D_OUT = 64


def setup_inputs(seed: int = 0) -> dict:
    key = jax.random.key(seed)
    ks = jax.random.split(key, 8)
    x = jax.random.normal(ks[0], (N_NODES, D_IN), dtype=jnp.float32)
    edge_index = jax.random.randint(ks[1], (2, N_EDGES), 0, N_NODES, dtype=jnp.int64)
    # GCNConv layer 1 params (Glorot-style scale)
    W1 = jax.random.normal(ks[2], (D_IN, D_HID), dtype=jnp.float32) * (1.0 / np.sqrt(D_IN))
    b1 = jnp.zeros((D_HID,), dtype=jnp.float32)
    # GCNConv layer 2 params
    W2 = jax.random.normal(ks[3], (D_HID, D_OUT), dtype=jnp.float32) * (1.0 / np.sqrt(D_HID))
    b2 = jnp.zeros((D_OUT,), dtype=jnp.float32)
    # Final linear layer
    fc_W = jax.random.normal(ks[4], (D_OUT, 1), dtype=jnp.float32) * (1.0 / np.sqrt(D_OUT))
    fc_b = jnp.zeros((1,), dtype=jnp.float32)
    return {"x": x, "edge_index": edge_index, "W1": W1, "b1": b1, "W2": W2, "b2": b2, "fc_W": fc_W, "fc_b": fc_b}


def _gcn_conv(x, src, dst, W, b):
    # PyG-style GCNConv: self-loops + symmetric normalization D^-1/2 A D^-1/2 (X W) + b
    n = x.shape[0]
    loop = jnp.arange(n, dtype=src.dtype)
    s = jnp.concatenate([src, loop])
    d = jnp.concatenate([dst, loop])
    deg = jnp.zeros((n,), dtype=x.dtype).at[d].add(1.0)
    deg_inv_sqrt = jnp.where(deg > 0, 1.0 / jnp.sqrt(deg), 0.0)
    norm = deg_inv_sqrt[s] * deg_inv_sqrt[d]
    h = x @ W
    msg = h[s] * norm[:, None]
    out = jnp.zeros((n, h.shape[1]), dtype=x.dtype).at[d].add(msg)
    return out + b


def reference(x, edge_index, W1, b1, W2, b2, fc_W, fc_b):
    src = edge_index[0]
    dst = edge_index[1]
    h = jax.nn.relu(_gcn_conv(x, src, dst, W1, b1))
    h = _gcn_conv(h, src, dst, W2, b2)
    out = h @ fc_W + fc_b
    return jax.nn.sigmoid(out)

if __name__ == "__main__":
    import jax
    _d = setup_inputs()
    print(jax.jit(kernel)(*tuple(_d.values())))

</pallas_src>

<mosaic_0001>
#map = affine_map<(d0, d1) -> (0)>
#map1 = affine_map<(d0, d1) -> (0, 0)>
module attributes {stable_mosaic.version = 14 : i64} {
  func.func @edge_pass(%arg0: i32, %arg1: i32, %arg2: memref<10240xf32, #tpu.memory_space<hbm>>, %arg3: memref<2560x125xi32, #tpu.memory_space<hbm>>, %arg4: memref<2560x125xi32, #tpu.memory_space<hbm>>, %arg5: memref<640xf32, #tpu.memory_space<hbm>>, %arg6: memref<2x10240xf32, #tpu.memory_space<hbm>>, %arg7: memref<8x125xi32, #tpu.memory_space<vmem>>, %arg8: memref<8x125xi32, #tpu.memory_space<vmem>>, %arg9: memref<8x125xi32, #tpu.memory_space<vmem>>, %arg10: memref<8x125xi32, #tpu.memory_space<vmem>>, %arg11: memref<125xf32, #tpu.memory_space<vmem>>, %arg12: memref<125xf32, #tpu.memory_space<vmem>>, %arg13: memref<125xf32, #tpu.memory_space<vmem>>, %arg14: memref<125xf32, #tpu.memory_space<vmem>>, %arg15: memref<10240xf32, #tpu.memory_space<vmem_shared>>, %arg16: memref<10240xf32, #tpu.memory_space<vmem_shared>>, %arg17: memref<!tpu.dma_semaphore, #tpu.memory_space<semaphore_mem>>, %arg18: memref<!tpu.dma_semaphore, #tpu.memory_space<semaphore_mem>>, %arg19: memref<!tpu.dma_semaphore, #tpu.memory_space<semaphore_mem>>, %arg20: memref<!tpu.dma_semaphore, #tpu.memory_space<semaphore_mem>>, %arg21: memref<!tpu.dma_semaphore, #tpu.memory_space<semaphore_mem>>, %arg22: memref<!tpu.dma_semaphore, #tpu.memory_space<semaphore_mem>>, %arg23: memref<!tpu.dma_semaphore, #tpu.memory_space<semaphore_mem>>, %arg24: memref<!tpu.dma_semaphore, #tpu.memory_space<semaphore_mem>>, %arg25: memref<!tpu.dma_semaphore, #tpu.memory_space<semaphore_mem>>, %arg26: memref<!tpu.dma_semaphore, #tpu.memory_space<semaphore_mem>>) attributes {dimension_semantics = [#tpu.dimension_semantics<core_parallel>, #tpu.dimension_semantics<subcore_parallel>], iteration_bounds = array<i64: 2, 16>, scalar_prefetch = 0 : i64, scratch_operands = 20 : i64, tpu.core_type = #tpu.core_type<sc_vector_subcore>, window_params = [{transform_indices = #map}, {transform_indices = #map1}, {transform_indices = #map1}, {transform_indices = #map}, {transform_indices = #map1}]} {
    %mul3A = arith.constant 2 : i32
    %mul3A_0 = arith.muli %arg1, %mul3A : i32
    %add3A = arith.addi %mul3A_0, %arg0 : i32
    %mul3A_1 = arith.constant 640 : i32
    %mul3A_2 = arith.muli %arg1, %mul3A_1 : i32
    %mul3A_3 = arith.constant 80 : i32
    %mul3A_4 = arith.muli %add3A, %mul3A_3 : i32
    %dma_start3A = arith.constant 0 : i32
    %dma_start3A_5 = tpu.memref_slice %arg3[%mul3A_4, %dma_start3A] : memref<2560x125xi32, #tpu.memory_space<hbm>> -> memref<8x125xi32, #tpu.memory_space<hbm>>
    %dma_start3A_6 = arith.constant 0 : i32
    %dma_start3A_7 = tpu.memref_slice %arg3[%mul3A_4, %dma_start3A_6] : memref<2560x125xi32, #tpu.memory_space<hbm>> -> memref<8x125xi32, #tpu.memory_space<hbm>>
    tpu.enqueue_dma source(%dma_start3A_7 : memref<8x125xi32, #tpu.memory_space<hbm>>) target(%arg7 : memref<8x125xi32, #tpu.memory_space<vmem>>) target_semaphore(%arg25 : memref<!tpu.dma_semaphore, #tpu.memory_space<semaphore_mem>>)
    %dma_start3A_8 = arith.constant 0 : i32
    %dma_start3A_9 = tpu.memref_slice %arg4[%mul3A_4, %dma_start3A_8] : memref<2560x125xi32, #tpu.memory_space<hbm>> -> memref<8x125xi32, #tpu.memory_space<hbm>>
    %dma_start3A_10 = arith.constant 0 : i32
    %dma_start3A_11 = tpu.memref_slice %arg4[%mul3A_4, %dma_start3A_10] : memref<2560x125xi32, #tpu.memory_space<hbm>> -> memref<8x125xi32, #tpu.memory_space<hbm>>
    tpu.enqueue_dma source(%dma_start3A_11 : memref<8x125xi32, #tpu.memory_space<hbm>>) target(%arg9 : memref<8x125xi32, #tpu.memory_space<vmem>>) target_semaphore(%arg25 : memref<!tpu.dma_semaphore, #tpu.memory_space<semaphore_mem>>)
    "tpu.region"() ({
      %run_scoped3A = tpu.sem_alloc : memref<!tpu.dma_semaphore, #tpu.memory_space<semaphore_mem>>
      %dma_start3A_18 = tpu.memref_slice %arg15[%mul3A_2] : memref<10240xf32, #tpu.memory_space<vmem_shared>> -> memref<640xf32, #tpu.memory_space<vmem_shared>>
      tpu.enqueue_dma source(%arg5 : memref<640xf32, #tpu.memory_space<hbm>>) target(%dma_start3A_18 : memref<640xf32, #tpu.memory_space<vmem_shared>>) target_semaphore(%run_scoped3A : memref<!tpu.dma_semaphore, #tpu.memory_space<semaphore_mem>>)
      %dma_wait3A = tpu.memref_slice %arg15[%mul3A_2] : memref<10240xf32, #tpu.memory_space<vmem_shared>> -> memref<640xf32, #tpu.memory_space<vmem_shared>>
      tpu.wait_dma2 semaphore(%run_scoped3A : memref<!tpu.dma_semaphore, #tpu.memory_space<semaphore_mem>>) src(%arg5 : memref<640xf32, #tpu.memory_space<hbm>>) dst(%dma_wait3A : memref<640xf32, #tpu.memory_space<vmem_shared>>)
      tpu.yield
    }) : () -> ()
    "tpu.region"() ({
      %run_scoped3A = tpu.sem_alloc : memref<!tpu.dma_semaphore, #tpu.memory_space<semaphore_mem>>
      %dma_start3A_18 = tpu.memref_slice %arg16[%mul3A_2] : memref<10240xf32, #tpu.memory_space<vmem_shared>> -> memref<640xf32, #tpu.memory_space<vmem_shared>>
      %dma_start3A_19 = tpu.memref_slice %arg2[%mul3A_2] : memref<10240xf32, #tpu.memory_space<hbm>> -> memref<640xf32, #tpu.memory_space<hbm>>
      tpu.enqueue_dma source(%dma_start3A_19 : memref<640xf32, #tpu.memory_space<hbm>>) target(%dma_start3A_18 : memref<640xf32, #tpu.memory_space<vmem_shared>>) target_semaphore(%run_scoped3A : memref<!tpu.dma_semaphore, #tpu.memory_space<semaphore_mem>>)
      %dma_wait3A = tpu.memref_slice %arg16[%mul3A_2] : memref<10240xf32, #tpu.memory_space<vmem_shared>> -> memref<640xf32, #tpu.memory_space<vmem_shared>>
      %dma_wait3A_20 = tpu.memref_slice %arg2[%mul3A_2] : memref<10240xf32, #tpu.memory_space<hbm>> -> memref<640xf32, #tpu.memory_space<hbm>>
      tpu.wait_dma2 semaphore(%run_scoped3A : memref<!tpu.dma_semaphore, #tpu.memory_space<semaphore_mem>>) src(%dma_wait3A_20 : memref<640xf32, #tpu.memory_space<hbm>>) dst(%dma_wait3A : memref<640xf32, #tpu.memory_space<vmem_shared>>)
      tpu.yield
    }) : () -> ()
    %barrier3A = arith.constant 0 : index
    tpu.barrier barrier_id(%barrier3A)
    %scan3A = arith.constant 0 : i32
    %scan3A_12 = arith.constant 0 : i32
    %scan3A_13 = arith.constant 5 : i32
    %scan3A_14 = arith.addi %scan3A_12, %scan3A_13 : i32
    %scan3A_15 = arith.constant 1 : i32
    scf.for %scan3A_18 = %scan3A_12 to %scan3A_14 step %scan3A_15  : i32 {
      %mul3A_19 = arith.constant 2 : i32
      %mul3A_20 = arith.muli %mul3A_19, %scan3A_18 : i32
      %add3A_21 = arith.constant 1 : i32
      %add3A_22 = arith.addi %mul3A_20, %add3A_21 : i32
      %mul3A_23 = arith.constant 8 : i32
      %mul3A_24 = arith.muli %add3A_22, %mul3A_23 : i32
      %add3A_25 = arith.addi %mul3A_4, %mul3A_24 : i32
      %dma_start3A_26 = arith.constant 0 : i32
      %dma_start3A_27 = tpu.memref_slice %arg3[%add3A_25, %dma_start3A_26] : memref<2560x125xi32, #tpu.memory_space<hbm>> -> memref<8x125xi32, #tpu.memory_space<hbm>>
      %dma_start3A_28 = arith.constant 0 : i32
      %dma_start3A_29 = tpu.memref_slice %arg3[%add3A_25, %dma_start3A_28] : memref<2560x125xi32, #tpu.memory_space<hbm>> -> memref<8x125xi32, #tpu.memory_space<hbm>>
      tpu.enqueue_dma source(%dma_start3A_29 : memref<8x125xi32, #tpu.memory_space<hbm>>) target(%arg8 : memref<8x125xi32, #tpu.memory_space<vmem>>) target_semaphore(%arg26 : memref<!tpu.dma_semaphore, #tpu.memory_space<semaphore_mem>>)
      %dma_start3A_30 = arith.constant 0 : i32
      %dma_start3A_31 = tpu.memref_slice %arg4[%add3A_25, %dma_start3A_30] : memref<2560x125xi32, #tpu.memory_space<hbm>> -> memref<8x125xi32, #tpu.memory_space<hbm>>
      %dma_start3A_32 = arith.constant 0 : i32
      %dma_start3A_33 = tpu.memref_slice %arg4[%add3A_25, %dma_start3A_32] : memref<2560x125xi32, #tpu.memory_space<hbm>> -> memref<8x125xi32, #tpu.memory_space<hbm>>
      tpu.enqueue_dma source(%dma_start3A_33 : memref<8x125xi32, #tpu.memory_space<hbm>>) target(%arg10 : memref<8x125xi32, #tpu.memory_space<vmem>>) target_semaphore(%arg26 : memref<!tpu.dma_semaphore, #tpu.memory_space<semaphore_mem>>)
      %dma_wait3A = arith.constant 0 : i32
      %dma_wait3A_34 = tpu.memref_slice %arg3[%mul3A_4, %dma_wait3A] : memref<2560x125xi32, #tpu.memory_space<hbm>> -> memref<8x125xi32, #tpu.memory_space<hbm>>
      %dma_wait3A_35 = arith.constant 0 : i32
      %dma_wait3A_36 = tpu.memref_slice %arg3[%mul3A_4, %dma_wait3A_35] : memref<2560x125xi32, #tpu.memory_space<hbm>> -> memref<8x125xi32, #tpu.memory_space<hbm>>
      tpu.wait_dma2 semaphore(%arg25 : memref<!tpu.dma_semaphore, #tpu.memory_space<semaphore_mem>>) src(%dma_wait3A_36 : memref<8x125xi32, #tpu.memory_space<hbm>>) dst(%arg7 : memref<8x125xi32, #tpu.memory_space<vmem>>)
      %dma_wait3A_37 = arith.constant 0 : i32
      %dma_wait3A_38 = tpu.memref_slice %arg4[%mul3A_4, %dma_wait3A_37] : memref<2560x125xi32, #tpu.memory_space<hbm>> -> memref<8x125xi32, #tpu.memory_space<hbm>>
      %dma_wait3A_39 = arith.constant 0 : i32
      %dma_wait3A_40 = tpu.memref_slice %arg4[%mul3A_4, %dma_wait3A_39] : memref<2560x125xi32, #tpu.memory_space<hbm>> -> memref<8x125xi32, #tpu.memory_space<hbm>>
      tpu.wait_dma2 semaphore(%arg25 : memref<!tpu.dma_semaphore, #tpu.memory_space<semaphore_mem>>) src(%dma_wait3A_40 : memref<8x125xi32, #tpu.memory_space<hbm>>) dst(%arg9 : memref<8x125xi32, #tpu.memory_space<vmem>>)
      %dma_start3A_41 = arith.constant 0 : i32
      %dma_start3A_42 = arith.constant 0 : i32
      %dma_start3A_43 = tpu.memref_slice %arg7[%dma_start3A_41, %dma_start3A_42] : memref<8x125xi32, #tpu.memory_space<vmem>> -> memref<1x125xi32, #tpu.memory_space<vmem>>
      %dma_start3A_44 = tpu.memref_squeeze %dma_start3A_43 : memref<1x125xi32, #tpu.memory_space<vmem>> -> memref<125xi32, #tpu.memory_space<vmem>>
      %dma_start3A_45 = arith.constant 0 : i32
      %dma_start3A_46 = tpu.memref_slice %arg16[%dma_start3A_45] : memref<10240xf32, #tpu.memory_space<vmem_shared>> -> memref<10240xf32, #tpu.memory_space<vmem_shared>>
      tpu.enqueue_indirect_dma source(%dma_start3A_46 : memref<10240xf32, #tpu.memory_space<vmem_shared>>) target(%arg11 : memref<125xf32, #tpu.memory_space<vmem>>) offsets(%dma_start3A_44 : memref<125xi32, #tpu.memory_space<vmem>>) semaphore(%arg17 : memref<!tpu.dma_semaphore, #tpu.memory_space<semaphore_mem>>)
      %dma_start3A_47 = arith.constant 1 : i32
      %dma_start3A_48 = arith.constant 0 : i32
      %dma_start3A_49 = tpu.memref_slice %arg7[%dma_start3A_47, %dma_start3A_48] : memref<8x125xi32, #tpu.memory_space<vmem>> -> memref<1x125xi32, #tpu.memory_space<vmem>>
      %dma_start3A_50 = tpu.memref_squeeze %dma_start3A_49 : memref<1x125xi32, #tpu.memory_space<vmem>> -> memref<125xi32, #tpu.memory_space<vmem>>
      %dma_start3A_51 = arith.constant 0 : i32
      %dma_start3A_52 = tpu.memref_slice %arg16[%dma_start3A_51] : memref<10240xf32, #tpu.memory_space<vmem_shared>> -> memref<10240xf32, #tpu.memory_space<vmem_shared>>
      tpu.enqueue_indirect_dma source(%dma_start3A_52 : memref<10240xf32, #tpu.memory_space<vmem_shared>>) target(%arg12 : memref<125xf32, #tpu.memory_space<vmem>>) offsets(%dma_start3A_50 : memref<125xi32, #tpu.memory_space<vmem>>) semaphore(%arg18 : memref<!tpu.dma_semaphore, #tpu.memory_space<semaphore_mem>>)
      %dma_start3A_53 = arith.constant 2 : i32
      %dma_start3A_54 = arith.constant 0 : i32
      %dma_start3A_55 = tpu.memref_slice %arg7[%dma_start3A_53, %dma_start3A_54] : memref<8x125xi32, #tpu.memory_space<vmem>> -> memref<1x125xi32, #tpu.memory_space<vmem>>
      %dma_start3A_56 = tpu.memref_squeeze %dma_start3A_55 : memref<1x125xi32, #tpu.memory_space<vmem>> -> memref<125xi32, #tpu.memory_space<vmem>>
      %dma_start3A_57 = arith.constant 0 : i32
      %dma_start3A_58 = tpu.memref_slice %arg16[%dma_start3A_57] : memref<10240xf32, #tpu.memory_space<vmem_shared>> -> memref<10240xf32, #tpu.memory_space<vmem_shared>>
      tpu.enqueue_indirect_dma source(%dma_start3A_58 : memref<10240xf32, #tpu.memory_space<vmem_shared>>) target(%arg13 : memref<125xf32, #tpu.memory_space<vmem>>) offsets(%dma_start3A_56 : memref<125xi32, #tpu.memory_space<vmem>>) semaphore(%arg19 : memref<!tpu.dma_semaphore, #tpu.memory_space<semaphore_mem>>)
      %dma_start3A_59 = arith.constant 3 : i32
      %dma_start3A_60 = arith.constant 0 : i32
      %dma_start3A_61 = tpu.memref_slice %arg7[%dma_start3A_59, %dma_start3A_60] : memref<8x125xi32, #tpu.memory_space<vmem>> -> memref<1x125xi32, #tpu.memory_space<vmem>>
      %dma_start3A_62 = tpu.memref_squeeze %dma_start3A_61 : memref<1x125xi32, #tpu.memory_space<vmem>> -> memref<125xi32, #tpu.memory_space<vmem>>
      %dma_start3A_63 = arith.constant 0 : i32
      %dma_start3A_64 = tpu.memref_slice %arg16[%dma_start3A_63] : memref<10240xf32, #tpu.memory_space<vmem_shared>> -> memref<10240xf32, #tpu.memory_space<vmem_shared>>
      tpu.enqueue_indirect_dma source(%dma_start3A_64 : memref<10240xf32, #tpu.memory_space<vmem_shared>>) target(%arg14 : memref<125xf32, #tpu.memory_space<vmem>>) offsets(%dma_start3A_62 : memref<125xi32, #tpu.memory_space<vmem>>) semaphore(%arg20 : memref<!tpu.dma_semaphore, #tpu.memory_space<semaphore_mem>>)
      %dma_wait3A_65 = arith.constant 0 : i32
      %dma_wait3A_66 = arith.constant 0 : i32
      %dma_wait3A_67 = tpu.memref_slice %arg7[%dma_wait3A_65, %dma_wait3A_66] : memref<8x125xi32, #tpu.memory_space<vmem>> -> memref<1x125xi32, #tpu.memory_space<vmem>>
      %dma_wait3A_68 = tpu.memref_squeeze %dma_wait3A_67 : memref<1x125xi32, #tpu.memory_space<vmem>> -> memref<125xi32, #tpu.memory_space<vmem>>
      %dma_wait3A_69 = arith.constant 0 : i32
      %dma_wait3A_70 = tpu.memref_slice %arg16[%dma_wait3A_69] : memref<10240xf32, #tpu.memory_space<vmem_shared>> -> memref<10240xf32, #tpu.memory_space<vmem_shared>>
      tpu.wait_indirect_dma semaphore(%arg17 : memref<!tpu.dma_semaphore, #tpu.memory_space<semaphore_mem>>) src(%dma_wait3A_70 : memref<10240xf32, #tpu.memory_space<vmem_shared>>) dst(%arg11 : memref<125xf32, #tpu.memory_space<vmem>>)
      %dma_start3A_71 = arith.constant 0 : i32
      %dma_start3A_72 = arith.constant 0 : i32
      %dma_start3A_73 = tpu.memref_slice %arg9[%dma_start3A_71, %dma_start3A_72] : memref<8x125xi32, #tpu.memory_space<vmem>> -> memref<1x125xi32, #tpu.memory_space<vmem>>
      %dma_start3A_74 = tpu.memref_squeeze %dma_start3A_73 : memref<1x125xi32, #tpu.memory_space<vmem>> -> memref<125xi32, #tpu.memory_space<vmem>>
      %dma_start3A_75 = arith.constant 0 : i32
      %dma_start3A_76 = tpu.memref_slice %arg15[%dma_start3A_75] : memref<10240xf32, #tpu.memory_space<vmem_shared>> -> memref<10240xf32, #tpu.memory_space<vmem_shared>>
      tpu.enqueue_indirect_dma source(%arg11 : memref<125xf32, #tpu.memory_space<vmem>>) target(%dma_start3A_76 : memref<10240xf32, #tpu.memory_space<vmem_shared>>) offsets(%dma_start3A_74 : memref<125xi32, #tpu.memory_space<vmem>>) semaphore(%arg21 : memref<!tpu.dma_semaphore, #tpu.memory_space<semaphore_mem>>) {add = true}
      %dma_wait3A_77 = arith.constant 0 : i32
      %dma_wait3A_78 = arith.constant 0 : i32
      %dma_wait3A_79 = tpu.memref_slice %arg9[%dma_wait3A_77, %dma_wait3A_78] : memref<8x125xi32, #tpu.memory_space<vmem>> -> memref<1x125xi32, #tpu.memory_space<vmem>>
      %dma_wait3A_80 = tpu.memref_squeeze %dma_wait3A_79 : memref<1x125xi32, #tpu.memory_space<vmem>> -> memref<125xi32, #tpu.memory_space<vmem>>
      %dma_wait3A_81 = arith.constant 0 : i32
      %dma_wait3A_82 = tpu.memref_slice %arg15[%dma_wait3A_81] : memref<10240xf32, #tpu.memory_space<vmem_shared>> -> memref<10240xf32, #tpu.memory_space<vmem_shared>>
      tpu.wait_indirect_dma semaphore(%arg21 : memref<!tpu.dma_semaphore, #tpu.memory_space<semaphore_mem>>) src(%arg11 : memref<125xf32, #tpu.memory_space<vmem>>) dst(%dma_wait3A_82 : memref<10240xf32, #tpu.memory_space<vmem_shared>>)
      %dma_start3A_83 = arith.constant 4 : i32
      %dma_start3A_84 = arith.constant 0 : i32
      %dma_start3A_85 = tpu.memref_slice %arg7[%dma_start3A_83, %dma_start3A_84] : memref<8x125xi32, #tpu.memory_space<vmem>> -> memref<1x125xi32, #tpu.memory_space<vmem>>
      %dma_start3A_86 = tpu.memref_squeeze %dma_start3A_85 : memref<1x125xi32, #tpu.memory_space<vmem>> -> memref<125xi32, #tpu.memory_space<vmem>>
      %dma_start3A_87 = arith.constant 0 : i32
      %dma_start3A_88 = tpu.memref_slice %arg16[%dma_start3A_87] : memref<10240xf32, #tpu.memory_space<vmem_shared>> -> memref<10240xf32, #tpu.memory_space<vmem_shared>>
      tpu.enqueue_indirect_dma source(%dma_start3A_88 : memref<10240xf32, #tpu.memory_space<vmem_shared>>) target(%arg11 : memref<125xf32, #tpu.memory_space<vmem>>) offsets(%dma_start3A_86 : memref<125xi32, #tpu.memory_space<vmem>>) semaphore(%arg17 : memref<!tpu.dma_semaphore, #tpu.memory_space<semaphore_mem>>)
      %dma_wait3A_89 = arith.constant 1 : i32
      %dma_wait3A_90 = arith.constant 0 : i32
      %dma_wait3A_91 = tpu.memref_slice %arg7[%dma_wait3A_89, %dma_wait3A_90] : memref<8x125xi32, #tpu.memory_space<vmem>> -> memref<1x125xi32, #tpu.memory_space<vmem>>
      %dma_wait3A_92 = tpu.memref_squeeze %dma_wait3A_91 : memref<1x125xi32, #tpu.memory_space<vmem>> -> memref<125xi32, #tpu.memory_space<vmem>>
      %dma_wait3A_93 = arith.constant 0 : i32
      %dma_wait3A_94 = tpu.memref_slice %arg16[%dma_wait3A_93] : memref<10240xf32, #tpu.memory_space<vmem_shared>> -> memref<10240xf32, #tpu.memory_space<vmem_shared>>
      tpu.wait_indirect_dma semaphore(%arg18 : memref<!tpu.dma_semaphore, #tpu.memory_space<semaphore_mem>>) src(%dma_wait3A_94 : memref<10240xf32, #tpu.memory_space<vmem_shared>>) dst(%arg12 : memref<125xf32, #tpu.memory_space<vmem>>)
      %dma_start3A_95 = arith.constant 1 : i32
      %dma_start3A_96 = arith.constant 0 : i32
      %dma_start3A_97 = tpu.memref_slice %arg9[%dma_start3A_95, %dma_start3A_96] : memref<8x125xi32, #tpu.memory_space<vmem>> -> memref<1x125xi32, #tpu.memory_space<vmem>>
      %dma_start3A_98 = tpu.memref_squeeze %dma_start3A_97 : memref<1x125xi32, #tpu.memory_space<vmem>> -> memref<125xi32, #tpu.memory_space<vmem>>
      %dma_start3A_99 = arith.constant 0 : i32
      %dma_start3A_100 = tpu.memref_slice %arg15[%dma_start3A_99] : memref<10240xf32, #tpu.memory_space<vmem_shared>> -> memref<10240xf32, #tpu.memory_space<vmem_shared>>
      tpu.enqueue_indirect_dma source(%arg12 : memref<125xf32, #tpu.memory_space<vmem>>) target(%dma_start3A_100 : memref<10240xf32, #tpu.memory_space<vmem_shared>>) offsets(%dma_start3A_98 : memref<125xi32, #tpu.memory_space<vmem>>) semaphore(%arg22 : memref<!tpu.dma_semaphore, #tpu.memory_space<semaphore_mem>>) {add = true}
      %dma_wait3A_101 = arith.constant 1 : i32
      %dma_wait3A_102 = arith.constant 0 : i32
      %dma_wait3A_103 = tpu.memref_slice %arg9[%dma_wait3A_101, %dma_wait3A_102] : memref<8x125xi32, #tpu.memory_space<vmem>> -> memref<1x125xi32, #tpu.memory_space<vmem>>
      %dma_wait3A_104 = tpu.memref_squeeze %dma_wait3A_103 : memref<1x125xi32, #tpu.memory_space<vmem>> -> memref<125xi32, #tpu.memory_space<vmem>>
      %dma_wait3A_105 = arith.constant 0 : i32
      %dma_wait3A_106 = tpu.memref_slice %arg15[%dma_wait3A_105] : memref<10240xf32, #tpu.memory_space<vmem_shared>> -> memref<10240xf32, #tpu.memory_space<vmem_shared>>
      tpu.wait_indirect_dma semaphore(%arg22 : memref<!tpu.dma_semaphore, #tpu.memory_space<semaphore_mem>>) src(%arg12 : memref<125xf32, #tpu.memory_space<vmem>>) dst(%dma_wait3A_106 : memref<10240xf32, #tpu.memory_space<vmem_shared>>)
      %dma_start3A_107 = arith.constant 5 : i32
      %dma_start3A_108 = arith.constant 0 : i32
      %dma_start3A_109 = tpu.memref_slice %arg7[%dma_start3A_107, %dma_start3A_108] : memref<8x125xi32, #tpu.memory_space<vmem>> -> memref<1x125xi32, #tpu.memory_space<vmem>>
      %dma_start3A_110 = tpu.memref_squeeze %dma_start3A_109 : memref<1x125xi32, #tpu.memory_space<vmem>> -> memref<125xi32, #tpu.memory_space<vmem>>
      %dma_start3A_111 = arith.constant 0 : i32
      %dma_start3A_112 = tpu.memref_slice %arg16[%dma_start3A_111] : memref<10240xf32, #tpu.memory_space<vmem_shared>> -> memref<10240xf32, #tpu.memory_space<vmem_shared>>
      tpu.enqueue_indirect_dma source(%dma_start3A_112 : memref<10240xf32, #tpu.memory_space<vmem_shared>>) target(%arg12 : memref<125xf32, #tpu.memory_space<vmem>>) offsets(%dma_start3A_110 : memref<125xi32, #tpu.memory_space<vmem>>) semaphore(%arg18 : memref<!tpu.dma_semaphore, #tpu.memory_space<semaphore_mem>>)
      %dma_wait3A_113 = arith.constant 2 : i32
      %dma_wait3A_114 = arith.constant 0 : i32
      %dma_wait3A_115 = tpu.memref_slice %arg7[%dma_wait3A_113, %dma_wait3A_114] : memref<8x125xi32, #tpu.memory_space<vmem>> -> memref<1x125xi32, #tpu.memory_space<vmem>>
      %dma_wait3A_116 = tpu.memref_squeeze %dma_wait3A_115 : memref<1x125xi32, #tpu.memory_space<vmem>> -> memref<125xi32, #tpu.memory_space<vmem>>
      %dma_wait3A_117 = arith.constant 0 : i32
      %dma_wait3A_118 = tpu.memref_slice %arg16[%dma_wait3A_117] : memref<10240xf32, #tpu.memory_space<vmem_shared>> -> memref<10240xf32, #tpu.memory_space<vmem_shared>>
      tpu.wait_indirect_dma semaphore(%arg19 : memref<!tpu.dma_semaphore, #tpu.memory_space<semaphore_mem>>) src(%dma_wait3A_118 : memref<10240xf32, #tpu.memory_space<vmem_shared>>) dst(%arg13 : memref<125xf32, #tpu.memory_space<vmem>>)
      %dma_start3A_119 = arith.constant 2 : i32
      %dma_start3A_120 = arith.constant 0 : i32
      %dma_start3A_121 = tpu.memref_slice %arg9[%dma_start3A_119, %dma_start3A_120] : memref<8x125xi32, #tpu.memory_space<vmem>> -> memref<1x125xi32, #tpu.memory_space<vmem>>
      %dma_start3A_122 = tpu.memref_squeeze %dma_start3A_121 : memref<1x125xi32, #tpu.memory_space<vmem>> -> memref<125xi32, #tpu.memory_space<vmem>>
      %dma_start3A_123 = arith.constant 0 : i32
      %dma_start3A_124 = tpu.memref_slice %arg15[%dma_start3A_123] : memref<10240xf32, #tpu.memory_space<vmem_shared>> -> memref<10240xf32, #tpu.memory_space<vmem_shared>>
      tpu.enqueue_indirect_dma source(%arg13 : memref<125xf32, #tpu.memory_space<vmem>>) target(%dma_start3A_124 : memref<10240xf32, #tpu.memory_space<vmem_shared>>) offsets(%dma_start3A_122 : memref<125xi32, #tpu.memory_space<vmem>>) semaphore(%arg23 : memref<!tpu.dma_semaphore, #tpu.memory_space<semaphore_mem>>) {add = true}
      %dma_wait3A_125 = arith.constant 2 : i32
      %dma_wait3A_126 = arith.constant 0 : i32
      %dma_wait3A_127 = tpu.memref_slice %arg9[%dma_wait3A_125, %dma_wait3A_126] : memref<8x125xi32, #tpu.memory_space<vmem>> -> memref<1x125xi32, #tpu.memory_space<vmem>>
      %dma_wait3A_128 = tpu.memref_squeeze %dma_wait3A_127 : memref<1x125xi32, #tpu.memory_space<vmem>> -> memref<125xi32, #tpu.memory_space<vmem>>
      %dma_wait3A_129 = arith.constant 0 : i32
      %dma_wait3A_130 = tpu.memref_slice %arg15[%dma_wait3A_129] : memref<10240xf32, #tpu.memory_space<vmem_shared>> -> memref<10240xf32, #tpu.memory_space<vmem_shared>>
      tpu.wait_indirect_dma semaphore(%arg23 : memref<!tpu.dma_semaphore, #tpu.memory_space<semaphore_mem>>) src(%arg13 : memref<125xf32, #tpu.memory_space<vmem>>) dst(%dma_wait3A_130 : memref<10240xf32, #tpu.memory_space<vmem_shared>>)
      %dma_start3A_131 = arith.constant 6 : i32
      %dma_start3A_132 = arith.constant 0 : i32
      %dma_start3A_133 = tpu.memref_slice %arg7[%dma_start3A_131, %dma_start3A_132] : memref<8x125xi32, #tpu.memory_space<vmem>> -> memref<1x125xi32, #tpu.memory_space<vmem>>
      %dma_start3A_134 = tpu.memref_squeeze %dma_start3A_133 : memref<1x125xi32, #tpu.memory_space<vmem>> -> memref<125xi32, #tpu.memory_space<vmem>>
      %dma_start3A_135 = arith.constant 0 : i32
      %dma_start3A_136 = tpu.memref_slice %arg16[%dma_start3A_135] : memref<10240xf32, #tpu.memory_space<vmem_shared>> -> memref<10240xf32, #tpu.memory_space<vmem_shared>>
      tpu.enqueue_indirect_dma source(%dma_start3A_136 : memref<10240xf32, #tpu.memory_space<vmem_shared>>) target(%arg13 : memref<125xf32, #tpu.memory_space<vmem>>) offsets(%dma_start3A_134 : memref<125xi32, #tpu.memory_space<vmem>>) semaphore(%arg19 : memref<!tpu.dma_semaphore, #tpu.memory_space<semaphore_mem>>)
      %dma_wait3A_137 = arith.constant 3 : i32
      %dma_wait3A_138 = arith.constant 0 : i32
      %dma_wait3A_139 = tpu.memref_slice %arg7[%dma_wait3A_137, %dma_wait3A_138] : memref<8x125xi32, #tpu.memory_space<vmem>> -> memref<1x125xi32, #tpu.memory_space<vmem>>
      %dma_wait3A_140 = tpu.memref_squeeze %dma_wait3A_139 : memref<1x125xi32, #tpu.memory_space<vmem>> -> memref<125xi32, #tpu.memory_space<vmem>>
      %dma_wait3A_141 = arith.constant 0 : i32
      %dma_wait3A_142 = tpu.memref_slice %arg16[%dma_wait3A_141] : memref<10240xf32, #tpu.memory_space<vmem_shared>> -> memref<10240xf32, #tpu.memory_space<vmem_shared>>
      tpu.wait_indirect_dma semaphore(%arg20 : memref<!tpu.dma_semaphore, #tpu.memory_space<semaphore_mem>>) src(%dma_wait3A_142 : memref<10240xf32, #tpu.memory_space<vmem_shared>>) dst(%arg14 : memref<125xf32, #tpu.memory_space<vmem>>)
      %dma_start3A_143 = arith.constant 3 : i32
      %dma_start3A_144 = arith.constant 0 : i32
      %dma_start3A_145 = tpu.memref_slice %arg9[%dma_start3A_143, %dma_start3A_144] : memref<8x125xi32, #tpu.memory_space<vmem>> -> memref<1x125xi32, #tpu.memory_space<vmem>>
      %dma_start3A_146 = tpu.memref_squeeze %dma_start3A_145 : memref<1x125xi32, #tpu.memory_space<vmem>> -> memref<125xi32, #tpu.memory_space<vmem>>
      %dma_start3A_147 = arith.constant 0 : i32
      %dma_start3A_148 = tpu.memref_slice %arg15[%dma_start3A_147] : memref<10240xf32, #tpu.memory_space<vmem_shared>> -> memref<10240xf32, #tpu.memory_space<vmem_shared>>
      tpu.enqueue_indirect_dma source(%arg14 : memref<125xf32, #tpu.memory_space<vmem>>) target(%dma_start3A_148 : memref<10240xf32, #tpu.memory_space<vmem_shared>>) offsets(%dma_start3A_146 : memref<125xi32, #tpu.memory_space<vmem>>) semaphore(%arg24 : memref<!tpu.dma_semaphore, #tpu.memory_space<semaphore_mem>>) {add = true}
      %dma_wait3A_149 = arith.constant 3 : i32
      %dma_wait3A_150 = arith.constant 0 : i32
      %dma_wait3A_151 = tpu.memref_slice %arg9[%dma_wait3A_149, %dma_wait3A_150] : memref<8x125xi32, #tpu.memory_space<vmem>> -> memref<1x125xi32, #tpu.memory_space<vmem>>
      %dma_wait3A_152 = tpu.memref_squeeze %dma_wait3A_151 : memref<1x125xi32, #tpu.memory_space<vmem>> -> memref<125xi32, #tpu.memory_space<vmem>>
      %dma_wait3A_153 = arith.constant 0 : i32
      %dma_wait3A_154 = tpu.memref_slice %arg15[%dma_wait3A_153] : memref<10240xf32, #tpu.memory_space<vmem_shared>> -> memref<10240xf32, #tpu.memory_space<vmem_shared>>
      tpu.wait_indirect_dma semaphore(%arg24 : memref<!tpu.dma_semaphore, #tpu.memory_space<semaphore_mem>>) src(%arg14 : memref<125xf32, #tpu.memory_space<vmem>>) dst(%dma_wait3A_154 : memref<10240xf32, #tpu.memory_space<vmem_shared>>)
      %dma_start3A_155 = arith.constant 7 : i32
      %dma_start3A_156 = arith.constant 0 : i32
      %dma_start3A_157 = tpu.memref_slice %arg7[%dma_start3A_155, %dma_start3A_156] : memref<8x125xi32, #tpu.memory_space<vmem>> -> memref<1x125xi32, #tpu.memory_space<vmem>>
      %dma_start3A_158 = tpu.memref_squeeze %dma_start3A_157 : memref<1x125xi32, #tpu.memory_space<vmem>> -> memref<125xi32, #tpu.memory_space<vmem>>
      %dma_start3A_159 = arith.constant 0 : i32
      %dma_start3A_160 = tpu.memref_slice %arg16[%dma_start3A_159] : memref<10240xf32, #tpu.memory_space<vmem_shared>> -> memref<10240xf32, #tpu.memory_space<vmem_shared>>
      tpu.enqueue_indirect_dma source(%dma_start3A_160 : memref<10240xf32, #tpu.memory_space<vmem_shared>>) target(%arg14 : memref<125xf32, #tpu.memory_space<vmem>>) offsets(%dma_start3A_158 : memref<125xi32, #tpu.memory_space<vmem>>) semaphore(%arg20 : memref<!tpu.dma_semaphore, #tpu.memory_space<semaphore_mem>>)
      %dma_wait3A_161 = arith.constant 4 : i32
      %dma_wait3A_162 = arith.constant 0 : i32
      %dma_wait3A_163 = tpu.memref_slice %arg7[%dma_wait3A_161, %dma_wait3A_162] : memref<8x125xi32, #tpu.memory_space<vmem>> -> memref<1x125xi32, #tpu.memory_space<vmem>>
      %dma_wait3A_164 = tpu.memref_squeeze %dma_wait3A_163 : memref<1x125xi32, #tpu.memory_space<vmem>> -> memref<125xi32, #tpu.memory_space<vmem>>
      %dma_wait3A_165 = arith.constant 0 : i32
      %dma_wait3A_166 = tpu.memref_slice %arg16[%dma_wait3A_165] : memref<10240xf32, #tpu.memory_space<vmem_shared>> -> memref<10240xf32, #tpu.memory_space<vmem_shared>>
      tpu.wait_indirect_dma semaphore(%arg17 : memref<!tpu.dma_semaphore, #tpu.memory_space<semaphore_mem>>) src(%dma_wait3A_166 : memref<10240xf32, #tpu.memory_space<vmem_shared>>) dst(%arg11 : memref<125xf32, #tpu.memory_space<vmem>>)
      %dma_start3A_167 = arith.constant 4 : i32
      %dma_start3A_168 = arith.constant 0 : i32
      %dma_start3A_169 = tpu.memref_slice %arg9[%dma_start3A_167, %dma_start3A_168] : memref<8x125xi32, #tpu.memory_space<vmem>> -> memref<1x125xi32, #tpu.memory_space<vmem>>
      %dma_start3A_170 = tpu.memref_squeeze %dma_start3A_169 : memref<1x125xi32, #tpu.memory_space<vmem>> -> memref<125xi32, #tpu.memory_space<vmem>>
      %dma_start3A_171 = arith.constant 0 : i32
      %dma_start3A_172 = tpu.memref_slice %arg15[%dma_start3A_171] : memref<10240xf32, #tpu.memory_space<vmem_shared>> -> memref<10240xf32, #tpu.memory_space<vmem_shared>>
      tpu.enqueue_indirect_dma source(%arg11 : memref<125xf32, #tpu.memory_space<vmem>>) target(%dma_start3A_172 : memref<10240xf32, #tpu.memory_space<vmem_shared>>) offsets(%dma_start3A_170 : memref<125xi32, #tpu.memory_space<vmem>>) semaphore(%arg21 : memref<!tpu.dma_semaphore, #tpu.memory_space<semaphore_mem>>) {add = true}
      %dma_wait3A_173 = arith.constant 0 : i32
      %dma_wait3A_174 = tpu.memref_slice %arg3[%add3A_25, %dma_wait3A_173] : memref<2560x125xi32, #tpu.memory_space<hbm>> -> memref<8x125xi32, #tpu.memory_space<hbm>>
      %dma_wait3A_175 = arith.constant 0 : i32
      %dma_wait3A_176 = tpu.memref_slice %arg3[%add3A_25, %dma_wait3A_175] : memref<2560x125xi32, #tpu.memory_space<hbm>> -> memref<8x125xi32, #tpu.memory_space<hbm>>
      tpu.wait_dma2 semaphore(%arg26 : memref<!tpu.dma_semaphore, #tpu.memory_space<semaphore_mem>>) src(%dma_wait3A_176 : memref<8x125xi32, #tpu.memory_space<hbm>>) dst(%arg8 : memref<8x125xi32, #tpu.memory_space<vmem>>)
      %dma_wait3A_177 = arith.constant 0 : i32
      %dma_wait3A_178 = tpu.memref_slice %arg4[%add3A_25, %dma_wait3A_177] : memref<2560x125xi32, #tpu.memory_space<hbm>> -> memref<8x125xi32, #tpu.memory_space<hbm>>
      %dma_wait3A_179 = arith.constant 0 : i32
      %dma_wait3A_180 = tpu.memref_slice %arg4[%add3A_25, %dma_wait3A_179] : memref<2560x125xi32, #tpu.memory_space<hbm>> -> memref<8x125xi32, #tpu.memory_space<hbm>>
      tpu.wait_dma2 semaphore(%arg26 : memref<!tpu.dma_semaphore, #tpu.memory_space<semaphore_mem>>) src(%dma_wait3A_180 : memref<8x125xi32, #tpu.memory_space<hbm>>) dst(%arg10 : memref<8x125xi32, #tpu.memory_space<vmem>>)
      %dma_wait3A_181 = arith.constant 4 : i32
      %dma_wait3A_182 = arith.constant 0 : i32
      %dma_wait3A_183 = tpu.memref_slice %arg9[%dma_wait3A_181, %dma_wait3A_182] : memref<8x125xi32, #tpu.memory_space<vmem>> -> memref<1x125xi32, #tpu.memory_space<vmem>>
      %dma_wait3A_184 = tpu.memref_squeeze %dma_wait3A_183 : memref<1x125xi32, #tpu.memory_space<vmem>> -> memref<125xi32, #tpu.memory_space<vmem>>
      %dma_wait3A_185 = arith.constant 0 : i32
      %dma_wait3A_186 = tpu.memref_slice %arg15[%dma_wait3A_185] : memref<10240xf32, #tpu.memory_space<vmem_shared>> -> memref<10240xf32, #tpu.memory_space<vmem_shared>>
      tpu.wait_indirect_dma semaphore(%arg21 : memref<!tpu.dma_semaphore, #tpu.memory_space<semaphore_mem>>) src(%arg11 : memref<125xf32, #tpu.memory_space<vmem>>) dst(%dma_wait3A_186 : memref<10240xf32, #tpu.memory_space<vmem_shared>>)
      %dma_start3A_187 = arith.constant 0 : i32
      %dma_start3A_188 = arith.constant 0 : i32
      %dma_start3A_189 = tpu.memref_slice %arg8[%dma_start3A_187, %dma_start3A_188] : memref<8x125xi32, #tpu.memory_space<vmem>> -> memref<1x125xi32, #tpu.memory_space<vmem>>
      %dma_start3A_190 = tpu.memref_squeeze %dma_start3A_189 : memref<1x125xi32, #tpu.memory_space<vmem>> -> memref<125xi32, #tpu.memory_space<vmem>>
      %dma_start3A_191 = arith.constant 0 : i32
      %dma_start3A_192 = tpu.memref_slice %arg16[%dma_start3A_191] : memref<10240xf32, #tpu.memory_space<vmem_shared>> -> memref<10240xf32, #tpu.memory_space<vmem_shared>>
      tpu.enqueue_indirect_dma source(%dma_start3A_192 : memref<10240xf32, #tpu.memory_space<vmem_shared>>) target(%arg11 : memref<125xf32, #tpu.memory_space<vmem>>) offsets(%dma_start3A_190 : memref<125xi32, #tpu.memory_space<vmem>>) semaphore(%arg17 : memref<!tpu.dma_semaphore, #tpu.memory_space<semaphore_mem>>)
      %dma_wait3A_193 = arith.constant 5 : i32
      %dma_wait3A_194 = arith.constant 0 : i32
      %dma_wait3A_195 = tpu.memref_slice %arg7[%dma_wait3A_193, %dma_wait3A_194] : memref<8x125xi32, #tpu.memory_space<vmem>> -> memref<1x125xi32, #tpu.memory_space<vmem>>
      %dma_wait3A_196 = tpu.memref_squeeze %dma_wait3A_195 : memref<1x125xi32, #tpu.memory_space<vmem>> -> memref<125xi32, #tpu.memory_space<vmem>>
      %dma_wait3A_197 = arith.constant 0 : i32
      %dma_wait3A_198 = tpu.memref_slice %arg16[%dma_wait3A_197] : memref<10240xf32, #tpu.memory_space<vmem_shared>> -> memref<10240xf32, #tpu.memory_space<vmem_shared>>
      tpu.wait_indirect_dma semaphore(%arg18 : memref<!tpu.dma_semaphore, #tpu.memory_space<semaphore_mem>>) src(%dma_wait3A_198 : memref<10240xf32, #tpu.memory_space<vmem_shared>>) dst(%arg12 : memref<125xf32, #tpu.memory_space<vmem>>)
      %dma_start3A_199 = arith.constant 5 : i32
      %dma_start3A_200 = arith.constant 0 : i32
      %dma_start3A_201 = tpu.memref_slice %arg9[%dma_start3A_199, %dma_start3A_200] : memref<8x125xi32, #tpu.memory_space<vmem>> -> memref<1x125xi32, #tpu.memory_space<vmem>>
      %dma_start3A_202 = tpu.memref_squeeze %dma_start3A_201 : memref<1x125xi32, #tpu.memory_space<vmem>> -> memref<125xi32, #tpu.memory_space<vmem>>
      %dma_start3A_203 = arith.constant 0 : i32
      %dma_start3A_204 = tpu.memref_slice %arg15[%dma_start3A_203] : memref<10240xf32, #tpu.memory_space<vmem_shared>> -> memref<10240xf32, #tpu.memory_space<vmem_shared>>
      tpu.enqueue_indirect_dma source(%arg12 : memref<125xf32, #tpu.memory_space<vmem>>) target(%dma_start3A_204 : memref<10240xf32, #tpu.memory_space<vmem_shared>>) offsets(%dma_start3A_202 : memref<125xi32, #tpu.memory_space<vmem>>) semaphore(%arg22 : memref<!tpu.dma_semaphore, #tpu.memory_space<semaphore_mem>>) {add = true}
      %dma_wait3A_205 = arith.constant 5 : i32
      %dma_wait3A_206 = arith.constant 0 : i32
      %dma_wait3A_207 = tpu.memref_slice %arg9[%dma_wait3A_205, %dma_wait3A_206] : memref<8x125xi32, #tpu.memory_space<vmem>> -> memref<1x125xi32, #tpu.memory_space<vmem>>
      %dma_wait3A_208 = tpu.memref_squeeze %dma_wait3A_207 : memref<1x125xi32, #tpu.memory_space<vmem>> -> memref<125xi32, #tpu.memory_space<vmem>>
      %dma_wait3A_209 = arith.constant 0 : i32
      %dma_wait3A_210 = tpu.memref_slice %arg15[%dma_wait3A_209] : memref<10240xf32, #tpu.memory_space<vmem_shared>> -> memref<10240xf32, #tpu.memory_space<vmem_shared>>
      tpu.wait_indirect_dma semaphore(%arg22 : memref<!tpu.dma_semaphore, #tpu.memory_space<semaphore_mem>>) src(%arg12 : memref<125xf32, #tpu.memory_space<vmem>>) dst(%dma_wait3A_210 : memref<10240xf32, #tpu.memory_space<vmem_shared>>)
      %dma_start3A_211 = arith.constant 1 : i32
      %dma_start3A_212 = arith.constant 0 : i32
      %dma_start3A_213 = tpu.memref_slice %arg8[%dma_start3A_211, %dma_start3A_212] : memref<8x125xi32, #tpu.memory_space<vmem>> -> memref<1x125xi32, #tpu.memory_space<vmem>>
      %dma_start3A_214 = tpu.memref_squeeze %dma_start3A_213 : memref<1x125xi32, #tpu.memory_space<vmem>> -> memref<125xi32, #tpu.memory_space<vmem>>
      %dma_start3A_215 = arith.constant 0 : i32
      %dma_start3A_216 = tpu.memref_slice %arg16[%dma_start3A_215] : memref<10240xf32, #tpu.memory_space<vmem_shared>> -> memref<10240xf32, #tpu.memory_space<vmem_shared>>
      tpu.enqueue_indirect_dma source(%dma_start3A_216 : memref<10240xf32, #tpu.memory_space<vmem_shared>>) target(%arg12 : memref<125xf32, #tpu.memory_space<vmem>>) offsets(%dma_start3A_214 : memref<125xi32, #tpu.memory_space<vmem>>) semaphore(%arg18 : memref<!tpu.dma_semaphore, #tpu.memory_space<semaphore_mem>>)
      %dma_wait3A_217 = arith.constant 6 : i32
      %dma_wait3A_218 = arith.constant 0 : i32
      %dma_wait3A_219 = tpu.memref_slice %arg7[%dma_wait3A_217, %dma_wait3A_218] : memref<8x125xi32, #tpu.memory_space<vmem>> -> memref<1x125xi32, #tpu.memory_space<vmem>>
      %dma_wait3A_220 = tpu.memref_squeeze %dma_wait3A_219 : memref<1x125xi32, #tpu.memory_space<vmem>> -> memref<125xi32, #tpu.memory_space<vmem>>
      %dma_wait3A_221 = arith.constant 0 : i32
      %dma_wait3A_222 = tpu.memref_slice %arg16[%dma_wait3A_221] : memref<10240xf32, #tpu.memory_space<vmem_shared>> -> memref<10240xf32, #tpu.memory_space<vmem_shared>>
      tpu.wait_indirect_dma semaphore(%arg19 : memref<!tpu.dma_semaphore, #tpu.memory_space<semaphore_mem>>) src(%dma_wait3A_222 : memref<10240xf32, #tpu.memory_space<vmem_shared>>) dst(%arg13 : memref<125xf32, #tpu.memory_space<vmem>>)
      %dma_start3A_223 = arith.constant 6 : i32
      %dma_start3A_224 = arith.constant 0 : i32
      %dma_start3A_225 = tpu.memref_slice %arg9[%dma_start3A_223, %dma_start3A_224] : memref<8x125xi32, #tpu.memory_space<vmem>> -> memref<1x125xi32, #tpu.memory_space<vmem>>
      %dma_start3A_226 = tpu.memref_squeeze %dma_start3A_225 : memref<1x125xi32, #tpu.memory_space<vmem>> -> memref<125xi32, #tpu.memory_space<vmem>>
      %dma_start3A_227 = arith.constant 0 : i32
      %dma_start3A_228 = tpu.memref_slice %arg15[%dma_start3A_227] : memref<10240xf32, #tpu.memory_space<vmem_shared>> -> memref<10240xf32, #tpu.memory_space<vmem_shared>>
      tpu.enqueue_indirect_dma source(%arg13 : memref<125xf32, #tpu.memory_space<vmem>>) target(%dma_start3A_228 : memref<10240xf32, #tpu.memory_space<vmem_shared>>) offsets(%dma_start3A_226 : memref<125xi32, #tpu.memory_space<vmem>>) semaphore(%arg23 : memref<!tpu.dma_semaphore, #tpu.memory_space<semaphore_mem>>) {add = true}
      %dma_wait3A_229 = arith.constant 6 : i32
      %dma_wait3A_230 = arith.constant 0 : i32
      %dma_wait3A_231 = tpu.memref_slice %arg9[%dma_wait3A_229, %dma_wait3A_230] : memref<8x125xi32, #tpu.memory_space<vmem>> -> memref<1x125xi32, #tpu.memory_space<vmem>>
      %dma_wait3A_232 = tpu.memref_squeeze %dma_wait3A_231 : memref<1x125xi32, #tpu.memory_space<vmem>> -> memref<125xi32, #tpu.memory_space<vmem>>
      %dma_wait3A_233 = arith.constant 0 : i32
      %dma_wait3A_234 = tpu.memref_slice %arg15[%dma_wait3A_233] : memref<10240xf32, #tpu.memory_space<vmem_shared>> -> memref<10240xf32, #tpu.memory_space<vmem_shared>>
      tpu.wait_indirect_dma semaphore(%arg23 : memref<!tpu.dma_semaphore, #tpu.memory_space<semaphore_mem>>) src(%arg13 : memref<125xf32, #tpu.memory_space<vmem>>) dst(%dma_wait3A_234 : memref<10240xf32, #tpu.memory_space<vmem_shared>>)
      %dma_start3A_235 = arith.constant 2 : i32
      %dma_start3A_236 = arith.constant 0 : i32
      %dma_start3A_237 = tpu.memref_slice %arg8[%dma_start3A_235, %dma_start3A_236] : memref<8x125xi32, #tpu.memory_space<vmem>> -> memref<1x125xi32, #tpu.memory_space<vmem>>
      %dma_start3A_238 = tpu.memref_squeeze %dma_start3A_237 : memref<1x125xi32, #tpu.memory_space<vmem>> -> memref<125xi32, #tpu.memory_space<vmem>>
      %dma_start3A_239 = arith.constant 0 : i32
      %dma_start3A_240 = tpu.memref_slice %arg16[%dma_start3A_239] : memref<10240xf32, #tpu.memory_space<vmem_shared>> -> memref<10240xf32, #tpu.memory_space<vmem_shared>>
      tpu.enqueue_indirect_dma source(%dma_start3A_240 : memref<10240xf32, #tpu.memory_space<vmem_shared>>) target(%arg13 : memref<125xf32, #tpu.memory_space<vmem>>) offsets(%dma_start3A_238 : memref<125xi32, #tpu.memory_space<vmem>>) semaphore(%arg19 : memref<!tpu.dma_semaphore, #tpu.memory_space<semaphore_mem>>)
      %dma_wait3A_241 = arith.constant 7 : i32
      %dma_wait3A_242 = arith.constant 0 : i32
      %dma_wait3A_243 = tpu.memref_slice %arg7[%dma_wait3A_241, %dma_wait3A_242] : memref<8x125xi32, #tpu.memory_space<vmem>> -> memref<1x125xi32, #tpu.memory_space<vmem>>
      %dma_wait3A_244 = tpu.memref_squeeze %dma_wait3A_243 : memref<1x125xi32, #tpu.memory_space<vmem>> -> memref<125xi32, #tpu.memory_space<vmem>>
      %dma_wait3A_245 = arith.constant 0 : i32
      %dma_wait3A_246 = tpu.memref_slice %arg16[%dma_wait3A_245] : memref<10240xf32, #tpu.memory_space<vmem_shared>> -> memref<10240xf32, #tpu.memory_space<vmem_shared>>
      tpu.wait_indirect_dma semaphore(%arg20 : memref<!tpu.dma_semaphore, #tpu.memory_space<semaphore_mem>>) src(%dma_wait3A_246 : memref<10240xf32, #tpu.memory_space<vmem_shared>>) dst(%arg14 : memref<125xf32, #tpu.memory_space<vmem>>)
      %lt3A = arith.constant 4 : i32
      %lt3A_247 = arith.cmpi slt, %scan3A_18, %lt3A : i32
      %convert_element_type3A = arith.extui %lt3A_247 : i1 to i32
      %cond3A = arith.constant 0 : i32
      %cond3A_248 = arith.cmpi ne, %convert_element_type3A, %cond3A : i32
      scf.if %cond3A_248 {
        %mul3A_435 = arith.constant 2 : i32
        %mul3A_436 = arith.muli %mul3A_435, %scan3A_18 : i32
        %add3A_437 = arith.constant 2 : i32
        %add3A_438 = arith.addi %mul3A_436, %add3A_437 : i32
        %mul3A_439 = arith.constant 8 : i32
        %mul3A_440 = arith.muli %add3A_438, %mul3A_439 : i32
        %add3A_441 = arith.addi %mul3A_4, %mul3A_440 : i32
        %dma_start3A_442 = arith.constant 0 : i32
        %dma_start3A_443 = tpu.memref_slice %arg3[%add3A_441, %dma_start3A_442] : memref<2560x125xi32, #tpu.memory_space<hbm>> -> memref<8x125xi32, #tpu.memory_space<hbm>>
        %dma_start3A_444 = arith.constant 0 : i32
        %dma_start3A_445 = tpu.memref_slice %arg3[%add3A_441, %dma_start3A_444] : memref<2560x125xi32, #tpu.memory_space<hbm>> -> memref<8x125xi32, #tpu.memory_space<hbm>>
        tpu.enqueue_dma source(%dma_start3A_445 : memref<8x125xi32, #tpu.memory_space<hbm>>) target(%arg7 : memref<8x125xi32, #tpu.memory_space<vmem>>) target_semaphore(%arg25 : memref<!tpu.dma_semaphore, #tpu.memory_space<semaphore_mem>>)
        %dma_start3A_446 = arith.constant 0 : i32
        %dma_start3A_447 = tpu.memref_slice %arg4[%add3A_441, %dma_start3A_446] : memref<2560x125xi32, #tpu.memory_space<hbm>> -> memref<8x125xi32, #tpu.memory_space<hbm>>
        %dma_start3A_448 = arith.constant 0 : i32
        %dma_start3A_449 = tpu.memref_slice %arg4[%add3A_441, %dma_start3A_448] : memref<2560x125xi32, #tpu.memory_space<hbm>> -> memref<8x125xi32, #tpu.memory_space<hbm>>
        tpu.enqueue_dma source(%dma_start3A_449 : memref<8x125xi32, #tpu.memory_space<hbm>>) target(%arg9 : memref<8x125xi32, #tpu.memory_space<vmem>>) target_semaphore(%arg25 : memref<!tpu.dma_semaphore, #tpu.memory_space<semaphore_mem>>)
      } else {
      }
      %dma_start3A_249 = arith.constant 7 : i32
      %dma_start3A_250 = arith.constant 0 : i32
      %dma_start3A_251 = tpu.memref_slice %arg9[%dma_start3A_249, %dma_start3A_250] : memref<8x125xi32, #tpu.memory_space<vmem>> -> memref<1x125xi32, #tpu.memory_space<vmem>>
      %dma_start3A_252 = tpu.memref_squeeze %dma_start3A_251 : memref<1x125xi32, #tpu.memory_space<vmem>> -> memref<125xi32, #tpu.memory_space<vmem>>
      %dma_start3A_253 = arith.constant 0 : i32
      %dma_start3A_254 = tpu.memref_slice %arg15[%dma_start3A_253] : memref<10240xf32, #tpu.memory_space<vmem_shared>> -> memref<10240xf32, #tpu.memory_space<vmem_shared>>
      tpu.enqueue_indirect_dma source(%arg14 : memref<125xf32, #tpu.memory_space<vmem>>) target(%dma_start3A_254 : memref<10240xf32, #tpu.memory_space<vmem_shared>>) offsets(%dma_start3A_252 : memref<125xi32, #tpu.memory_space<vmem>>) semaphore(%arg24 : memref<!tpu.dma_semaphore, #tpu.memory_space<semaphore_mem>>) {add = true}
      %dma_wait3A_255 = arith.constant 7 : i32
      %dma_wait3A_256 = arith.constant 0 : i32
      %dma_wait3A_257 = tpu.memref_slice %arg9[%dma_wait3A_255, %dma_wait3A_256] : memref<8x125xi32, #tpu.memory_space<vmem>> -> memref<1x125xi32, #tpu.memory_space<vmem>>
      %dma_wait3A_258 = tpu.memref_squeeze %dma_wait3A_257 : memref<1x125xi32, #tpu.memory_space<vmem>> -> memref<125xi32, #tpu.memory_space<vmem>>
      %dma_wait3A_259 = arith.constant 0 : i32
      %dma_wait3A_260 = tpu.memref_slice %arg15[%dma_wait3A_259] : memref<10240xf32, #tpu.memory_space<vmem_shared>> -> memref<10240xf32, #tpu.memory_space<vmem_shared>>
      tpu.wait_indirect_dma semaphore(%arg24 : memref<!tpu.dma_semaphore, #tpu.memory_space<semaphore_mem>>) src(%arg14 : memref<125xf32, #tpu.memory_space<vmem>>) dst(%dma_wait3A_260 : memref<10240xf32, #tpu.memory_space<vmem_shared>>)
      %dma_start3A_261 = arith.constant 3 : i32
      %dma_start3A_262 = arith.constant 0 : i32
      %dma_start3A_263 = tpu.memref_slice %arg8[%dma_start3A_261, %dma_start3A_262] : memref<8x125xi32, #tpu.memory_space<vmem>> -> memref<1x125xi32, #tpu.memory_space<vmem>>
      %dma_start3A_264 = tpu.memref_squeeze %dma_start3A_263 : memref<1x125xi32, #tpu.memory_space<vmem>> -> memref<125xi32, #tpu.memory_space<vmem>>
      %dma_start3A_265 = arith.constant 0 : i32
      %dma_start3A_266 = tpu.memref_slice %arg16[%dma_start3A_265] : memref<10240xf32, #tpu.memory_space<vmem_shared>> -> memref<10240xf32, #tpu.memory_space<vmem_shared>>
      tpu.enqueue_indirect_dma source(%dma_start3A_266 : memref<10240xf32, #tpu.memory_space<vmem_shared>>) target(%arg14 : memref<125xf32, #tpu.memory_space<vmem>>) offsets(%dma_start3A_264 : memref<125xi32, #tpu.memory_space<vmem>>) semaphore(%arg20 : memref<!tpu.dma_semaphore, #tpu.memory_space<semaphore_mem>>)
      %dma_wait3A_267 = arith.constant 0 : i32
      %dma_wait3A_268 = arith.constant 0 : i32
      %dma_wait3A_269 = tpu.memref_slice %arg8[%dma_wait3A_267, %dma_wait3A_268] : memref<8x125xi32, #tpu.memory_space<vmem>> -> memref<1x125xi32, #tpu.memory_space<vmem>>
      %dma_wait3A_270 = tpu.memref_squeeze %dma_wait3A_269 : memref<1x125xi32, #tpu.memory_space<vmem>> -> memref<125xi32, #tpu.memory_space<vmem>>
      %dma_wait3A_271 = arith.constant 0 : i32
      %dma_wait3A_272 = tpu.memref_slice %arg16[%dma_wait3A_271] : memref<10240xf32, #tpu.memory_space<vmem_shared>> -> memref<10240xf32, #tpu.memory_space<vmem_shared>>
      tpu.wait_indirect_dma semaphore(%arg17 : memref<!tpu.dma_semaphore, #tpu.memory_space<semaphore_mem>>) src(%dma_wait3A_272 : memref<10240xf32, #tpu.memory_space<vmem_shared>>) dst(%arg11 : memref<125xf32, #tpu.memory_space<vmem>>)
      %dma_start3A_273 = arith.constant 0 : i32
      %dma_start3A_274 = arith.constant 0 : i32
      %dma_start3A_275 = tpu.memref_slice %arg10[%dma_start3A_273, %dma_start3A_274] : memref<8x125xi32, #tpu.memory_space<vmem>> -> memref<1x125xi32, #tpu.memory_space<vmem>>
      %dma_start3A_276 = tpu.memref_squeeze %dma_start3A_275 : memref<1x125xi32, #tpu.memory_space<vmem>> -> memref<125xi32, #tpu.memory_space<vmem>>
      %dma_start3A_277 = arith.constant 0 : i32
      %dma_start3A_278 = tpu.memref_slice %arg15[%dma_start3A_277] : memref<10240xf32, #tpu.memory_space<vmem_shared>> -> memref<10240xf32, #tpu.memory_space<vmem_shared>>
      tpu.enqueue_indirect_dma source(%arg11 : memref<125xf32, #tpu.memory_space<vmem>>) target(%dma_start3A_278 : memref<10240xf32, #tpu.memory_space<vmem_shared>>) offsets(%dma_start3A_276 : memref<125xi32, #tpu.memory_space<vmem>>) semaphore(%arg21 : memref<!tpu.dma_semaphore, #tpu.memory_space<semaphore_mem>>) {add = true}
      %dma_wait3A_279 = arith.constant 0 : i32
      %dma_wait3A_280 = arith.constant 0 : i32
      %dma_wait3A_281 = tpu.memref_slice %arg10[%dma_wait3A_279, %dma_wait3A_280] : memref<8x125xi32, #tpu.memory_space<vmem>> -> memref<1x125xi32, #tpu.memory_space<vmem>>
      %dma_wait3A_282 = tpu.memref_squeeze %dma_wait3A_281 : memref<1x125xi32, #tpu.memory_space<vmem>> -> memref<125xi32, #tpu.memory_space<vmem>>
      %dma_wait3A_283 = arith.constant 0 : i32
      %dma_wait3A_284 = tpu.memref_slice %arg15[%dma_wait3A_283] : memref<10240xf32, #tpu.memory_space<vmem_shared>> -> memref<10240xf32, #tpu.memory_space<vmem_shared>>
      tpu.wait_indirect_dma semaphore(%arg21 : memref<!tpu.dma_semaphore, #tpu.memory_space<semaphore_mem>>) src(%arg11 : memref<125xf32, #tpu.memory_space<vmem>>) dst(%dma_wait3A_284 : memref<10240xf32, #tpu.memory_space<vmem_shared>>)
      %dma_start3A_285 = arith.constant 4 : i32
      %dma_start3A_286 = arith.constant 0 : i32
      %dma_start3A_287 = tpu.memref_slice %arg8[%dma_start3A_285, %dma_start3A_286] : memref<8x125xi32, #tpu.memory_space<vmem>> -> memref<1x125xi32, #tpu.memory_space<vmem>>
      %dma_start3A_288 = tpu.memref_squeeze %dma_start3A_287 : memref<1x125xi32, #tpu.memory_space<vmem>> -> memref<125xi32, #tpu.memory_space<vmem>>
      %dma_start3A_289 = arith.constant 0 : i32
      %dma_start3A_290 = tpu.memref_slice %arg16[%dma_start3A_289] : memref<10240xf32, #tpu.memory_space<vmem_shared>> -> memref<10240xf32, #tpu.memory_space<vmem_shared>>
      tpu.enqueue_indirect_dma source(%dma_start3A_290 : memref<10240xf32, #tpu.memory_space<vmem_shared>>) target(%arg11 : memref<125xf32, #tpu.memory_space<vmem>>) offsets(%dma_start3A_288 : memref<125xi32, #tpu.memory_space<vmem>>) semaphore(%arg17 : memref<!tpu.dma_semaphore, #tpu.memory_space<semaphore_mem>>)
      %dma_wait3A_291 = arith.constant 1 : i32
      %dma_wait3A_292 = arith.constant 0 : i32
      %dma_wait3A_293 = tpu.memref_slice %arg8[%dma_wait3A_291, %dma_wait3A_292] : memref<8x125xi32, #tpu.memory_space<vmem>> -> memref<1x125xi32, #tpu.memory_space<vmem>>
      %dma_wait3A_294 = tpu.memref_squeeze %dma_wait3A_293 : memref<1x125xi32, #tpu.memory_space<vmem>> -> memref<125xi32, #tpu.memory_space<vmem>>
      %dma_wait3A_295 = arith.constant 0 : i32
      %dma_wait3A_296 = tpu.memref_slice %arg16[%dma_wait3A_295] : memref<10240xf32, #tpu.memory_space<vmem_shared>> -> memref<10240xf32, #tpu.memory_space<vmem_shared>>
      tpu.wait_indirect_dma semaphore(%arg18 : memref<!tpu.dma_semaphore, #tpu.memory_space<semaphore_mem>>) src(%dma_wait3A_296 : memref<10240xf32, #tpu.memory_space<vmem_shared>>) dst(%arg12 : memref<125xf32, #tpu.memory_space<vmem>>)
      %dma_start3A_297 = arith.constant 1 : i32
      %dma_start3A_298 = arith.constant 0 : i32
      %dma_start3A_299 = tpu.memref_slice %arg10[%dma_start3A_297, %dma_start3A_298] : memref<8x125xi32, #tpu.memory_space<vmem>> -> memref<1x125xi32, #tpu.memory_space<vmem>>
      %dma_start3A_300 = tpu.memref_squeeze %dma_start3A_299 : memref<1x125xi32, #tpu.memory_space<vmem>> -> memref<125xi32, #tpu.memory_space<vmem>>
      %dma_start3A_301 = arith.constant 0 : i32
      %dma_start3A_302 = tpu.memref_slice %arg15[%dma_start3A_301] : memref<10240xf32, #tpu.memory_space<vmem_shared>> -> memref<10240xf32, #tpu.memory_space<vmem_shared>>
      tpu.enqueue_indirect_dma source(%arg12 : memref<125xf32, #tpu.memory_space<vmem>>) target(%dma_start3A_302 : memref<10240xf32, #tpu.memory_space<vmem_shared>>) offsets(%dma_start3A_300 : memref<125xi32, #tpu.memory_space<vmem>>) semaphore(%arg22 : memref<!tpu.dma_semaphore, #tpu.memory_space<semaphore_mem>>) {add = true}
      %dma_wait3A_303 = arith.constant 1 : i32
      %dma_wait3A_304 = arith.constant 0 : i32
      %dma_wait3A_305 = tpu.memref_slice %arg10[%dma_wait3A_303, %dma_wait3A_304] : memref<8x125xi32, #tpu.memory_space<vmem>> -> memref<1x125xi32, #tpu.memory_space<vmem>>
      %dma_wait3A_306 = tpu.memref_squeeze %dma_wait3A_305 : memref<1x125xi32, #tpu.memory_space<vmem>> -> memref<125xi32, #tpu.memory_space<vmem>>
      %dma_wait3A_307 = arith.constant 0 : i32
      %dma_wait3A_308 = tpu.memref_slice %arg15[%dma_wait3A_307] : memref<10240xf32, #tpu.memory_space<vmem_shared>> -> memref<10240xf32, #tpu.memory_space<vmem_shared>>
      tpu.wait_indirect_dma semaphore(%arg22 : memref<!tpu.dma_semaphore, #tpu.memory_space<semaphore_mem>>) src(%arg12 : memref<125xf32, #tpu.memory_space<vmem>>) dst(%dma_wait3A_308 : memref<10240xf32, #tpu.memory_space<vmem_shared>>)
      %dma_start3A_309 = arith.constant 5 : i32
      %dma_start3A_310 = arith.constant 0 : i32
      %dma_start3A_311 = tpu.memref_slice %arg8[%dma_start3A_309, %dma_start3A_310] : memref<8x125xi32, #tpu.memory_space<vmem>> -> memref<1x125xi32, #tpu.memory_space<vmem>>
      %dma_start3A_312 = tpu.memref_squeeze %dma_start3A_311 : memref<1x125xi32, #tpu.memory_space<vmem>> -> memref<125xi32, #tpu.memory_space<vmem>>
      %dma_start3A_313 = arith.constant 0 : i32
      %dma_start3A_314 = tpu.memref_slice %arg16[%dma_start3A_313] : memref<10240xf32, #tpu.memory_space<vmem_shared>> -> memref<10240xf32, #tpu.memory_space<vmem_shared>>
      tpu.enqueue_indirect_dma source(%dma_start3A_314 : memref<10240xf32, #tpu.memory_space<vmem_shared>>) target(%arg12 : memref<125xf32, #tpu.memory_space<vmem>>) offsets(%dma_start3A_312 : memref<125xi32, #tpu.memory_space<vmem>>) semaphore(%arg18 : memref<!tpu.dma_semaphore, #tpu.memory_space<semaphore_mem>>)
      %dma_wait3A_315 = arith.constant 2 : i32
      %dma_wait3A_316 = arith.constant 0 : i32
      %dma_wait3A_317 = tpu.memref_slice %arg8[%dma_wait3A_315, %dma_wait3A_316] : memref<8x125xi32, #tpu.memory_space<vmem>> -> memref<1x125xi32, #tpu.memory_space<vmem>>
      %dma_wait3A_318 = tpu.memref_squeeze %dma_wait3A_317 : memref<1x125xi32, #tpu.memory_space<vmem>> -> memref<125xi32, #tpu.memory_space<vmem>>
      %dma_wait3A_319 = arith.constant 0 : i32
      %dma_wait3A_320 = tpu.memref_slice %arg16[%dma_wait3A_319] : memref<10240xf32, #tpu.memory_space<vmem_shared>> -> memref<10240xf32, #tpu.memory_space<vmem_shared>>
      tpu.wait_indirect_dma semaphore(%arg19 : memref<!tpu.dma_semaphore, #tpu.memory_space<semaphore_mem>>) src(%dma_wait3A_320 : memref<10240xf32, #tpu.memory_space<vmem_shared>>) dst(%arg13 : memref<125xf32, #tpu.memory_space<vmem>>)
      %dma_start3A_321 = arith.constant 2 : i32
      %dma_start3A_322 = arith.constant 0 : i32
      %dma_start3A_323 = tpu.memref_slice %arg10[%dma_start3A_321, %dma_start3A_322] : memref<8x125xi32, #tpu.memory_space<vmem>> -> memref<1x125xi32, #tpu.memory_space<vmem>>
      %dma_start3A_324 = tpu.memref_squeeze %dma_start3A_323 : memref<1x125xi32, #tpu.memory_space<vmem>> -> memref<125xi32, #tpu.memory_space<vmem>>
      %dma_start3A_325 = arith.constant 0 : i32
      %dma_start3A_326 = tpu.memref_slice %arg15[%dma_start3A_325] : memref<10240xf32, #tpu.memory_space<vmem_shared>> -> memref<10240xf32, #tpu.memory_space<vmem_shared>>
      tpu.enqueue_indirect_dma source(%arg13 : memref<125xf32, #tpu.memory_space<vmem>>) target(%dma_start3A_326 : memref<10240xf32, #tpu.memory_space<vmem_shared>>) offsets(%dma_start3A_324 : memref<125xi32, #tpu.memory_space<vmem>>) semaphore(%arg23 : memref<!tpu.dma_semaphore, #tpu.memory_space<semaphore_mem>>) {add = true}
      %dma_wait3A_327 = arith.constant 2 : i32
      %dma_wait3A_328 = arith.constant 0 : i32
      %dma_wait3A_329 = tpu.memref_slice %arg10[%dma_wait3A_327, %dma_wait3A_328] : memref<8x125xi32, #tpu.memory_space<vmem>> -> memref<1x125xi32, #tpu.memory_space<vmem>>
      %dma_wait3A_330 = tpu.memref_squeeze %dma_wait3A_329 : memref<1x125xi32, #tpu.memory_space<vmem>> -> memref<125xi32, #tpu.memory_space<vmem>>
      %dma_wait3A_331 = arith.constant 0 : i32
      %dma_wait3A_332 = tpu.memref_slice %arg15[%dma_wait3A_331] : memref<10240xf32, #tpu.memory_space<vmem_shared>> -> memref<10240xf32, #tpu.memory_space<vmem_shared>>
      tpu.wait_indirect_dma semaphore(%arg23 : memref<!tpu.dma_semaphore, #tpu.memory_space<semaphore_mem>>) src(%arg13 : memref<125xf32, #tpu.memory_space<vmem>>) dst(%dma_wait3A_332 : memref<10240xf32, #tpu.memory_space<vmem_shared>>)
      %dma_start3A_333 = arith.constant 6 : i32
      %dma_start3A_334 = arith.constant 0 : i32
      %dma_start3A_335 = tpu.memref_slice %arg8[%dma_start3A_333, %dma_start3A_334] : memref<8x125xi32, #tpu.memory_space<vmem>> -> memref<1x125xi32, #tpu.memory_space<vmem>>
      %dma_start3A_336 = tpu.memref_squeeze %dma_start3A_335 : memref<1x125xi32, #tpu.memory_space<vmem>> -> memref<125xi32, #tpu.memory_space<vmem>>
      %dma_start3A_337 = arith.constant 0 : i32
      %dma_start3A_338 = tpu.memref_slice %arg16[%dma_start3A_337] : memref<10240xf32, #tpu.memory_space<vmem_shared>> -> memref<10240xf32, #tpu.memory_space<vmem_shared>>
      tpu.enqueue_indirect_dma source(%dma_start3A_338 : memref<10240xf32, #tpu.memory_space<vmem_shared>>) target(%arg13 : memref<125xf32, #tpu.memory_space<vmem>>) offsets(%dma_start3A_336 : memref<125xi32, #tpu.memory_space<vmem>>) semaphore(%arg19 : memref<!tpu.dma_semaphore, #tpu.memory_space<semaphore_mem>>)
      %dma_wait3A_339 = arith.constant 3 : i32
      %dma_wait3A_340 = arith.constant 0 : i32
      %dma_wait3A_341 = tpu.memref_slice %arg8[%dma_wait3A_339, %dma_wait3A_340] : memref<8x125xi32, #tpu.memory_space<vmem>> -> memref<1x125xi32, #tpu.memory_space<vmem>>
      %dma_wait3A_342 = tpu.memref_squeeze %dma_wait3A_341 : memref<1x125xi32, #tpu.memory_space<vmem>> -> memref<125xi32, #tpu.memory_space<vmem>>
      %dma_wait3A_343 = arith.constant 0 : i32
      %dma_wait3A_344 = tpu.memref_slice %arg16[%dma_wait3A_343] : memref<10240xf32, #tpu.memory_space<vmem_shared>> -> memref<10240xf32, #tpu.memory_space<vmem_shared>>
      tpu.wait_indirect_dma semaphore(%arg20 : memref<!tpu.dma_semaphore, #tpu.memory_space<semaphore_mem>>) src(%dma_wait3A_344 : memref<10240xf32, #tpu.memory_space<vmem_shared>>) dst(%arg14 : memref<125xf32, #tpu.memory_space<vmem>>)
      %dma_start3A_345 = arith.constant 3 : i32
      %dma_start3A_346 = arith.constant 0 : i32
      %dma_start3A_347 = tpu.memref_slice %arg10[%dma_start3A_345, %dma_start3A_346] : memref<8x125xi32, #tpu.memory_space<vmem>> -> memref<1x125xi32, #tpu.memory_space<vmem>>
      %dma_start3A_348 = tpu.memref_squeeze %dma_start3A_347 : memref<1x125xi32, #tpu.memory_space<vmem>> -> memref<125xi32, #tpu.memory_space<vmem>>
      %dma_start3A_349 = arith.constant 0 : i32
      %dma_start3A_350 = tpu.memref_slice %arg15[%dma_start3A_349] : memref<10240xf32, #tpu.memory_space<vmem_shared>> -> memref<10240xf32, #tpu.memory_space<vmem_shared>>
      tpu.enqueue_indirect_dma source(%arg14 : memref<125xf32, #tpu.memory_space<vmem>>) target(%dma_start3A_350 : memref<10240xf32, #tpu.memory_space<vmem_shared>>) offsets(%dma_start3A_348 : memref<125xi32, #tpu.memory_space<vmem>>) semaphore(%arg24 : memref<!tpu.dma_semaphore, #tpu.memory_space<semaphore_mem>>) {add = true}
      %dma_wait3A_351 = arith.constant 3 : i32
      %dma_wait3A_352 = arith.constant 0 : i32
      %dma_wait3A_353 = tpu.memref_slice %arg10[%dma_wait3A_351, %dma_wait3A_352] : memref<8x125xi32, #tpu.memory_space<vmem>> -> memref<1x125xi32, #tpu.memory_space<vmem>>
      %dma_wait3A_354 = tpu.memref_squeeze %dma_wait3A_353 : memref<1x125xi32, #tpu.memory_space<vmem>> -> memref<125xi32, #tpu.memory_space<vmem>>
      %dma_wait3A_355 = arith.constant 0 : i32
      %dma_wait3A_356 = tpu.memref_slice %arg15[%dma_wait3A_355] : memref<10240xf32, #tpu.memory_space<vmem_shared>> -> memref<10240xf32, #tpu.memory_space<vmem_shared>>
      tpu.wait_indirect_dma semaphore(%arg24 : memref<!tpu.dma_semaphore, #tpu.memory_space<semaphore_mem>>) src(%arg14 : memref<125xf32, #tpu.memory_space<vmem>>) dst(%dma_wait3A_356 : memref<10240xf32, #tpu.memory_space<vmem_shared>>)
      %dma_start3A_357 = arith.constant 7 : i32
      %dma_start3A_358 = arith.constant 0 : i32
      %dma_start3A_359 = tpu.memref_slice %arg8[%dma_start3A_357, %dma_start3A_358] : memref<8x125xi32, #tpu.memory_space<vmem>> -> memref<1x125xi32, #tpu.memory_space<vmem>>
      %dma_start3A_360 = tpu.memref_squeeze %dma_start3A_359 : memref<1x125xi32, #tpu.memory_space<vmem>> -> memref<125xi32, #tpu.memory_space<vmem>>
      %dma_start3A_361 = arith.constant 0 : i32
      %dma_start3A_362 = tpu.memref_slice %arg16[%dma_start3A_361] : memref<10240xf32, #tpu.memory_space<vmem_shared>> -> memref<10240xf32, #tpu.memory_space<vmem_shared>>
      tpu.enqueue_indirect_dma source(%dma_start3A_362 : memref<10240xf32, #tpu.memory_space<vmem_shared>>) target(%arg14 : memref<125xf32, #tpu.memory_space<vmem>>) offsets(%dma_start3A_360 : memref<125xi32, #tpu.memory_space<vmem>>) semaphore(%arg20 : memref<!tpu.dma_semaphore, #tpu.memory_space<semaphore_mem>>)
      %dma_wait3A_363 = arith.constant 4 : i32
      %dma_wait3A_364 = arith.constant 0 : i32
      %dma_wait3A_365 = tpu.memref_slice %arg8[%dma_wait3A_363, %dma_wait3A_364] : memref<8x125xi32, #tpu.memory_space<vmem>> -> memref<1x125xi32, #tpu.memory_space<vmem>>
      %dma_wait3A_366 = tpu.memref_squeeze %dma_wait3A_365 : memref<1x125xi32, #tpu.memory_space<vmem>> -> memref<125xi32, #tpu.memory_space<vmem>>
      %dma_wait3A_367 = arith.constant 0 : i32
      %dma_wait3A_368 = tpu.memref_slice %arg16[%dma_wait3A_367] : memref<10240xf32, #tpu.memory_space<vmem_shared>> -> memref<10240xf32, #tpu.memory_space<vmem_shared>>
      tpu.wait_indirect_dma semaphore(%arg17 : memref<!tpu.dma_semaphore, #tpu.memory_space<semaphore_mem>>) src(%dma_wait3A_368 : memref<10240xf32, #tpu.memory_space<vmem_shared>>) dst(%arg11 : memref<125xf32, #tpu.memory_space<vmem>>)
      %dma_start3A_369 = arith.constant 4 : i32
      %dma_start3A_370 = arith.constant 0 : i32
      %dma_start3A_371 = tpu.memref_slice %arg10[%dma_start3A_369, %dma_start3A_370] : memref<8x125xi32, #tpu.memory_space<vmem>> -> memref<1x125xi32, #tpu.memory_space<vmem>>
      %dma_start3A_372 = tpu.memref_squeeze %dma_start3A_371 : memref<1x125xi32, #tpu.memory_space<vmem>> -> memref<125xi32, #tpu.memory_space<vmem>>
      %dma_start3A_373 = arith.constant 0 : i32
      %dma_start3A_374 = tpu.memref_slice %arg15[%dma_start3A_373] : memref<10240xf32, #tpu.memory_space<vmem_shared>> -> memref<10240xf32, #tpu.memory_space<vmem_shared>>
      tpu.enqueue_indirect_dma source(%arg11 : memref<125xf32, #tpu.memory_space<vmem>>) target(%dma_start3A_374 : memref<10240xf32, #tpu.memory_space<vmem_shared>>) offsets(%dma_start3A_372 : memref<125xi32, #tpu.memory_space<vmem>>) semaphore(%arg21 : memref<!tpu.dma_semaphore, #tpu.memory_space<semaphore_mem>>) {add = true}
      %dma_wait3A_375 = arith.constant 5 : i32
      %dma_wait3A_376 = arith.constant 0 : i32
      %dma_wait3A_377 = tpu.memref_slice %arg8[%dma_wait3A_375, %dma_wait3A_376] : memref<8x125xi32, #tpu.memory_space<vmem>> -> memref<1x125xi32, #tpu.memory_space<vmem>>
      %dma_wait3A_378 = tpu.memref_squeeze %dma_wait3A_377 : memref<1x125xi32, #tpu.memory_space<vmem>> -> memref<125xi32, #tpu.memory_space<vmem>>
      %dma_wait3A_379 = arith.constant 0 : i32
      %dma_wait3A_380 = tpu.memref_slice %arg16[%dma_wait3A_379] : memref<10240xf32, #tpu.memory_space<vmem_shared>> -> memref<10240xf32, #tpu.memory_space<vmem_shared>>
      tpu.wait_indirect_dma semaphore(%arg18 : memref<!tpu.dma_semaphore, #tpu.memory_space<semaphore_mem>>) src(%dma_wait3A_380 : memref<10240xf32, #tpu.memory_space<vmem_shared>>) dst(%arg12 : memref<125xf32, #tpu.memory_space<vmem>>)
      %dma_start3A_381 = arith.constant 5 : i32
      %dma_start3A_382 = arith.constant 0 : i32
      %dma_start3A_383 = tpu.memref_slice %arg10[%dma_start3A_381, %dma_start3A_382] : memref<8x125xi32, #tpu.memory_space<vmem>> -> memref<1x125xi32, #tpu.memory_space<vmem>>
      %dma_start3A_384 = tpu.memref_squeeze %dma_start3A_383 : memref<1x125xi32, #tpu.memory_space<vmem>> -> memref<125xi32, #tpu.memory_space<vmem>>
      %dma_start3A_385 = arith.constant 0 : i32
      %dma_start3A_386 = tpu.memref_slice %arg15[%dma_start3A_385] : memref<10240xf32, #tpu.memory_space<vmem_shared>> -> memref<10240xf32, #tpu.memory_space<vmem_shared>>
      tpu.enqueue_indirect_dma source(%arg12 : memref<125xf32, #tpu.memory_space<vmem>>) target(%dma_start3A_386 : memref<10240xf32, #tpu.memory_space<vmem_shared>>) offsets(%dma_start3A_384 : memref<125xi32, #tpu.memory_space<vmem>>) semaphore(%arg22 : memref<!tpu.dma_semaphore, #tpu.memory_space<semaphore_mem>>) {add = true}
      %dma_wait3A_387 = arith.constant 6 : i32
      %dma_wait3A_388 = arith.constant 0 : i32
      %dma_wait3A_389 = tpu.memref_slice %arg8[%dma_wait3A_387, %dma_wait3A_388] : memref<8x125xi32, #tpu.memory_space<vmem>> -> memref<1x125xi32, #tpu.memory_space<vmem>>
      %dma_wait3A_390 = tpu.memref_squeeze %dma_wait3A_389 : memref<1x125xi32, #tpu.memory_space<vmem>> -> memref<125xi32, #tpu.memory_space<vmem>>
      %dma_wait3A_391 = arith.constant 0 : i32
      %dma_wait3A_392 = tpu.memref_slice %arg16[%dma_wait3A_391] : memref<10240xf32, #tpu.memory_space<vmem_shared>> -> memref<10240xf32, #tpu.memory_space<vmem_shared>>
      tpu.wait_indirect_dma semaphore(%arg19 : memref<!tpu.dma_semaphore, #tpu.memory_space<semaphore_mem>>) src(%dma_wait3A_392 : memref<10240xf32, #tpu.memory_space<vmem_shared>>) dst(%arg13 : memref<125xf32, #tpu.memory_space<vmem>>)
      %dma_start3A_393 = arith.constant 6 : i32
      %dma_start3A_394 = arith.constant 0 : i32
      %dma_start3A_395 = tpu.memref_slice %arg10[%dma_start3A_393, %dma_start3A_394] : memref<8x125xi32, #tpu.memory_space<vmem>> -> memref<1x125xi32, #tpu.memory_space<vmem>>
      %dma_start3A_396 = tpu.memref_squeeze %dma_start3A_395 : memref<1x125xi32, #tpu.memory_space<vmem>> -> memref<125xi32, #tpu.memory_space<vmem>>
      %dma_start3A_397 = arith.constant 0 : i32
      %dma_start3A_398 = tpu.memref_slice %arg15[%dma_start3A_397] : memref<10240xf32, #tpu.memory_space<vmem_shared>> -> memref<10240xf32, #tpu.memory_space<vmem_shared>>
      tpu.enqueue_indirect_dma source(%arg13 : memref<125xf32, #tpu.memory_space<vmem>>) target(%dma_start3A_398 : memref<10240xf32, #tpu.memory_space<vmem_shared>>) offsets(%dma_start3A_396 : memref<125xi32, #tpu.memory_space<vmem>>) semaphore(%arg23 : memref<!tpu.dma_semaphore, #tpu.memory_space<semaphore_mem>>) {add = true}
      %dma_wait3A_399 = arith.constant 7 : i32
      %dma_wait3A_400 = arith.constant 0 : i32
      %dma_wait3A_401 = tpu.memref_slice %arg8[%dma_wait3A_399, %dma_wait3A_400] : memref<8x125xi32, #tpu.memory_space<vmem>> -> memref<1x125xi32, #tpu.memory_space<vmem>>
      %dma_wait3A_402 = tpu.memref_squeeze %dma_wait3A_401 : memref<1x125xi32, #tpu.memory_space<vmem>> -> memref<125xi32, #tpu.memory_space<vmem>>
      %dma_wait3A_403 = arith.constant 0 : i32
      %dma_wait3A_404 = tpu.memref_slice %arg16[%dma_wait3A_403] : memref<10240xf32, #tpu.memory_space<vmem_shared>> -> memref<10240xf32, #tpu.memory_space<vmem_shared>>
      tpu.wait_indirect_dma semaphore(%arg20 : memref<!tpu.dma_semaphore, #tpu.memory_space<semaphore_mem>>) src(%dma_wait3A_404 : memref<10240xf32, #tpu.memory_space<vmem_shared>>) dst(%arg14 : memref<125xf32, #tpu.memory_space<vmem>>)
      %dma_start3A_405 = arith.constant 7 : i32
      %dma_start3A_406 = arith.constant 0 : i32
      %dma_start3A_407 = tpu.memref_slice %arg10[%dma_start3A_405, %dma_start3A_406] : memref<8x125xi32, #tpu.memory_space<vmem>> -> memref<1x125xi32, #tpu.memory_space<vmem>>
      %dma_start3A_408 = tpu.memref_squeeze %dma_start3A_407 : memref<1x125xi32, #tpu.memory_space<vmem>> -> memref<125xi32, #tpu.memory_space<vmem>>
      %dma_start3A_409 = arith.constant 0 : i32
      %dma_start3A_410 = tpu.memref_slice %arg15[%dma_start3A_409] : memref<10240xf32, #tpu.memory_space<vmem_shared>> -> memref<10240xf32, #tpu.memory_space<vmem_shared>>
      tpu.enqueue_indirect_dma source(%arg14 : memref<125xf32, #tpu.memory_space<vmem>>) target(%dma_start3A_410 : memref<10240xf32, #tpu.memory_space<vmem_shared>>) offsets(%dma_start3A_408 : memref<125xi32, #tpu.memory_space<vmem>>) semaphore(%arg24 : memref<!tpu.dma_semaphore, #tpu.memory_space<semaphore_mem>>) {add = true}
      %dma_wait3A_411 = arith.constant 4 : i32
      %dma_wait3A_412 = arith.constant 0 : i32
      %dma_wait3A_413 = tpu.memref_slice %arg10[%dma_wait3A_411, %dma_wait3A_412] : memref<8x125xi32, #tpu.memory_space<vmem>> -> memref<1x125xi32, #tpu.memory_space<vmem>>
      %dma_wait3A_414 = tpu.memref_squeeze %dma_wait3A_413 : memref<1x125xi32, #tpu.memory_space<vmem>> -> memref<125xi32, #tpu.memory_space<vmem>>
      %dma_wait3A_415 = arith.constant 0 : i32
      %dma_wait3A_416 = tpu.memref_slice %arg15[%dma_wait3A_415] : memref<10240xf32, #tpu.memory_space<vmem_shared>> -> memref<10240xf32, #tpu.memory_space<vmem_shared>>
      tpu.wait_indirect_dma semaphore(%arg21 : memref<!tpu.dma_semaphore, #tpu.memory_space<semaphore_mem>>) src(%arg11 : memref<125xf32, #tpu.memory_space<vmem>>) dst(%dma_wait3A_416 : memref<10240xf32, #tpu.memory_space<vmem_shared>>)
      %dma_wait3A_417 = arith.constant 5 : i32
      %dma_wait3A_418 = arith.constant 0 : i32
      %dma_wait3A_419 = tpu.memref_slice %arg10[%dma_wait3A_417, %dma_wait3A_418] : memref<8x125xi32, #tpu.memory_space<vmem>> -> memref<1x125xi32, #tpu.memory_space<vmem>>
      %dma_wait3A_420 = tpu.memref_squeeze %dma_wait3A_419 : memref<1x125xi32, #tpu.memory_space<vmem>> -> memref<125xi32, #tpu.memory_space<vmem>>
      %dma_wait3A_421 = arith.constant 0 : i32
      %dma_wait3A_422 = tpu.memref_slice %arg15[%dma_wait3A_421] : memref<10240xf32, #tpu.memory_space<vmem_shared>> -> memref<10240xf32, #tpu.memory_space<vmem_shared>>
      tpu.wait_indirect_dma semaphore(%arg22 : memref<!tpu.dma_semaphore, #tpu.memory_space<semaphore_mem>>) src(%arg12 : memref<125xf32, #tpu.memory_space<vmem>>) dst(%dma_wait3A_422 : memref<10240xf32, #tpu.memory_space<vmem_shared>>)
      %dma_wait3A_423 = arith.constant 6 : i32
      %dma_wait3A_424 = arith.constant 0 : i32
      %dma_wait3A_425 = tpu.memref_slice %arg10[%dma_wait3A_423, %dma_wait3A_424] : memref<8x125xi32, #tpu.memory_space<vmem>> -> memref<1x125xi32, #tpu.memory_space<vmem>>
      %dma_wait3A_426 = tpu.memref_squeeze %dma_wait3A_425 : memref<1x125xi32, #tpu.memory_space<vmem>> -> memref<125xi32, #tpu.memory_space<vmem>>
      %dma_wait3A_427 = arith.constant 0 : i32
      %dma_wait3A_428 = tpu.memref_slice %arg15[%dma_wait3A_427] : memref<10240xf32, #tpu.memory_space<vmem_shared>> -> memref<10240xf32, #tpu.memory_space<vmem_shared>>
      tpu.wait_indirect_dma semaphore(%arg23 : memref<!tpu.dma_semaphore, #tpu.memory_space<semaphore_mem>>) src(%arg13 : memref<125xf32, #tpu.memory_space<vmem>>) dst(%dma_wait3A_428 : memref<10240xf32, #tpu.memory_space<vmem_shared>>)
      %dma_wait3A_429 = arith.constant 7 : i32
      %dma_wait3A_430 = arith.constant 0 : i32
      %dma_wait3A_431 = tpu.memref_slice %arg10[%dma_wait3A_429, %dma_wait3A_430] : memref<8x125xi32, #tpu.memory_space<vmem>> -> memref<1x125xi32, #tpu.memory_space<vmem>>
      %dma_wait3A_432 = tpu.memref_squeeze %dma_wait3A_431 : memref<1x125xi32, #tpu.memory_space<vmem>> -> memref<125xi32, #tpu.memory_space<vmem>>
      %dma_wait3A_433 = arith.constant 0 : i32
      %dma_wait3A_434 = tpu.memref_slice %arg15[%dma_wait3A_433] : memref<10240xf32, #tpu.memory_space<vmem_shared>> -> memref<10240xf32, #tpu.memory_space<vmem_shared>>
      tpu.wait_indirect_dma semaphore(%arg24 : memref<!tpu.dma_semaphore, #tpu.memory_space<semaphore_mem>>) src(%arg14 : memref<125xf32, #tpu.memory_space<vmem>>) dst(%dma_wait3A_434 : memref<10240xf32, #tpu.memory_space<vmem_shared>>)
    }
    %scan3A_16 = arith.constant 5 : i32
    %barrier3A_17 = arith.constant 0 : index
    tpu.barrier barrier_id(%barrier3A_17)
    "tpu.region"() ({
      %run_scoped3A = tpu.sem_alloc : memref<!tpu.dma_semaphore, #tpu.memory_space<semaphore_mem>>
      %dma_start3A_18 = arith.constant 0 : i32
      %dma_start3A_19 = tpu.memref_slice %arg6[%arg0, %dma_start3A_18] : memref<2x10240xf32, #tpu.memory_space<hbm>> -> memref<1x10240xf32, #tpu.memory_space<hbm>>
      %dma_start3A_20 = tpu.memref_squeeze %dma_start3A_19 : memref<1x10240xf32, #tpu.memory_space<hbm>> -> memref<10240xf32, #tpu.memory_space<hbm>>
      %dma_start3A_21 = tpu.memref_slice %dma_start3A_20[%mul3A_2] : memref<10240xf32, #tpu.memory_space<hbm>> -> memref<640xf32, #tpu.memory_space<hbm>>
      %dma_start3A_22 = tpu.memref_slice %arg15[%mul3A_2] : memref<10240xf32, #tpu.memory_space<vmem_shared>> -> memref<640xf32, #tpu.memory_space<vmem_shared>>
      tpu.enqueue_dma source(%dma_start3A_22 : memref<640xf32, #tpu.memory_space<vmem_shared>>) target(%dma_start3A_21 : memref<640xf32, #tpu.memory_space<hbm>>) target_semaphore(%run_scoped3A : memref<!tpu.dma_semaphore, #tpu.memory_space<semaphore_mem>>)
      %dma_wait3A = arith.constant 0 : i32
      %dma_wait3A_23 = tpu.memref_slice %arg6[%arg0, %dma_wait3A] : memref<2x10240xf32, #tpu.memory_space<hbm>> -> memref<1x10240xf32, #tpu.memory_space<hbm>>
      %dma_wait3A_24 = tpu.memref_squeeze %dma_wait3A_23 : memref<1x10240xf32, #tpu.memory_space<hbm>> -> memref<10240xf32, #tpu.memory_space<hbm>>
      %dma_wait3A_25 = tpu.memref_slice %dma_wait3A_24[%mul3A_2] : memref<10240xf32, #tpu.memory_space<hbm>> -> memref<640xf32, #tpu.memory_space<hbm>>
      %dma_wait3A_26 = tpu.memref_slice %arg15[%mul3A_2] : memref<10240xf32, #tpu.memory_space<vmem_shared>> -> memref<640xf32, #tpu.memory_space<vmem_shared>>
      tpu.wait_dma2 semaphore(%run_scoped3A : memref<!tpu.dma_semaphore, #tpu.memory_space<semaphore_mem>>) src(%dma_wait3A_26 : memref<640xf32, #tpu.memory_space<vmem_shared>>) dst(%dma_wait3A_25 : memref<640xf32, #tpu.memory_space<hbm>>)
      tpu.yield
    }) : () -> ()
    return
  }
}

#map = affine_map<(d0, d1) -> (0, 0)>
#map1 = affine_map<(d0, d1) -> (0)>
module attributes {stable_mosaic.version = 14 : i64} {
  func.func @deg_pass(%arg0: i32, %arg1: i32, %arg2: memref<2560x125xi32, #tpu.memory_space<hbm>>, %arg3: memref<125xf32, #tpu.memory_space<hbm>>, %arg4: memref<640xf32, #tpu.memory_space<hbm>>, %arg5: memref<2x10240xf32, #tpu.memory_space<hbm>>, %arg6: memref<8x125xi32, #tpu.memory_space<vmem>>, %arg7: memref<8x125xi32, #tpu.memory_space<vmem>>, %arg8: memref<125xf32, #tpu.memory_space<vmem>>, %arg9: memref<10240xf32, #tpu.memory_space<vmem_shared>>, %arg10: memref<!tpu.dma_semaphore, #tpu.memory_space<semaphore_mem>>, %arg11: memref<!tpu.dma_semaphore, #tpu.memory_space<semaphore_mem>>, %arg12: memref<!tpu.dma_semaphore, #tpu.memory_space<semaphore_mem>>) attributes {dimension_semantics = [#tpu.dimension_semantics<core_parallel>, #tpu.dimension_semantics<subcore_parallel>], iteration_bounds = array<i64: 2, 16>, scalar_prefetch = 0 : i64, scratch_operands = 7 : i64, tpu.core_type = #tpu.core_type<sc_vector_subcore>, window_params = [{transform_indices = #map}, {transform_indices = #map1}, {transform_indices = #map1}, {transform_indices = #map}]} {
    %mul3A = arith.constant 2 : i32
    %mul3A_0 = arith.muli %arg1, %mul3A : i32
    %add3A = arith.addi %mul3A_0, %arg0 : i32
    %mul3A_1 = arith.constant 640 : i32
    %mul3A_2 = arith.muli %arg1, %mul3A_1 : i32
    "tpu.region"() ({
      %run_scoped3A = tpu.sem_alloc : memref<!tpu.dma_semaphore, #tpu.memory_space<semaphore_mem>>
      %dma_start3A_14 = tpu.memref_slice %arg9[%mul3A_2] : memref<10240xf32, #tpu.memory_space<vmem_shared>> -> memref<640xf32, #tpu.memory_space<vmem_shared>>
      tpu.enqueue_dma source(%arg4 : memref<640xf32, #tpu.memory_space<hbm>>) target(%dma_start3A_14 : memref<640xf32, #tpu.memory_space<vmem_shared>>) target_semaphore(%run_scoped3A : memref<!tpu.dma_semaphore, #tpu.memory_space<semaphore_mem>>)
      %dma_wait3A = tpu.memref_slice %arg9[%mul3A_2] : memref<10240xf32, #tpu.memory_space<vmem_shared>> -> memref<640xf32, #tpu.memory_space<vmem_shared>>
      tpu.wait_dma2 semaphore(%run_scoped3A : memref<!tpu.dma_semaphore, #tpu.memory_space<semaphore_mem>>) src(%arg4 : memref<640xf32, #tpu.memory_space<hbm>>) dst(%dma_wait3A : memref<640xf32, #tpu.memory_space<vmem_shared>>)
      tpu.yield
    }) : () -> ()
    "tpu.region"() ({
      %run_scoped3A = tpu.sem_alloc : memref<!tpu.dma_semaphore, #tpu.memory_space<semaphore_mem>>
      tpu.enqueue_dma source(%arg3 : memref<125xf32, #tpu.memory_space<hbm>>) target(%arg8 : memref<125xf32, #tpu.memory_space<vmem>>) target_semaphore(%run_scoped3A : memref<!tpu.dma_semaphore, #tpu.memory_space<semaphore_mem>>)
      tpu.wait_dma2 semaphore(%run_scoped3A : memref<!tpu.dma_semaphore, #tpu.memory_space<semaphore_mem>>) src(%arg3 : memref<125xf32, #tpu.memory_space<hbm>>) dst(%arg8 : memref<125xf32, #tpu.memory_space<vmem>>)
      tpu.yield
    }) : () -> ()
    %barrier3A = arith.constant 0 : index
    tpu.barrier barrier_id(%barrier3A)
    %mul3A_3 = arith.constant 80 : i32
    %mul3A_4 = arith.muli %add3A, %mul3A_3 : i32
    %dma_start3A = arith.constant 0 : i32
    %dma_start3A_5 = tpu.memref_slice %arg2[%mul3A_4, %dma_start3A] : memref<2560x125xi32, #tpu.memory_space<hbm>> -> memref<8x125xi32, #tpu.memory_space<hbm>>
    %dma_start3A_6 = arith.constant 0 : i32
    %dma_start3A_7 = tpu.memref_slice %arg2[%mul3A_4, %dma_start3A_6] : memref<2560x125xi32, #tpu.memory_space<hbm>> -> memref<8x125xi32, #tpu.memory_space<hbm>>
    tpu.enqueue_dma source(%dma_start3A_7 : memref<8x125xi32, #tpu.memory_space<hbm>>) target(%arg6 : memref<8x125xi32, #tpu.memory_space<vmem>>) target_semaphore(%arg11 : memref<!tpu.dma_semaphore, #tpu.memory_space<semaphore_mem>>)
    %scan3A = arith.constant 0 : i32
    %scan3A_8 = arith.constant 0 : i32
    %scan3A_9 = arith.constant 5 : i32
    %scan3A_10 = arith.addi %scan3A_8, %scan3A_9 : i32
    %scan3A_11 = arith.constant 1 : i32
    scf.for %scan3A_14 = %scan3A_8 to %scan3A_10 step %scan3A_11  : i32 {
      %mul3A_15 = arith.constant 2 : i32
      %mul3A_16 = arith.muli %mul3A_15, %scan3A_14 : i32
      %add3A_17 = arith.constant 1 : i32
      %add3A_18 = arith.addi %mul3A_16, %add3A_17 : i32
      %mul3A_19 = arith.constant 8 : i32
      %mul3A_20 = arith.muli %add3A_18, %mul3A_19 : i32
      %add3A_21 = arith.addi %mul3A_4, %mul3A_20 : i32
      %dma_start3A_22 = arith.constant 0 : i32
      %dma_start3A_23 = tpu.memref_slice %arg2[%add3A_21, %dma_start3A_22] : memref<2560x125xi32, #tpu.memory_space<hbm>> -> memref<8x125xi32, #tpu.memory_space<hbm>>
      %dma_start3A_24 = arith.constant 0 : i32
      %dma_start3A_25 = tpu.memref_slice %arg2[%add3A_21, %dma_start3A_24] : memref<2560x125xi32, #tpu.memory_space<hbm>> -> memref<8x125xi32, #tpu.memory_space<hbm>>
      tpu.enqueue_dma source(%dma_start3A_25 : memref<8x125xi32, #tpu.memory_space<hbm>>) target(%arg7 : memref<8x125xi32, #tpu.memory_space<vmem>>) target_semaphore(%arg12 : memref<!tpu.dma_semaphore, #tpu.memory_space<semaphore_mem>>)
      %dma_wait3A = arith.constant 0 : i32
      %dma_wait3A_26 = tpu.memref_slice %arg2[%mul3A_4, %dma_wait3A] : memref<2560x125xi32, #tpu.memory_space<hbm>> -> memref<8x125xi32, #tpu.memory_space<hbm>>
      %dma_wait3A_27 = arith.constant 0 : i32
      %dma_wait3A_28 = tpu.memref_slice %arg2[%mul3A_4, %dma_wait3A_27] : memref<2560x125xi32, #tpu.memory_space<hbm>> -> memref<8x125xi32, #tpu.memory_space<hbm>>
      tpu.wait_dma2 semaphore(%arg11 : memref<!tpu.dma_semaphore, #tpu.memory_space<semaphore_mem>>) src(%dma_wait3A_28 : memref<8x125xi32, #tpu.memory_space<hbm>>) dst(%arg6 : memref<8x125xi32, #tpu.memory_space<vmem>>)
      %dma_start3A_29 = arith.constant 0 : i32
      %dma_start3A_30 = arith.constant 0 : i32
      %dma_start3A_31 = tpu.memref_slice %arg6[%dma_start3A_29, %dma_start3A_30] : memref<8x125xi32, #tpu.memory_space<vmem>> -> memref<1x125xi32, #tpu.memory_space<vmem>>
      %dma_start3A_32 = tpu.memref_squeeze %dma_start3A_31 : memref<1x125xi32, #tpu.memory_space<vmem>> -> memref<125xi32, #tpu.memory_space<vmem>>
      %dma_start3A_33 = arith.constant 0 : i32
      %dma_start3A_34 = tpu.memref_slice %arg9[%dma_start3A_33] : memref<10240xf32, #tpu.memory_space<vmem_shared>> -> memref<10240xf32, #tpu.memory_space<vmem_shared>>
      tpu.enqueue_indirect_dma source(%arg8 : memref<125xf32, #tpu.memory_space<vmem>>) target(%dma_start3A_34 : memref<10240xf32, #tpu.memory_space<vmem_shared>>) offsets(%dma_start3A_32 : memref<125xi32, #tpu.memory_space<vmem>>) semaphore(%arg10 : memref<!tpu.dma_semaphore, #tpu.memory_space<semaphore_mem>>) {add = true}
      %dma_start3A_35 = arith.constant 1 : i32
      %dma_start3A_36 = arith.constant 0 : i32
      %dma_start3A_37 = tpu.memref_slice %arg6[%dma_start3A_35, %dma_start3A_36] : memref<8x125xi32, #tpu.memory_space<vmem>> -> memref<1x125xi32, #tpu.memory_space<vmem>>
      %dma_start3A_38 = tpu.memref_squeeze %dma_start3A_37 : memref<1x125xi32, #tpu.memory_space<vmem>> -> memref<125xi32, #tpu.memory_space<vmem>>
      %dma_start3A_39 = arith.constant 0 : i32
      %dma_start3A_40 = tpu.memref_slice %arg9[%dma_start3A_39] : memref<10240xf32, #tpu.memory_space<vmem_shared>> -> memref<10240xf32, #tpu.memory_space<vmem_shared>>
      tpu.enqueue_indirect_dma source(%arg8 : memref<125xf32, #tpu.memory_space<vmem>>) target(%dma_start3A_40 : memref<10240xf32, #tpu.memory_space<vmem_shared>>) offsets(%dma_start3A_38 : memref<125xi32, #tpu.memory_space<vmem>>) semaphore(%arg10 : memref<!tpu.dma_semaphore, #tpu.memory_space<semaphore_mem>>) {add = true}
      %dma_start3A_41 = arith.constant 2 : i32
      %dma_start3A_42 = arith.constant 0 : i32
      %dma_start3A_43 = tpu.memref_slice %arg6[%dma_start3A_41, %dma_start3A_42] : memref<8x125xi32, #tpu.memory_space<vmem>> -> memref<1x125xi32, #tpu.memory_space<vmem>>
      %dma_start3A_44 = tpu.memref_squeeze %dma_start3A_43 : memref<1x125xi32, #tpu.memory_space<vmem>> -> memref<125xi32, #tpu.memory_space<vmem>>
      %dma_start3A_45 = arith.constant 0 : i32
      %dma_start3A_46 = tpu.memref_slice %arg9[%dma_start3A_45] : memref<10240xf32, #tpu.memory_space<vmem_shared>> -> memref<10240xf32, #tpu.memory_space<vmem_shared>>
      tpu.enqueue_indirect_dma source(%arg8 : memref<125xf32, #tpu.memory_space<vmem>>) target(%dma_start3A_46 : memref<10240xf32, #tpu.memory_space<vmem_shared>>) offsets(%dma_start3A_44 : memref<125xi32, #tpu.memory_space<vmem>>) semaphore(%arg10 : memref<!tpu.dma_semaphore, #tpu.memory_space<semaphore_mem>>) {add = true}
      %dma_start3A_47 = arith.constant 3 : i32
      %dma_start3A_48 = arith.constant 0 : i32
      %dma_start3A_49 = tpu.memref_slice %arg6[%dma_start3A_47, %dma_start3A_48] : memref<8x125xi32, #tpu.memory_space<vmem>> -> memref<1x125xi32, #tpu.memory_space<vmem>>
      %dma_start3A_50 = tpu.memref_squeeze %dma_start3A_49 : memref<1x125xi32, #tpu.memory_space<vmem>> -> memref<125xi32, #tpu.memory_space<vmem>>
      %dma_start3A_51 = arith.constant 0 : i32
      %dma_start3A_52 = tpu.memref_slice %arg9[%dma_start3A_51] : memref<10240xf32, #tpu.memory_space<vmem_shared>> -> memref<10240xf32, #tpu.memory_space<vmem_shared>>
      tpu.enqueue_indirect_dma source(%arg8 : memref<125xf32, #tpu.memory_space<vmem>>) target(%dma_start3A_52 : memref<10240xf32, #tpu.memory_space<vmem_shared>>) offsets(%dma_start3A_50 : memref<125xi32, #tpu.memory_space<vmem>>) semaphore(%arg10 : memref<!tpu.dma_semaphore, #tpu.memory_space<semaphore_mem>>) {add = true}
      %dma_start3A_53 = arith.constant 4 : i32
      %dma_start3A_54 = arith.constant 0 : i32
      %dma_start3A_55 = tpu.memref_slice %arg6[%dma_start3A_53, %dma_start3A_54] : memref<8x125xi32, #tpu.memory_space<vmem>> -> memref<1x125xi32, #tpu.memory_space<vmem>>
      %dma_start3A_56 = tpu.memref_squeeze %dma_start3A_55 : memref<1x125xi32, #tpu.memory_space<vmem>> -> memref<125xi32, #tpu.memory_space<vmem>>
      %dma_start3A_57 = arith.constant 0 : i32
      %dma_start3A_58 = tpu.memref_slice %arg9[%dma_start3A_57] : memref<10240xf32, #tpu.memory_space<vmem_shared>> -> memref<10240xf32, #tpu.memory_space<vmem_shared>>
      tpu.enqueue_indirect_dma source(%arg8 : memref<125xf32, #tpu.memory_space<vmem>>) target(%dma_start3A_58 : memref<10240xf32, #tpu.memory_space<vmem_shared>>) offsets(%dma_start3A_56 : memref<125xi32, #tpu.memory_space<vmem>>) semaphore(%arg10 : memref<!tpu.dma_semaphore, #tpu.memory_space<semaphore_mem>>) {add = true}
      %dma_start3A_59 = arith.constant 5 : i32
      %dma_start3A_60 = arith.constant 0 : i32
      %dma_start3A_61 = tpu.memref_slice %arg6[%dma_start3A_59, %dma_start3A_60] : memref<8x125xi32, #tpu.memory_space<vmem>> -> memref<1x125xi32, #tpu.memory_space<vmem>>
      %dma_start3A_62 = tpu.memref_squeeze %dma_start3A_61 : memref<1x125xi32, #tpu.memory_space<vmem>> -> memref<125xi32, #tpu.memory_space<vmem>>
      %dma_start3A_63 = arith.constant 0 : i32
      %dma_start3A_64 = tpu.memref_slice %arg9[%dma_start3A_63] : memref<10240xf32, #tpu.memory_space<vmem_shared>> -> memref<10240xf32, #tpu.memory_space<vmem_shared>>
      tpu.enqueue_indirect_dma source(%arg8 : memref<125xf32, #tpu.memory_space<vmem>>) target(%dma_start3A_64 : memref<10240xf32, #tpu.memory_space<vmem_shared>>) offsets(%dma_start3A_62 : memref<125xi32, #tpu.memory_space<vmem>>) semaphore(%arg10 : memref<!tpu.dma_semaphore, #tpu.memory_space<semaphore_mem>>) {add = true}
      %dma_start3A_65 = arith.constant 6 : i32
      %dma_start3A_66 = arith.constant 0 : i32
      %dma_start3A_67 = tpu.memref_slice %arg6[%dma_start3A_65, %dma_start3A_66] : memref<8x125xi32, #tpu.memory_space<vmem>> -> memref<1x125xi32, #tpu.memory_space<vmem>>
      %dma_start3A_68 = tpu.memref_squeeze %dma_start3A_67 : memref<1x125xi32, #tpu.memory_space<vmem>> -> memref<125xi32, #tpu.memory_space<vmem>>
      %dma_start3A_69 = arith.constant 0 : i32
      %dma_start3A_70 = tpu.memref_slice %arg9[%dma_start3A_69] : memref<10240xf32, #tpu.memory_space<vmem_shared>> -> memref<10240xf32, #tpu.memory_space<vmem_shared>>
      tpu.enqueue_indirect_dma source(%arg8 : memref<125xf32, #tpu.memory_space<vmem>>) target(%dma_start3A_70 : memref<10240xf32, #tpu.memory_space<vmem_shared>>) offsets(%dma_start3A_68 : memref<125xi32, #tpu.memory_space<vmem>>) semaphore(%arg10 : memref<!tpu.dma_semaphore, #tpu.memory_space<semaphore_mem>>) {add = true}
      %dma_start3A_71 = arith.constant 7 : i32
      %dma_start3A_72 = arith.constant 0 : i32
      %dma_start3A_73 = tpu.memref_slice %arg6[%dma_start3A_71, %dma_start3A_72] : memref<8x125xi32, #tpu.memory_space<vmem>> -> memref<1x125xi32, #tpu.memory_space<vmem>>
      %dma_start3A_74 = tpu.memref_squeeze %dma_start3A_73 : memref<1x125xi32, #tpu.memory_space<vmem>> -> memref<125xi32, #tpu.memory_space<vmem>>
      %dma_start3A_75 = arith.constant 0 : i32
      %dma_start3A_76 = tpu.memref_slice %arg9[%dma_start3A_75] : memref<10240xf32, #tpu.memory_space<vmem_shared>> -> memref<10240xf32, #tpu.memory_space<vmem_shared>>
      tpu.enqueue_indirect_dma source(%arg8 : memref<125xf32, #tpu.memory_space<vmem>>) target(%dma_start3A_76 : memref<10240xf32, #tpu.memory_space<vmem_shared>>) offsets(%dma_start3A_74 : memref<125xi32, #tpu.memory_space<vmem>>) semaphore(%arg10 : memref<!tpu.dma_semaphore, #tpu.memory_space<semaphore_mem>>) {add = true}
      %dma_wait3A_77 = arith.constant 0 : i32
      %dma_wait3A_78 = arith.constant 0 : i32
      %dma_wait3A_79 = tpu.memref_slice %arg6[%dma_wait3A_77, %dma_wait3A_78] : memref<8x125xi32, #tpu.memory_space<vmem>> -> memref<1x125xi32, #tpu.memory_space<vmem>>
      %dma_wait3A_80 = tpu.memref_squeeze %dma_wait3A_79 : memref<1x125xi32, #tpu.memory_space<vmem>> -> memref<125xi32, #tpu.memory_space<vmem>>
      %dma_wait3A_81 = arith.constant 0 : i32
      %dma_wait3A_82 = tpu.memref_slice %arg9[%dma_wait3A_81] : memref<10240xf32, #tpu.memory_space<vmem_shared>> -> memref<10240xf32, #tpu.memory_space<vmem_shared>>
      tpu.wait_indirect_dma semaphore(%arg10 : memref<!tpu.dma_semaphore, #tpu.memory_space<semaphore_mem>>) src(%arg8 : memref<125xf32, #tpu.memory_space<vmem>>) dst(%dma_wait3A_82 : memref<10240xf32, #tpu.memory_space<vmem_shared>>)
      %dma_wait3A_83 = arith.constant 1 : i32
      %dma_wait3A_84 = arith.constant 0 : i32
      %dma_wait3A_85 = tpu.memref_slice %arg6[%dma_wait3A_83, %dma_wait3A_84] : memref<8x125xi32, #tpu.memory_space<vmem>> -> memref<1x125xi32, #tpu.memory_space<vmem>>
      %dma_wait3A_86 = tpu.memref_squeeze %dma_wait3A_85 : memref<1x125xi32, #tpu.memory_space<vmem>> -> memref<125xi32, #tpu.memory_space<vmem>>
      %dma_wait3A_87 = arith.constant 0 : i32
      %dma_wait3A_88 = tpu.memref_slice %arg9[%dma_wait3A_87] : memref<10240xf32, #tpu.memory_space<vmem_shared>> -> memref<10240xf32, #tpu.memory_space<vmem_shared>>
      tpu.wait_indirect_dma semaphore(%arg10 : memref<!tpu.dma_semaphore, #tpu.memory_space<semaphore_mem>>) src(%arg8 : memref<125xf32, #tpu.memory_space<vmem>>) dst(%dma_wait3A_88 : memref<10240xf32, #tpu.memory_space<vmem_shared>>)
      %dma_wait3A_89 = arith.constant 2 : i32
      %dma_wait3A_90 = arith.constant 0 : i32
      %dma_wait3A_91 = tpu.memref_slice %arg6[%dma_wait3A_89, %dma_wait3A_90] : memref<8x125xi32, #tpu.memory_space<vmem>> -> memref<1x125xi32, #tpu.memory_space<vmem>>
      %dma_wait3A_92 = tpu.memref_squeeze %dma_wait3A_91 : memref<1x125xi32, #tpu.memory_space<vmem>> -> memref<125xi32, #tpu.memory_space<vmem>>
      %dma_wait3A_93 = arith.constant 0 : i32
      %dma_wait3A_94 = tpu.memref_slice %arg9[%dma_wait3A_93] : memref<10240xf32, #tpu.memory_space<vmem_shared>> -> memref<10240xf32, #tpu.memory_space<vmem_shared>>
      tpu.wait_indirect_dma semaphore(%arg10 : memref<!tpu.dma_semaphore, #tpu.memory_space<semaphore_mem>>) src(%arg8 : memref<125xf32, #tpu.memory_space<vmem>>) dst(%dma_wait3A_94 : memref<10240xf32, #tpu.memory_space<vmem_shared>>)
      %dma_wait3A_95 = arith.constant 3 : i32
      %dma_wait3A_96 = arith.constant 0 : i32
      %dma_wait3A_97 = tpu.memref_slice %arg6[%dma_wait3A_95, %dma_wait3A_96] : memref<8x125xi32, #tpu.memory_space<vmem>> -> memref<1x125xi32, #tpu.memory_space<vmem>>
      %dma_wait3A_98 = tpu.memref_squeeze %dma_wait3A_97 : memref<1x125xi32, #tpu.memory_space<vmem>> -> memref<125xi32, #tpu.memory_space<vmem>>
      %dma_wait3A_99 = arith.constant 0 : i32
      %dma_wait3A_100 = tpu.memref_slice %arg9[%dma_wait3A_99] : memref<10240xf32, #tpu.memory_space<vmem_shared>> -> memref<10240xf32, #tpu.memory_space<vmem_shared>>
      tpu.wait_indirect_dma semaphore(%arg10 : memref<!tpu.dma_semaphore, #tpu.memory_space<semaphore_mem>>) src(%arg8 : memref<125xf32, #tpu.memory_space<vmem>>) dst(%dma_wait3A_100 : memref<10240xf32, #tpu.memory_space<vmem_shared>>)
      %dma_wait3A_101 = arith.constant 4 : i32
      %dma_wait3A_102 = arith.constant 0 : i32
      %dma_wait3A_103 = tpu.memref_slice %arg6[%dma_wait3A_101, %dma_wait3A_102] : memref<8x125xi32, #tpu.memory_space<vmem>> -> memref<1x125xi32, #tpu.memory_space<vmem>>
      %dma_wait3A_104 = tpu.memref_squeeze %dma_wait3A_103 : memref<1x125xi32, #tpu.memory_space<vmem>> -> memref<125xi32, #tpu.memory_space<vmem>>
      %dma_wait3A_105 = arith.constant 0 : i32
      %dma_wait3A_106 = tpu.memref_slice %arg9[%dma_wait3A_105] : memref<10240xf32, #tpu.memory_space<vmem_shared>> -> memref<10240xf32, #tpu.memory_space<vmem_shared>>
      tpu.wait_indirect_dma semaphore(%arg10 : memref<!tpu.dma_semaphore, #tpu.memory_space<semaphore_mem>>) src(%arg8 : memref<125xf32, #tpu.memory_space<vmem>>) dst(%dma_wait3A_106 : memref<10240xf32, #tpu.memory_space<vmem_shared>>)
      %dma_wait3A_107 = arith.constant 5 : i32
      %dma_wait3A_108 = arith.constant 0 : i32
      %dma_wait3A_109 = tpu.memref_slice %arg6[%dma_wait3A_107, %dma_wait3A_108] : memref<8x125xi32, #tpu.memory_space<vmem>> -> memref<1x125xi32, #tpu.memory_space<vmem>>
      %dma_wait3A_110 = tpu.memref_squeeze %dma_wait3A_109 : memref<1x125xi32, #tpu.memory_space<vmem>> -> memref<125xi32, #tpu.memory_space<vmem>>
      %dma_wait3A_111 = arith.constant 0 : i32
      %dma_wait3A_112 = tpu.memref_slice %arg9[%dma_wait3A_111] : memref<10240xf32, #tpu.memory_space<vmem_shared>> -> memref<10240xf32, #tpu.memory_space<vmem_shared>>
      tpu.wait_indirect_dma semaphore(%arg10 : memref<!tpu.dma_semaphore, #tpu.memory_space<semaphore_mem>>) src(%arg8 : memref<125xf32, #tpu.memory_space<vmem>>) dst(%dma_wait3A_112 : memref<10240xf32, #tpu.memory_space<vmem_shared>>)
      %dma_wait3A_113 = arith.constant 6 : i32
      %dma_wait3A_114 = arith.constant 0 : i32
      %dma_wait3A_115 = tpu.memref_slice %arg6[%dma_wait3A_113, %dma_wait3A_114] : memref<8x125xi32, #tpu.memory_space<vmem>> -> memref<1x125xi32, #tpu.memory_space<vmem>>
      %dma_wait3A_116 = tpu.memref_squeeze %dma_wait3A_115 : memref<1x125xi32, #tpu.memory_space<vmem>> -> memref<125xi32, #tpu.memory_space<vmem>>
      %dma_wait3A_117 = arith.constant 0 : i32
      %dma_wait3A_118 = tpu.memref_slice %arg9[%dma_wait3A_117] : memref<10240xf32, #tpu.memory_space<vmem_shared>> -> memref<10240xf32, #tpu.memory_space<vmem_shared>>
      tpu.wait_indirect_dma semaphore(%arg10 : memref<!tpu.dma_semaphore, #tpu.memory_space<semaphore_mem>>) src(%arg8 : memref<125xf32, #tpu.memory_space<vmem>>) dst(%dma_wait3A_118 : memref<10240xf32, #tpu.memory_space<vmem_shared>>)
      %dma_wait3A_119 = arith.constant 7 : i32
      %dma_wait3A_120 = arith.constant 0 : i32
      %dma_wait3A_121 = tpu.memref_slice %arg6[%dma_wait3A_119, %dma_wait3A_120] : memref<8x125xi32, #tpu.memory_space<vmem>> -> memref<1x125xi32, #tpu.memory_space<vmem>>
      %dma_wait3A_122 = tpu.memref_squeeze %dma_wait3A_121 : memref<1x125xi32, #tpu.memory_space<vmem>> -> memref<125xi32, #tpu.memory_space<vmem>>
      %dma_wait3A_123 = arith.constant 0 : i32
      %dma_wait3A_124 = tpu.memref_slice %arg9[%dma_wait3A_123] : memref<10240xf32, #tpu.memory_space<vmem_shared>> -> memref<10240xf32, #tpu.memory_space<vmem_shared>>
      tpu.wait_indirect_dma semaphore(%arg10 : memref<!tpu.dma_semaphore, #tpu.memory_space<semaphore_mem>>) src(%arg8 : memref<125xf32, #tpu.memory_space<vmem>>) dst(%dma_wait3A_124 : memref<10240xf32, #tpu.memory_space<vmem_shared>>)
      %lt3A = arith.constant 4 : i32
      %lt3A_125 = arith.cmpi slt, %scan3A_14, %lt3A : i32
      %convert_element_type3A = arith.extui %lt3A_125 : i1 to i32
      %cond3A = arith.constant 0 : i32
      %cond3A_126 = arith.cmpi ne, %convert_element_type3A, %cond3A : i32
      scf.if %cond3A_126 {
        %mul3A_227 = arith.constant 2 : i32
        %mul3A_228 = arith.muli %mul3A_227, %scan3A_14 : i32
        %add3A_229 = arith.constant 2 : i32
        %add3A_230 = arith.addi %mul3A_228, %add3A_229 : i32
        %mul3A_231 = arith.constant 8 : i32
        %mul3A_232 = arith.muli %add3A_230, %mul3A_231 : i32
        %add3A_233 = arith.addi %mul3A_4, %mul3A_232 : i32
        %dma_start3A_234 = arith.constant 0 : i32
        %dma_start3A_235 = tpu.memref_slice %arg2[%add3A_233, %dma_start3A_234] : memref<2560x125xi32, #tpu.memory_space<hbm>> -> memref<8x125xi32, #tpu.memory_space<hbm>>
        %dma_start3A_236 = arith.constant 0 : i32
        %dma_start3A_237 = tpu.memref_slice %arg2[%add3A_233, %dma_start3A_236] : memref<2560x125xi32, #tpu.memory_space<hbm>> -> memref<8x125xi32, #tpu.memory_space<hbm>>
        tpu.enqueue_dma source(%dma_start3A_237 : memref<8x125xi32, #tpu.memory_space<hbm>>) target(%arg6 : memref<8x125xi32, #tpu.memory_space<vmem>>) target_semaphore(%arg11 : memref<!tpu.dma_semaphore, #tpu.memory_space<semaphore_mem>>)
      } else {
      }
      %dma_wait3A_127 = arith.constant 0 : i32
      %dma_wait3A_128 = tpu.memref_slice %arg2[%add3A_21, %dma_wait3A_127] : memref<2560x125xi32, #tpu.memory_space<hbm>> -> memref<8x125xi32, #tpu.memory_space<hbm>>
      %dma_wait3A_129 = arith.constant 0 : i32
      %dma_wait3A_130 = tpu.memref_slice %arg2[%add3A_21, %dma_wait3A_129] : memref<2560x125xi32, #tpu.memory_space<hbm>> -> memref<8x125xi32, #tpu.memory_space<hbm>>
      tpu.wait_dma2 semaphore(%arg12 : memref<!tpu.dma_semaphore, #tpu.memory_space<semaphore_mem>>) src(%dma_wait3A_130 : memref<8x125xi32, #tpu.memory_space<hbm>>) dst(%arg7 : memref<8x125xi32, #tpu.memory_space<vmem>>)
      %dma_start3A_131 = arith.constant 0 : i32
      %dma_start3A_132 = arith.constant 0 : i32
      %dma_start3A_133 = tpu.memref_slice %arg7[%dma_start3A_131, %dma_start3A_132] : memref<8x125xi32, #tpu.memory_space<vmem>> -> memref<1x125xi32, #tpu.memory_space<vmem>>
      %dma_start3A_134 = tpu.memref_squeeze %dma_start3A_133 : memref<1x125xi32, #tpu.memory_space<vmem>> -> memref<125xi32, #tpu.memory_space<vmem>>
      %dma_start3A_135 = arith.constant 0 : i32
      %dma_start3A_136 = tpu.memref_slice %arg9[%dma_start3A_135] : memref<10240xf32, #tpu.memory_space<vmem_shared>> -> memref<10240xf32, #tpu.memory_space<vmem_shared>>
      tpu.enqueue_indirect_dma source(%arg8 : memref<125xf32, #tpu.memory_space<vmem>>) target(%dma_start3A_136 : memref<10240xf32, #tpu.memory_space<vmem_shared>>) offsets(%dma_start3A_134 : memref<125xi32, #tpu.memory_space<vmem>>) semaphore(%arg10 : memref<!tpu.dma_semaphore, #tpu.memory_space<semaphore_mem>>) {add = true}
      %dma_start3A_137 = arith.constant 1 : i32
      %dma_start3A_138 = arith.constant 0 : i32
      %dma_start3A_139 = tpu.memref_slice %arg7[%dma_start3A_137, %dma_start3A_138] : memref<8x125xi32, #tpu.memory_space<vmem>> -> memref<1x125xi32, #tpu.memory_space<vmem>>
      %dma_start3A_140 = tpu.memref_squeeze %dma_start3A_139 : memref<1x125xi32, #tpu.memory_space<vmem>> -> memref<125xi32, #tpu.memory_space<vmem>>
      %dma_start3A_141 = arith.constant 0 : i32
      %dma_start3A_142 = tpu.memref_slice %arg9[%dma_start3A_141] : memref<10240xf32, #tpu.memory_space<vmem_shared>> -> memref<10240xf32, #tpu.memory_space<vmem_shared>>
      tpu.enqueue_indirect_dma source(%arg8 : memref<125xf32, #tpu.memory_space<vmem>>) target(%dma_start3A_142 : memref<10240xf32, #tpu.memory_space<vmem_shared>>) offsets(%dma_start3A_140 : memref<125xi32, #tpu.memory_space<vmem>>) semaphore(%arg10 : memref<!tpu.dma_semaphore, #tpu.memory_space<semaphore_mem>>) {add = true}
      %dma_start3A_143 = arith.constant 2 : i32
      %dma_start3A_144 = arith.constant 0 : i32
      %dma_start3A_145 = tpu.memref_slice %arg7[%dma_start3A_143, %dma_start3A_144] : memref<8x125xi32, #tpu.memory_space<vmem>> -> memref<1x125xi32, #tpu.memory_space<vmem>>
      %dma_start3A_146 = tpu.memref_squeeze %dma_start3A_145 : memref<1x125xi32, #tpu.memory_space<vmem>> -> memref<125xi32, #tpu.memory_space<vmem>>
      %dma_start3A_147 = arith.constant 0 : i32
      %dma_start3A_148 = tpu.memref_slice %arg9[%dma_start3A_147] : memref<10240xf32, #tpu.memory_space<vmem_shared>> -> memref<10240xf32, #tpu.memory_space<vmem_shared>>
      tpu.enqueue_indirect_dma source(%arg8 : memref<125xf32, #tpu.memory_space<vmem>>) target(%dma_start3A_148 : memref<10240xf32, #tpu.memory_space<vmem_shared>>) offsets(%dma_start3A_146 : memref<125xi32, #tpu.memory_space<vmem>>) semaphore(%arg10 : memref<!tpu.dma_semaphore, #tpu.memory_space<semaphore_mem>>) {add = true}
      %dma_start3A_149 = arith.constant 3 : i32
      %dma_start3A_150 = arith.constant 0 : i32
      %dma_start3A_151 = tpu.memref_slice %arg7[%dma_start3A_149, %dma_start3A_150] : memref<8x125xi32, #tpu.memory_space<vmem>> -> memref<1x125xi32, #tpu.memory_space<vmem>>
      %dma_start3A_152 = tpu.memref_squeeze %dma_start3A_151 : memref<1x125xi32, #tpu.memory_space<vmem>> -> memref<125xi32, #tpu.memory_space<vmem>>
      %dma_start3A_153 = arith.constant 0 : i32
      %dma_start3A_154 = tpu.memref_slice %arg9[%dma_start3A_153] : memref<10240xf32, #tpu.memory_space<vmem_shared>> -> memref<10240xf32, #tpu.memory_space<vmem_shared>>
      tpu.enqueue_indirect_dma source(%arg8 : memref<125xf32, #tpu.memory_space<vmem>>) target(%dma_start3A_154 : memref<10240xf32, #tpu.memory_space<vmem_shared>>) offsets(%dma_start3A_152 : memref<125xi32, #tpu.memory_space<vmem>>) semaphore(%arg10 : memref<!tpu.dma_semaphore, #tpu.memory_space<semaphore_mem>>) {add = true}
      %dma_start3A_155 = arith.constant 4 : i32
      %dma_start3A_156 = arith.constant 0 : i32
      %dma_start3A_157 = tpu.memref_slice %arg7[%dma_start3A_155, %dma_start3A_156] : memref<8x125xi32, #tpu.memory_space<vmem>> -> memref<1x125xi32, #tpu.memory_space<vmem>>
      %dma_start3A_158 = tpu.memref_squeeze %dma_start3A_157 : memref<1x125xi32, #tpu.memory_space<vmem>> -> memref<125xi32, #tpu.memory_space<vmem>>
      %dma_start3A_159 = arith.constant 0 : i32
      %dma_start3A_160 = tpu.memref_slice %arg9[%dma_start3A_159] : memref<10240xf32, #tpu.memory_space<vmem_shared>> -> memref<10240xf32, #tpu.memory_space<vmem_shared>>
      tpu.enqueue_indirect_dma source(%arg8 : memref<125xf32, #tpu.memory_space<vmem>>) target(%dma_start3A_160 : memref<10240xf32, #tpu.memory_space<vmem_shared>>) offsets(%dma_start3A_158 : memref<125xi32, #tpu.memory_space<vmem>>) semaphore(%arg10 : memref<!tpu.dma_semaphore, #tpu.memory_space<semaphore_mem>>) {add = true}
      %dma_start3A_161 = arith.constant 5 : i32
      %dma_start3A_162 = arith.constant 0 : i32
      %dma_start3A_163 = tpu.memref_slice %arg7[%dma_start3A_161, %dma_start3A_162] : memref<8x125xi32, #tpu.memory_space<vmem>> -> memref<1x125xi32, #tpu.memory_space<vmem>>
      %dma_start3A_164 = tpu.memref_squeeze %dma_start3A_163 : memref<1x125xi32, #tpu.memory_space<vmem>> -> memref<125xi32, #tpu.memory_space<vmem>>
      %dma_start3A_165 = arith.constant 0 : i32
      %dma_start3A_166 = tpu.memref_slice %arg9[%dma_start3A_165] : memref<10240xf32, #tpu.memory_space<vmem_shared>> -> memref<10240xf32, #tpu.memory_space<vmem_shared>>
      tpu.enqueue_indirect_dma source(%arg8 : memref<125xf32, #tpu.memory_space<vmem>>) target(%dma_start3A_166 : memref<10240xf32, #tpu.memory_space<vmem_shared>>) offsets(%dma_start3A_164 : memref<125xi32, #tpu.memory_space<vmem>>) semaphore(%arg10 : memref<!tpu.dma_semaphore, #tpu.memory_space<semaphore_mem>>) {add = true}
      %dma_start3A_167 = arith.constant 6 : i32
      %dma_start3A_168 = arith.constant 0 : i32
      %dma_start3A_169 = tpu.memref_slice %arg7[%dma_start3A_167, %dma_start3A_168] : memref<8x125xi32, #tpu.memory_space<vmem>> -> memref<1x125xi32, #tpu.memory_space<vmem>>
      %dma_start3A_170 = tpu.memref_squeeze %dma_start3A_169 : memref<1x125xi32, #tpu.memory_space<vmem>> -> memref<125xi32, #tpu.memory_space<vmem>>
      %dma_start3A_171 = arith.constant 0 : i32
      %dma_start3A_172 = tpu.memref_slice %arg9[%dma_start3A_171] : memref<10240xf32, #tpu.memory_space<vmem_shared>> -> memref<10240xf32, #tpu.memory_space<vmem_shared>>
      tpu.enqueue_indirect_dma source(%arg8 : memref<125xf32, #tpu.memory_space<vmem>>) target(%dma_start3A_172 : memref<10240xf32, #tpu.memory_space<vmem_shared>>) offsets(%dma_start3A_170 : memref<125xi32, #tpu.memory_space<vmem>>) semaphore(%arg10 : memref<!tpu.dma_semaphore, #tpu.memory_space<semaphore_mem>>) {add = true}
      %dma_start3A_173 = arith.constant 7 : i32
      %dma_start3A_174 = arith.constant 0 : i32
      %dma_start3A_175 = tpu.memref_slice %arg7[%dma_start3A_173, %dma_start3A_174] : memref<8x125xi32, #tpu.memory_space<vmem>> -> memref<1x125xi32, #tpu.memory_space<vmem>>
      %dma_start3A_176 = tpu.memref_squeeze %dma_start3A_175 : memref<1x125xi32, #tpu.memory_space<vmem>> -> memref<125xi32, #tpu.memory_space<vmem>>
      %dma_start3A_177 = arith.constant 0 : i32
      %dma_start3A_178 = tpu.memref_slice %arg9[%dma_start3A_177] : memref<10240xf32, #tpu.memory_space<vmem_shared>> -> memref<10240xf32, #tpu.memory_space<vmem_shared>>
      tpu.enqueue_indirect_dma source(%arg8 : memref<125xf32, #tpu.memory_space<vmem>>) target(%dma_start3A_178 : memref<10240xf32, #tpu.memory_space<vmem_shared>>) offsets(%dma_start3A_176 : memref<125xi32, #tpu.memory_space<vmem>>) semaphore(%arg10 : memref<!tpu.dma_semaphore, #tpu.memory_space<semaphore_mem>>) {add = true}
      %dma_wait3A_179 = arith.constant 0 : i32
      %dma_wait3A_180 = arith.constant 0 : i32
      %dma_wait3A_181 = tpu.memref_slice %arg7[%dma_wait3A_179, %dma_wait3A_180] : memref<8x125xi32, #tpu.memory_space<vmem>> -> memref<1x125xi32, #tpu.memory_space<vmem>>
      %dma_wait3A_182 = tpu.memref_squeeze %dma_wait3A_181 : memref<1x125xi32, #tpu.memory_space<vmem>> -> memref<125xi32, #tpu.memory_space<vmem>>
      %dma_wait3A_183 = arith.constant 0 : i32
      %dma_wait3A_184 = tpu.memref_slice %arg9[%dma_wait3A_183] : memref<10240xf32, #tpu.memory_space<vmem_shared>> -> memref<10240xf32, #tpu.memory_space<vmem_shared>>
      tpu.wait_indirect_dma semaphore(%arg10 : memref<!tpu.dma_semaphore, #tpu.memory_space<semaphore_mem>>) src(%arg8 : memref<125xf32, #tpu.memory_space<vmem>>) dst(%dma_wait3A_184 : memref<10240xf32, #tpu.memory_space<vmem_shared>>)
      %dma_wait3A_185 = arith.constant 1 : i32
      %dma_wait3A_186 = arith.constant 0 : i32
      %dma_wait3A_187 = tpu.memref_slice %arg7[%dma_wait3A_185, %dma_wait3A_186] : memref<8x125xi32, #tpu.memory_space<vmem>> -> memref<1x125xi32, #tpu.memory_space<vmem>>
      %dma_wait3A_188 = tpu.memref_squeeze %dma_wait3A_187 : memref<1x125xi32, #tpu.memory_space<vmem>> -> memref<125xi32, #tpu.memory_space<vmem>>
      %dma_wait3A_189 = arith.constant 0 : i32
      %dma_wait3A_190 = tpu.memref_slice %arg9[%dma_wait3A_189] : memref<10240xf32, #tpu.memory_space<vmem_shared>> -> memref<10240xf32, #tpu.memory_space<vmem_shared>>
      tpu.wait_indirect_dma semaphore(%arg10 : memref<!tpu.dma_semaphore, #tpu.memory_space<semaphore_mem>>) src(%arg8 : memref<125xf32, #tpu.memory_space<vmem>>) dst(%dma_wait3A_190 : memref<10240xf32, #tpu.memory_space<vmem_shared>>)
      %dma_wait3A_191 = arith.constant 2 : i32
      %dma_wait3A_192 = arith.constant 0 : i32
      %dma_wait3A_193 = tpu.memref_slice %arg7[%dma_wait3A_191, %dma_wait3A_192] : memref<8x125xi32, #tpu.memory_space<vmem>> -> memref<1x125xi32, #tpu.memory_space<vmem>>
      %dma_wait3A_194 = tpu.memref_squeeze %dma_wait3A_193 : memref<1x125xi32, #tpu.memory_space<vmem>> -> memref<125xi32, #tpu.memory_space<vmem>>
      %dma_wait3A_195 = arith.constant 0 : i32
      %dma_wait3A_196 = tpu.memref_slice %arg9[%dma_wait3A_195] : memref<10240xf32, #tpu.memory_space<vmem_shared>> -> memref<10240xf32, #tpu.memory_space<vmem_shared>>
      tpu.wait_indirect_dma semaphore(%arg10 : memref<!tpu.dma_semaphore, #tpu.memory_space<semaphore_mem>>) src(%arg8 : memref<125xf32, #tpu.memory_space<vmem>>) dst(%dma_wait3A_196 : memref<10240xf32, #tpu.memory_space<vmem_shared>>)
      %dma_wait3A_197 = arith.constant 3 : i32
      %dma_wait3A_198 = arith.constant 0 : i32
      %dma_wait3A_199 = tpu.memref_slice %arg7[%dma_wait3A_197, %dma_wait3A_198] : memref<8x125xi32, #tpu.memory_space<vmem>> -> memref<1x125xi32, #tpu.memory_space<vmem>>
      %dma_wait3A_200 = tpu.memref_squeeze %dma_wait3A_199 : memref<1x125xi32, #tpu.memory_space<vmem>> -> memref<125xi32, #tpu.memory_space<vmem>>
      %dma_wait3A_201 = arith.constant 0 : i32
      %dma_wait3A_202 = tpu.memref_slice %arg9[%dma_wait3A_201] : memref<10240xf32, #tpu.memory_space<vmem_shared>> -> memref<10240xf32, #tpu.memory_space<vmem_shared>>
      tpu.wait_indirect_dma semaphore(%arg10 : memref<!tpu.dma_semaphore, #tpu.memory_space<semaphore_mem>>) src(%arg8 : memref<125xf32, #tpu.memory_space<vmem>>) dst(%dma_wait3A_202 : memref<10240xf32, #tpu.memory_space<vmem_shared>>)
      %dma_wait3A_203 = arith.constant 4 : i32
      %dma_wait3A_204 = arith.constant 0 : i32
      %dma_wait3A_205 = tpu.memref_slice %arg7[%dma_wait3A_203, %dma_wait3A_204] : memref<8x125xi32, #tpu.memory_space<vmem>> -> memref<1x125xi32, #tpu.memory_space<vmem>>
      %dma_wait3A_206 = tpu.memref_squeeze %dma_wait3A_205 : memref<1x125xi32, #tpu.memory_space<vmem>> -> memref<125xi32, #tpu.memory_space<vmem>>
      %dma_wait3A_207 = arith.constant 0 : i32
      %dma_wait3A_208 = tpu.memref_slice %arg9[%dma_wait3A_207] : memref<10240xf32, #tpu.memory_space<vmem_shared>> -> memref<10240xf32, #tpu.memory_space<vmem_shared>>
      tpu.wait_indirect_dma semaphore(%arg10 : memref<!tpu.dma_semaphore, #tpu.memory_space<semaphore_mem>>) src(%arg8 : memref<125xf32, #tpu.memory_space<vmem>>) dst(%dma_wait3A_208 : memref<10240xf32, #tpu.memory_space<vmem_shared>>)
      %dma_wait3A_209 = arith.constant 5 : i32
      %dma_wait3A_210 = arith.constant 0 : i32
      %dma_wait3A_211 = tpu.memref_slice %arg7[%dma_wait3A_209, %dma_wait3A_210] : memref<8x125xi32, #tpu.memory_space<vmem>> -> memref<1x125xi32, #tpu.memory_space<vmem>>
      %dma_wait3A_212 = tpu.memref_squeeze %dma_wait3A_211 : memref<1x125xi32, #tpu.memory_space<vmem>> -> memref<125xi32, #tpu.memory_space<vmem>>
      %dma_wait3A_213 = arith.constant 0 : i32
      %dma_wait3A_214 = tpu.memref_slice %arg9[%dma_wait3A_213] : memref<10240xf32, #tpu.memory_space<vmem_shared>> -> memref<10240xf32, #tpu.memory_space<vmem_shared>>
      tpu.wait_indirect_dma semaphore(%arg10 : memref<!tpu.dma_semaphore, #tpu.memory_space<semaphore_mem>>) src(%arg8 : memref<125xf32, #tpu.memory_space<vmem>>) dst(%dma_wait3A_214 : memref<10240xf32, #tpu.memory_space<vmem_shared>>)
      %dma_wait3A_215 = arith.constant 6 : i32
      %dma_wait3A_216 = arith.constant 0 : i32
      %dma_wait3A_217 = tpu.memref_slice %arg7[%dma_wait3A_215, %dma_wait3A_216] : memref<8x125xi32, #tpu.memory_space<vmem>> -> memref<1x125xi32, #tpu.memory_space<vmem>>
      %dma_wait3A_218 = tpu.memref_squeeze %dma_wait3A_217 : memref<1x125xi32, #tpu.memory_space<vmem>> -> memref<125xi32, #tpu.memory_space<vmem>>
      %dma_wait3A_219 = arith.constant 0 : i32
      %dma_wait3A_220 = tpu.memref_slice %arg9[%dma_wait3A_219] : memref<10240xf32, #tpu.memory_space<vmem_shared>> -> memref<10240xf32, #tpu.memory_space<vmem_shared>>
      tpu.wait_indirect_dma semaphore(%arg10 : memref<!tpu.dma_semaphore, #tpu.memory_space<semaphore_mem>>) src(%arg8 : memref<125xf32, #tpu.memory_space<vmem>>) dst(%dma_wait3A_220 : memref<10240xf32, #tpu.memory_space<vmem_shared>>)
      %dma_wait3A_221 = arith.constant 7 : i32
      %dma_wait3A_222 = arith.constant 0 : i32
      %dma_wait3A_223 = tpu.memref_slice %arg7[%dma_wait3A_221, %dma_wait3A_222] : memref<8x125xi32, #tpu.memory_space<vmem>> -> memref<1x125xi32, #tpu.memory_space<vmem>>
      %dma_wait3A_224 = tpu.memref_squeeze %dma_wait3A_223 : memref<1x125xi32, #tpu.memory_space<vmem>> -> memref<125xi32, #tpu.memory_space<vmem>>
      %dma_wait3A_225 = arith.constant 0 : i32
      %dma_wait3A_226 = tpu.memref_slice %arg9[%dma_wait3A_225] : memref<10240xf32, #tpu.memory_space<vmem_shared>> -> memref<10240xf32, #tpu.memory_space<vmem_shared>>
      tpu.wait_indirect_dma semaphore(%arg10 : memref<!tpu.dma_semaphore, #tpu.memory_space<semaphore_mem>>) src(%arg8 : memref<125xf32, #tpu.memory_space<vmem>>) dst(%dma_wait3A_226 : memref<10240xf32, #tpu.memory_space<vmem_shared>>)
    }
    %scan3A_12 = arith.constant 5 : i32
    %barrier3A_13 = arith.constant 0 : index
    tpu.barrier barrier_id(%barrier3A_13)
    "tpu.region"() ({
      %run_scoped3A = tpu.sem_alloc : memref<!tpu.dma_semaphore, #tpu.memory_space<semaphore_mem>>
      %dma_start3A_14 = arith.constant 0 : i32
      %dma_start3A_15 = tpu.memref_slice %arg5[%arg0, %dma_start3A_14] : memref<2x10240xf32, #tpu.memory_space<hbm>> -> memref<1x10240xf32, #tpu.memory_space<hbm>>
      %dma_start3A_16 = tpu.memref_squeeze %dma_start3A_15 : memref<1x10240xf32, #tpu.memory_space<hbm>> -> memref<10240xf32, #tpu.memory_space<hbm>>
      %dma_start3A_17 = tpu.memref_slice %dma_start3A_16[%mul3A_2] : memref<10240xf32, #tpu.memory_space<hbm>> -> memref<640xf32, #tpu.memory_space<hbm>>
      %dma_start3A_18 = tpu.memref_slice %arg9[%mul3A_2] : memref<10240xf32, #tpu.memory_space<vmem_shared>> -> memref<640xf32, #tpu.memory_space<vmem_shared>>
      tpu.enqueue_dma source(%dma_start3A_18 : memref<640xf32, #tpu.memory_space<vmem_shared>>) target(%dma_start3A_17 : memref<640xf32, #tpu.memory_space<hbm>>) target_semaphore(%run_scoped3A : memref<!tpu.dma_semaphore, #tpu.memory_space<semaphore_mem>>)
      %dma_wait3A = arith.constant 0 : i32
      %dma_wait3A_19 = tpu.memref_slice %arg5[%arg0, %dma_wait3A] : memref<2x10240xf32, #tpu.memory_space<hbm>> -> memref<1x10240xf32, #tpu.memory_space<hbm>>
      %dma_wait3A_20 = tpu.memref_squeeze %dma_wait3A_19 : memref<1x10240xf32, #tpu.memory_space<hbm>> -> memref<10240xf32, #tpu.memory_space<hbm>>
      %dma_wait3A_21 = tpu.memref_slice %dma_wait3A_20[%mul3A_2] : memref<10240xf32, #tpu.memory_space<hbm>> -> memref<640xf32, #tpu.memory_space<hbm>>
      %dma_wait3A_22 = tpu.memref_slice %arg9[%mul3A_2] : memref<10240xf32, #tpu.memory_space<vmem_shared>> -> memref<640xf32, #tpu.memory_space<vmem_shared>>
      tpu.wait_dma2 semaphore(%run_scoped3A : memref<!tpu.dma_semaphore, #tpu.memory_space<semaphore_mem>>) src(%dma_wait3A_22 : memref<640xf32, #tpu.memory_space<vmem_shared>>) dst(%dma_wait3A_21 : memref<640xf32, #tpu.memory_space<hbm>>)
      tpu.yield
    }) : () -> ()
    return
  }
}

#map = affine_map<(d0, d1) -> (0, 0)>
#map1 = affine_map<(d0, d1) -> (0, 0, 0)>
module attributes {stable_mosaic.version = 14 : i64} {
  func.func @edge_pass(%arg0: i32, %arg1: i32, %arg2: memref<10000x128xf32, #tpu.memory_space<hbm>>, %arg3: memref<2560x125xi32, #tpu.memory_space<hbm>>, %arg4: memref<2560x125xi32, #tpu.memory_space<hbm>>, %arg5: memref<640x128xf32, #tpu.memory_space<hbm>>, %arg6: memref<2x10240x128xf32, #tpu.memory_space<hbm>>, %arg7: memref<8x125xi32, #tpu.memory_space<vmem>>, %arg8: memref<8x125xi32, #tpu.memory_space<vmem>>, %arg9: memref<8x125xi32, #tpu.memory_space<vmem>>, %arg10: memref<8x125xi32, #tpu.memory_space<vmem>>, %arg11: memref<125x128xf32, #tpu.memory_space<vmem>>, %arg12: memref<125x128xf32, #tpu.memory_space<vmem>>, %arg13: memref<10240x128xf32, #tpu.memory_space<vmem_shared>>, %arg14: memref<!tpu.dma_semaphore, #tpu.memory_space<semaphore_mem>>, %arg15: memref<!tpu.dma_semaphore, #tpu.memory_space<semaphore_mem>>, %arg16: memref<!tpu.dma_semaphore, #tpu.memory_space<semaphore_mem>>, %arg17: memref<!tpu.dma_semaphore, #tpu.memory_space<semaphore_mem>>, %arg18: memref<!tpu.dma_semaphore, #tpu.memory_space<semaphore_mem>>, %arg19: memref<!tpu.dma_semaphore, #tpu.memory_space<semaphore_mem>>) attributes {dimension_semantics = [#tpu.dimension_semantics<core_parallel>, #tpu.dimension_semantics<subcore_parallel>], iteration_bounds = array<i64: 2, 16>, scalar_prefetch = 0 : i64, scratch_operands = 13 : i64, tpu.core_type = #tpu.core_type<sc_vector_subcore>, window_params = [{transform_indices = #map}, {transform_indices = #map}, {transform_indices = #map}, {transform_indices = #map}, {transform_indices = #map1}]} {
    %mul3A = arith.constant 2 : i32
    %mul3A_0 = arith.muli %arg1, %mul3A : i32
    %add3A = arith.addi %mul3A_0, %arg0 : i32
    %mul3A_1 = arith.constant 640 : i32
    %mul3A_2 = arith.muli %arg1, %mul3A_1 : i32
    %mul3A_3 = arith.constant 80 : i32
    %mul3A_4 = arith.muli %add3A, %mul3A_3 : i32
    %dma_start3A = arith.constant 0 : i32
    %dma_start3A_5 = tpu.memref_slice %arg3[%mul3A_4, %dma_start3A] : memref<2560x125xi32, #tpu.memory_space<hbm>> -> memref<8x125xi32, #tpu.memory_space<hbm>>
    %dma_start3A_6 = arith.constant 0 : i32
    %dma_start3A_7 = tpu.memref_slice %arg3[%mul3A_4, %dma_start3A_6] : memref<2560x125xi32, #tpu.memory_space<hbm>> -> memref<8x125xi32, #tpu.memory_space<hbm>>
    tpu.enqueue_dma source(%dma_start3A_7 : memref<8x125xi32, #tpu.memory_space<hbm>>) target(%arg7 : memref<8x125xi32, #tpu.memory_space<vmem>>) target_semaphore(%arg18 : memref<!tpu.dma_semaphore, #tpu.memory_space<semaphore_mem>>)
    %dma_start3A_8 = arith.constant 0 : i32
    %dma_start3A_9 = tpu.memref_slice %arg4[%mul3A_4, %dma_start3A_8] : memref<2560x125xi32, #tpu.memory_space<hbm>> -> memref<8x125xi32, #tpu.memory_space<hbm>>
    %dma_start3A_10 = arith.constant 0 : i32
    %dma_start3A_11 = tpu.memref_slice %arg4[%mul3A_4, %dma_start3A_10] : memref<2560x125xi32, #tpu.memory_space<hbm>> -> memref<8x125xi32, #tpu.memory_space<hbm>>
    tpu.enqueue_dma source(%dma_start3A_11 : memref<8x125xi32, #tpu.memory_space<hbm>>) target(%arg9 : memref<8x125xi32, #tpu.memory_space<vmem>>) target_semaphore(%arg18 : memref<!tpu.dma_semaphore, #tpu.memory_space<semaphore_mem>>)
    "tpu.region"() ({
      %run_scoped3A = tpu.sem_alloc : memref<!tpu.dma_semaphore, #tpu.memory_space<semaphore_mem>>
      %dma_start3A_18 = arith.constant 0 : i32
      %dma_start3A_19 = tpu.memref_slice %arg13[%mul3A_2, %dma_start3A_18] : memref<10240x128xf32, #tpu.memory_space<vmem_shared>> -> memref<640x128xf32, #tpu.memory_space<vmem_shared>>
      tpu.enqueue_dma source(%arg5 : memref<640x128xf32, #tpu.memory_space<hbm>>) target(%dma_start3A_19 : memref<640x128xf32, #tpu.memory_space<vmem_shared>>) target_semaphore(%run_scoped3A : memref<!tpu.dma_semaphore, #tpu.memory_space<semaphore_mem>>)
      %dma_wait3A = arith.constant 0 : i32
      %dma_wait3A_20 = tpu.memref_slice %arg13[%mul3A_2, %dma_wait3A] : memref<10240x128xf32, #tpu.memory_space<vmem_shared>> -> memref<640x128xf32, #tpu.memory_space<vmem_shared>>
      tpu.wait_dma2 semaphore(%run_scoped3A : memref<!tpu.dma_semaphore, #tpu.memory_space<semaphore_mem>>) src(%arg5 : memref<640x128xf32, #tpu.memory_space<hbm>>) dst(%dma_wait3A_20 : memref<640x128xf32, #tpu.memory_space<vmem_shared>>)
      tpu.yield
    }) : () -> ()
    %barrier3A = arith.constant 0 : index
    tpu.barrier barrier_id(%barrier3A)
    %scan3A = arith.constant 0 : i32
    %scan3A_12 = arith.constant 0 : i32
    %scan3A_13 = arith.constant 5 : i32
    %scan3A_14 = arith.addi %scan3A_12, %scan3A_13 : i32
    %scan3A_15 = arith.constant 1 : i32
    scf.for %scan3A_18 = %scan3A_12 to %scan3A_14 step %scan3A_15  : i32 {
      %mul3A_19 = arith.constant 2 : i32
      %mul3A_20 = arith.muli %mul3A_19, %scan3A_18 : i32
      %add3A_21 = arith.constant 1 : i32
      %add3A_22 = arith.addi %mul3A_20, %add3A_21 : i32
      %mul3A_23 = arith.constant 8 : i32
      %mul3A_24 = arith.muli %add3A_22, %mul3A_23 : i32
      %add3A_25 = arith.addi %mul3A_4, %mul3A_24 : i32
      %dma_start3A_26 = arith.constant 0 : i32
      %dma_start3A_27 = tpu.memref_slice %arg3[%add3A_25, %dma_start3A_26] : memref<2560x125xi32, #tpu.memory_space<hbm>> -> memref<8x125xi32, #tpu.memory_space<hbm>>
      %dma_start3A_28 = arith.constant 0 : i32
      %dma_start3A_29 = tpu.memref_slice %arg3[%add3A_25, %dma_start3A_28] : memref<2560x125xi32, #tpu.memory_space<hbm>> -> memref<8x125xi32, #tpu.memory_space<hbm>>
      tpu.enqueue_dma source(%dma_start3A_29 : memref<8x125xi32, #tpu.memory_space<hbm>>) target(%arg8 : memref<8x125xi32, #tpu.memory_space<vmem>>) target_semaphore(%arg19 : memref<!tpu.dma_semaphore, #tpu.memory_space<semaphore_mem>>)
      %dma_start3A_30 = arith.constant 0 : i32
      %dma_start3A_31 = tpu.memref_slice %arg4[%add3A_25, %dma_start3A_30] : memref<2560x125xi32, #tpu.memory_space<hbm>> -> memref<8x125xi32, #tpu.memory_space<hbm>>
      %dma_start3A_32 = arith.constant 0 : i32
      %dma_start3A_33 = tpu.memref_slice %arg4[%add3A_25, %dma_start3A_32] : memref<2560x125xi32, #tpu.memory_space<hbm>> -> memref<8x125xi32, #tpu.memory_space<hbm>>
      tpu.enqueue_dma source(%dma_start3A_33 : memref<8x125xi32, #tpu.memory_space<hbm>>) target(%arg10 : memref<8x125xi32, #tpu.memory_space<vmem>>) target_semaphore(%arg19 : memref<!tpu.dma_semaphore, #tpu.memory_space<semaphore_mem>>)
      %dma_wait3A = arith.constant 0 : i32
      %dma_wait3A_34 = tpu.memref_slice %arg3[%mul3A_4, %dma_wait3A] : memref<2560x125xi32, #tpu.memory_space<hbm>> -> memref<8x125xi32, #tpu.memory_space<hbm>>
      %dma_wait3A_35 = arith.constant 0 : i32
      %dma_wait3A_36 = tpu.memref_slice %arg3[%mul3A_4, %dma_wait3A_35] : memref<2560x125xi32, #tpu.memory_space<hbm>> -> memref<8x125xi32, #tpu.memory_space<hbm>>
      tpu.wait_dma2 semaphore(%arg18 : memref<!tpu.dma_semaphore, #tpu.memory_space<semaphore_mem>>) src(%dma_wait3A_36 : memref<8x125xi32, #tpu.memory_space<hbm>>) dst(%arg7 : memref<8x125xi32, #tpu.memory_space<vmem>>)
      %dma_wait3A_37 = arith.constant 0 : i32
      %dma_wait3A_38 = tpu.memref_slice %arg4[%mul3A_4, %dma_wait3A_37] : memref<2560x125xi32, #tpu.memory_space<hbm>> -> memref<8x125xi32, #tpu.memory_space<hbm>>
      %dma_wait3A_39 = arith.constant 0 : i32
      %dma_wait3A_40 = tpu.memref_slice %arg4[%mul3A_4, %dma_wait3A_39] : memref<2560x125xi32, #tpu.memory_space<hbm>> -> memref<8x125xi32, #tpu.memory_space<hbm>>
      tpu.wait_dma2 semaphore(%arg18 : memref<!tpu.dma_semaphore, #tpu.memory_space<semaphore_mem>>) src(%dma_wait3A_40 : memref<8x125xi32, #tpu.memory_space<hbm>>) dst(%arg9 : memref<8x125xi32, #tpu.memory_space<vmem>>)
      %dma_start3A_41 = arith.constant 0 : i32
      %dma_start3A_42 = arith.constant 0 : i32
      %dma_start3A_43 = tpu.memref_slice %arg7[%dma_start3A_41, %dma_start3A_42] : memref<8x125xi32, #tpu.memory_space<vmem>> -> memref<1x125xi32, #tpu.memory_space<vmem>>
      %dma_start3A_44 = tpu.memref_squeeze %dma_start3A_43 : memref<1x125xi32, #tpu.memory_space<vmem>> -> memref<125xi32, #tpu.memory_space<vmem>>
      %dma_start3A_45 = arith.constant 0 : i32
      %dma_start3A_46 = arith.constant 0 : i32
      %dma_start3A_47 = tpu.memref_slice %arg2[%dma_start3A_45, %dma_start3A_46] : memref<10000x128xf32, #tpu.memory_space<hbm>> -> memref<10000x128xf32, #tpu.memory_space<hbm>>
      tpu.enqueue_indirect_dma source(%dma_start3A_47 : memref<10000x128xf32, #tpu.memory_space<hbm>>) target(%arg11 : memref<125x128xf32, #tpu.memory_space<vmem>>) offsets(%dma_start3A_44 : memref<125xi32, #tpu.memory_space<vmem>>) semaphore(%arg14 : memref<!tpu.dma_semaphore, #tpu.memory_space<semaphore_mem>>)
      %dma_start3A_48 = arith.constant 1 : i32
      %dma_start3A_49 = arith.constant 0 : i32
      %dma_start3A_50 = tpu.memref_slice %arg7[%dma_start3A_48, %dma_start3A_49] : memref<8x125xi32, #tpu.memory_space<vmem>> -> memref<1x125xi32, #tpu.memory_space<vmem>>
      %dma_start3A_51 = tpu.memref_squeeze %dma_start3A_50 : memref<1x125xi32, #tpu.memory_space<vmem>> -> memref<125xi32, #tpu.memory_space<vmem>>
      %dma_start3A_52 = arith.constant 0 : i32
      %dma_start3A_53 = arith.constant 0 : i32
      %dma_start3A_54 = tpu.memref_slice %arg2[%dma_start3A_52, %dma_start3A_53] : memref<10000x128xf32, #tpu.memory_space<hbm>> -> memref<10000x128xf32, #tpu.memory_space<hbm>>
      tpu.enqueue_indirect_dma source(%dma_start3A_54 : memref<10000x128xf32, #tpu.memory_space<hbm>>) target(%arg12 : memref<125x128xf32, #tpu.memory_space<vmem>>) offsets(%dma_start3A_51 : memref<125xi32, #tpu.memory_space<vmem>>) semaphore(%arg15 : memref<!tpu.dma_semaphore, #tpu.memory_space<semaphore_mem>>)
      %dma_wait3A_55 = arith.constant 0 : i32
      %dma_wait3A_56 = arith.constant 0 : i32
      %dma_wait3A_57 = tpu.memref_slice %arg7[%dma_wait3A_55, %dma_wait3A_56] : memref<8x125xi32, #tpu.memory_space<vmem>> -> memref<1x125xi32, #tpu.memory_space<vmem>>
      %dma_wait3A_58 = tpu.memref_squeeze %dma_wait3A_57 : memref<1x125xi32, #tpu.memory_space<vmem>> -> memref<125xi32, #tpu.memory_space<vmem>>
      %dma_wait3A_59 = arith.constant 0 : i32
      %dma_wait3A_60 = arith.constant 0 : i32
      %dma_wait3A_61 = tpu.memref_slice %arg2[%dma_wait3A_59, %dma_wait3A_60] : memref<10000x128xf32, #tpu.memory_space<hbm>> -> memref<10000x128xf32, #tpu.memory_space<hbm>>
      tpu.wait_indirect_dma semaphore(%arg14 : memref<!tpu.dma_semaphore, #tpu.memory_space<semaphore_mem>>) src(%dma_wait3A_61 : memref<10000x128xf32, #tpu.memory_space<hbm>>) dst(%arg11 : memref<125x128xf32, #tpu.memory_space<vmem>>)
      %dma_start3A_62 = arith.constant 0 : i32
      %dma_start3A_63 = arith.constant 0 : i32
      %dma_start3A_64 = tpu.memref_slice %arg9[%dma_start3A_62, %dma_start3A_63] : memref<8x125xi32, #tpu.memory_space<vmem>> -> memref<1x125xi32, #tpu.memory_space<vmem>>
      %dma_start3A_65 = tpu.memref_squeeze %dma_start3A_64 : memref<1x125xi32, #tpu.memory_space<vmem>> -> memref<125xi32, #tpu.memory_space<vmem>>
      %dma_start3A_66 = arith.constant 0 : i32
      %dma_start3A_67 = arith.constant 0 : i32
      %dma_start3A_68 = tpu.memref_slice %arg13[%dma_start3A_66, %dma_start3A_67] : memref<10240x128xf32, #tpu.memory_space<vmem_shared>> -> memref<10240x128xf32, #tpu.memory_space<vmem_shared>>
      tpu.enqueue_indirect_dma source(%arg11 : memref<125x128xf32, #tpu.memory_space<vmem>>) target(%dma_start3A_68 : memref<10240x128xf32, #tpu.memory_space<vmem_shared>>) offsets(%dma_start3A_65 : memref<125xi32, #tpu.memory_space<vmem>>) semaphore(%arg16 : memref<!tpu.dma_semaphore, #tpu.memory_space<semaphore_mem>>) {add = true}
      %dma_wait3A_69 = arith.constant 0 : i32
      %dma_wait3A_70 = arith.constant 0 : i32
      %dma_wait3A_71 = tpu.memref_slice %arg9[%dma_wait3A_69, %dma_wait3A_70] : memref<8x125xi32, #tpu.memory_space<vmem>> -> memref<1x125xi32, #tpu.memory_space<vmem>>
      %dma_wait3A_72 = tpu.memref_squeeze %dma_wait3A_71 : memref<1x125xi32, #tpu.memory_space<vmem>> -> memref<125xi32, #tpu.memory_space<vmem>>
      %dma_wait3A_73 = arith.constant 0 : i32
      %dma_wait3A_74 = arith.constant 0 : i32
      %dma_wait3A_75 = tpu.memref_slice %arg13[%dma_wait3A_73, %dma_wait3A_74] : memref<10240x128xf32, #tpu.memory_space<vmem_shared>> -> memref<10240x128xf32, #tpu.memory_space<vmem_shared>>
      tpu.wait_indirect_dma semaphore(%arg16 : memref<!tpu.dma_semaphore, #tpu.memory_space<semaphore_mem>>) src(%arg11 : memref<125x128xf32, #tpu.memory_space<vmem>>) dst(%dma_wait3A_75 : memref<10240x128xf32, #tpu.memory_space<vmem_shared>>)
      %dma_start3A_76 = arith.constant 2 : i32
      %dma_start3A_77 = arith.constant 0 : i32
      %dma_start3A_78 = tpu.memref_slice %arg7[%dma_start3A_76, %dma_start3A_77] : memref<8x125xi32, #tpu.memory_space<vmem>> -> memref<1x125xi32, #tpu.memory_space<vmem>>
      %dma_start3A_79 = tpu.memref_squeeze %dma_start3A_78 : memref<1x125xi32, #tpu.memory_space<vmem>> -> memref<125xi32, #tpu.memory_space<vmem>>
      %dma_start3A_80 = arith.constant 0 : i32
      %dma_start3A_81 = arith.constant 0 : i32
      %dma_start3A_82 = tpu.memref_slice %arg2[%dma_start3A_80, %dma_start3A_81] : memref<10000x128xf32, #tpu.memory_space<hbm>> -> memref<10000x128xf32, #tpu.memory_space<hbm>>
      tpu.enqueue_indirect_dma source(%dma_start3A_82 : memref<10000x128xf32, #tpu.memory_space<hbm>>) target(%arg11 : memref<125x128xf32, #tpu.memory_space<vmem>>) offsets(%dma_start3A_79 : memref<125xi32, #tpu.memory_space<vmem>>) semaphore(%arg14 : memref<!tpu.dma_semaphore, #tpu.memory_space<semaphore_mem>>)
      %dma_wait3A_83 = arith.constant 1 : i32
      %dma_wait3A_84 = arith.constant 0 : i32
      %dma_wait3A_85 = tpu.memref_slice %arg7[%dma_wait3A_83, %dma_wait3A_84] : memref<8x125xi32, #tpu.memory_space<vmem>> -> memref<1x125xi32, #tpu.memory_space<vmem>>
      %dma_wait3A_86 = tpu.memref_squeeze %dma_wait3A_85 : memref<1x125xi32, #tpu.memory_space<vmem>> -> memref<125xi32, #tpu.memory_space<vmem>>
      %dma_wait3A_87 = arith.constant 0 : i32
      %dma_wait3A_88 = arith.constant 0 : i32
      %dma_wait3A_89 = tpu.memref_slice %arg2[%dma_wait3A_87, %dma_wait3A_88] : memref<10000x128xf32, #tpu.memory_space<hbm>> -> memref<10000x128xf32, #tpu.memory_space<hbm>>
      tpu.wait_indirect_dma semaphore(%arg15 : memref<!tpu.dma_semaphore, #tpu.memory_space<semaphore_mem>>) src(%dma_wait3A_89 : memref<10000x128xf32, #tpu.memory_space<hbm>>) dst(%arg12 : memref<125x128xf32, #tpu.memory_space<vmem>>)
      %dma_start3A_90 = arith.constant 1 : i32
      %dma_start3A_91 = arith.constant 0 : i32
      %dma_start3A_92 = tpu.memref_slice %arg9[%dma_start3A_90, %dma_start3A_91] : memref<8x125xi32, #tpu.memory_space<vmem>> -> memref<1x125xi32, #tpu.memory_space<vmem>>
      %dma_start3A_93 = tpu.memref_squeeze %dma_start3A_92 : memref<1x125xi32, #tpu.memory_space<vmem>> -> memref<125xi32, #tpu.memory_space<vmem>>
      %dma_start3A_94 = arith.constant 0 : i32
      %dma_start3A_95 = arith.constant 0 : i32
      %dma_start3A_96 = tpu.memref_slice %arg13[%dma_start3A_94, %dma_start3A_95] : memref<10240x128xf32, #tpu.memory_space<vmem_shared>> -> memref<10240x128xf32, #tpu.memory_space<vmem_shared>>
      tpu.enqueue_indirect_dma source(%arg12 : memref<125x128xf32, #tpu.memory_space<vmem>>) target(%dma_start3A_96 : memref<10240x128xf32, #tpu.memory_space<vmem_shared>>) offsets(%dma_start3A_93 : memref<125xi32, #tpu.memory_space<vmem>>) semaphore(%arg17 : memref<!tpu.dma_semaphore, #tpu.memory_space<semaphore_mem>>) {add = true}
      %dma_wait3A_97 = arith.constant 1 : i32
      %dma_wait3A_98 = arith.constant 0 : i32
      %dma_wait3A_99 = tpu.memref_slice %arg9[%dma_wait3A_97, %dma_wait3A_98] : memref<8x125xi32, #tpu.memory_space<vmem>> -> memref<1x125xi32, #tpu.memory_space<vmem>>
      %dma_wait3A_100 = tpu.memref_squeeze %dma_wait3A_99 : memref<1x125xi32, #tpu.memory_space<vmem>> -> memref<125xi32, #tpu.memory_space<vmem>>
      %dma_wait3A_101 = arith.constant 0 : i32
      %dma_wait3A_102 = arith.constant 0 : i32
      %dma_wait3A_103 = tpu.memref_slice %arg13[%dma_wait3A_101, %dma_wait3A_102] : memref<10240x128xf32, #tpu.memory_space<vmem_shared>> -> memref<10240x128xf32, #tpu.memory_space<vmem_shared>>
      tpu.wait_indirect_dma semaphore(%arg17 : memref<!tpu.dma_semaphore, #tpu.memory_space<semaphore_mem>>) src(%arg12 : memref<125x128xf32, #tpu.memory_space<vmem>>) dst(%dma_wait3A_103 : memref<10240x128xf32, #tpu.memory_space<vmem_shared>>)
      %dma_start3A_104 = arith.constant 3 : i32
      %dma_start3A_105 = arith.constant 0 : i32
      %dma_start3A_106 = tpu.memref_slice %arg7[%dma_start3A_104, %dma_start3A_105] : memref<8x125xi32, #tpu.memory_space<vmem>> -> memref<1x125xi32, #tpu.memory_space<vmem>>
      %dma_start3A_107 = tpu.memref_squeeze %dma_start3A_106 : memref<1x125xi32, #tpu.memory_space<vmem>> -> memref<125xi32, #tpu.memory_space<vmem>>
      %dma_start3A_108 = arith.constant 0 : i32
      %dma_start3A_109 = arith.constant 0 : i32
      %dma_start3A_110 = tpu.memref_slice %arg2[%dma_start3A_108, %dma_start3A_109] : memref<10000x128xf32, #tpu.memory_space<hbm>> -> memref<10000x128xf32, #tpu.memory_space<hbm>>
      tpu.enqueue_indirect_dma source(%dma_start3A_110 : memref<10000x128xf32, #tpu.memory_space<hbm>>) target(%arg12 : memref<125x128xf32, #tpu.memory_space<vmem>>) offsets(%dma_start3A_107 : memref<125xi32, #tpu.memory_space<vmem>>) semaphore(%arg15 : memref<!tpu.dma_semaphore, #tpu.memory_space<semaphore_mem>>)
      %dma_wait3A_111 = arith.constant 2 : i32
      %dma_wait3A_112 = arith.constant 0 : i32
      %dma_wait3A_113 = tpu.memref_slice %arg7[%dma_wait3A_111, %dma_wait3A_112] : memref<8x125xi32, #tpu.memory_space<vmem>> -> memref<1x125xi32, #tpu.memory_space<vmem>>
      %dma_wait3A_114 = tpu.memref_squeeze %dma_wait3A_113 : memref<1x125xi32, #tpu.memory_space<vmem>> -> memref<125xi32, #tpu.memory_space<vmem>>
      %dma_wait3A_115 = arith.constant 0 : i32
      %dma_wait3A_116 = arith.constant 0 : i32
      %dma_wait3A_117 = tpu.memref_slice %arg2[%dma_wait3A_115, %dma_wait3A_116] : memref<10000x128xf32, #tpu.memory_space<hbm>> -> memref<10000x128xf32, #tpu.memory_space<hbm>>
      tpu.wait_indirect_dma semaphore(%arg14 : memref<!tpu.dma_semaphore, #tpu.memory_space<semaphore_mem>>) src(%dma_wait3A_117 : memref<10000x128xf32, #tpu.memory_space<hbm>>) dst(%arg11 : memref<125x128xf32, #tpu.memory_space<vmem>>)
      %dma_start3A_118 = arith.constant 2 : i32
      %dma_start3A_119 = arith.constant 0 : i32
      %dma_start3A_120 = tpu.memref_slice %arg9[%dma_start3A_118, %dma_start3A_119] : memref<8x125xi32, #tpu.memory_space<vmem>> -> memref<1x125xi32, #tpu.memory_space<vmem>>
      %dma_start3A_121 = tpu.memref_squeeze %dma_start3A_120 : memref<1x125xi32, #tpu.memory_space<vmem>> -> memref<125xi32, #tpu.memory_space<vmem>>
      %dma_start3A_122 = arith.constant 0 : i32
      %dma_start3A_123 = arith.constant 0 : i32
      %dma_start3A_124 = tpu.memref_slice %arg13[%dma_start3A_122, %dma_start3A_123] : memref<10240x128xf32, #tpu.memory_space<vmem_shared>> -> memref<10240x128xf32, #tpu.memory_space<vmem_shared>>
      tpu.enqueue_indirect_dma source(%arg11 : memref<125x128xf32, #tpu.memory_space<vmem>>) target(%dma_start3A_124 : memref<10240x128xf32, #tpu.memory_space<vmem_shared>>) offsets(%dma_start3A_121 : memref<125xi32, #tpu.memory_space<vmem>>) semaphore(%arg16 : memref<!tpu.dma_semaphore, #tpu.memory_space<semaphore_mem>>) {add = true}
      %dma_wait3A_125 = arith.constant 2 : i32
      %dma_wait3A_126 = arith.constant 0 : i32
      %dma_wait3A_127 = tpu.memref_slice %arg9[%dma_wait3A_125, %dma_wait3A_126] : memref<8x125xi32, #tpu.memory_space<vmem>> -> memref<1x125xi32, #tpu.memory_space<vmem>>
      %dma_wait3A_128 = tpu.memref_squeeze %dma_wait3A_127 : memref<1x125xi32, #tpu.memory_space<vmem>> -> memref<125xi32, #tpu.memory_space<vmem>>
      %dma_wait3A_129 = arith.constant 0 : i32
      %dma_wait3A_130 = arith.constant 0 : i32
      %dma_wait3A_131 = tpu.memref_slice %arg13[%dma_wait3A_129, %dma_wait3A_130] : memref<10240x128xf32, #tpu.memory_space<vmem_shared>> -> memref<10240x128xf32, #tpu.memory_space<vmem_shared>>
      tpu.wait_indirect_dma semaphore(%arg16 : memref<!tpu.dma_semaphore, #tpu.memory_space<semaphore_mem>>) src(%arg11 : memref<125x128xf32, #tpu.memory_space<vmem>>) dst(%dma_wait3A_131 : memref<10240x128xf32, #tpu.memory_space<vmem_shared>>)
      %dma_start3A_132 = arith.constant 4 : i32
      %dma_start3A_133 = arith.constant 0 : i32
      %dma_start3A_134 = tpu.memref_slice %arg7[%dma_start3A_132, %dma_start3A_133] : memref<8x125xi32, #tpu.memory_space<vmem>> -> memref<1x125xi32, #tpu.memory_space<vmem>>
      %dma_start3A_135 = tpu.memref_squeeze %dma_start3A_134 : memref<1x125xi32, #tpu.memory_space<vmem>> -> memref<125xi32, #tpu.memory_space<vmem>>
      %dma_start3A_136 = arith.constant 0 : i32
      %dma_start3A_137 = arith.constant 0 : i32
      %dma_start3A_138 = tpu.memref_slice %arg2[%dma_start3A_136, %dma_start3A_137] : memref<10000x128xf32, #tpu.memory_space<hbm>> -> memref<10000x128xf32, #tpu.memory_space<hbm>>
      tpu.enqueue_indirect_dma source(%dma_start3A_138 : memref<10000x128xf32, #tpu.memory_space<hbm>>) target(%arg11 : memref<125x128xf32, #tpu.memory_space<vmem>>) offsets(%dma_start3A_135 : memref<125xi32, #tpu.memory_space<vmem>>) semaphore(%arg14 : memref<!tpu.dma_semaphore, #tpu.memory_space<semaphore_mem>>)
      %dma_wait3A_139 = arith.constant 3 : i32
      %dma_wait3A_140 = arith.constant 0 : i32
      %dma_wait3A_141 = tpu.memref_slice %arg7[%dma_wait3A_139, %dma_wait3A_140] : memref<8x125xi32, #tpu.memory_space<vmem>> -> memref<1x125xi32, #tpu.memory_space<vmem>>
      %dma_wait3A_142 = tpu.memref_squeeze %dma_wait3A_141 : memref<1x125xi32, #tpu.memory_space<vmem>> -> memref<125xi32, #tpu.memory_space<vmem>>
      %dma_wait3A_143 = arith.constant 0 : i32
      %dma_wait3A_144 = arith.constant 0 : i32
      %dma_wait3A_145 = tpu.memref_slice %arg2[%dma_wait3A_143, %dma_wait3A_144] : memref<10000x128xf32, #tpu.memory_space<hbm>> -> memref<10000x128xf32, #tpu.memory_space<hbm>>
      tpu.wait_indirect_dma semaphore(%arg15 : memref<!tpu.dma_semaphore, #tpu.memory_space<semaphore_mem>>) src(%dma_wait3A_145 : memref<10000x128xf32, #tpu.memory_space<hbm>>) dst(%arg12 : memref<125x128xf32, #tpu.memory_space<vmem>>)
      %dma_start3A_146 = arith.constant 3 : i32
      %dma_start3A_147 = arith.constant 0 : i32
      %dma_start3A_148 = tpu.memref_slice %arg9[%dma_start3A_146, %dma_start3A_147] : memref<8x125xi32, #tpu.memory_space<vmem>> -> memref<1x125xi32, #tpu.memory_space<vmem>>
      %dma_start3A_149 = tpu.memref_squeeze %dma_start3A_148 : memref<1x125xi32, #tpu.memory_space<vmem>> -> memref<125xi32, #tpu.memory_space<vmem>>
      %dma_start3A_150 = arith.constant 0 : i32
      %dma_start3A_151 = arith.constant 0 : i32
      %dma_start3A_152 = tpu.memref_slice %arg13[%dma_start3A_150, %dma_start3A_151] : memref<10240x128xf32, #tpu.memory_space<vmem_shared>> -> memref<10240x128xf32, #tpu.memory_space<vmem_shared>>
      tpu.enqueue_indirect_dma source(%arg12 : memref<125x128xf32, #tpu.memory_space<vmem>>) target(%dma_start3A_152 : memref<10240x128xf32, #tpu.memory_space<vmem_shared>>) offsets(%dma_start3A_149 : memref<125xi32, #tpu.memory_space<vmem>>) semaphore(%arg17 : memref<!tpu.dma_semaphore, #tpu.memory_space<semaphore_mem>>) {add = true}
      %dma_wait3A_153 = arith.constant 3 : i32
      %dma_wait3A_154 = arith.constant 0 : i32
      %dma_wait3A_155 = tpu.memref_slice %arg9[%dma_wait3A_153, %dma_wait3A_154] : memref<8x125xi32, #tpu.memory_space<vmem>> -> memref<1x125xi32, #tpu.memory_space<vmem>>
      %dma_wait3A_156 = tpu.memref_squeeze %dma_wait3A_155 : memref<1x125xi32, #tpu.memory_space<vmem>> -> memref<125xi32, #tpu.memory_space<vmem>>
      %dma_wait3A_157 = arith.constant 0 : i32
      %dma_wait3A_158 = arith.constant 0 : i32
      %dma_wait3A_159 = tpu.memref_slice %arg13[%dma_wait3A_157, %dma_wait3A_158] : memref<10240x128xf32, #tpu.memory_space<vmem_shared>> -> memref<10240x128xf32, #tpu.memory_space<vmem_shared>>
      tpu.wait_indirect_dma semaphore(%arg17 : memref<!tpu.dma_semaphore, #tpu.memory_space<semaphore_mem>>) src(%arg12 : memref<125x128xf32, #tpu.memory_space<vmem>>) dst(%dma_wait3A_159 : memref<10240x128xf32, #tpu.memory_space<vmem_shared>>)
      %dma_start3A_160 = arith.constant 5 : i32
      %dma_start3A_161 = arith.constant 0 : i32
      %dma_start3A_162 = tpu.memref_slice %arg7[%dma_start3A_160, %dma_start3A_161] : memref<8x125xi32, #tpu.memory_space<vmem>> -> memref<1x125xi32, #tpu.memory_space<vmem>>
      %dma_start3A_163 = tpu.memref_squeeze %dma_start3A_162 : memref<1x125xi32, #tpu.memory_space<vmem>> -> memref<125xi32, #tpu.memory_space<vmem>>
      %dma_start3A_164 = arith.constant 0 : i32
      %dma_start3A_165 = arith.constant 0 : i32
      %dma_start3A_166 = tpu.memref_slice %arg2[%dma_start3A_164, %dma_start3A_165] : memref<10000x128xf32, #tpu.memory_space<hbm>> -> memref<10000x128xf32, #tpu.memory_space<hbm>>
      tpu.enqueue_indirect_dma source(%dma_start3A_166 : memref<10000x128xf32, #tpu.memory_space<hbm>>) target(%arg12 : memref<125x128xf32, #tpu.memory_space<vmem>>) offsets(%dma_start3A_163 : memref<125xi32, #tpu.memory_space<vmem>>) semaphore(%arg15 : memref<!tpu.dma_semaphore, #tpu.memory_space<semaphore_mem>>)
      %dma_wait3A_167 = arith.constant 4 : i32
      %dma_wait3A_168 = arith.constant 0 : i32
      %dma_wait3A_169 = tpu.memref_slice %arg7[%dma_wait3A_167, %dma_wait3A_168] : memref<8x125xi32, #tpu.memory_space<vmem>> -> memref<1x125xi32, #tpu.memory_space<vmem>>
      %dma_wait3A_170 = tpu.memref_squeeze %dma_wait3A_169 : memref<1x125xi32, #tpu.memory_space<vmem>> -> memref<125xi32, #tpu.memory_space<vmem>>
      %dma_wait3A_171 = arith.constant 0 : i32
      %dma_wait3A_172 = arith.constant 0 : i32
      %dma_wait3A_173 = tpu.memref_slice %arg2[%dma_wait3A_171, %dma_wait3A_172] : memref<10000x128xf32, #tpu.memory_space<hbm>> -> memref<10000x128xf32, #tpu.memory_space<hbm>>
      tpu.wait_indirect_dma semaphore(%arg14 : memref<!tpu.dma_semaphore, #tpu.memory_space<semaphore_mem>>) src(%dma_wait3A_173 : memref<10000x128xf32, #tpu.memory_space<hbm>>) dst(%arg11 : memref<125x128xf32, #tpu.memory_space<vmem>>)
      %dma_start3A_174 = arith.constant 4 : i32
      %dma_start3A_175 = arith.constant 0 : i32
      %dma_start3A_176 = tpu.memref_slice %arg9[%dma_start3A_174, %dma_start3A_175] : memref<8x125xi32, #tpu.memory_space<vmem>> -> memref<1x125xi32, #tpu.memory_space<vmem>>
      %dma_start3A_177 = tpu.memref_squeeze %dma_start3A_176 : memref<1x125xi32, #tpu.memory_space<vmem>> -> memref<125xi32, #tpu.memory_space<vmem>>
      %dma_start3A_178 = arith.constant 0 : i32
      %dma_start3A_179 = arith.constant 0 : i32
      %dma_start3A_180 = tpu.memref_slice %arg13[%dma_start3A_178, %dma_start3A_179] : memref<10240x128xf32, #tpu.memory_space<vmem_shared>> -> memref<10240x128xf32, #tpu.memory_space<vmem_shared>>
      tpu.enqueue_indirect_dma source(%arg11 : memref<125x128xf32, #tpu.memory_space<vmem>>) target(%dma_start3A_180 : memref<10240x128xf32, #tpu.memory_space<vmem_shared>>) offsets(%dma_start3A_177 : memref<125xi32, #tpu.memory_space<vmem>>) semaphore(%arg16 : memref<!tpu.dma_semaphore, #tpu.memory_space<semaphore_mem>>) {add = true}
      %dma_wait3A_181 = arith.constant 4 : i32
      %dma_wait3A_182 = arith.constant 0 : i32
      %dma_wait3A_183 = tpu.memref_slice %arg9[%dma_wait3A_181, %dma_wait3A_182] : memref<8x125xi32, #tpu.memory_space<vmem>> -> memref<1x125xi32, #tpu.memory_space<vmem>>
      %dma_wait3A_184 = tpu.memref_squeeze %dma_wait3A_183 : memref<1x125xi32, #tpu.memory_space<vmem>> -> memref<125xi32, #tpu.memory_space<vmem>>
      %dma_wait3A_185 = arith.constant 0 : i32
      %dma_wait3A_186 = arith.constant 0 : i32
      %dma_wait3A_187 = tpu.memref_slice %arg13[%dma_wait3A_185, %dma_wait3A_186] : memref<10240x128xf32, #tpu.memory_space<vmem_shared>> -> memref<10240x128xf32, #tpu.memory_space<vmem_shared>>
      tpu.wait_indirect_dma semaphore(%arg16 : memref<!tpu.dma_semaphore, #tpu.memory_space<semaphore_mem>>) src(%arg11 : memref<125x128xf32, #tpu.memory_space<vmem>>) dst(%dma_wait3A_187 : memref<10240x128xf32, #tpu.memory_space<vmem_shared>>)
      %dma_start3A_188 = arith.constant 6 : i32
      %dma_start3A_189 = arith.constant 0 : i32
      %dma_start3A_190 = tpu.memref_slice %arg7[%dma_start3A_188, %dma_start3A_189] : memref<8x125xi32, #tpu.memory_space<vmem>> -> memref<1x125xi32, #tpu.memory_space<vmem>>
      %dma_start3A_191 = tpu.memref_squeeze %dma_start3A_190 : memref<1x125xi32, #tpu.memory_space<vmem>> -> memref<125xi32, #tpu.memory_space<vmem>>
      %dma_start3A_192 = arith.constant 0 : i32
      %dma_start3A_193 = arith.constant 0 : i32
      %dma_start3A_194 = tpu.memref_slice %arg2[%dma_start3A_192, %dma_start3A_193] : memref<10000x128xf32, #tpu.memory_space<hbm>> -> memref<10000x128xf32, #tpu.memory_space<hbm>>
      tpu.enqueue_indirect_dma source(%dma_start3A_194 : memref<10000x128xf32, #tpu.memory_space<hbm>>) target(%arg11 : memref<125x128xf32, #tpu.memory_space<vmem>>) offsets(%dma_start3A_191 : memref<125xi32, #tpu.memory_space<vmem>>) semaphore(%arg14 : memref<!tpu.dma_semaphore, #tpu.memory_space<semaphore_mem>>)
      %dma_wait3A_195 = arith.constant 5 : i32
      %dma_wait3A_196 = arith.constant 0 : i32
      %dma_wait3A_197 = tpu.memref_slice %arg7[%dma_wait3A_195, %dma_wait3A_196] : memref<8x125xi32, #tpu.memory_space<vmem>> -> memref<1x125xi32, #tpu.memory_space<vmem>>
      %dma_wait3A_198 = tpu.memref_squeeze %dma_wait3A_197 : memref<1x125xi32, #tpu.memory_space<vmem>> -> memref<125xi32, #tpu.memory_space<vmem>>
      %dma_wait3A_199 = arith.constant 0 : i32
      %dma_wait3A_200 = arith.constant 0 : i32
      %dma_wait3A_201 = tpu.memref_slice %arg2[%dma_wait3A_199, %dma_wait3A_200] : memref<10000x128xf32, #tpu.memory_space<hbm>> -> memref<10000x128xf32, #tpu.memory_space<hbm>>
      tpu.wait_indirect_dma semaphore(%arg15 : memref<!tpu.dma_semaphore, #tpu.memory_space<semaphore_mem>>) src(%dma_wait3A_201 : memref<10000x128xf32, #tpu.memory_space<hbm>>) dst(%arg12 : memref<125x128xf32, #tpu.memory_space<vmem>>)
      %dma_start3A_202 = arith.constant 5 : i32
      %dma_start3A_203 = arith.constant 0 : i32
      %dma_start3A_204 = tpu.memref_slice %arg9[%dma_start3A_202, %dma_start3A_203] : memref<8x125xi32, #tpu.memory_space<vmem>> -> memref<1x125xi32, #tpu.memory_space<vmem>>
      %dma_start3A_205 = tpu.memref_squeeze %dma_start3A_204 : memref<1x125xi32, #tpu.memory_space<vmem>> -> memref<125xi32, #tpu.memory_space<vmem>>
      %dma_start3A_206 = arith.constant 0 : i32
      %dma_start3A_207 = arith.constant 0 : i32
      %dma_start3A_208 = tpu.memref_slice %arg13[%dma_start3A_206, %dma_start3A_207] : memref<10240x128xf32, #tpu.memory_space<vmem_shared>> -> memref<10240x128xf32, #tpu.memory_space<vmem_shared>>
      tpu.enqueue_indirect_dma source(%arg12 : memref<125x128xf32, #tpu.memory_space<vmem>>) target(%dma_start3A_208 : memref<10240x128xf32, #tpu.memory_space<vmem_shared>>) offsets(%dma_start3A_205 : memref<125xi32, #tpu.memory_space<vmem>>) semaphore(%arg17 : memref<!tpu.dma_semaphore, #tpu.memory_space<semaphore_mem>>) {add = true}
      %dma_wait3A_209 = arith.constant 5 : i32
      %dma_wait3A_210 = arith.constant 0 : i32
      %dma_wait3A_211 = tpu.memref_slice %arg9[%dma_wait3A_209, %dma_wait3A_210] : memref<8x125xi32, #tpu.memory_space<vmem>> -> memref<1x125xi32, #tpu.memory_space<vmem>>
      %dma_wait3A_212 = tpu.memref_squeeze %dma_wait3A_211 : memref<1x125xi32, #tpu.memory_space<vmem>> -> memref<125xi32, #tpu.memory_space<vmem>>
      %dma_wait3A_213 = arith.constant 0 : i32
      %dma_wait3A_214 = arith.constant 0 : i32
      %dma_wait3A_215 = tpu.memref_slice %arg13[%dma_wait3A_213, %dma_wait3A_214] : memref<10240x128xf32, #tpu.memory_space<vmem_shared>> -> memref<10240x128xf32, #tpu.memory_space<vmem_shared>>
      tpu.wait_indirect_dma semaphore(%arg17 : memref<!tpu.dma_semaphore, #tpu.memory_space<semaphore_mem>>) src(%arg12 : memref<125x128xf32, #tpu.memory_space<vmem>>) dst(%dma_wait3A_215 : memref<10240x128xf32, #tpu.memory_space<vmem_shared>>)
      %dma_start3A_216 = arith.constant 7 : i32
      %dma_start3A_217 = arith.constant 0 : i32
      %dma_start3A_218 = tpu.memref_slice %arg7[%dma_start3A_216, %dma_start3A_217] : memref<8x125xi32, #tpu.memory_space<vmem>> -> memref<1x125xi32, #tpu.memory_space<vmem>>
      %dma_start3A_219 = tpu.memref_squeeze %dma_start3A_218 : memref<1x125xi32, #tpu.memory_space<vmem>> -> memref<125xi32, #tpu.memory_space<vmem>>
      %dma_start3A_220 = arith.constant 0 : i32
      %dma_start3A_221 = arith.constant 0 : i32
      %dma_start3A_222 = tpu.memref_slice %arg2[%dma_start3A_220, %dma_start3A_221] : memref<10000x128xf32, #tpu.memory_space<hbm>> -> memref<10000x128xf32, #tpu.memory_space<hbm>>
      tpu.enqueue_indirect_dma source(%dma_start3A_222 : memref<10000x128xf32, #tpu.memory_space<hbm>>) target(%arg12 : memref<125x128xf32, #tpu.memory_space<vmem>>) offsets(%dma_start3A_219 : memref<125xi32, #tpu.memory_space<vmem>>) semaphore(%arg15 : memref<!tpu.dma_semaphore, #tpu.memory_space<semaphore_mem>>)
      %dma_wait3A_223 = arith.constant 6 : i32
      %dma_wait3A_224 = arith.constant 0 : i32
      %dma_wait3A_225 = tpu.memref_slice %arg7[%dma_wait3A_223, %dma_wait3A_224] : memref<8x125xi32, #tpu.memory_space<vmem>> -> memref<1x125xi32, #tpu.memory_space<vmem>>
      %dma_wait3A_226 = tpu.memref_squeeze %dma_wait3A_225 : memref<1x125xi32, #tpu.memory_space<vmem>> -> memref<125xi32, #tpu.memory_space<vmem>>
      %dma_wait3A_227 = arith.constant 0 : i32
      %dma_wait3A_228 = arith.constant 0 : i32
      %dma_wait3A_229 = tpu.memref_slice %arg2[%dma_wait3A_227, %dma_wait3A_228] : memref<10000x128xf32, #tpu.memory_space<hbm>> -> memref<10000x128xf32, #tpu.memory_space<hbm>>
      tpu.wait_indirect_dma semaphore(%arg14 : memref<!tpu.dma_semaphore, #tpu.memory_space<semaphore_mem>>) src(%dma_wait3A_229 : memref<10000x128xf32, #tpu.memory_space<hbm>>) dst(%arg11 : memref<125x128xf32, #tpu.memory_space<vmem>>)
      %dma_start3A_230 = arith.constant 6 : i32
      %dma_start3A_231 = arith.constant 0 : i32
      %dma_start3A_232 = tpu.memref_slice %arg9[%dma_start3A_230, %dma_start3A_231] : memref<8x125xi32, #tpu.memory_space<vmem>> -> memref<1x125xi32, #tpu.memory_space<vmem>>
      %dma_start3A_233 = tpu.memref_squeeze %dma_start3A_232 : memref<1x125xi32, #tpu.memory_space<vmem>> -> memref<125xi32, #tpu.memory_space<vmem>>
      %dma_start3A_234 = arith.constant 0 : i32
      %dma_start3A_235 = arith.constant 0 : i32
      %dma_start3A_236 = tpu.memref_slice %arg13[%dma_start3A_234, %dma_start3A_235] : memref<10240x128xf32, #tpu.memory_space<vmem_shared>> -> memref<10240x128xf32, #tpu.memory_space<vmem_shared>>
      tpu.enqueue_indirect_dma source(%arg11 : memref<125x128xf32, #tpu.memory_space<vmem>>) target(%dma_start3A_236 : memref<10240x128xf32, #tpu.memory_space<vmem_shared>>) offsets(%dma_start3A_233 : memref<125xi32, #tpu.memory_space<vmem>>) semaphore(%arg16 : memref<!tpu.dma_semaphore, #tpu.memory_space<semaphore_mem>>) {add = true}
      %dma_wait3A_237 = arith.constant 0 : i32
      %dma_wait3A_238 = tpu.memref_slice %arg3[%add3A_25, %dma_wait3A_237] : memref<2560x125xi32, #tpu.memory_space<hbm>> -> memref<8x125xi32, #tpu.memory_space<hbm>>
      %dma_wait3A_239 = arith.constant 0 : i32
      %dma_wait3A_240 = tpu.memref_slice %arg3[%add3A_25, %dma_wait3A_239] : memref<2560x125xi32, #tpu.memory_space<hbm>> -> memref<8x125xi32, #tpu.memory_space<hbm>>
      tpu.wait_dma2 semaphore(%arg19 : memref<!tpu.dma_semaphore, #tpu.memory_space<semaphore_mem>>) src(%dma_wait3A_240 : memref<8x125xi32, #tpu.memory_space<hbm>>) dst(%arg8 : memref<8x125xi32, #tpu.memory_space<vmem>>)
      %dma_wait3A_241 = arith.constant 0 : i32
      %dma_wait3A_242 = tpu.memref_slice %arg4[%add3A_25, %dma_wait3A_241] : memref<2560x125xi32, #tpu.memory_space<hbm>> -> memref<8x125xi32, #tpu.memory_space<hbm>>
      %dma_wait3A_243 = arith.constant 0 : i32
      %dma_wait3A_244 = tpu.memref_slice %arg4[%add3A_25, %dma_wait3A_243] : memref<2560x125xi32, #tpu.memory_space<hbm>> -> memref<8x125xi32, #tpu.memory_space<hbm>>
      tpu.wait_dma2 semaphore(%arg19 : memref<!tpu.dma_semaphore, #tpu.memory_space<semaphore_mem>>) src(%dma_wait3A_244 : memref<8x125xi32, #tpu.memory_space<hbm>>) dst(%arg10 : memref<8x125xi32, #tpu.memory_space<vmem>>)
      %dma_wait3A_245 = arith.constant 6 : i32
      %dma_wait3A_246 = arith.constant 0 : i32
      %dma_wait3A_247 = tpu.memref_slice %arg9[%dma_wait3A_245, %dma_wait3A_246] : memref<8x125xi32, #tpu.memory_space<vmem>> -> memref<1x125xi32, #tpu.memory_space<vmem>>
      %dma_wait3A_248 = tpu.memref_squeeze %dma_wait3A_247 : memref<1x125xi32, #tpu.memory_space<vmem>> -> memref<125xi32, #tpu.memory_space<vmem>>
      %dma_wait3A_249 = arith.constant 0 : i32
      %dma_wait3A_250 = arith.constant 0 : i32
      %dma_wait3A_251 = tpu.memref_slice %arg13[%dma_wait3A_249, %dma_wait3A_250] : memref<10240x128xf32, #tpu.memory_space<vmem_shared>> -> memref<10240x128xf32, #tpu.memory_space<vmem_shared>>
      tpu.wait_indirect_dma semaphore(%arg16 : memref<!tpu.dma_semaphore, #tpu.memory_space<semaphore_mem>>) src(%arg11 : memref<125x128xf32, #tpu.memory_space<vmem>>) dst(%dma_wait3A_251 : memref<10240x128xf32, #tpu.memory_space<vmem_shared>>)
      %dma_start3A_252 = arith.constant 0 : i32
      %dma_start3A_253 = arith.constant 0 : i32
      %dma_start3A_254 = tpu.memref_slice %arg8[%dma_start3A_252, %dma_start3A_253] : memref<8x125xi32, #tpu.memory_space<vmem>> -> memref<1x125xi32, #tpu.memory_space<vmem>>
      %dma_start3A_255 = tpu.memref_squeeze %dma_start3A_254 : memref<1x125xi32, #tpu.memory_space<vmem>> -> memref<125xi32, #tpu.memory_space<vmem>>
      %dma_start3A_256 = arith.constant 0 : i32
      %dma_start3A_257 = arith.constant 0 : i32
      %dma_start3A_258 = tpu.memref_slice %arg2[%dma_start3A_256, %dma_start3A_257] : memref<10000x128xf32, #tpu.memory_space<hbm>> -> memref<10000x128xf32, #tpu.memory_space<hbm>>
      tpu.enqueue_indirect_dma source(%dma_start3A_258 : memref<10000x128xf32, #tpu.memory_space<hbm>>) target(%arg11 : memref<125x128xf32, #tpu.memory_space<vmem>>) offsets(%dma_start3A_255 : memref<125xi32, #tpu.memory_space<vmem>>) semaphore(%arg14 : memref<!tpu.dma_semaphore, #tpu.memory_space<semaphore_mem>>)
      %dma_wait3A_259 = arith.constant 7 : i32
      %dma_wait3A_260 = arith.constant 0 : i32
      %dma_wait3A_261 = tpu.memref_slice %arg7[%dma_wait3A_259, %dma_wait3A_260] : memref<8x125xi32, #tpu.memory_space<vmem>> -> memref<1x125xi32, #tpu.memory_space<vmem>>
      %dma_wait3A_262 = tpu.memref_squeeze %dma_wait3A_261 : memref<1x125xi32, #tpu.memory_space<vmem>> -> memref<125xi32, #tpu.memory_space<vmem>>
      %dma_wait3A_263 = arith.constant 0 : i32
      %dma_wait3A_264 = arith.constant 0 : i32
      %dma_wait3A_265 = tpu.memref_slice %arg2[%dma_wait3A_263, %dma_wait3A_264] : memref<10000x128xf32, #tpu.memory_space<hbm>> -> memref<10000x128xf32, #tpu.memory_space<hbm>>
      tpu.wait_indirect_dma semaphore(%arg15 : memref<!tpu.dma_semaphore, #tpu.memory_space<semaphore_mem>>) src(%dma_wait3A_265 : memref<10000x128xf32, #tpu.memory_space<hbm>>) dst(%arg12 : memref<125x128xf32, #tpu.memory_space<vmem>>)
      %lt3A = arith.constant 4 : i32
      %lt3A_266 = arith.cmpi slt, %scan3A_18, %lt3A : i32
      %convert_element_type3A = arith.extui %lt3A_266 : i1 to i32
      %cond3A = arith.constant 0 : i32
      %cond3A_267 = arith.cmpi ne, %convert_element_type3A, %cond3A : i32
      scf.if %cond3A_267 {
        %mul3A_499 = arith.constant 2 : i32
        %mul3A_500 = arith.muli %mul3A_499, %scan3A_18 : i32
        %add3A_501 = arith.constant 2 : i32
        %add3A_502 = arith.addi %mul3A_500, %add3A_501 : i32
        %mul3A_503 = arith.constant 8 : i32
        %mul3A_504 = arith.muli %add3A_502, %mul3A_503 : i32
        %add3A_505 = arith.addi %mul3A_4, %mul3A_504 : i32
        %dma_start3A_506 = arith.constant 0 : i32
        %dma_start3A_507 = tpu.memref_slice %arg3[%add3A_505, %dma_start3A_506] : memref<2560x125xi32, #tpu.memory_space<hbm>> -> memref<8x125xi32, #tpu.memory_space<hbm>>
        %dma_start3A_508 = arith.constant 0 : i32
        %dma_start3A_509 = tpu.memref_slice %arg3[%add3A_505, %dma_start3A_508] : memref<2560x125xi32, #tpu.memory_space<hbm>> -> memref<8x125xi32, #tpu.memory_space<hbm>>
        tpu.enqueue_dma source(%dma_start3A_509 : memref<8x125xi32, #tpu.memory_space<hbm>>) target(%arg7 : memref<8x125xi32, #tpu.memory_space<vmem>>) target_semaphore(%arg18 : memref<!tpu.dma_semaphore, #tpu.memory_space<semaphore_mem>>)
        %dma_start3A_510 = arith.constant 0 : i32
        %dma_start3A_511 = tpu.memref_slice %arg4[%add3A_505, %dma_start3A_510] : memref<2560x125xi32, #tpu.memory_space<hbm>> -> memref<8x125xi32, #tpu.memory_space<hbm>>
        %dma_start3A_512 = arith.constant 0 : i32
        %dma_start3A_513 = tpu.memref_slice %arg4[%add3A_505, %dma_start3A_512] : memref<2560x125xi32, #tpu.memory_space<hbm>> -> memref<8x125xi32, #tpu.memory_space<hbm>>
        tpu.enqueue_dma source(%dma_start3A_513 : memref<8x125xi32, #tpu.memory_space<hbm>>) target(%arg9 : memref<8x125xi32, #tpu.memory_space<vmem>>) target_semaphore(%arg18 : memref<!tpu.dma_semaphore, #tpu.memory_space<semaphore_mem>>)
      } else {
      }
      %dma_start3A_268 = arith.constant 7 : i32
      %dma_start3A_269 = arith.constant 0 : i32
      %dma_start3A_270 = tpu.memref_slice %arg9[%dma_start3A_268, %dma_start3A_269] : memref<8x125xi32, #tpu.memory_space<vmem>> -> memref<1x125xi32, #tpu.memory_space<vmem>>
      %dma_start3A_271 = tpu.memref_squeeze %dma_start3A_270 : memref<1x125xi32, #tpu.memory_space<vmem>> -> memref<125xi32, #tpu.memory_space<vmem>>
      %dma_start3A_272 = arith.constant 0 : i32
      %dma_start3A_273 = arith.constant 0 : i32
      %dma_start3A_274 = tpu.memref_slice %arg13[%dma_start3A_272, %dma_start3A_273] : memref<10240x128xf32, #tpu.memory_space<vmem_shared>> -> memref<10240x128xf32, #tpu.memory_space<vmem_shared>>
      tpu.enqueue_indirect_dma source(%arg12 : memref<125x128xf32, #tpu.memory_space<vmem>>) target(%dma_start3A_274 : memref<10240x128xf32, #tpu.memory_space<vmem_shared>>) offsets(%dma_start3A_271 : memref<125xi32, #tpu.memory_space<vmem>>) semaphore(%arg17 : memref<!tpu.dma_semaphore, #tpu.memory_space<semaphore_mem>>) {add = true}
      %dma_wait3A_275 = arith.constant 7 : i32
      %dma_wait3A_276 = arith.constant 0 : i32
      %dma_wait3A_277 = tpu.memref_slice %arg9[%dma_wait3A_275, %dma_wait3A_276] : memref<8x125xi32, #tpu.memory_space<vmem>> -> memref<1x125xi32, #tpu.memory_space<vmem>>
      %dma_wait3A_278 = tpu.memref_squeeze %dma_wait3A_277 : memref<1x125xi32, #tpu.memory_space<vmem>> -> memref<125xi32, #tpu.memory_space<vmem>>
      %dma_wait3A_279 = arith.constant 0 : i32
      %dma_wait3A_280 = arith.constant 0 : i32
      %dma_wait3A_281 = tpu.memref_slice %arg13[%dma_wait3A_279, %dma_wait3A_280] : memref<10240x128xf32, #tpu.memory_space<vmem_shared>> -> memref<10240x128xf32, #tpu.memory_space<vmem_shared>>
      tpu.wait_indirect_dma semaphore(%arg17 : memref<!tpu.dma_semaphore, #tpu.memory_space<semaphore_mem>>) src(%arg12 : memref<125x128xf32, #tpu.memory_space<vmem>>) dst(%dma_wait3A_281 : memref<10240x128xf32, #tpu.memory_space<vmem_shared>>)
      %dma_start3A_282 = arith.constant 1 : i32
      %dma_start3A_283 = arith.constant 0 : i32
      %dma_start3A_284 = tpu.memref_slice %arg8[%dma_start3A_282, %dma_start3A_283] : memref<8x125xi32, #tpu.memory_space<vmem>> -> memref<1x125xi32, #tpu.memory_space<vmem>>
      %dma_start3A_285 = tpu.memref_squeeze %dma_start3A_284 : memref<1x125xi32, #tpu.memory_space<vmem>> -> memref<125xi32, #tpu.memory_space<vmem>>
      %dma_start3A_286 = arith.constant 0 : i32
      %dma_start3A_287 = arith.constant 0 : i32
      %dma_start3A_288 = tpu.memref_slice %arg2[%dma_start3A_286, %dma_start3A_287] : memref<10000x128xf32, #tpu.memory_space<hbm>> -> memref<10000x128xf32, #tpu.memory_space<hbm>>
      tpu.enqueue_indirect_dma source(%dma_start3A_288 : memref<10000x128xf32, #tpu.memory_space<hbm>>) target(%arg12 : memref<125x128xf32, #tpu.memory_space<vmem>>) offsets(%dma_start3A_285 : memref<125xi32, #tpu.memory_space<vmem>>) semaphore(%arg15 : memref<!tpu.dma_semaphore, #tpu.memory_space<semaphore_mem>>)
      %dma_wait3A_289 = arith.constant 0 : i32
      %dma_wait3A_290 = arith.constant 0 : i32
      %dma_wait3A_291 = tpu.memref_slice %arg8[%dma_wait3A_289, %dma_wait3A_290] : memref<8x125xi32, #tpu.memory_space<vmem>> -> memref<1x125xi32, #tpu.memory_space<vmem>>
      %dma_wait3A_292 = tpu.memref_squeeze %dma_wait3A_291 : memref<1x125xi32, #tpu.memory_space<vmem>> -> memref<125xi32, #tpu.memory_space<vmem>>
      %dma_wait3A_293 = arith.constant 0 : i32
      %dma_wait3A_294 = arith.constant 0 : i32
      %dma_wait3A_295 = tpu.memref_slice %arg2[%dma_wait3A_293, %dma_wait3A_294] : memref<10000x128xf32, #tpu.memory_space<hbm>> -> memref<10000x128xf32, #tpu.memory_space<hbm>>
      tpu.wait_indirect_dma semaphore(%arg14 : memref<!tpu.dma_semaphore, #tpu.memory_space<semaphore_mem>>) src(%dma_wait3A_295 : memref<10000x128xf32, #tpu.memory_space<hbm>>) dst(%arg11 : memref<125x128xf32, #tpu.memory_space<vmem>>)
      %dma_start3A_296 = arith.constant 0 : i32
      %dma_start3A_297 = arith.constant 0 : i32
      %dma_start3A_298 = tpu.memref_slice %arg10[%dma_start3A_296, %dma_start3A_297] : memref<8x125xi32, #tpu.memory_space<vmem>> -> memref<1x125xi32, #tpu.memory_space<vmem>>
      %dma_start3A_299 = tpu.memref_squeeze %dma_start3A_298 : memref<1x125xi32, #tpu.memory_space<vmem>> -> memref<125xi32, #tpu.memory_space<vmem>>
      %dma_start3A_300 = arith.constant 0 : i32
      %dma_start3A_301 = arith.constant 0 : i32
      %dma_start3A_302 = tpu.memref_slice %arg13[%dma_start3A_300, %dma_start3A_301] : memref<10240x128xf32, #tpu.memory_space<vmem_shared>> -> memref<10240x128xf32, #tpu.memory_space<vmem_shared>>
      tpu.enqueue_indirect_dma source(%arg11 : memref<125x128xf32, #tpu.memory_space<vmem>>) target(%dma_start3A_302 : memref<10240x128xf32, #tpu.memory_space<vmem_shared>>) offsets(%dma_start3A_299 : memref<125xi32, #tpu.memory_space<vmem>>) semaphore(%arg16 : memref<!tpu.dma_semaphore, #tpu.memory_space<semaphore_mem>>) {add = true}
      %dma_wait3A_303 = arith.constant 0 : i32
      %dma_wait3A_304 = arith.constant 0 : i32
      %dma_wait3A_305 = tpu.memref_slice %arg10[%dma_wait3A_303, %dma_wait3A_304] : memref<8x125xi32, #tpu.memory_space<vmem>> -> memref<1x125xi32, #tpu.memory_space<vmem>>
      %dma_wait3A_306 = tpu.memref_squeeze %dma_wait3A_305 : memref<1x125xi32, #tpu.memory_space<vmem>> -> memref<125xi32, #tpu.memory_space<vmem>>
      %dma_wait3A_307 = arith.constant 0 : i32
      %dma_wait3A_308 = arith.constant 0 : i32
      %dma_wait3A_309 = tpu.memref_slice %arg13[%dma_wait3A_307, %dma_wait3A_308] : memref<10240x128xf32, #tpu.memory_space<vmem_shared>> -> memref<10240x128xf32, #tpu.memory_space<vmem_shared>>
      tpu.wait_indirect_dma semaphore(%arg16 : memref<!tpu.dma_semaphore, #tpu.memory_space<semaphore_mem>>) src(%arg11 : memref<125x128xf32, #tpu.memory_space<vmem>>) dst(%dma_wait3A_309 : memref<10240x128xf32, #tpu.memory_space<vmem_shared>>)
      %dma_start3A_310 = arith.constant 2 : i32
      %dma_start3A_311 = arith.constant 0 : i32
      %dma_start3A_312 = tpu.memref_slice %arg8[%dma_start3A_310, %dma_start3A_311] : memref<8x125xi32, #tpu.memory_space<vmem>> -> memref<1x125xi32, #tpu.memory_space<vmem>>
      %dma_start3A_313 = tpu.memref_squeeze %dma_start3A_312 : memref<1x125xi32, #tpu.memory_space<vmem>> -> memref<125xi32, #tpu.memory_space<vmem>>
      %dma_start3A_314 = arith.constant 0 : i32
      %dma_start3A_315 = arith.constant 0 : i32
      %dma_start3A_316 = tpu.memref_slice %arg2[%dma_start3A_314, %dma_start3A_315] : memref<10000x128xf32, #tpu.memory_space<hbm>> -> memref<10000x128xf32, #tpu.memory_space<hbm>>
      tpu.enqueue_indirect_dma source(%dma_start3A_316 : memref<10000x128xf32, #tpu.memory_space<hbm>>) target(%arg11 : memref<125x128xf32, #tpu.memory_space<vmem>>) offsets(%dma_start3A_313 : memref<125xi32, #tpu.memory_space<vmem>>) semaphore(%arg14 : memref<!tpu.dma_semaphore, #tpu.memory_space<semaphore_mem>>)
      %dma_wait3A_317 = arith.constant 1 : i32
      %dma_wait3A_318 = arith.constant 0 : i32
      %dma_wait3A_319 = tpu.memref_slice %arg8[%dma_wait3A_317, %dma_wait3A_318] : memref<8x125xi32, #tpu.memory_space<vmem>> -> memref<1x125xi32, #tpu.memory_space<vmem>>
      %dma_wait3A_320 = tpu.memref_squeeze %dma_wait3A_319 : memref<1x125xi32, #tpu.memory_space<vmem>> -> memref<125xi32, #tpu.memory_space<vmem>>
      %dma_wait3A_321 = arith.constant 0 : i32
      %dma_wait3A_322 = arith.constant 0 : i32
      %dma_wait3A_323 = tpu.memref_slice %arg2[%dma_wait3A_321, %dma_wait3A_322] : memref<10000x128xf32, #tpu.memory_space<hbm>> -> memref<10000x128xf32, #tpu.memory_space<hbm>>
      tpu.wait_indirect_dma semaphore(%arg15 : memref<!tpu.dma_semaphore, #tpu.memory_space<semaphore_mem>>) src(%dma_wait3A_323 : memref<10000x128xf32, #tpu.memory_space<hbm>>) dst(%arg12 : memref<125x128xf32, #tpu.memory_space<vmem>>)
      %dma_start3A_324 = arith.constant 1 : i32
      %dma_start3A_325 = arith.constant 0 : i32
      %dma_start3A_326 = tpu.memref_slice %arg10[%dma_start3A_324, %dma_start3A_325] : memref<8x125xi32, #tpu.memory_space<vmem>> -> memref<1x125xi32, #tpu.memory_space<vmem>>
      %dma_start3A_327 = tpu.memref_squeeze %dma_start3A_326 : memref<1x125xi32, #tpu.memory_space<vmem>> -> memref<125xi32, #tpu.memory_space<vmem>>
      %dma_start3A_328 = arith.constant 0 : i32
      %dma_start3A_329 = arith.constant 0 : i32
      %dma_start3A_330 = tpu.memref_slice %arg13[%dma_start3A_328, %dma_start3A_329] : memref<10240x128xf32, #tpu.memory_space<vmem_shared>> -> memref<10240x128xf32, #tpu.memory_space<vmem_shared>>
      tpu.enqueue_indirect_dma source(%arg12 : memref<125x128xf32, #tpu.memory_space<vmem>>) target(%dma_start3A_330 : memref<10240x128xf32, #tpu.memory_space<vmem_shared>>) offsets(%dma_start3A_327 : memref<125xi32, #tpu.memory_space<vmem>>) semaphore(%arg17 : memref<!tpu.dma_semaphore, #tpu.memory_space<semaphore_mem>>) {add = true}
      %dma_wait3A_331 = arith.constant 1 : i32
      %dma_wait3A_332 = arith.constant 0 : i32
      %dma_wait3A_333 = tpu.memref_slice %arg10[%dma_wait3A_331, %dma_wait3A_332] : memref<8x125xi32, #tpu.memory_space<vmem>> -> memref<1x125xi32, #tpu.memory_space<vmem>>
      %dma_wait3A_334 = tpu.memref_squeeze %dma_wait3A_333 : memref<1x125xi32, #tpu.memory_space<vmem>> -> memref<125xi32, #tpu.memory_space<vmem>>
      %dma_wait3A_335 = arith.constant 0 : i32
      %dma_wait3A_336 = arith.constant 0 : i32
      %dma_wait3A_337 = tpu.memref_slice %arg13[%dma_wait3A_335, %dma_wait3A_336] : memref<10240x128xf32, #tpu.memory_space<vmem_shared>> -> memref<10240x128xf32, #tpu.memory_space<vmem_shared>>
      tpu.wait_indirect_dma semaphore(%arg17 : memref<!tpu.dma_semaphore, #tpu.memory_space<semaphore_mem>>) src(%arg12 : memref<125x128xf32, #tpu.memory_space<vmem>>) dst(%dma_wait3A_337 : memref<10240x128xf32, #tpu.memory_space<vmem_shared>>)
      %dma_start3A_338 = arith.constant 3 : i32
      %dma_start3A_339 = arith.constant 0 : i32
      %dma_start3A_340 = tpu.memref_slice %arg8[%dma_start3A_338, %dma_start3A_339] : memref<8x125xi32, #tpu.memory_space<vmem>> -> memref<1x125xi32, #tpu.memory_space<vmem>>
      %dma_start3A_341 = tpu.memref_squeeze %dma_start3A_340 : memref<1x125xi32, #tpu.memory_space<vmem>> -> memref<125xi32, #tpu.memory_space<vmem>>
      %dma_start3A_342 = arith.constant 0 : i32
      %dma_start3A_343 = arith.constant 0 : i32
      %dma_start3A_344 = tpu.memref_slice %arg2[%dma_start3A_342, %dma_start3A_343] : memref<10000x128xf32, #tpu.memory_space<hbm>> -> memref<10000x128xf32, #tpu.memory_space<hbm>>
      tpu.enqueue_indirect_dma source(%dma_start3A_344 : memref<10000x128xf32, #tpu.memory_space<hbm>>) target(%arg12 : memref<125x128xf32, #tpu.memory_space<vmem>>) offsets(%dma_start3A_341 : memref<125xi32, #tpu.memory_space<vmem>>) semaphore(%arg15 : memref<!tpu.dma_semaphore, #tpu.memory_space<semaphore_mem>>)
      %dma_wait3A_345 = arith.constant 2 : i32
      %dma_wait3A_346 = arith.constant 0 : i32
      %dma_wait3A_347 = tpu.memref_slice %arg8[%dma_wait3A_345, %dma_wait3A_346] : memref<8x125xi32, #tpu.memory_space<vmem>> -> memref<1x125xi32, #tpu.memory_space<vmem>>
      %dma_wait3A_348 = tpu.memref_squeeze %dma_wait3A_347 : memref<1x125xi32, #tpu.memory_space<vmem>> -> memref<125xi32, #tpu.memory_space<vmem>>
      %dma_wait3A_349 = arith.constant 0 : i32
      %dma_wait3A_350 = arith.constant 0 : i32
      %dma_wait3A_351 = tpu.memref_slice %arg2[%dma_wait3A_349, %dma_wait3A_350] : memref<10000x128xf32, #tpu.memory_space<hbm>> -> memref<10000x128xf32, #tpu.memory_space<hbm>>
      tpu.wait_indirect_dma semaphore(%arg14 : memref<!tpu.dma_semaphore, #tpu.memory_space<semaphore_mem>>) src(%dma_wait3A_351 : memref<10000x128xf32, #tpu.memory_space<hbm>>) dst(%arg11 : memref<125x128xf32, #tpu.memory_space<vmem>>)
      %dma_start3A_352 = arith.constant 2 : i32
      %dma_start3A_353 = arith.constant 0 : i32
      %dma_start3A_354 = tpu.memref_slice %arg10[%dma_start3A_352, %dma_start3A_353] : memref<8x125xi32, #tpu.memory_space<vmem>> -> memref<1x125xi32, #tpu.memory_space<vmem>>
      %dma_start3A_355 = tpu.memref_squeeze %dma_start3A_354 : memref<1x125xi32, #tpu.memory_space<vmem>> -> memref<125xi32, #tpu.memory_space<vmem>>
      %dma_start3A_356 = arith.constant 0 : i32
      %dma_start3A_357 = arith.constant 0 : i32
      %dma_start3A_358 = tpu.memref_slice %arg13[%dma_start3A_356, %dma_start3A_357] : memref<10240x128xf32, #tpu.memory_space<vmem_shared>> -> memref<10240x128xf32, #tpu.memory_space<vmem_shared>>
      tpu.enqueue_indirect_dma source(%arg11 : memref<125x128xf32, #tpu.memory_space<vmem>>) target(%dma_start3A_358 : memref<10240x128xf32, #tpu.memory_space<vmem_shared>>) offsets(%dma_start3A_355 : memref<125xi32, #tpu.memory_space<vmem>>) semaphore(%arg16 : memref<!tpu.dma_semaphore, #tpu.memory_space<semaphore_mem>>) {add = true}
      %dma_wait3A_359 = arith.constant 2 : i32
      %dma_wait3A_360 = arith.constant 0 : i32
      %dma_wait3A_361 = tpu.memref_slice %arg10[%dma_wait3A_359, %dma_wait3A_360] : memref<8x125xi32, #tpu.memory_space<vmem>> -> memref<1x125xi32, #tpu.memory_space<vmem>>
      %dma_wait3A_362 = tpu.memref_squeeze %dma_wait3A_361 : memref<1x125xi32, #tpu.memory_space<vmem>> -> memref<125xi32, #tpu.memory_space<vmem>>
      %dma_wait3A_363 = arith.constant 0 : i32
      %dma_wait3A_364 = arith.constant 0 : i32
      %dma_wait3A_365 = tpu.memref_slice %arg13[%dma_wait3A_363, %dma_wait3A_364] : memref<10240x128xf32, #tpu.memory_space<vmem_shared>> -> memref<10240x128xf32, #tpu.memory_space<vmem_shared>>
      tpu.wait_indirect_dma semaphore(%arg16 : memref<!tpu.dma_semaphore, #tpu.memory_space<semaphore_mem>>) src(%arg11 : memref<125x128xf32, #tpu.memory_space<vmem>>) dst(%dma_wait3A_365 : memref<10240x128xf32, #tpu.memory_space<vmem_shared>>)
      %dma_start3A_366 = arith.constant 4 : i32
      %dma_start3A_367 = arith.constant 0 : i32
      %dma_start3A_368 = tpu.memref_slice %arg8[%dma_start3A_366, %dma_start3A_367] : memref<8x125xi32, #tpu.memory_space<vmem>> -> memref<1x125xi32, #tpu.memory_space<vmem>>
      %dma_start3A_369 = tpu.memref_squeeze %dma_start3A_368 : memref<1x125xi32, #tpu.memory_space<vmem>> -> memref<125xi32, #tpu.memory_space<vmem>>
      %dma_start3A_370 = arith.constant 0 : i32
      %dma_start3A_371 = arith.constant 0 : i32
      %dma_start3A_372 = tpu.memref_slice %arg2[%dma_start3A_370, %dma_start3A_371] : memref<10000x128xf32, #tpu.memory_space<hbm>> -> memref<10000x128xf32, #tpu.memory_space<hbm>>
      tpu.enqueue_indirect_dma source(%dma_start3A_372 : memref<10000x128xf32, #tpu.memory_space<hbm>>) target(%arg11 : memref<125x128xf32, #tpu.memory_space<vmem>>) offsets(%dma_start3A_369 : memref<125xi32, #tpu.memory_space<vmem>>) semaphore(%arg14 : memref<!tpu.dma_semaphore, #tpu.memory_space<semaphore_mem>>)
      %dma_wait3A_373 = arith.constant 3 : i32
      %dma_wait3A_374 = arith.constant 0 : i32
      %dma_wait3A_375 = tpu.memref_slice %arg8[%dma_wait3A_373, %dma_wait3A_374] : memref<8x125xi32, #tpu.memory_space<vmem>> -> memref<1x125xi32, #tpu.memory_space<vmem>>
      %dma_wait3A_376 = tpu.memref_squeeze %dma_wait3A_375 : memref<1x125xi32, #tpu.memory_space<vmem>> -> memref<125xi32, #tpu.memory_space<vmem>>
      %dma_wait3A_377 = arith.constant 0 : i32
      %dma_wait3A_378 = arith.constant 0 : i32
      %dma_wait3A_379 = tpu.memref_slice %arg2[%dma_wait3A_377, %dma_wait3A_378] : memref<10000x128xf32, #tpu.memory_space<hbm>> -> memref<10000x128xf32, #tpu.memory_space<hbm>>
      tpu.wait_indirect_dma semaphore(%arg15 : memref<!tpu.dma_semaphore, #tpu.memory_space<semaphore_mem>>) src(%dma_wait3A_379 : memref<10000x128xf32, #tpu.memory_space<hbm>>) dst(%arg12 : memref<125x128xf32, #tpu.memory_space<vmem>>)
      %dma_start3A_380 = arith.constant 3 : i32
      %dma_start3A_381 = arith.constant 0 : i32
      %dma_start3A_382 = tpu.memref_slice %arg10[%dma_start3A_380, %dma_start3A_381] : memref<8x125xi32, #tpu.memory_space<vmem>> -> memref<1x125xi32, #tpu.memory_space<vmem>>
      %dma_start3A_383 = tpu.memref_squeeze %dma_start3A_382 : memref<1x125xi32, #tpu.memory_space<vmem>> -> memref<125xi32, #tpu.memory_space<vmem>>
      %dma_start3A_384 = arith.constant 0 : i32
      %dma_start3A_385 = arith.constant 0 : i32
      %dma_start3A_386 = tpu.memref_slice %arg13[%dma_start3A_384, %dma_start3A_385] : memref<10240x128xf32, #tpu.memory_space<vmem_shared>> -> memref<10240x128xf32, #tpu.memory_space<vmem_shared>>
      tpu.enqueue_indirect_dma source(%arg12 : memref<125x128xf32, #tpu.memory_space<vmem>>) target(%dma_start3A_386 : memref<10240x128xf32, #tpu.memory_space<vmem_shared>>) offsets(%dma_start3A_383 : memref<125xi32, #tpu.memory_space<vmem>>) semaphore(%arg17 : memref<!tpu.dma_semaphore, #tpu.memory_space<semaphore_mem>>) {add = true}
      %dma_wait3A_387 = arith.constant 3 : i32
      %dma_wait3A_388 = arith.constant 0 : i32
      %dma_wait3A_389 = tpu.memref_slice %arg10[%dma_wait3A_387, %dma_wait3A_388] : memref<8x125xi32, #tpu.memory_space<vmem>> -> memref<1x125xi32, #tpu.memory_space<vmem>>
      %dma_wait3A_390 = tpu.memref_squeeze %dma_wait3A_389 : memref<1x125xi32, #tpu.memory_space<vmem>> -> memref<125xi32, #tpu.memory_space<vmem>>
      %dma_wait3A_391 = arith.constant 0 : i32
      %dma_wait3A_392 = arith.constant 0 : i32
      %dma_wait3A_393 = tpu.memref_slice %arg13[%dma_wait3A_391, %dma_wait3A_392] : memref<10240x128xf32, #tpu.memory_space<vmem_shared>> -> memref<10240x128xf32, #tpu.memory_space<vmem_shared>>
      tpu.wait_indirect_dma semaphore(%arg17 : memref<!tpu.dma_semaphore, #tpu.memory_space<semaphore_mem>>) src(%arg12 : memref<125x128xf32, #tpu.memory_space<vmem>>) dst(%dma_wait3A_393 : memref<10240x128xf32, #tpu.memory_space<vmem_shared>>)
      %dma_start3A_394 = arith.constant 5 : i32
      %dma_start3A_395 = arith.constant 0 : i32
      %dma_start3A_396 = tpu.memref_slice %arg8[%dma_start3A_394, %dma_start3A_395] : memref<8x125xi32, #tpu.memory_space<vmem>> -> memref<1x125xi32, #tpu.memory_space<vmem>>
      %dma_start3A_397 = tpu.memref_squeeze %dma_start3A_396 : memref<1x125xi32, #tpu.memory_space<vmem>> -> memref<125xi32, #tpu.memory_space<vmem>>
      %dma_start3A_398 = arith.constant 0 : i32
      %dma_start3A_399 = arith.constant 0 : i32
      %dma_start3A_400 = tpu.memref_slice %arg2[%dma_start3A_398, %dma_start3A_399] : memref<10000x128xf32, #tpu.memory_space<hbm>> -> memref<10000x128xf32, #tpu.memory_space<hbm>>
      tpu.enqueue_indirect_dma source(%dma_start3A_400 : memref<10000x128xf32, #tpu.memory_space<hbm>>) target(%arg12 : memref<125x128xf32, #tpu.memory_space<vmem>>) offsets(%dma_start3A_397 : memref<125xi32, #tpu.memory_space<vmem>>) semaphore(%arg15 : memref<!tpu.dma_semaphore, #tpu.memory_space<semaphore_mem>>)
      %dma_wait3A_401 = arith.constant 4 : i32
      %dma_wait3A_402 = arith.constant 0 : i32
      %dma_wait3A_403 = tpu.memref_slice %arg8[%dma_wait3A_401, %dma_wait3A_402] : memref<8x125xi32, #tpu.memory_space<vmem>> -> memref<1x125xi32, #tpu.memory_space<vmem>>
      %dma_wait3A_404 = tpu.memref_squeeze %dma_wait3A_403 : memref<1x125xi32, #tpu.memory_space<vmem>> -> memref<125xi32, #tpu.memory_space<vmem>>
      %dma_wait3A_405 = arith.constant 0 : i32
      %dma_wait3A_406 = arith.constant 0 : i32
      %dma_wait3A_407 = tpu.memref_slice %arg2[%dma_wait3A_405, %dma_wait3A_406] : memref<10000x128xf32, #tpu.memory_space<hbm>> -> memref<10000x128xf32, #tpu.memory_space<hbm>>
      tpu.wait_indirect_dma semaphore(%arg14 : memref<!tpu.dma_semaphore, #tpu.memory_space<semaphore_mem>>) src(%dma_wait3A_407 : memref<10000x128xf32, #tpu.memory_space<hbm>>) dst(%arg11 : memref<125x128xf32, #tpu.memory_space<vmem>>)
      %dma_start3A_408 = arith.constant 4 : i32
      %dma_start3A_409 = arith.constant 0 : i32
      %dma_start3A_410 = tpu.memref_slice %arg10[%dma_start3A_408, %dma_start3A_409] : memref<8x125xi32, #tpu.memory_space<vmem>> -> memref<1x125xi32, #tpu.memory_space<vmem>>
      %dma_start3A_411 = tpu.memref_squeeze %dma_start3A_410 : memref<1x125xi32, #tpu.memory_space<vmem>> -> memref<125xi32, #tpu.memory_space<vmem>>
      %dma_start3A_412 = arith.constant 0 : i32
      %dma_start3A_413 = arith.constant 0 : i32
      %dma_start3A_414 = tpu.memref_slice %arg13[%dma_start3A_412, %dma_start3A_413] : memref<10240x128xf32, #tpu.memory_space<vmem_shared>> -> memref<10240x128xf32, #tpu.memory_space<vmem_shared>>
      tpu.enqueue_indirect_dma source(%arg11 : memref<125x128xf32, #tpu.memory_space<vmem>>) target(%dma_start3A_414 : memref<10240x128xf32, #tpu.memory_space<vmem_shared>>) offsets(%dma_start3A_411 : memref<125xi32, #tpu.memory_space<vmem>>) semaphore(%arg16 : memref<!tpu.dma_semaphore, #tpu.memory_space<semaphore_mem>>) {add = true}
      %dma_wait3A_415 = arith.constant 4 : i32
      %dma_wait3A_416 = arith.constant 0 : i32
      %dma_wait3A_417 = tpu.memref_slice %arg10[%dma_wait3A_415, %dma_wait3A_416] : memref<8x125xi32, #tpu.memory_space<vmem>> -> memref<1x125xi32, #tpu.memory_space<vmem>>
      %dma_wait3A_418 = tpu.memref_squeeze %dma_wait3A_417 : memref<1x125xi32, #tpu.memory_space<vmem>> -> memref<125xi32, #tpu.memory_space<vmem>>
      %dma_wait3A_419 = arith.constant 0 : i32
      %dma_wait3A_420 = arith.constant 0 : i32
      %dma_wait3A_421 = tpu.memref_slice %arg13[%dma_wait3A_419, %dma_wait3A_420] : memref<10240x128xf32, #tpu.memory_space<vmem_shared>> -> memref<10240x128xf32, #tpu.memory_space<vmem_shared>>
      tpu.wait_indirect_dma semaphore(%arg16 : memref<!tpu.dma_semaphore, #tpu.memory_space<semaphore_mem>>) src(%arg11 : memref<125x128xf32, #tpu.memory_space<vmem>>) dst(%dma_wait3A_421 : memref<10240x128xf32, #tpu.memory_space<vmem_shared>>)
      %dma_start3A_422 = arith.constant 6 : i32
      %dma_start3A_423 = arith.constant 0 : i32
      %dma_start3A_424 = tpu.memref_slice %arg8[%dma_start3A_422, %dma_start3A_423] : memref<8x125xi32, #tpu.memory_space<vmem>> -> memref<1x125xi32, #tpu.memory_space<vmem>>
      %dma_start3A_425 = tpu.memref_squeeze %dma_start3A_424 : memref<1x125xi32, #tpu.memory_space<vmem>> -> memref<125xi32, #tpu.memory_space<vmem>>
      %dma_start3A_426 = arith.constant 0 : i32
      %dma_start3A_427 = arith.constant 0 : i32
      %dma_start3A_428 = tpu.memref_slice %arg2[%dma_start3A_426, %dma_start3A_427] : memref<10000x128xf32, #tpu.memory_space<hbm>> -> memref<10000x128xf32, #tpu.memory_space<hbm>>
      tpu.enqueue_indirect_dma source(%dma_start3A_428 : memref<10000x128xf32, #tpu.memory_space<hbm>>) target(%arg11 : memref<125x128xf32, #tpu.memory_space<vmem>>) offsets(%dma_start3A_425 : memref<125xi32, #tpu.memory_space<vmem>>) semaphore(%arg14 : memref<!tpu.dma_semaphore, #tpu.memory_space<semaphore_mem>>)
      %dma_wait3A_429 = arith.constant 5 : i32
      %dma_wait3A_430 = arith.constant 0 : i32
      %dma_wait3A_431 = tpu.memref_slice %arg8[%dma_wait3A_429, %dma_wait3A_430] : memref<8x125xi32, #tpu.memory_space<vmem>> -> memref<1x125xi32, #tpu.memory_space<vmem>>
      %dma_wait3A_432 = tpu.memref_squeeze %dma_wait3A_431 : memref<1x125xi32, #tpu.memory_space<vmem>> -> memref<125xi32, #tpu.memory_space<vmem>>
      %dma_wait3A_433 = arith.constant 0 : i32
      %dma_wait3A_434 = arith.constant 0 : i32
      %dma_wait3A_435 = tpu.memref_slice %arg2[%dma_wait3A_433, %dma_wait3A_434] : memref<10000x128xf32, #tpu.memory_space<hbm>> -> memref<10000x128xf32, #tpu.memory_space<hbm>>
      tpu.wait_indirect_dma semaphore(%arg15 : memref<!tpu.dma_semaphore, #tpu.memory_space<semaphore_mem>>) src(%dma_wait3A_435 : memref<10000x128xf32, #tpu.memory_space<hbm>>) dst(%arg12 : memref<125x128xf32, #tpu.memory_space<vmem>>)
      %dma_start3A_436 = arith.constant 5 : i32
      %dma_start3A_437 = arith.constant 0 : i32
      %dma_start3A_438 = tpu.memref_slice %arg10[%dma_start3A_436, %dma_start3A_437] : memref<8x125xi32, #tpu.memory_space<vmem>> -> memref<1x125xi32, #tpu.memory_space<vmem>>
      %dma_start3A_439 = tpu.memref_squeeze %dma_start3A_438 : memref<1x125xi32, #tpu.memory_space<vmem>> -> memref<125xi32, #tpu.memory_space<vmem>>
      %dma_start3A_440 = arith.constant 0 : i32
      %dma_start3A_441 = arith.constant 0 : i32
      %dma_start3A_442 = tpu.memref_slice %arg13[%dma_start3A_440, %dma_start3A_441] : memref<10240x128xf32, #tpu.memory_space<vmem_shared>> -> memref<10240x128xf32, #tpu.memory_space<vmem_shared>>
      tpu.enqueue_indirect_dma source(%arg12 : memref<125x128xf32, #tpu.memory_space<vmem>>) target(%dma_start3A_442 : memref<10240x128xf32, #tpu.memory_space<vmem_shared>>) offsets(%dma_start3A_439 : memref<125xi32, #tpu.memory_space<vmem>>) semaphore(%arg17 : memref<!tpu.dma_semaphore, #tpu.memory_space<semaphore_mem>>) {add = true}
      %dma_wait3A_443 = arith.constant 5 : i32
      %dma_wait3A_444 = arith.constant 0 : i32
      %dma_wait3A_445 = tpu.memref_slice %arg10[%dma_wait3A_443, %dma_wait3A_444] : memref<8x125xi32, #tpu.memory_space<vmem>> -> memref<1x125xi32, #tpu.memory_space<vmem>>
      %dma_wait3A_446 = tpu.memref_squeeze %dma_wait3A_445 : memref<1x125xi32, #tpu.memory_space<vmem>> -> memref<125xi32, #tpu.memory_space<vmem>>
      %dma_wait3A_447 = arith.constant 0 : i32
      %dma_wait3A_448 = arith.constant 0 : i32
      %dma_wait3A_449 = tpu.memref_slice %arg13[%dma_wait3A_447, %dma_wait3A_448] : memref<10240x128xf32, #tpu.memory_space<vmem_shared>> -> memref<10240x128xf32, #tpu.memory_space<vmem_shared>>
      tpu.wait_indirect_dma semaphore(%arg17 : memref<!tpu.dma_semaphore, #tpu.memory_space<semaphore_mem>>) src(%arg12 : memref<125x128xf32, #tpu.memory_space<vmem>>) dst(%dma_wait3A_449 : memref<10240x128xf32, #tpu.memory_space<vmem_shared>>)
      %dma_start3A_450 = arith.constant 7 : i32
      %dma_start3A_451 = arith.constant 0 : i32
      %dma_start3A_452 = tpu.memref_slice %arg8[%dma_start3A_450, %dma_start3A_451] : memref<8x125xi32, #tpu.memory_space<vmem>> -> memref<1x125xi32, #tpu.memory_space<vmem>>
      %dma_start3A_453 = tpu.memref_squeeze %dma_start3A_452 : memref<1x125xi32, #tpu.memory_space<vmem>> -> memref<125xi32, #tpu.memory_space<vmem>>
      %dma_start3A_454 = arith.constant 0 : i32
      %dma_start3A_455 = arith.constant 0 : i32
      %dma_start3A_456 = tpu.memref_slice %arg2[%dma_start3A_454, %dma_start3A_455] : memref<10000x128xf32, #tpu.memory_space<hbm>> -> memref<10000x128xf32, #tpu.memory_space<hbm>>
      tpu.enqueue_indirect_dma source(%dma_start3A_456 : memref<10000x128xf32, #tpu.memory_space<hbm>>) target(%arg12 : memref<125x128xf32, #tpu.memory_space<vmem>>) offsets(%dma_start3A_453 : memref<125xi32, #tpu.memory_space<vmem>>) semaphore(%arg15 : memref<!tpu.dma_semaphore, #tpu.memory_space<semaphore_mem>>)
      %dma_wait3A_457 = arith.constant 6 : i32
      %dma_wait3A_458 = arith.constant 0 : i32
      %dma_wait3A_459 = tpu.memref_slice %arg8[%dma_wait3A_457, %dma_wait3A_458] : memref<8x125xi32, #tpu.memory_space<vmem>> -> memref<1x125xi32, #tpu.memory_space<vmem>>
      %dma_wait3A_460 = tpu.memref_squeeze %dma_wait3A_459 : memref<1x125xi32, #tpu.memory_space<vmem>> -> memref<125xi32, #tpu.memory_space<vmem>>
      %dma_wait3A_461 = arith.constant 0 : i32
      %dma_wait3A_462 = arith.constant 0 : i32
      %dma_wait3A_463 = tpu.memref_slice %arg2[%dma_wait3A_461, %dma_wait3A_462] : memref<10000x128xf32, #tpu.memory_space<hbm>> -> memref<10000x128xf32, #tpu.memory_space<hbm>>
      tpu.wait_indirect_dma semaphore(%arg14 : memref<!tpu.dma_semaphore, #tpu.memory_space<semaphore_mem>>) src(%dma_wait3A_463 : memref<10000x128xf32, #tpu.memory_space<hbm>>) dst(%arg11 : memref<125x128xf32, #tpu.memory_space<vmem>>)
      %dma_start3A_464 = arith.constant 6 : i32
      %dma_start3A_465 = arith.constant 0 : i32
      %dma_start3A_466 = tpu.memref_slice %arg10[%dma_start3A_464, %dma_start3A_465] : memref<8x125xi32, #tpu.memory_space<vmem>> -> memref<1x125xi32, #tpu.memory_space<vmem>>
      %dma_start3A_467 = tpu.memref_squeeze %dma_start3A_466 : memref<1x125xi32, #tpu.memory_space<vmem>> -> memref<125xi32, #tpu.memory_space<vmem>>
      %dma_start3A_468 = arith.constant 0 : i32
      %dma_start3A_469 = arith.constant 0 : i32
      %dma_start3A_470 = tpu.memref_slice %arg13[%dma_start3A_468, %dma_start3A_469] : memref<10240x128xf32, #tpu.memory_space<vmem_shared>> -> memref<10240x128xf32, #tpu.memory_space<vmem_shared>>
      tpu.enqueue_indirect_dma source(%arg11 : memref<125x128xf32, #tpu.memory_space<vmem>>) target(%dma_start3A_470 : memref<10240x128xf32, #tpu.memory_space<vmem_shared>>) offsets(%dma_start3A_467 : memref<125xi32, #tpu.memory_space<vmem>>) semaphore(%arg16 : memref<!tpu.dma_semaphore, #tpu.memory_space<semaphore_mem>>) {add = true}
      %dma_wait3A_471 = arith.constant 7 : i32
      %dma_wait3A_472 = arith.constant 0 : i32
      %dma_wait3A_473 = tpu.memref_slice %arg8[%dma_wait3A_471, %dma_wait3A_472] : memref<8x125xi32, #tpu.memory_space<vmem>> -> memref<1x125xi32, #tpu.memory_space<vmem>>
      %dma_wait3A_474 = tpu.memref_squeeze %dma_wait3A_473 : memref<1x125xi32, #tpu.memory_space<vmem>> -> memref<125xi32, #tpu.memory_space<vmem>>
      %dma_wait3A_475 = arith.constant 0 : i32
      %dma_wait3A_476 = arith.constant 0 : i32
      %dma_wait3A_477 = tpu.memref_slice %arg2[%dma_wait3A_475, %dma_wait3A_476] : memref<10000x128xf32, #tpu.memory_space<hbm>> -> memref<10000x128xf32, #tpu.memory_space<hbm>>
      tpu.wait_indirect_dma semaphore(%arg15 : memref<!tpu.dma_semaphore, #tpu.memory_space<semaphore_mem>>) src(%dma_wait3A_477 : memref<10000x128xf32, #tpu.memory_space<hbm>>) dst(%arg12 : memref<125x128xf32, #tpu.memory_space<vmem>>)
      %dma_start3A_478 = arith.constant 7 : i32
      %dma_start3A_479 = arith.constant 0 : i32
      %dma_start3A_480 = tpu.memref_slice %arg10[%dma_start3A_478, %dma_start3A_479] : memref<8x125xi32, #tpu.memory_space<vmem>> -> memref<1x125xi32, #tpu.memory_space<vmem>>
      %dma_start3A_481 = tpu.memref_squeeze %dma_start3A_480 : memref<1x125xi32, #tpu.memory_space<vmem>> -> memref<125xi32, #tpu.memory_space<vmem>>
      %dma_start3A_482 = arith.constant 0 : i32
      %dma_start3A_483 = arith.constant 0 : i32
      %dma_start3A_484 = tpu.memref_slice %arg13[%dma_start3A_482, %dma_start3A_483] : memref<10240x128xf32, #tpu.memory_space<vmem_shared>> -> memref<10240x128xf32, #tpu.memory_space<vmem_shared>>
      tpu.enqueue_indirect_dma source(%arg12 : memref<125x128xf32, #tpu.memory_space<vmem>>) target(%dma_start3A_484 : memref<10240x128xf32, #tpu.memory_space<vmem_shared>>) offsets(%dma_start3A_481 : memref<125xi32, #tpu.memory_space<vmem>>) semaphore(%arg17 : memref<!tpu.dma_semaphore, #tpu.memory_space<semaphore_mem>>) {add = true}
      %dma_wait3A_485 = arith.constant 6 : i32
      %dma_wait3A_486 = arith.constant 0 : i32
      %dma_wait3A_487 = tpu.memref_slice %arg10[%dma_wait3A_485, %dma_wait3A_486] : memref<8x125xi32, #tpu.memory_space<vmem>> -> memref<1x125xi32, #tpu.memory_space<vmem>>
      %dma_wait3A_488 = tpu.memref_squeeze %dma_wait3A_487 : memref<1x125xi32, #tpu.memory_space<vmem>> -> memref<125xi32, #tpu.memory_space<vmem>>
      %dma_wait3A_489 = arith.constant 0 : i32
      %dma_wait3A_490 = arith.constant 0 : i32
      %dma_wait3A_491 = tpu.memref_slice %arg13[%dma_wait3A_489, %dma_wait3A_490] : memref<10240x128xf32, #tpu.memory_space<vmem_shared>> -> memref<10240x128xf32, #tpu.memory_space<vmem_shared>>
      tpu.wait_indirect_dma semaphore(%arg16 : memref<!tpu.dma_semaphore, #tpu.memory_space<semaphore_mem>>) src(%arg11 : memref<125x128xf32, #tpu.memory_space<vmem>>) dst(%dma_wait3A_491 : memref<10240x128xf32, #tpu.memory_space<vmem_shared>>)
      %dma_wait3A_492 = arith.constant 7 : i32
      %dma_wait3A_493 = arith.constant 0 : i32
      %dma_wait3A_494 = tpu.memref_slice %arg10[%dma_wait3A_492, %dma_wait3A_493] : memref<8x125xi32, #tpu.memory_space<vmem>> -> memref<1x125xi32, #tpu.memory_space<vmem>>
      %dma_wait3A_495 = tpu.memref_squeeze %dma_wait3A_494 : memref<1x125xi32, #tpu.memory_space<vmem>> -> memref<125xi32, #tpu.memory_space<vmem>>
      %dma_wait3A_496 = arith.constant 0 : i32
      %dma_wait3A_497 = arith.constant 0 : i32
      %dma_wait3A_498 = tpu.memref_slice %arg13[%dma_wait3A_496, %dma_wait3A_497] : memref<10240x128xf32, #tpu.memory_space<vmem_shared>> -> memref<10240x128xf32, #tpu.memory_space<vmem_shared>>
      tpu.wait_indirect_dma semaphore(%arg17 : memref<!tpu.dma_semaphore, #tpu.memory_space<semaphore_mem>>) src(%arg12 : memref<125x128xf32, #tpu.memory_space<vmem>>) dst(%dma_wait3A_498 : memref<10240x128xf32, #tpu.memory_space<vmem_shared>>)
    }
    %scan3A_16 = arith.constant 5 : i32
    %barrier3A_17 = arith.constant 0 : index
    tpu.barrier barrier_id(%barrier3A_17)
    "tpu.region"() ({
      %run_scoped3A = tpu.sem_alloc : memref<!tpu.dma_semaphore, #tpu.memory_space<semaphore_mem>>
      %dma_start3A_18 = arith.constant 0 : i32
      %dma_start3A_19 = arith.constant 0 : i32
      %dma_start3A_20 = tpu.memref_slice %arg6[%arg0, %dma_start3A_18, %dma_start3A_19] : memref<2x10240x128xf32, #tpu.memory_space<hbm>> -> memref<1x10240x128xf32, #tpu.memory_space<hbm>>
      %dma_start3A_21 = tpu.memref_squeeze %dma_start3A_20 : memref<1x10240x128xf32, #tpu.memory_space<hbm>> -> memref<10240x128xf32, #tpu.memory_space<hbm>>
      %dma_start3A_22 = arith.constant 0 : i32
      %dma_start3A_23 = tpu.memref_slice %dma_start3A_21[%mul3A_2, %dma_start3A_22] : memref<10240x128xf32, #tpu.memory_space<hbm>> -> memref<640x128xf32, #tpu.memory_space<hbm>>
      %dma_start3A_24 = arith.constant 0 : i32
      %dma_start3A_25 = tpu.memref_slice %arg13[%mul3A_2, %dma_start3A_24] : memref<10240x128xf32, #tpu.memory_space<vmem_shared>> -> memref<640x128xf32, #tpu.memory_space<vmem_shared>>
      tpu.enqueue_dma source(%dma_start3A_25 : memref<640x128xf32, #tpu.memory_space<vmem_shared>>) target(%dma_start3A_23 : memref<640x128xf32, #tpu.memory_space<hbm>>) target_semaphore(%run_scoped3A : memref<!tpu.dma_semaphore, #tpu.memory_space<semaphore_mem>>)
      %dma_wait3A = arith.constant 0 : i32
      %dma_wait3A_26 = arith.constant 0 : i32
      %dma_wait3A_27 = tpu.memref_slice %arg6[%arg0, %dma_wait3A, %dma_wait3A_26] : memref<2x10240x128xf32, #tpu.memory_space<hbm>> -> memref<1x10240x128xf32, #tpu.memory_space<hbm>>
      %dma_wait3A_28 = tpu.memref_squeeze %dma_wait3A_27 : memref<1x10240x128xf32, #tpu.memory_space<hbm>> -> memref<10240x128xf32, #tpu.memory_space<hbm>>
      %dma_wait3A_29 = arith.constant 0 : i32
      %dma_wait3A_30 = tpu.memref_slice %dma_wait3A_28[%mul3A_2, %dma_wait3A_29] : memref<10240x128xf32, #tpu.memory_space<hbm>> -> memref<640x128xf32, #tpu.memory_space<hbm>>
      %dma_wait3A_31 = arith.constant 0 : i32
      %dma_wait3A_32 = tpu.memref_slice %arg13[%mul3A_2, %dma_wait3A_31] : memref<10240x128xf32, #tpu.memory_space<vmem_shared>> -> memref<640x128xf32, #tpu.memory_space<vmem_shared>>
      tpu.wait_dma2 semaphore(%run_scoped3A : memref<!tpu.dma_semaphore, #tpu.memory_space<semaphore_mem>>) src(%dma_wait3A_32 : memref<640x128xf32, #tpu.memory_space<vmem_shared>>) dst(%dma_wait3A_30 : memref<640x128xf32, #tpu.memory_space<hbm>>)
      tpu.yield
    }) : () -> ()
    return
  }
}

module attributes {stable_mosaic.version = 14 : i64} {
  func.func @body(%arg0: i32, %arg1: memref<1000x128xf32, #tpu.memory_space<vmem>>, %arg2: memref<128x128xf32, #tpu.memory_space<vmem>>, %arg3: memref<1000x128xf32, #tpu.memory_space<vmem>>) attributes {dimension_semantics = [#tpu.dimension_semantics<arbitrary>], iteration_bounds = array<i64: 10>, scalar_prefetch = 0 : i64, scratch_operands = 0 : i64, tpu.core_type = #tpu.core_type<tc>, window_params = [{transform_indices = @transform_0, window_bounds = array<i64: 1000, 128>}, {pipeline_mode = #tpu.pipeline_mode<synchronous>, transform_indices = @transform_1, window_bounds = array<i64: 128, 128>}, {transform_indices = @transform_2, window_bounds = array<i64: 1000, 128>}]} {
    %get3A = arith.constant 0 : index
    %get3A_0 = arith.constant 0 : index
    %get3A_1 = vector.load %arg1[%get3A, %get3A_0] : memref<1000x128xf32, #tpu.memory_space<vmem>>, vector<1000x128xf32>
    %get3A_2 = arith.constant 0 : index
    %get3A_3 = arith.constant 0 : index
    %get3A_4 = vector.load %arg2[%get3A_2, %get3A_3] : memref<128x128xf32, #tpu.memory_space<vmem>>, vector<128x128xf32>
    %dot_general3A = arith.constant dense<0.000000e+00> : vector<1000x128xf32>
    %dot_general3A_5 = tpu.matmul %get3A_1, %get3A_4, %dot_general3A {dimension_numbers = #tpu.dot_dimension_numbers<[1], [0], [0], [1], [0, 0, 1, 1], [], []>, transpose_lhs_hint = false} : vector<1000x128xf32>, vector<128x128xf32>, vector<1000x128xf32> -> vector<1000x128xf32>
    %swap3A = arith.constant 0 : index
    %swap3A_6 = arith.constant 0 : index
    %swap3A_7 = vector.load %arg3[%swap3A, %swap3A_6] : memref<1000x128xf32, #tpu.memory_space<vmem>>, vector<1000x128xf32>
    tpu.vector_store %arg3[%swap3A, %swap3A_6], %dot_general3A_5 {strides = array<i32>} : memref<1000x128xf32, #tpu.memory_space<vmem>>, vector<1000x128xf32>,
    return
  }
  func.func @transform_0(%arg0: i32) -> (i32, i32) {
    %c0_i32 = arith.constant 0 : i32
    %c0_i32_0 = arith.constant 0 : i32
    return %arg0, %c0_i32 : i32, i32
  }
  func.func @transform_1(%arg0: i32) -> (i32, i32) {
    %c0_i32 = arith.constant 0 : i32
    %c0_i32_0 = arith.constant 0 : i32
    %c0_i32_1 = arith.constant 0 : i32
    return %c0_i32, %c0_i32_0 : i32, i32
  }
  func.func @transform_2(%arg0: i32) -> (i32, i32) {
    %c0_i32 = arith.constant 0 : i32
    %c0_i32_0 = arith.constant 0 : i32
    return %arg0, %c0_i32 : i32, i32
  }
}

module attributes {stable_mosaic.version = 14 : i64} {
  func.func @body(%arg0: i32, %arg1: memref<1000x128xf32, #tpu.memory_space<vmem>>, %arg2: memref<2x1000x1xf32, #tpu.memory_space<vmem>>, %arg3: memref<1000x128xf32, #tpu.memory_space<vmem>>, %arg4: memref<1000x1xf32, #tpu.memory_space<vmem>>) attributes {dimension_semantics = [#tpu.dimension_semantics<arbitrary>], iteration_bounds = array<i64: 10>, scalar_prefetch = 0 : i64, scratch_operands = 0 : i64, tpu.core_type = #tpu.core_type<tc>, window_params = [{transform_indices = @transform_0, window_bounds = array<i64: 1000, 128>}, {transform_indices = @transform_1, window_bounds = array<i64: 2, 1000, 1>}, {transform_indices = @transform_2, window_bounds = array<i64: 1000, 128>}, {transform_indices = @transform_3, window_bounds = array<i64: 1000, 1>}]} {
    %get3A = arith.constant 0 : index
    %get3A_0 = arith.constant 0 : index
    %get3A_1 = arith.constant 0 : index
    %get3A_2 = vector.load %arg2[%get3A, %get3A_0, %get3A_1] : memref<2x1000x1xf32, #tpu.memory_space<vmem>>, vector<1x1000x1xf32>
    %get3A_3 = vector.shape_cast %get3A_2 : vector<1x1000x1xf32> to vector<1000x1xf32>
    %get3A_4 = arith.constant 1 : index
    %get3A_5 = arith.constant 0 : index
    %get3A_6 = arith.constant 0 : index
    %get3A_7 = vector.load %arg2[%get3A_4, %get3A_5, %get3A_6] : memref<2x1000x1xf32, #tpu.memory_space<vmem>>, vector<1x1000x1xf32>
    %get3A_8 = vector.shape_cast %get3A_7 : vector<1x1000x1xf32> to vector<1000x1xf32>
    %add3A = arith.addf %get3A_3, %get3A_8 : vector<1000x1xf32>
    %add3A_9 = arith.constant 1.000000e+00 : f32
    %add3A_10 = vector.broadcast %add3A_9 : f32 to vector<1000x1xf32>
    %add3A_11 = arith.addf %add3A, %add3A_10 : vector<1000x1xf32>
    %rsqrt3A = math.rsqrt %add3A_11 : vector<1000x1xf32>
    %get3A_12 = arith.constant 0 : index
    %get3A_13 = arith.constant 0 : index
    %get3A_14 = vector.load %arg1[%get3A_12, %get3A_13] : memref<1000x128xf32, #tpu.memory_space<vmem>>, vector<1000x128xf32>
    %mul3A = vector.broadcast %rsqrt3A : vector<1000x1xf32> to vector<1000x128xf32>
    %mul3A_15 = arith.mulf %mul3A, %get3A_14 : vector<1000x128xf32>
    %swap3A = arith.constant 0 : index
    %swap3A_16 = arith.constant 0 : index
    %swap3A_17 = vector.load %arg3[%swap3A, %swap3A_16] : memref<1000x128xf32, #tpu.memory_space<vmem>>, vector<1000x128xf32>
    tpu.vector_store %arg3[%swap3A, %swap3A_16], %mul3A_15 {strides = array<i32>} : memref<1000x128xf32, #tpu.memory_space<vmem>>, vector<1000x128xf32>,
    %swap3A_18 = arith.constant 0 : index
    %swap3A_19 = arith.constant 0 : index
    %swap3A_20 = vector.load %arg4[%swap3A_18, %swap3A_19] : memref<1000x1xf32, #tpu.memory_space<vmem>>, vector<1000x1xf32>
    tpu.vector_store %arg4[%swap3A_18, %swap3A_19], %rsqrt3A {strides = array<i32>} : memref<1000x1xf32, #tpu.memory_space<vmem>>, vector<1000x1xf32>,
    return
  }
  func.func @transform_0(%arg0: i32) -> (i32, i32) {
    %c0_i32 = arith.constant 0 : i32
    %c0_i32_0 = arith.constant 0 : i32
    return %arg0, %c0_i32 : i32, i32
  }
  func.func @transform_1(%arg0: i32) -> (i32, i32, i32) {
    %c0_i32 = arith.constant 0 : i32
    %c0_i32_0 = arith.constant 0 : i32
    %c0_i32_1 = arith.constant 0 : i32
    return %c0_i32, %arg0, %c0_i32_0 : i32, i32, i32
  }
  func.func @transform_2(%arg0: i32) -> (i32, i32) {
    %c0_i32 = arith.constant 0 : i32
    %c0_i32_0 = arith.constant 0 : i32
    return %arg0, %c0_i32 : i32, i32
  }
  func.func @transform_3(%arg0: i32) -> (i32, i32) {
    %c0_i32 = arith.constant 0 : i32
    %c0_i32_0 = arith.constant 0 : i32
    return %arg0, %c0_i32 : i32, i32
  }
}

module attributes {stable_mosaic.version = 14 : i64} {
  func.func @body(%arg0: i32, %arg1: memref<2x1000x128xf32, #tpu.memory_space<vmem>>, %arg2: memref<1000x128xf32, #tpu.memory_space<vmem>>, %arg3: memref<1000x1xf32, #tpu.memory_space<vmem>>, %arg4: memref<1x128xf32, #tpu.memory_space<vmem>>, %arg5: memref<128x64xf32, #tpu.memory_space<vmem>>, %arg6: memref<64x1xf32, #tpu.memory_space<vmem>>, %arg7: memref<1000x1xf32, #tpu.memory_space<vmem>>) attributes {dimension_semantics = [#tpu.dimension_semantics<arbitrary>], iteration_bounds = array<i64: 10>, scalar_prefetch = 0 : i64, scratch_operands = 0 : i64, tpu.core_type = #tpu.core_type<tc>, window_params = [{transform_indices = @transform_0, window_bounds = array<i64: 2, 1000, 128>}, {transform_indices = @transform_1, window_bounds = array<i64: 1000, 128>}, {transform_indices = @transform_2, window_bounds = array<i64: 1000, 1>}, {pipeline_mode = #tpu.pipeline_mode<synchronous>, transform_indices = @transform_3, window_bounds = array<i64: 1, 128>}, {pipeline_mode = #tpu.pipeline_mode<synchronous>, transform_indices = @transform_4, window_bounds = array<i64: 128, 64>}, {pipeline_mode = #tpu.pipeline_mode<synchronous>, transform_indices = @transform_5, window_bounds = array<i64: 64, 1>}, {transform_indices = @transform_6, window_bounds = array<i64: 1000, 1>}]} {
    %get3A = arith.constant 0 : index
    %get3A_0 = arith.constant 0 : index
    %get3A_1 = arith.constant 0 : index
    %get3A_2 = vector.load %arg1[%get3A, %get3A_0, %get3A_1] : memref<2x1000x128xf32, #tpu.memory_space<vmem>>, vector<1x1000x128xf32>
    %get3A_3 = vector.shape_cast %get3A_2 : vector<1x1000x128xf32> to vector<1000x128xf32>
    %get3A_4 = arith.constant 1 : index
    %get3A_5 = arith.constant 0 : index
    %get3A_6 = arith.constant 0 : index
    %get3A_7 = vector.load %arg1[%get3A_4, %get3A_5, %get3A_6] : memref<2x1000x128xf32, #tpu.memory_space<vmem>>, vector<1x1000x128xf32>
    %get3A_8 = vector.shape_cast %get3A_7 : vector<1x1000x128xf32> to vector<1000x128xf32>
    %add3A = arith.addf %get3A_3, %get3A_8 : vector<1000x128xf32>
    %get3A_9 = arith.constant 0 : index
    %get3A_10 = arith.constant 0 : index
    %get3A_11 = vector.load %arg2[%get3A_9, %get3A_10] : memref<1000x128xf32, #tpu.memory_space<vmem>>, vector<1000x128xf32>
    %add3A_12 = arith.addf %add3A, %get3A_11 : vector<1000x128xf32>
    %get3A_13 = arith.constant 0 : index
    %get3A_14 = arith.constant 0 : index
    %get3A_15 = vector.load %arg3[%get3A_13, %get3A_14] : memref<1000x1xf32, #tpu.memory_space<vmem>>, vector<1000x1xf32>
    %mul3A = vector.broadcast %get3A_15 : vector<1000x1xf32> to vector<1000x128xf32>
    %mul3A_16 = arith.mulf %mul3A, %add3A_12 : vector<1000x128xf32>
    %get3A_17 = arith.constant 0 : index
    %get3A_18 = arith.constant 0 : index
    %get3A_19 = vector.load %arg4[%get3A_17, %get3A_18] : memref<1x128xf32, #tpu.memory_space<vmem>>, vector<1x128xf32>
    %add3A_20 = vector.broadcast %get3A_19 : vector<1x128xf32> to vector<1000x128xf32>
    %add3A_21 = arith.addf %mul3A_16, %add3A_20 : vector<1000x128xf32>
    %max3A = arith.constant 0.000000e+00 : f32
    %max3A_22 = vector.broadcast %max3A : f32 to vector<1000x128xf32>
    %max3A_23 = arith.maximumf %add3A_21, %max3A_22 : vector<1000x128xf32>
    %get3A_24 = arith.constant 0 : index
    %get3A_25 = arith.constant 0 : index
    %get3A_26 = vector.load %arg5[%get3A_24, %get3A_25] : memref<128x64xf32, #tpu.memory_space<vmem>>, vector<128x64xf32>
    %get3A_27 = arith.constant 0 : index
    %get3A_28 = arith.constant 0 : index
    %get3A_29 = vector.load %arg6[%get3A_27, %get3A_28] : memref<64x1xf32, #tpu.memory_space<vmem>>, vector<64x1xf32>
    %dot_general3A = arith.constant dense<0.000000e+00> : vector<128x1xf32>
    %dot_general3A_30 = tpu.matmul %get3A_26, %get3A_29, %dot_general3A {dimension_numbers = #tpu.dot_dimension_numbers<[1], [0], [0], [1], [0, 0, 1, 1], [], []>, transpose_lhs_hint = false} : vector<128x64xf32>, vector<64x1xf32>, vector<128x1xf32> -> vector<128x1xf32>
    %dot_general3A_31 = arith.constant dense<0.000000e+00> : vector<1000x1xf32>
    %dot_general3A_32 = tpu.matmul %max3A_23, %dot_general3A_30, %dot_general3A_31 {dimension_numbers = #tpu.dot_dimension_numbers<[1], [0], [0], [1], [0, 0, 1, 1], [], []>, transpose_lhs_hint = false} : vector<1000x128xf32>, vector<128x1xf32>, vector<1000x1xf32> -> vector<1000x1xf32>
    %get3A_33 = arith.constant 0 : index
    %get3A_34 = arith.constant 0 : index
    %get3A_35 = vector.load %arg3[%get3A_33, %get3A_34] : memref<1000x1xf32, #tpu.memory_space<vmem>>, vector<1000x1xf32>
    %mul3A_36 = arith.mulf %get3A_35, %dot_general3A_32 : vector<1000x1xf32>
    %swap3A = arith.constant 0 : index
    %swap3A_37 = arith.constant 0 : index
    %swap3A_38 = vector.load %arg7[%swap3A, %swap3A_37] : memref<1000x1xf32, #tpu.memory_space<vmem>>, vector<1000x1xf32>
    tpu.vector_store %arg7[%swap3A, %swap3A_37], %mul3A_36 {strides = array<i32>} : memref<1000x1xf32, #tpu.memory_space<vmem>>, vector<1000x1xf32>,
    return
  }
  func.func @transform_0(%arg0: i32) -> (i32, i32, i32) {
    %c0_i32 = arith.constant 0 : i32
    %c0_i32_0 = arith.constant 0 : i32
    %c0_i32_1 = arith.constant 0 : i32
    return %c0_i32, %arg0, %c0_i32_0 : i32, i32, i32
  }
  func.func @transform_1(%arg0: i32) -> (i32, i32) {
    %c0_i32 = arith.constant 0 : i32
    %c0_i32_0 = arith.constant 0 : i32
    return %arg0, %c0_i32 : i32, i32
  }
  func.func @transform_2(%arg0: i32) -> (i32, i32) {
    %c0_i32 = arith.constant 0 : i32
    %c0_i32_0 = arith.constant 0 : i32
    return %arg0, %c0_i32 : i32, i32
  }
  func.func @transform_3(%arg0: i32) -> (i32, i32) {
    %c0_i32 = arith.constant 0 : i32
    %c0_i32_0 = arith.constant 0 : i32
    %c0_i32_1 = arith.constant 0 : i32
    return %c0_i32, %c0_i32_0 : i32, i32
  }
  func.func @transform_4(%arg0: i32) -> (i32, i32) {
    %c0_i32 = arith.constant 0 : i32
    %c0_i32_0 = arith.constant 0 : i32
    %c0_i32_1 = arith.constant 0 : i32
    return %c0_i32, %c0_i32_0 : i32, i32
  }
  func.func @transform_5(%arg0: i32) -> (i32, i32) {
    %c0_i32 = arith.constant 0 : i32
    %c0_i32_0 = arith.constant 0 : i32
    %c0_i32_1 = arith.constant 0 : i32
    return %c0_i32, %c0_i32_0 : i32, i32
  }
  func.func @transform_6(%arg0: i32) -> (i32, i32) {
    %c0_i32 = arith.constant 0 : i32
    %c0_i32_0 = arith.constant 0 : i32
    return %arg0, %c0_i32 : i32, i32
  }
}

module attributes {stable_mosaic.version = 14 : i64} {
  func.func @body(%arg0: i32, %arg1: memref<2x1000x1xf32, #tpu.memory_space<vmem>>, %arg2: memref<1000x1xf32, #tpu.memory_space<vmem>>, %arg3: memref<1000x1xf32, #tpu.memory_space<vmem>>, %arg4: memref<1x64xf32, #tpu.memory_space<vmem>>, %arg5: memref<64x1xf32, #tpu.memory_space<vmem>>, %arg6: memref<1x1xf32, #tpu.memory_space<vmem>>, %arg7: memref<1000x1xf32, #tpu.memory_space<vmem>>) attributes {dimension_semantics = [#tpu.dimension_semantics<arbitrary>], iteration_bounds = array<i64: 10>, scalar_prefetch = 0 : i64, scratch_operands = 0 : i64, tpu.core_type = #tpu.core_type<tc>, window_params = [{transform_indices = @transform_0, window_bounds = array<i64: 2, 1000, 1>}, {transform_indices = @transform_1, window_bounds = array<i64: 1000, 1>}, {transform_indices = @transform_2, window_bounds = array<i64: 1000, 1>}, {pipeline_mode = #tpu.pipeline_mode<synchronous>, transform_indices = @transform_3, window_bounds = array<i64: 1, 64>}, {pipeline_mode = #tpu.pipeline_mode<synchronous>, transform_indices = @transform_4, window_bounds = array<i64: 64, 1>}, {pipeline_mode = #tpu.pipeline_mode<synchronous>, transform_indices = @transform_5, window_bounds = array<i64: 1, 1>}, {transform_indices = @transform_6, window_bounds = array<i64: 1000, 1>}]} {
    %get3A = arith.constant 0 : index
    %get3A_0 = arith.constant 0 : index
    %get3A_1 = vector.load %arg3[%get3A, %get3A_0] : memref<1000x1xf32, #tpu.memory_space<vmem>>, vector<1000x1xf32>
    %get3A_2 = arith.constant 0 : index
    %get3A_3 = arith.constant 0 : index
    %get3A_4 = arith.constant 0 : index
    %get3A_5 = vector.load %arg1[%get3A_2, %get3A_3, %get3A_4] : memref<2x1000x1xf32, #tpu.memory_space<vmem>>, vector<1x1000x1xf32>
    %get3A_6 = vector.shape_cast %get3A_5 : vector<1x1000x1xf32> to vector<1000x1xf32>
    %get3A_7 = arith.constant 1 : index
    %get3A_8 = arith.constant 0 : index
    %get3A_9 = arith.constant 0 : index
    %get3A_10 = vector.load %arg1[%get3A_7, %get3A_8, %get3A_9] : memref<2x1000x1xf32, #tpu.memory_space<vmem>>, vector<1x1000x1xf32>
    %get3A_11 = vector.shape_cast %get3A_10 : vector<1x1000x1xf32> to vector<1000x1xf32>
    %add3A = arith.addf %get3A_6, %get3A_11 : vector<1000x1xf32>
    %get3A_12 = arith.constant 0 : index
    %get3A_13 = arith.constant 0 : index
    %get3A_14 = vector.load %arg2[%get3A_12, %get3A_13] : memref<1000x1xf32, #tpu.memory_space<vmem>>, vector<1000x1xf32>
    %add3A_15 = arith.addf %add3A, %get3A_14 : vector<1000x1xf32>
    %mul3A = arith.mulf %get3A_1, %add3A_15 : vector<1000x1xf32>
    %get3A_16 = arith.constant 0 : index
    %get3A_17 = arith.constant 0 : index
    %get3A_18 = vector.load %arg4[%get3A_16, %get3A_17] : memref<1x64xf32, #tpu.memory_space<vmem>>, vector<1x64xf32>
    %get3A_19 = arith.constant 0 : index
    %get3A_20 = arith.constant 0 : index
    %get3A_21 = vector.load %arg5[%get3A_19, %get3A_20] : memref<64x1xf32, #tpu.memory_space<vmem>>, vector<64x1xf32>
    %dot_general3A = arith.constant dense<0.000000e+00> : vector<1x1xf32>
    %dot_general3A_22 = tpu.matmul %get3A_18, %get3A_21, %dot_general3A {dimension_numbers = #tpu.dot_dimension_numbers<[1], [0], [0], [1], [0, 0, 1, 1], [], []>, transpose_lhs_hint = false} : vector<1x64xf32>, vector<64x1xf32>, vector<1x1xf32> -> vector<1x1xf32>
    %get3A_23 = arith.constant 0 : index
    %get3A_24 = arith.constant 0 : index
    %get3A_25 = vector.load %arg6[%get3A_23, %get3A_24] : memref<1x1xf32, #tpu.memory_space<vmem>>, vector<1x1xf32>
    %add3A_26 = arith.addf %dot_general3A_22, %get3A_25 : vector<1x1xf32>
    %add3A_27 = vector.broadcast %add3A_26 : vector<1x1xf32> to vector<1000x1xf32>
    %add3A_28 = arith.addf %mul3A, %add3A_27 : vector<1000x1xf32>
    %logistic3A = arith.negf %add3A_28 : vector<1000x1xf32>
    %logistic3A_29 = math.exp %logistic3A : vector<1000x1xf32>
    %logistic3A_30 = arith.constant 1.000000e+00 : f32
    %logistic3A_31 = vector.broadcast %logistic3A_30 : f32 to vector<1000x1xf32>
    %logistic3A_32 = arith.addf %logistic3A_31, %logistic3A_29 : vector<1000x1xf32>
    %logistic3A_33 = arith.divf %logistic3A_31, %logistic3A_32 : vector<1000x1xf32>
    %swap3A = arith.constant 0 : index
    %swap3A_34 = arith.constant 0 : index
    %swap3A_35 = vector.load %arg7[%swap3A, %swap3A_34] : memref<1000x1xf32, #tpu.memory_space<vmem>>, vector<1000x1xf32>
    tpu.vector_store %arg7[%swap3A, %swap3A_34], %logistic3A_33 {strides = array<i32>} : memref<1000x1xf32, #tpu.memory_space<vmem>>, vector<1000x1xf32>,
    return
  }
  func.func @transform_0(%arg0: i32) -> (i32, i32, i32) {
    %c0_i32 = arith.constant 0 : i32
    %c0_i32_0 = arith.constant 0 : i32
    %c0_i32_1 = arith.constant 0 : i32
    return %c0_i32, %arg0, %c0_i32_0 : i32, i32, i32
  }
  func.func @transform_1(%arg0: i32) -> (i32, i32) {
    %c0_i32 = arith.constant 0 : i32
    %c0_i32_0 = arith.constant 0 : i32
    return %arg0, %c0_i32 : i32, i32
  }
  func.func @transform_2(%arg0: i32) -> (i32, i32) {
    %c0_i32 = arith.constant 0 : i32
    %c0_i32_0 = arith.constant 0 : i32
    return %arg0, %c0_i32 : i32, i32
  }
  func.func @transform_3(%arg0: i32) -> (i32, i32) {
    %c0_i32 = arith.constant 0 : i32
    %c0_i32_0 = arith.constant 0 : i32
    %c0_i32_1 = arith.constant 0 : i32
    return %c0_i32, %c0_i32_0 : i32, i32
  }
  func.func @transform_4(%arg0: i32) -> (i32, i32) {
    %c0_i32 = arith.constant 0 : i32
    %c0_i32_0 = arith.constant 0 : i32
    %c0_i32_1 = arith.constant 0 : i32
    return %c0_i32, %c0_i32_0 : i32, i32
  }
  func.func @transform_5(%arg0: i32) -> (i32, i32) {
    %c0_i32 = arith.constant 0 : i32
    %c0_i32_0 = arith.constant 0 : i32
    %c0_i32_1 = arith.constant 0 : i32
    return %c0_i32, %c0_i32_0 : i32, i32
  }
  func.func @transform_6(%arg0: i32) -> (i32, i32) {
    %c0_i32 = arith.constant 0 : i32
    %c0_i32_0 = arith.constant 0 : i32
    return %arg0, %c0_i32 : i32, i32
  }
}

</mosaic_0001>

<sc_bundles>
// kernel: kernel.12.cloned.1.call-start
scs
__scs_entry_jumppad:
0x0: {  	(pc) =	sbr.rel $0x88, $3  }
0x1: {  	(tag) =	ssettag $0x0;
	lr =	simm.s32 $0x1  }
0x2: {  	[smem:$0x3F99] =	sst lr;
	_ =	strace $0xD0000000  }
0x3: {  	_ = 	snop  }
0x4: {  	_ = 	snop  }
0x5: {  	_ = 	snop  }
0x6: {  	_ = 	snop  }
0x7: {  	_ = 	snop  }
__scs_overlays_trampoline_lowered:
0x8: {  	[smem:$0x3FA8] =	sst s0  }
0x9: {  	[smem:$0x3FA9] =	sst s1  }
0xa: {  	[smem:$0x3FAA] =	sst s2  }
0xb: {  	[smem:$0x3FAB] =	sst s3  }
0xc: {  	[smem:$0x3FAC] =	sst s4  }
0xd: {  	[smem:$0x3FAD] =	sst s5  }
0xe: {  	[smem:$0x3FAE] =	sst s6  }
0xf: {  	[smem:$0x3FAF] =	sst s7  }
0x10: {  	[smem:$0x3FB0] =	sst s8  }
0x11: {  	[smem:$0x3FB1] =	sst s9;
	s0 =	simm.s32 @!p0 $0x0  }
0x12: {  	s1 =	sld [smem:$0x3F97];
	s0 =	simm.s32 @p0 $0x1  }
0x13: {  	[smem:$0x3FB2] =	sst s0;
	s0 =	simm.s32 @!p1 $0x0  }
0x14: {  	s2 =	sld [smem:$0x3F96];
	s0 =	simm.s32 @p1 $0x1  }
0x15: {  	[smem:$0x3FB3] =	sst s0;
	s0 =	simm.s32 @!p2 $0x0  }
0x16: {  	s3 =	sld [smem:$0x3FDB];
	s0 =	simm.s32 @p2 $0x1  }
0x17: {  	s4 =	simm.s32 $0x1BF5;
	[smem:$0x3FB5] =	sst s0  }
0x18: {  	s0 =	sld [smem:$0x3F98];
	_ =	swait.ge [sflag:s4], $0x0  }
0x19: {  	s7 =	sld [smem:$0x3F99]  }
0x1a: {  	s8 =	sadd.s32 $0xFFFFE003, lr  }
0x1b: {  	s9 =	sadd.s32 $0xFFFFFEF7, lr;
	s5 =	simm.s32 $0xFFFFFFFF;
	p2 =	slt.u32 s8, $0xFFFFF086  }
0x1c: {  	p1 =	slt.u32 s9, $0xF7A;
	s5 =	simm.s32 @!p2 $0x0  }
0x1d: {  	s5 =	simm.s32 @p1 $0x1;
	p0 =	seq.s32 s7, s2  }
0x1e: {  	s7 =	smul.u32 @!p0 $0xF7A, s2;
	p2 =	seq.s32 @!p0 s5, $0x0  }
0x1f: {  	s9 =	smul.u32 $0xF7A, s1;
	s8 =	simm.s32 @!p0 $0x1BF5;
	p2 =	por !p2, p0  }
0x20: {  	[sflag:s8] =	ssyncset.s32 @!p0 $0xFFFFF086;
	s6 =	sadd.s32 @!p0 s3, s7;
	s7 =	simm.s32 @!p0 $0x108  }
0x21: {  	s3 =	sadd.s32 s3, s9;
	s6 =	sadd.s32 @!p0 $0x88, s6;
	s7 =	simm.s32 @p2 $0x1082  }
0x22: {  	[simem:s7], [sflag:s8] =	dma.local @!p0 [hbm:s6], $0xF7A  }
0x23: {  	s9 =	sor.u32 $0xD0000000, s2;
	s6 =	simm.s32 $0x108;
	_ =	swait.ge @!p0 [sflag:s8], $0x0  }
0x24: {  	s3 =	sadd.s32 $0x88, s3;
	s6 =	simm.s32 @!p1 $0x1082;
	[sflag:s4] =	ssyncset.s32 $0xFFFFF086  }
0x25: {  	[simem:s6], [sflag:s4] =	dma.local [hbm:s3], $0xF7A  }
0x26: {  	[smem:$0x3F99] =	sst s1;
	(tag) =	ssettag s2;
	_ =	strace s9  }
0x27: {  	s1 =	sld [smem:$0x3FA9]  }
0x28: {  	s2 =	sld [smem:$0x3FAA]  }
0x29: {  	s4 =	sld [smem:$0x3FAC]  }
0x2a: {  	p0 =	seq.s32 s5, $0x0;
	s5 =	sld [smem:$0x3FAD]  }
0x2b: {  	s6 =	sld [smem:$0x3FAE]  }
0x2c: {  	s7 =	sld [smem:$0x3FAF]  }
0x2d: {  	s3 =	simm.s32 $0x108;
	s8 =	sld [smem:$0x3FB0]  }
0x2e: {  	s3 =	simm.s32 @!p0 $0x1082;
	s9 =	sld [smem:$0x3FB1]  }
0x2f: {  	lr =	sadd.s32 s0, s3;
	s0 =	sld [smem:$0x3FA8]  }
0x30: {  	s3 =	sld [smem:$0x3FAB]  }
0x31: {  	[smem:$0x3FB4] =	sst s10  }
0x32: {  	s10 =	sld [smem:$0x3FB2];
	_ =	sdelay $0x3  }
0x33: {  	p0 =	seq.s32 s10, $0x1;
	s10 =	sld [smem:$0x3FB4];
	_ =	sdelay $0x3  }
0x34: {  	[smem:$0x3FB4] =	sst s10  }
0x35: {  	s10 =	sld [smem:$0x3FB3];
	_ =	sdelay $0x3  }
0x36: {  	p1 =	seq.s32 s10, $0x1;
	s10 =	sld [smem:$0x3FB4];
	_ =	sdelay $0x3  }
0x37: {  	[smem:$0x3FB4] =	sst s10  }
0x38: {  	s10 =	sld [smem:$0x3FB5]  }
0x39: {  	_ = 	snop;
	(pc) =	sbr.ind lr, $3  }
0x3a: {  	_ = 	snop  }
0x3b: {  	_ = 	snop  }
0x3c: {  	p2 =	seq.s32 s10, $0x1;
	s10 =	sld [smem:$0x3FB4]  }
0x3d: {  	_ =	shalt  }
0x3e: {  	_ =	shalt  }
0x3f: {  	_ =	shalt  }
0x40: {  	_ =	shalt  }
0x41: {  	_ =	shalt  }
0x42: {  	_ =	shalt  }
0x43: {  	_ =	shalt  }
0x44: {  	_ =	shalt  }
0x45: {  	_ =	shalt  }
0x46: {  	_ =	shalt  }
0x47: {  	_ =	shalt  }
0x48: {  	_ =	shalt  }
0x49: {  	_ =	shalt  }
0x4a: {  	_ =	shalt  }
0x4b: {  	_ =	shalt  }
0x4c: {  	_ =	shalt  }
0x4d: {  	_ =	shalt  }
0x4e: {  	_ =	shalt  }
0x4f: {  	_ =	shalt  }
0x50: {  	_ =	shalt  }
0x51: {  	_ =	shalt  }
0x52: {  	_ =	shalt  }
0x53: {  	_ =	shalt  }
0x54: {  	_ =	shalt  }
0x55: {  	_ =	shalt  }
0x56: {  	_ =	shalt  }
0x57: {  	_ =	shalt  }
0x58: {  	_ =	shalt  }
0x59: {  	_ =	shalt  }
0x5a: {  	_ =	shalt  }
0x5b: {  	_ =	shalt  }
0x5c: {  	_ =	shalt  }
0x5d: {  	_ =	shalt  }
0x5e: {  	_ =	shalt  }
0x5f: {  	_ =	shalt  }
0x60: {  	_ =	shalt  }
0x61: {  	_ =	shalt  }
0x62: {  	_ =	shalt  }
0x63: {  	_ =	shalt  }
0x64: {  	_ =	shalt  }
0x65: {  	_ =	shalt  }
0x66: {  	_ =	shalt  }
0x67: {  	_ =	shalt  }
0x68: {  	_ =	shalt  }
0x69: {  	_ =	shalt  }
0x6a: {  	_ =	shalt  }
0x6b: {  	_ =	shalt  }
0x6c: {  	_ =	shalt  }
0x6d: {  	_ =	shalt  }
0x6e: {  	_ =	shalt  }
0x6f: {  	_ =	shalt  }
0x70: {  	_ =	shalt  }
0x71: {  	_ =	shalt  }
0x72: {  	_ =	shalt  }
0x73: {  	_ =	shalt  }
0x74: {  	_ =	shalt  }
0x75: {  	_ =	shalt  }
0x76: {  	_ =	shalt  }
0x77: {  	_ =	shalt  }
0x78: {  	_ =	shalt  }
0x79: {  	_ =	shalt  }
0x7a: {  	_ =	shalt  }
0x7b: {  	_ =	shalt  }
0x7c: {  	_ =	shalt  }
0x7d: {  	_ =	shalt  }
0x7e: {  	_ =	shalt  }
0x7f: {  	_ =	shalt  }
0x80: {  	_ =	shalt  }
0x81: {  	_ =	shalt  }
0x82: {  	_ =	shalt  }
0x83: {  	_ =	shalt  }
0x84: {  	_ =	shalt  }
0x85: {  	_ =	shalt  }
0x86: {  	_ =	shalt  }
0x87: {  	_ =	shalt  }
.Lfunc_end0:
.L_simem_size_0:
called_computation.1_lowered:
.L_overlay_start_0:
0x88: {  	s2 =	sld [smem:$0x3FD9]  }
0x89: {  	s3 =	sld [smem:$0x3FFE];
	_ =	sdelay $0x1  }
0x8a: {  	s1 =	srdreg.scid  }
0x8b: {  	s0 =	sand.u32 $0x1, s1  }
0x8c: {  	s16 =	sshll.u32 s0, $0xA;
	s2 =	sadd.s32 s3, s2  }
0x8d: {  	s2 =	sadd.s32 s2, s16  }
0x8e: {  	[smem:$0x3FC0] =	sst s2  }
0x8f: {  	_ = 	snop  }
0x90: {  	(tm) =	ssettm $0x1  }
0x91: {  	s17 =	sld [smem:$0x3FFB];
	_ =	sdelay $0x3  }
0x92: {  	_ =	strace s17  }
0x93: {  	s2 =	sld [smem:$0x3FFC];
	_ =	sdelay $0x3  }
0x94: {  	_ =	strace s2  }
0x95: {  	s2 =	sld [smem:$0x3FFD];
	_ =	sdelay $0x3  }
0x96: {  	_ =	strace s2  }
0x97: {  	_ =	strace $0x8FFFFFFF  }
0x98: {  	s18 =	sld [smem:$0x3FDB];
	_ =	sdelay $0x1  }
0x99: {  	s19 =	simm.s32 $_scs_section_size  }
0x9a: {  	s4 =	simm.s32 $_size__tile_overlayer_lowered;
	s5 =	simm.s32 $_tile_overlayer_lowered  }
0x9b: {  	s22 =	simm.s32 $0x1BFF;
	s21 =	sshll.u32 s5, $0x1;
	s2 =	sadd.s32 s19, s18  }
0x9c: {  	s6 =	simm.s32 $0x0;
	s20 =	sshll.u32 s4, $0x1;
	s4 =	sadd.s32 s21, s2  }
0x9d: {  	[timem:s6], [sflag:s22] =	dma.local [hbm:s4], s20  }
0x9e: {  	_ =	swait.ge [sflag:s22], s20  }
0x9f: {  	s3 =	ssub.s32 $0x0, s20;
	[sflag:s22] =	ssyncset.done $0x0  }
0xa0: {  	[sflag:s22] =	ssyncadd.s32 s3;
	_ =	sdelay $0x1  }
0xa1: {  	s23 =	simm.s32 $0x1B8B  }
0xa2: {  	_ =	swait.ge [sflag:s23], $0x1  }
0xa3: {  	[sflag:s23] =	ssyncset.done $0x0  }
0xa4: {  	s25 =	simm.s32 $0x1B8E;
	s24 =	sld [smem:$0x3FFE];
	[sflag:s23] =	ssyncadd.s32 $0xFFFFFFFF  }
0xa5: {  	s26 =	simm.s32 $execute0_lowered;
	[smem:$0x3FD2] =	sst s25  }
0xa6: {  	s4 =	sshll.u32 s26, $0x1;
	_ =	strace $0x80000049;
	[dreg:$0x1] =	wrdreg $0xFFFFFFFF  }
0xa7: {  	s28 =	simm.s32 $_size_execute0_lowered;
	s2 =	sadd.s32 s2, s4;
	[dreg:$0x0] =	wrdreg $0x0  }
0xa8: {  	s4 =	sshll.u32 s28, $0x1;
	[dreg:$0x2] =	wrdreg s2  }
0xa9: {  	[dreg:$0x3] =	wrdreg s4  }
0xaa: {  	[dreg:$0x4] =	wrdreg $0xC0  }
0xab: {  	_ =	task [dreg:s6], $0x5FFFF  }
0xac: {  	[dreg:$0x1] =	wrdreg $0xFFFFFFFF  }
0xad: {  	[dreg:$0x0] =	wrdreg $0x60  }
0xae: {  	[dreg:$0x2] =	wrdreg s24  }
0xaf: {  	[dreg:$0x3] =	wrdreg $0x90000  }
0xb0: {  	[dreg:$0x4] =	wrdreg $0x9  }
0xb1: {  	_ =	task.clear_ibuf [dreg:s6], $0x5FFFF;
	_ =	strace $0x90000049  }
0xb2: {  	s29 =	simm.s32 $0x9;
	_ =	strace $0x8000004B  }
0xb3: {  	_ =	swait.ge [sflag:s29], $0x1  }
0xb4: {  	[sflag:s29] =	ssyncadd.s32 $0xFFFFFFFF  }
0xb5: {  	_ =	strace $0x9000004B  }
0xb6: {  	_ =	sfence  }
0xb7: {  	s30 =	sld [smem:$0x0];
	_ =	sdelay $0x2  }
0xb8: {  	s31 =	sshll.u32 s1, $0xD;
	s1 =	sshrl.u32 s1, $0x2  }
0xb9: {  	s3 =	sand.u32 $0x4000, s31;
	s1 =	sadd.s32 s1, s30  }
0xba: {  	s0 =	sor.u32 s3, s0;
	s1 =	sshll.u32 s1, $0x11  }
0xbb: {  	s0 =	sor.u32 s1, s0  }
0xbc: {  	s0 =	sadd.s32 $0x8F2B, s0  }
0xbd: {  	[sflag:s0] =	ssyncadd.remote.s32 $0x1  }
0xbe: {  	_ =	sfence.sel $0xFFFF  }
0xbf: {  	[dreg:$0x0] =	wrdreg $0xFFFFFFFF;
	(pc) =	sbr.abs _section_cstart, $3  }
0xc0: {  	[dreg:$0x1] =	wrdreg $0xFFFFFFFF  }
0xc1: {  	_ =	task.clear_ibuf [dreg:s6], $0x2FFFF;
	_ =	strace $0x9FFFFFFF  }
0xc2: {  	(tm) =	ssettm $0x7FFFFFFF  }
0xc3: {  	_ =	shalt  }
tec
execute0_lowered:
.L_overlay_start_1:
0x0: {  	(tag) =	ssettag $0x1  }
0x1: {  	s0 =	rddreg [dreg:$0x0]  }
0x2: {  	s1 =	rddreg [dreg:$0x1];
	s2 =	simm.s32 $0x0;
	s3 =	srdreg.scid  }
0x3: {  	s12 =	stileid.u32;
	s13 =	simm.s32 $0x80;
	s14 =	simm.s32 $0x100  }
0x4: {  	s15 =	simm.s32 $0x880;
	[smem:$0x7FF] =	sst s2;
	s10 =	sadd.s32 $0x3DA00, s0  }
0x5: {  	s16 =	simm.s32 $0x180;
	_ =	strace $0x8000004A;
	[dreg:$0x1b] =	wrdreg s10  }
0x6: {  	s18 =	simm.s32 $0x900;
	s19 =	simm.s32 $0x200;
	[dreg:$0x3] =	wrdreg s13  }
0x7: {  	s20 =	simm.s32 $0x980;
	s21 =	simm.s32 $0x280;
	[dreg:$0x4] =	wrdreg s14  }
0x8: {  	s23 =	simm.s32 $0xA00;
	s25 =	simm.s32 $0x300;
	[dreg:$0x5] =	wrdreg s15  }
0x9: {  	s28 =	simm.s32 $0xE80;
	s29 =	simm.s32 $0x780;
	[dreg:$0x6] =	wrdreg s16  }
0xa: {  	s30 =	simm.s32 $0xF00;
	s31 =	simm.s32 $0xF80;
	[dreg:$0x7] =	wrdreg s18  }
0xb: {  	s4 =	sadd.s32 $0x16800, s0;
	s5 =	sadd.s32 $0xC800, s0;
	[dreg:$0x8] =	wrdreg s19  }
0xc: {  	s3 =	sand.u32 $0x1, s3;
	s6 =	sshll.u32 s12, $0x1;
	[dreg:$0x9] =	wrdreg s20  }
0xd: {  	s11 =	sadd.s32 $0x1C00, s0;
	s24 =	smul.u32 $0x2800, s12;
	[dreg:$0xa] =	wrdreg s21  }
0xe: {  	s17 =	sshll.u32 s12, $0x6;
	s7 =	smul.u32 $0x28000, s3;
	[dreg:$0xb] =	wrdreg s23  }
0xf: {  	s8 =	ssub.s32 $0x2, s3;
	[dreg:$0xc] =	wrdreg s25;
	s15 =	simm.s32 $0xB80  }
0x10: {  	s6 =	sor.u32 s3, s6;
	s16 =	simm.s32 $0x480;
	[dreg:$0x10] =	wrdreg s15  }
0x11: {  	s3 =	smul.u32 $0x500, s3;
	s18 =	simm.s32 $0xC80;
	[dreg:$0x11] =	wrdreg s16  }
0x12: {  	s19 =	simm.s32 $0x580;
	s20 =	simm.s32 $0xD00;
	[dreg:$0x13] =	wrdreg s18  }
0x13: {  	s21 =	simm.s32 $0x600;
	s23 =	simm.s32 $0x680;
	[dreg:$0x14] =	wrdreg s19  }
0x14: {  	s25 =	simm.s32 $0xE00;
	s9 =	sshrl.u32 s8, $0x1;
	[dreg:$0x15] =	wrdreg s20  }
0x15: {  	s6 =	smul.u32 $0x500, s6;
	s15 =	simm.s32 $0x400;
	[dreg:$0x16] =	wrdreg s21  }
0x16: {  	s16 =	simm.s32 $0xC00;
	s18 =	simm.s32 $0x7D;
	[dreg:$0x18] =	wrdreg s23  }
0x17: {  	s19 =	simm.s32 $0x1000;
	s20 =	simm.s32 $0x5000;
	[dreg:$0x19] =	wrdreg s25  }
0x18: {  	s21 =	simm.s32 $0x1;
	s23 =	simm.s32 $0x2;
	s25 =	simm.s32 $0x4  }
0x19: {  	s0 =	sadd.s32 s7, s0;
	s9 =	ssub.s32 s8, s9;
	s7 =	smul.u32 $0x50000, s12  }
0x1a: {  	s12 =	smul.u32 $0xA00, s12;
	s26 =	sadd.s32 s5, s6;
	s6 =	sadd.s32 s11, s6  }
0x1b: {  	s0 =	sadd.s32 $0x40200, s0;
	s22 =	smax.u32 s9, $0x1;
	[dreg:$0x1c] =	wrdreg s26  }
0x1c: {  	s9 =	simm.s32 $0xB00;
	[dreg:$0x1d] =	wrdreg s6;
	s8 =	sshrl.u32 s7, $0x2  }
0x1d: {  	[dreg:$0x1e] =	wrdreg s22;
	s26 =	simm.s32 $0xA80;
	s5 =	sadd.s32 s12, s5  }
0x1e: {  	s7 =	simm.s32 $0x380;
	s14 =	sadd.s32 s12, s11;
	[dreg:$0xf] =	wrdreg s9  }
0x1f: {  	s12 =	simm.s32 $0x800;
	s22 =	simm.s32 $0xD80;
	s0 =	sadd.s32 s24, s0  }
0x20: {  	s13 =	sadd.s32 s8, s1;
	s8 =	sor.u32 $0x1C07, s17;
	[dreg:$0xd] =	wrdreg s26  }
0x21: {  	s10 =	sadd.s32 s3, s5;
	[dreg:$0xe] =	wrdreg s7;
	s11 =	sadd.s32 s3, s14  }
0x22: {  	s17 =	simm.s32 $0x500;
	s14 =	simm.s32 $0x7;
	[dreg:$0x17] =	wrdreg s22  }
0x23: {  	s26 =	simm.s32 $0x700;
	s22 =	simm.s32 $0x3;
	[dreg:$0x1f] =	wrdreg s0  }
0x24: {  	s0 =	simm.s32 $0x0;
	s13 =	sshrl.u32 s13, $0x3;
	[dreg:$0x12] =	wrdreg s17  }
0x25: {  	s17 =	simm.s32 $0x5;
	[dreg:$0x1a] =	wrdreg s26;
	s26 =	simm.s32 $0x6  }
.LBB2_1:
0x26: {  	s3 =	rddreg [dreg:$0x1c]  }
0x27: {  	s9 =	rddreg [dreg:$0x1d]  }
0x28: {  	[tilespmem:s2], [sflag:$0x5] =	stream.linear.gather [hbm4b:s3+s2], $0x400, $0x38;
	[tilespmem:$0x1D000] =	vst v63  }
0x29: {  	s24 =	rddreg [dreg:$0x1b]  }
0x2a: {  	[tilespmem:s12], [sflag:$0x5] =	stream.linear.gather [hbm4b:s9+s2], $0x400, $0x38;
	[tilespmem:$0x1D000] =	vst v63  }
0x2b: {  	[spmem:s13], [sflag:s8] =	dma.local [hbm:s24], $0x2800  }
0x2c: {  	_ =	swait.ge [sflag:s14], $0x2800  }
0x2d: {  	[sflag:s14] =	ssyncset.done $0x0  }
0x2e: {  	s5 =	sadd.s32 $0x0, s10;
	[sflag:s14] =	ssyncadd.s32 $0xFFFFD800  }
0x2f: {  	s3 =	sadd.s32 $0x80, s5;
	s5 =	sadd.s32 $0x0, s11;
	[bflag:$0x0] =	sbarrier.arrive $0xFFFF  }
0x30: {  	[tilespmem:s15], [sflag:$0x6] =	stream.linear.gather [hbm4b:s3+s2], $0x400, $0x38;
	[tilespmem:$0x1D000] =	vst v63  }
0x31: {  	s6 =	sadd.s32 $0x80, s5  }
0x32: {  	[tilespmem:s16], [sflag:$0x6] =	stream.linear.gather [hbm4b:s6+s2], $0x400, $0x38;
	[tilespmem:$0x1D000] =	vst v63  }
0x33: {  	_ =	swait.ge [sflag:s17], $0x400  }
0x34: {  	[sflag:s17] =	ssyncset.done $0x0  }
0x35: {  	[sflag:s17] =	ssyncadd.s32 $0xFFFFFC00  }
0x36: {  	_ =	swait.ge [sflag:s17], $0x400  }
0x37: {  	[sflag:s17] =	ssyncset.done $0x0  }
0x38: {  	[sflag:s17] =	ssyncadd.s32 $0xFFFFFC00  }
0x39: {  	[tilespmem:s19], [sflag:$0x1] =	stream.indirect.gather [hbm4b:s4+s18], $0x80, s2, s18, $0xb8;
	[tilespmem:$0x1D000] =	vst v63  }
0x3a: {  	s7 =	rddreg [dreg:$0x3]  }
0x3b: {  	[tilespmem:s20], [sflag:$0x2] =	stream.indirect.gather [hbm4b:s4+s18], $0x80, s7, s18, $0xb8;
	[tilespmem:$0x1D000] =	vst v63  }
0x3c: {  	_ =	swait.ge [sflag:s21], $0x3E80  }
0x3d: {  	[sflag:s21] =	ssyncset.done $0x0  }
0x3e: {  	[sflag:s21] =	ssyncadd.s32 $0xFFFFC180  }
0x3f: {  	[spmem:s1] =	stream.indirect.scatter.add.f32 [tilespmem:s19], [sflag:$0x3], $0x80, s12, s18, $0xb8;
	[tilespmem:$0x1D000] =	vst v63  }
0x40: {  	_ =	swait.ge [sflag:s22], $0x3E80  }
0x41: {  	[sflag:s22] =	ssyncset.done $0x0  }
0x42: {  	s9 =	rddreg [dreg:$0x4];
	[sflag:s22] =	ssyncadd.s32 $0xFFFFC180  }
0x43: {  	[tilespmem:s19], [sflag:$0x1] =	stream.indirect.gather [hbm4b:s4+s18], $0x80, s9, s18, $0xb8;
	[tilespmem:$0x1D000] =	vst v63  }
0x44: {  	_ =	swait.ge [sflag:s23], $0x3E80  }
0x45: {  	[sflag:s23] =	ssyncset.done $0x0  }
0x46: {  	s24 =	rddreg [dreg:$0x5];
	[sflag:s23] =	ssyncadd.s32 $0xFFFFC180  }
0x47: {  	[spmem:s1] =	stream.indirect.scatter.add.f32 [tilespmem:s20], [sflag:$0x4], $0x80, s24, s18, $0xb8;
	[tilespmem:$0x1D000] =	vst v63  }
0x48: {  	_ =	swait.ge [sflag:s25], $0x3E80  }
0x49: {  	[sflag:s25] =	ssyncset.done $0x0  }
0x4a: {  	s5 =	rddreg [dreg:$0x6];
	[sflag:s25] =	ssyncadd.s32 $0xFFFFC180  }
0x4b: {  	[tilespmem:s20], [sflag:$0x2] =	stream.indirect.gather [hbm4b:s4+s18], $0x80, s5, s18, $0xb8;
	[tilespmem:$0x1D000] =	vst v63  }
0x4c: {  	_ =	swait.ge [sflag:s21], $0x3E80  }
0x4d: {  	[sflag:s21] =	ssyncset.done $0x0  }
0x4e: {  	s6 =	rddreg [dreg:$0x7];
	[sflag:s21] =	ssyncadd.s32 $0xFFFFC180  }
0x4f: {  	[spmem:s1] =	stream.indirect.scatter.add.f32 [tilespmem:s19], [sflag:$0x3], $0x80, s6, s18, $0xb8;
	[tilespmem:$0x1D000] =	vst v63  }
0x50: {  	_ =	swait.ge [sflag:s22], $0x3E80  }
0x51: {  	[sflag:s22] =	ssyncset.done $0x0  }
0x52: {  	s7 =	rddreg [dreg:$0x8];
	[sflag:s22] =	ssyncadd.s32 $0xFFFFC180  }
0x53: {  	[tilespmem:s19], [sflag:$0x1] =	stream.indirect.gather [hbm4b:s4+s18], $0x80, s7, s18, $0xb8;
	[tilespmem:$0x1D000] =	vst v63  }
0x54: {  	_ =	swait.ge [sflag:s23], $0x3E80  }
0x55: {  	[sflag:s23] =	ssyncset.done $0x0  }
0x56: {  	s9 =	rddreg [dreg:$0x9];
	[sflag:s23] =	ssyncadd.s32 $0xFFFFC180  }
0x57: {  	[spmem:s1] =	stream.indirect.scatter.add.f32 [tilespmem:s20], [sflag:$0x4], $0x80, s9, s18, $0xb8;
	[tilespmem:$0x1D000] =	vst v63  }
0x58: {  	_ =	swait.ge [sflag:s25], $0x3E80  }
0x59: {  	[sflag:s25] =	ssyncset.done $0x0  }
0x5a: {  	s24 =	rddreg [dreg:$0xa];
	[sflag:s25] =	ssyncadd.s32 $0xFFFFC180  }
0x5b: {  	[tilespmem:s20], [sflag:$0x2] =	stream.indirect.gather [hbm4b:s4+s18], $0x80, s24, s18, $0xb8;
	[tilespmem:$0x1D000] =	vst v63  }
0x5c: {  	_ =	swait.ge [sflag:s21], $0x3E80  }
0x5d: {  	[sflag:s21] =	ssyncset.done $0x0  }
0x5e: {  	s5 =	rddreg [dreg:$0xb];
	[sflag:s21] =	ssyncadd.s32 $0xFFFFC180  }
0x5f: {  	[spmem:s1] =	stream.indirect.scatter.add.f32 [tilespmem:s19], [sflag:$0x3], $0x80, s5, s18, $0xb8;
	[tilespmem:$0x1D000] =	vst v63  }
0x60: {  	_ =	swait.ge [sflag:s22], $0x3E80  }
0x61: {  	[sflag:s22] =	ssyncset.done $0x0  }
0x62: {  	s6 =	rddreg [dreg:$0xc];
	[sflag:s22] =	ssyncadd.s32 $0xFFFFC180  }
0x63: {  	[tilespmem:s19], [sflag:$0x1] =	stream.indirect.gather [hbm4b:s4+s18], $0x80, s6, s18, $0xb8;
	[tilespmem:$0x1D000] =	vst v63  }
0x64: {  	_ =	swait.ge [sflag:s23], $0x3E80  }
0x65: {  	[sflag:s23] =	ssyncset.done $0x0  }
0x66: {  	s7 =	rddreg [dreg:$0xd];
	[sflag:s23] =	ssyncadd.s32 $0xFFFFC180  }
0x67: {  	[spmem:s1] =	stream.indirect.scatter.add.f32 [tilespmem:s20], [sflag:$0x4], $0x80, s7, s18, $0xb8;
	[tilespmem:$0x1D000] =	vst v63  }
0x68: {  	_ =	swait.ge [sflag:s25], $0x3E80  }
0x69: {  	[sflag:s25] =	ssyncset.done $0x0  }
0x6a: {  	s9 =	rddreg [dreg:$0xe];
	[sflag:s25] =	ssyncadd.s32 $0xFFFFC180  }
0x6b: {  	[tilespmem:s20], [sflag:$0x2] =	stream.indirect.gather [hbm4b:s4+s18], $0x80, s9, s18, $0xb8;
	[tilespmem:$0x1D000] =	vst v63  }
0x6c: {  	_ =	swait.ge [sflag:s21], $0x3E80  }
0x6d: {  	[sflag:s21] =	ssyncset.done $0x0  }
0x6e: {  	s24 =	rddreg [dreg:$0xf];
	[sflag:s21] =	ssyncadd.s32 $0xFFFFC180  }
0x6f: {  	[spmem:s1] =	stream.indirect.scatter.add.f32 [tilespmem:s19], [sflag:$0x3], $0x80, s24, s18, $0xb8;
	[tilespmem:$0x1D000] =	vst v63  }
0x70: {  	_ =	swait.ge [sflag:s26], $0x400  }
0x71: {  	[sflag:s26] =	ssyncset.done $0x0  }
0x72: {  	[sflag:s26] =	ssyncadd.s32 $0xFFFFFC00  }
0x73: {  	_ =	swait.ge [sflag:s26], $0x400  }
0x74: {  	[sflag:s26] =	ssyncset.done $0x0  }
0x75: {  	[sflag:s26] =	ssyncadd.s32 $0xFFFFFC00  }
0x76: {  	_ =	swait.ge [sflag:s22], $0x3E80  }
0x77: {  	[sflag:s22] =	ssyncset.done $0x0  }
0x78: {  	p0 =	por $0x0, $0x0;
	[sflag:s22] =	ssyncadd.s32 $0xFFFFC180  }
0x79: {  	[tilespmem:s19], [sflag:$0x1] =	stream.indirect.gather [hbm4b:s4+s18], $0x80, s15, s18, $0xb8;
	[tilespmem:$0x1D000] =	vst v63  }
0x7a: {  	s3 =	sadd.s32 @!p0 $0x0, s10;
	_ =	swait.ge [sflag:s23], $0x3E80  }
0x7b: {  	s3 =	sadd.s32 @!p0 $0x100, s3;
	[sflag:s23] =	ssyncset.done $0x0  }
0x7c: {  	s5 =	sadd.s32 @!p0 $0x0, s11;
	s6 =	simm.s32 @!p0 $0x0;
	[sflag:s23] =	ssyncadd.s32 $0xFFFFC180  }
0x7d: {  	[tilespmem:s6], [sflag:$0x5] =	stream.linear.gather @!p0 [hbm4b:s3+s6], $0x400, $0x38;
	[tilespmem:$0x1D000] =	vst v63  }
0x7e: {  	s3 =	sadd.s32 @!p0 $0x100, s5;
	s5 =	simm.s32 @!p0 $0x800  }
0x7f: {  	[tilespmem:s5], [sflag:$0x5] =	stream.linear.gather @!p0 [hbm4b:s3+s6], $0x400, $0x38;
	[tilespmem:$0x1D000] =	vst v63  }
0x80: {  	s7 =	rddreg [dreg:$0x10]  }
0x81: {  	[spmem:s1] =	stream.indirect.scatter.add.f32 [tilespmem:s20], [sflag:$0x4], $0x80, s7, s18, $0xb8;
	[tilespmem:$0x1D000] =	vst v63  }
0x82: {  	_ =	swait.ge [sflag:s25], $0x3E80  }
0x83: {  	[sflag:s25] =	ssyncset.done $0x0  }
0x84: {  	s5 =	rddreg [dreg:$0x11];
	[sflag:s25] =	ssyncadd.s32 $0xFFFFC180  }
0x85: {  	[tilespmem:s20], [sflag:$0x2] =	stream.indirect.gather [hbm4b:s4+s18], $0x80, s5, s18, $0xb8;
	[tilespmem:$0x1D000] =	vst v63  }
0x86: {  	_ =	swait.ge [sflag:s21], $0x3E80  }
0x87: {  	[sflag:s21] =	ssyncset.done $0x0  }
0x88: {  	[sflag:s21] =	ssyncadd.s32 $0xFFFFC180  }
0x89: {  	[spmem:s1] =	stream.indirect.scatter.add.f32 [tilespmem:s19], [sflag:$0x3], $0x80, s16, s18, $0xb8;
	[tilespmem:$0x1D000] =	vst v63  }
0x8a: {  	_ =	swait.ge [sflag:s22], $0x3E80  }
0x8b: {  	[sflag:s22] =	ssyncset.done $0x0  }
0x8c: {  	s6 =	rddreg [dreg:$0x12];
	[sflag:s22] =	ssyncadd.s32 $0xFFFFC180  }
0x8d: {  	[tilespmem:s19], [sflag:$0x1] =	stream.indirect.gather [hbm4b:s4+s18], $0x80, s6, s18, $0xb8;
	[tilespmem:$0x1D000] =	vst v63  }
0x8e: {  	_ =	swait.ge [sflag:s23], $0x3E80  }
0x8f: {  	[sflag:s23] =	ssyncset.done $0x0  }
0x90: {  	s7 =	rddreg [dreg:$0x13];
	[sflag:s23] =	ssyncadd.s32 $0xFFFFC180  }
0x91: {  	[spmem:s1] =	stream.indirect.scatter.add.f32 [tilespmem:s20], [sflag:$0x4], $0x80, s7, s18, $0xb8;
	[tilespmem:$0x1D000] =	vst v63  }
0x92: {  	_ =	swait.ge [sflag:s25], $0x3E80  }
0x93: {  	[sflag:s25] =	ssyncset.done $0x0  }
0x94: {  	s9 =	rddreg [dreg:$0x14];
	[sflag:s25] =	ssyncadd.s32 $0xFFFFC180  }
0x95: {  	[tilespmem:s20], [sflag:$0x2] =	stream.indirect.gather [hbm4b:s4+s18], $0x80, s9, s18, $0xb8;
	[tilespmem:$0x1D000] =	vst v63  }
0x96: {  	_ =	swait.ge [sflag:s21], $0x3E80  }
0x97: {  	[sflag:s21] =	ssyncset.done $0x0  }
0x98: {  	s24 =	rddreg [dreg:$0x15];
	[sflag:s21] =	ssyncadd.s32 $0xFFFFC180  }
0x99: {  	[spmem:s1] =	stream.indirect.scatter.add.f32 [tilespmem:s19], [sflag:$0x3], $0x80, s24, s18, $0xb8;
	[tilespmem:$0x1D000] =	vst v63  }
0x9a: {  	_ =	swait.ge [sflag:s22], $0x3E80  }
0x9b: {  	[sflag:s22] =	ssyncset.done $0x0  }
0x9c: {  	s5 =	rddreg [dreg:$0x16];
	[sflag:s22] =	ssyncadd.s32 $0xFFFFC180  }
0x9d: {  	[tilespmem:s19], [sflag:$0x1] =	stream.indirect.gather [hbm4b:s4+s18], $0x80, s5, s18, $0xb8;
	[tilespmem:$0x1D000] =	vst v63  }
0x9e: {  	_ =	swait.ge [sflag:s23], $0x3E80  }
0x9f: {  	[sflag:s23] =	ssyncset.done $0x0  }
0xa0: {  	s6 =	rddreg [dreg:$0x17];
	[sflag:s23] =	ssyncadd.s32 $0xFFFFC180  }
0xa1: {  	[spmem:s1] =	stream.indirect.scatter.add.f32 [tilespmem:s20], [sflag:$0x4], $0x80, s6, s18, $0xb8;
	[tilespmem:$0x1D000] =	vst v63  }
0xa2: {  	_ =	swait.ge [sflag:s25], $0x3E80  }
0xa3: {  	[sflag:s25] =	ssyncset.done $0x0  }
0xa4: {  	s7 =	rddreg [dreg:$0x18];
	[sflag:s25] =	ssyncadd.s32 $0xFFFFC180  }
0xa5: {  	[tilespmem:s20], [sflag:$0x2] =	stream.indirect.gather [hbm4b:s4+s18], $0x80, s7, s18, $0xb8;
	[tilespmem:$0x1D000] =	vst v63  }
0xa6: {  	_ =	swait.ge [sflag:s21], $0x3E80  }
0xa7: {  	[sflag:s21] =	ssyncset.done $0x0  }
0xa8: {  	s9 =	rddreg [dreg:$0x19];
	[sflag:s21] =	ssyncadd.s32 $0xFFFFC180  }
0xa9: {  	[spmem:s1] =	stream.indirect.scatter.add.f32 [tilespmem:s19], [sflag:$0x3], $0x80, s9, s18, $0xb8;
	[tilespmem:$0x1D000] =	vst v63  }
0xaa: {  	_ =	swait.ge [sflag:s22], $0x3E80  }
0xab: {  	[sflag:s22] =	ssyncset.done $0x0  }
0xac: {  	s24 =	rddreg [dreg:$0x1a];
	[sflag:s22] =	ssyncadd.s32 $0xFFFFC180  }
0xad: {  	[tilespmem:s19], [sflag:$0x1] =	stream.indirect.gather [hbm4b:s4+s18], $0x80, s24, s18, $0xb8;
	[tilespmem:$0x1D000] =	vst v63  }
0xae: {  	_ =	swait.ge [sflag:s23], $0x3E80  }
0xaf: {  	[sflag:s23] =	ssyncset.done $0x0  }
0xb0: {  	[sflag:s23] =	ssyncadd.s32 $0xFFFFC180  }
0xb1: {  	[spmem:s1] =	stream.indirect.scatter.add.f32 [tilespmem:s20], [sflag:$0x4], $0x80, s28, s18, $0xb8;
	[tilespmem:$0x1D000] =	vst v63  }
0xb2: {  	_ =	swait.ge [sflag:s25], $0x3E80  }
0xb3: {  	[sflag:s25] =	ssyncset.done $0x0  }
0xb4: {  	[sflag:s25] =	ssyncadd.s32 $0xFFFFC180  }
0xb5: {  	[tilespmem:s20], [sflag:$0x2] =	stream.indirect.gather [hbm4b:s4+s18], $0x80, s29, s18, $0xb8;
	[tilespmem:$0x1D000] =	vst v63  }
0xb6: {  	_ =	swait.ge [sflag:s21], $0x3E80  }
0xb7: {  	[sflag:s21] =	ssyncset.done $0x0  }
0xb8: {  	[sflag:s21] =	ssyncadd.s32 $0xFFFFC180  }
0xb9: {  	[spmem:s1] =	stream.indirect.scatter.add.f32 [tilespmem:s19], [sflag:$0x3], $0x80, s30, s18, $0xb8;
	[tilespmem:$0x1D000] =	vst v63  }
0xba: {  	_ =	swait.ge [sflag:s23], $0x3E80  }
0xbb: {  	[sflag:s23] =	ssyncset.done $0x0  }
0xbc: {  	[sflag:s23] =	ssyncadd.s32 $0xFFFFC180  }
0xbd: {  	[spmem:s1] =	stream.indirect.scatter.add.f32 [tilespmem:s20], [sflag:$0x4], $0x80, s31, s18, $0xb8;
	[tilespmem:$0x1D000] =	vst v63  }
0xbe: {  	_ =	swait.ge [sflag:s22], $0x3E80  }
0xbf: {  	[sflag:s22] =	ssyncset.done $0x0  }
0xc0: {  	[sflag:s22] =	ssyncadd.s32 $0xFFFFC180  }
0xc1: {  	s3 =	simm.s32 $0x100;
	_ =	swait.ge [sflag:s25], $0x3E80  }
0xc2: {  	s5 =	simm.s32 $0x200;
	s6 =	sadd.s32 $0x100, s10;
	[sflag:s25] =	ssyncset.done $0x0  }
.LBB2_2:
0xc3: {  	s6 =	sadd.s32 $0x80, s6;
	s7 =	sadd.s32 s3, s11;
	[sflag:s25] =	ssyncadd.s32 $0xFFFFC180  }
0xc4: {  	[tilespmem:s15], [sflag:$0x6] =	stream.linear.gather [hbm4b:s6+s2], $0x400, $0x38;
	[tilespmem:$0x1D000] =	vst v63  }
0xc5: {  	s7 =	sadd.s32 $0x80, s7  }
0xc6: {  	[tilespmem:s16], [sflag:$0x6] =	stream.linear.gather [hbm4b:s7+s2], $0x400, $0x38;
	[tilespmem:$0x1D000] =	vst v63  }
0xc7: {  	_ =	swait.ge [sflag:s17], $0x400  }
0xc8: {  	[sflag:s17] =	ssyncset.done $0x0  }
0xc9: {  	[sflag:s17] =	ssyncadd.s32 $0xFFFFFC00  }
0xca: {  	_ =	swait.ge [sflag:s17], $0x400  }
0xcb: {  	[sflag:s17] =	ssyncset.done $0x0  }
0xcc: {  	[sflag:s17] =	ssyncadd.s32 $0xFFFFFC00  }
0xcd: {  	[tilespmem:s19], [sflag:$0x1] =	stream.indirect.gather [hbm4b:s4+s18], $0x80, s2, s18, $0xb8;
	[tilespmem:$0x1D000] =	vst v63  }
0xce: {  	s9 =	rddreg [dreg:$0x3]  }
0xcf: {  	[tilespmem:s20], [sflag:$0x2] =	stream.indirect.gather [hbm4b:s4+s18], $0x80, s9, s18, $0xb8;
	[tilespmem:$0x1D000] =	vst v63  }
0xd0: {  	_ =	swait.ge [sflag:s21], $0x3E80  }
0xd1: {  	[sflag:s21] =	ssyncset.done $0x0  }
0xd2: {  	[sflag:s21] =	ssyncadd.s32 $0xFFFFC180  }
0xd3: {  	[spmem:s1] =	stream.indirect.scatter.add.f32 [tilespmem:s19], [sflag:$0x3], $0x80, s12, s18, $0xb8;
	[tilespmem:$0x1D000] =	vst v63  }
0xd4: {  	_ =	swait.ge [sflag:s22], $0x3E80  }
0xd5: {  	[sflag:s22] =	ssyncset.done $0x0  }
0xd6: {  	s24 =	rddreg [dreg:$0x4];
	[sflag:s22] =	ssyncadd.s32 $0xFFFFC180  }
0xd7: {  	[tilespmem:s19], [sflag:$0x1] =	stream.indirect.gather [hbm4b:s4+s18], $0x80, s24, s18, $0xb8;
	[tilespmem:$0x1D000] =	vst v63  }
0xd8: {  	_ =	swait.ge [sflag:s23], $0x3E80  }
0xd9: {  	[sflag:s23] =	ssyncset.done $0x0  }
0xda: {  	s9 =	rddreg [dreg:$0x5];
	[sflag:s23] =	ssyncadd.s32 $0xFFFFC180  }
0xdb: {  	[spmem:s1] =	stream.indirect.scatter.add.f32 [tilespmem:s20], [sflag:$0x4], $0x80, s9, s18, $0xb8;
	[tilespmem:$0x1D000] =	vst v63  }
0xdc: {  	_ =	swait.ge [sflag:s25], $0x3E80  }
0xdd: {  	[sflag:s25] =	ssyncset.done $0x0  }
0xde: {  	s24 =	rddreg [dreg:$0x6];
	[sflag:s25] =	ssyncadd.s32 $0xFFFFC180  }
0xdf: {  	[tilespmem:s20], [sflag:$0x2] =	stream.indirect.gather [hbm4b:s4+s18], $0x80, s24, s18, $0xb8;
	[tilespmem:$0x1D000] =	vst v63  }
0xe0: {  	_ =	swait.ge [sflag:s21], $0x3E80  }
0xe1: {  	[sflag:s21] =	ssyncset.done $0x0  }
0xe2: {  	s9 =	rddreg [dreg:$0x7];
	[sflag:s21] =	ssyncadd.s32 $0xFFFFC180  }
0xe3: {  	[spmem:s1] =	stream.indirect.scatter.add.f32 [tilespmem:s19], [sflag:$0x3], $0x80, s9, s18, $0xb8;
	[tilespmem:$0x1D000] =	vst v63  }
0xe4: {  	_ =	swait.ge [sflag:s22], $0x3E80  }
0xe5: {  	[sflag:s22] =	ssyncset.done $0x0  }
0xe6: {  	s24 =	rddreg [dreg:$0x8];
	[sflag:s22] =	ssyncadd.s32 $0xFFFFC180  }
0xe7: {  	[tilespmem:s19], [sflag:$0x1] =	stream.indirect.gather [hbm4b:s4+s18], $0x80, s24, s18, $0xb8;
	[tilespmem:$0x1D000] =	vst v63  }
0xe8: {  	_ =	swait.ge [sflag:s23], $0x3E80  }
0xe9: {  	[sflag:s23] =	ssyncset.done $0x0  }
0xea: {  	s9 =	rddreg [dreg:$0x9];
	[sflag:s23] =	ssyncadd.s32 $0xFFFFC180  }
0xeb: {  	[spmem:s1] =	stream.indirect.scatter.add.f32 [tilespmem:s20], [sflag:$0x4], $0x80, s9, s18, $0xb8;
	[tilespmem:$0x1D000] =	vst v63  }
0xec: {  	_ =	swait.ge [sflag:s25], $0x3E80  }
0xed: {  	[sflag:s25] =	ssyncset.done $0x0  }
0xee: {  	s24 =	rddreg [dreg:$0xa];
	[sflag:s25] =	ssyncadd.s32 $0xFFFFC180  }
0xef: {  	[tilespmem:s20], [sflag:$0x2] =	stream.indirect.gather [hbm4b:s4+s18], $0x80, s24, s18, $0xb8;
	[tilespmem:$0x1D000] =	vst v63  }
0xf0: {  	_ =	swait.ge [sflag:s21], $0x3E80  }
0xf1: {  	[sflag:s21] =	ssyncset.done $0x0  }
0xf2: {  	s9 =	rddreg [dreg:$0xb];
	[sflag:s21] =	ssyncadd.s32 $0xFFFFC180  }
0xf3: {  	[spmem:s1] =	stream.indirect.scatter.add.f32 [tilespmem:s19], [sflag:$0x3], $0x80, s9, s18, $0xb8;
	[tilespmem:$0x1D000] =	vst v63  }
0xf4: {  	_ =	swait.ge [sflag:s22], $0x3E80  }
0xf5: {  	[sflag:s22] =	ssyncset.done $0x0  }
0xf6: {  	s24 =	rddreg [dreg:$0xc];
	[sflag:s22] =	ssyncadd.s32 $0xFFFFC180  }
0xf7: {  	[tilespmem:s19], [sflag:$0x1] =	stream.indirect.gather [hbm4b:s4+s18], $0x80, s24, s18, $0xb8;
	[tilespmem:$0x1D000] =	vst v63  }
0xf8: {  	_ =	swait.ge [sflag:s23], $0x3E80  }
0xf9: {  	[sflag:s23] =	ssyncset.done $0x0  }
0xfa: {  	s9 =	rddreg [dreg:$0xd];
	[sflag:s23] =	ssyncadd.s32 $0xFFFFC180  }
0xfb: {  	[spmem:s1] =	stream.indirect.scatter.add.f32 [tilespmem:s20], [sflag:$0x4], $0x80, s9, s18, $0xb8;
	[tilespmem:$0x1D000] =	vst v63  }
0xfc: {  	_ =	swait.ge [sflag:s25], $0x3E80  }
0xfd: {  	[sflag:s25] =	ssyncset.done $0x0  }
0xfe: {  	s24 =	rddreg [dreg:$0xe];
	[sflag:s25] =	ssyncadd.s32 $0xFFFFC180  }
0xff: {  	[tilespmem:s20], [sflag:$0x2] =	stream.indirect.gather [hbm4b:s4+s18], $0x80, s24, s18, $0xb8;
	[tilespmem:$0x1D000] =	vst v63  }
0x100: {  	_ =	swait.ge [sflag:s21], $0x3E80  }
0x101: {  	[sflag:s21] =	ssyncset.done $0x0  }
0x102: {  	s9 =	rddreg [dreg:$0xf];
	[sflag:s21] =	ssyncadd.s32 $0xFFFFC180  }
0x103: {  	[spmem:s1] =	stream.indirect.scatter.add.f32 [tilespmem:s19], [sflag:$0x3], $0x80, s9, s18, $0xb8;
	[tilespmem:$0x1D000] =	vst v63  }
0x104: {  	_ =	swait.ge [sflag:s26], $0x400  }
0x105: {  	[sflag:s26] =	ssyncset.done $0x0  }
0x106: {  	[sflag:s26] =	ssyncadd.s32 $0xFFFFFC00  }
0x107: {  	_ =	swait.ge [sflag:s26], $0x400  }
0x108: {  	[sflag:s26] =	ssyncset.done $0x0  }
0x109: {  	[sflag:s26] =	ssyncadd.s32 $0xFFFFFC00  }
0x10a: {  	_ =	swait.ge [sflag:s22], $0x3E80  }
0x10b: {  	[sflag:s22] =	ssyncset.done $0x0  }
0x10c: {  	[sflag:s22] =	ssyncadd.s32 $0xFFFFC180  }
0x10d: {  	[tilespmem:s19], [sflag:$0x1] =	stream.indirect.gather [hbm4b:s4+s18], $0x80, s15, s18, $0xb8;
	[tilespmem:$0x1D000] =	vst v63  }
0x10e: {  	p1 =	seq.s32 s3, $0x400;
	_ =	swait.ge [sflag:s23], $0x3E80  }
0x10f: {  	s7 =	sadd.s32 @!p1 s3, s10;
	s3 =	sadd.s32 @!p1 s3, s11;
	[sflag:s23] =	ssyncset.done $0x0  }
0x110: {  	s7 =	sadd.s32 @!p1 $0x100, s7;
	s9 =	simm.s32 @!p1 $0x0;
	[sflag:s23] =	ssyncadd.s32 $0xFFFFC180  }
0x111: {  	[tilespmem:s9], [sflag:$0x5] =	stream.linear.gather @!p1 [hbm4b:s7+s9], $0x400, $0x38;
	[tilespmem:$0x1D000] =	vst v63  }
0x112: {  	s3 =	sadd.s32 @!p1 $0x100, s3;
	s7 =	simm.s32 @!p1 $0x800  }
0x113: {  	[tilespmem:s7], [sflag:$0x5] =	stream.linear.gather @!p1 [hbm4b:s3+s9], $0x400, $0x38;
	[tilespmem:$0x1D000] =	vst v63  }
0x114: {  	s24 =	rddreg [dreg:$0x10]  }
0x115: {  	[spmem:s1] =	stream.indirect.scatter.add.f32 [tilespmem:s20], [sflag:$0x4], $0x80, s24, s18, $0xb8;
	[tilespmem:$0x1D000] =	vst v63  }
0x116: {  	_ =	swait.ge [sflag:s25], $0x3E80  }
0x117: {  	[sflag:s25] =	ssyncset.done $0x0  }
0x118: {  	s24 =	rddreg [dreg:$0x11];
	[sflag:s25] =	ssyncadd.s32 $0xFFFFC180  }
0x119: {  	[tilespmem:s20], [sflag:$0x2] =	stream.indirect.gather [hbm4b:s4+s18], $0x80, s24, s18, $0xb8;
	[tilespmem:$0x1D000] =	vst v63  }
0x11a: {  	_ =	swait.ge [sflag:s21], $0x3E80  }
0x11b: {  	[sflag:s21] =	ssyncset.done $0x0  }
0x11c: {  	[sflag:s21] =	ssyncadd.s32 $0xFFFFC180  }
0x11d: {  	[spmem:s1] =	stream.indirect.scatter.add.f32 [tilespmem:s19], [sflag:$0x3], $0x80, s16, s18, $0xb8;
	[tilespmem:$0x1D000] =	vst v63  }
0x11e: {  	_ =	swait.ge [sflag:s22], $0x3E80  }
0x11f: {  	[sflag:s22] =	ssyncset.done $0x0  }
0x120: {  	s7 =	rddreg [dreg:$0x12];
	[sflag:s22] =	ssyncadd.s32 $0xFFFFC180  }
0x121: {  	[tilespmem:s19], [sflag:$0x1] =	stream.indirect.gather [hbm4b:s4+s18], $0x80, s7, s18, $0xb8;
	[tilespmem:$0x1D000] =	vst v63  }
0x122: {  	_ =	swait.ge [sflag:s23], $0x3E80  }
0x123: {  	[sflag:s23] =	ssyncset.done $0x0  }
0x124: {  	s9 =	rddreg [dreg:$0x13];
	[sflag:s23] =	ssyncadd.s32 $0xFFFFC180  }
0x125: {  	[spmem:s1] =	stream.indirect.scatter.add.f32 [tilespmem:s20], [sflag:$0x4], $0x80, s9, s18, $0xb8;
	[tilespmem:$0x1D000] =	vst v63  }
0x126: {  	_ =	swait.ge [sflag:s25], $0x3E80  }
0x127: {  	[sflag:s25] =	ssyncset.done $0x0  }
0x128: {  	s24 =	rddreg [dreg:$0x14];
	[sflag:s25] =	ssyncadd.s32 $0xFFFFC180  }
0x129: {  	[tilespmem:s20], [sflag:$0x2] =	stream.indirect.gather [hbm4b:s4+s18], $0x80, s24, s18, $0xb8;
	[tilespmem:$0x1D000] =	vst v63  }
0x12a: {  	_ =	swait.ge [sflag:s21], $0x3E80  }
0x12b: {  	[sflag:s21] =	ssyncset.done $0x0  }
0x12c: {  	s7 =	rddreg [dreg:$0x15];
	[sflag:s21] =	ssyncadd.s32 $0xFFFFC180  }
0x12d: {  	[spmem:s1] =	stream.indirect.scatter.add.f32 [tilespmem:s19], [sflag:$0x3], $0x80, s7, s18, $0xb8;
	[tilespmem:$0x1D000] =	vst v63  }
0x12e: {  	_ =	swait.ge [sflag:s22], $0x3E80  }
0x12f: {  	[sflag:s22] =	ssyncset.done $0x0  }
0x130: {  	s9 =	rddreg [dreg:$0x16];
	[sflag:s22] =	ssyncadd.s32 $0xFFFFC180  }
0x131: {  	[tilespmem:s19], [sflag:$0x1] =	stream.indirect.gather [hbm4b:s4+s18], $0x80, s9, s18, $0xb8;
	[tilespmem:$0x1D000] =	vst v63  }
0x132: {  	_ =	swait.ge [sflag:s23], $0x3E80  }
0x133: {  	[sflag:s23] =	ssyncset.done $0x0  }
0x134: {  	s24 =	rddreg [dreg:$0x17];
	[sflag:s23] =	ssyncadd.s32 $0xFFFFC180  }
0x135: {  	[spmem:s1] =	stream.indirect.scatter.add.f32 [tilespmem:s20], [sflag:$0x4], $0x80, s24, s18, $0xb8;
	[tilespmem:$0x1D000] =	vst v63  }
0x136: {  	_ =	swait.ge [sflag:s25], $0x3E80  }
0x137: {  	[sflag:s25] =	ssyncset.done $0x0  }
0x138: {  	s7 =	rddreg [dreg:$0x18];
	[sflag:s25] =	ssyncadd.s32 $0xFFFFC180  }
0x139: {  	[tilespmem:s20], [sflag:$0x2] =	stream.indirect.gather [hbm4b:s4+s18], $0x80, s7, s18, $0xb8;
	[tilespmem:$0x1D000] =	vst v63  }
0x13a: {  	_ =	swait.ge [sflag:s21], $0x3E80  }
0x13b: {  	[sflag:s21] =	ssyncset.done $0x0  }
0x13c: {  	s9 =	rddreg [dreg:$0x19];
	[sflag:s21] =	ssyncadd.s32 $0xFFFFC180  }
0x13d: {  	[spmem:s1] =	stream.indirect.scatter.add.f32 [tilespmem:s19], [sflag:$0x3], $0x80, s9, s18, $0xb8;
	[tilespmem:$0x1D000] =	vst v63  }
0x13e: {  	_ =	swait.ge [sflag:s22], $0x3E80  }
0x13f: {  	[sflag:s22] =	ssyncset.done $0x0  }
0x140: {  	s24 =	rddreg [dreg:$0x1a];
	[sflag:s22] =	ssyncadd.s32 $0xFFFFC180  }
0x141: {  	[tilespmem:s19], [sflag:$0x1] =	stream.indirect.gather [hbm4b:s4+s18], $0x80, s24, s18, $0xb8;
	[tilespmem:$0x1D000] =	vst v63  }
0x142: {  	_ =	swait.ge [sflag:s23], $0x3E80  }
0x143: {  	[sflag:s23] =	ssyncset.done $0x0  }
0x144: {  	[sflag:s23] =	ssyncadd.s32 $0xFFFFC180  }
0x145: {  	[spmem:s1] =	stream.indirect.scatter.add.f32 [tilespmem:s20], [sflag:$0x4], $0x80, s28, s18, $0xb8;
	[tilespmem:$0x1D000] =	vst v63  }
0x146: {  	_ =	swait.ge [sflag:s25], $0x3E80  }
0x147: {  	[sflag:s25] =	ssyncset.done $0x0  }
0x148: {  	[sflag:s25] =	ssyncadd.s32 $0xFFFFC180  }
0x149: {  	[tilespmem:s20], [sflag:$0x2] =	stream.indirect.gather [hbm4b:s4+s18], $0x80, s29, s18, $0xb8;
	[tilespmem:$0x1D000] =	vst v63  }
0x14a: {  	_ =	swait.ge [sflag:s21], $0x3E80  }
0x14b: {  	[sflag:s21] =	ssyncset.done $0x0  }
0x14c: {  	[sflag:s21] =	ssyncadd.s32 $0xFFFFC180  }
0x14d: {  	[spmem:s1] =	stream.indirect.scatter.add.f32 [tilespmem:s19], [sflag:$0x3], $0x80, s30, s18, $0xb8;
	[tilespmem:$0x1D000] =	vst v63  }
0x14e: {  	_ =	swait.ge [sflag:s23], $0x3E80  }
0x14f: {  	s6 =	smov.u32 s5;
	s5 =	sadd.s32 $0x100, s5;
	[sflag:s23] =	ssyncset.done $0x0  }
0x150: {  	p0 =	sne.s32 s5, $0x500;
	[sflag:s23] =	ssyncadd.s32 $0xFFFFC180  }
0x151: {  	[spmem:s1] =	stream.indirect.scatter.add.f32 [tilespmem:s20], [sflag:$0x4], $0x80, s31, s18, $0xb8;
	[tilespmem:$0x1D000] =	vst v63  }
.Ltmp0:
0x152: {  	_ =	swait.ge [sflag:s22], $0x3E80;
	(pc) =	sbr.rel @p0 .LBB2_2-.Ltmp0, $4  }
0x153: {  	[sflag:s22] =	ssyncset.done $0x0  }
0x154: {  	[sflag:s22] =	ssyncadd.s32 $0xFFFFC180  }
0x155: {  	s3 =	smov.u32 s6;
	_ =	swait.ge [sflag:s25], $0x3E80  }
0x156: {  	s6 =	sadd.s32 s3, s10;
	[sflag:s25] =	ssyncset.done $0x0  }
0x157: {  	s5 =	sadd.s32 $0x80, s6;
	s24 =	sadd.s32 s3, s11;
	[sflag:s25] =	ssyncadd.s32 $0xFFFFC180  }
0x158: {  	[tilespmem:s15], [sflag:$0x6] =	stream.linear.gather [hbm4b:s5+s2], $0x400, $0x38;
	[tilespmem:$0x1D000] =	vst v63  }
0x159: {  	s6 =	sadd.s32 $0x80, s24  }
0x15a: {  	[tilespmem:s16], [sflag:$0x6] =	stream.linear.gather [hbm4b:s6+s2], $0x400, $0x38;
	[tilespmem:$0x1D000] =	vst v63  }
0x15b: {  	_ =	swait.ge [sflag:s17], $0x400  }
0x15c: {  	[sflag:s17] =	ssyncset.done $0x0  }
0x15d: {  	[sflag:s17] =	ssyncadd.s32 $0xFFFFFC00  }
0x15e: {  	_ =	swait.ge [sflag:s17], $0x400  }
0x15f: {  	[sflag:s17] =	ssyncset.done $0x0  }
0x160: {  	[sflag:s17] =	ssyncadd.s32 $0xFFFFFC00  }
0x161: {  	[tilespmem:s19], [sflag:$0x1] =	stream.indirect.gather [hbm4b:s4+s18], $0x80, s2, s18, $0xb8;
	[tilespmem:$0x1D000] =	vst v63  }
0x162: {  	s7 =	rddreg [dreg:$0x3]  }
0x163: {  	[tilespmem:s20], [sflag:$0x2] =	stream.indirect.gather [hbm4b:s4+s18], $0x80, s7, s18, $0xb8;
	[tilespmem:$0x1D000] =	vst v63  }
0x164: {  	_ =	swait.ge [sflag:s21], $0x3E80  }
0x165: {  	[sflag:s21] =	ssyncset.done $0x0  }
0x166: {  	[sflag:s21] =	ssyncadd.s32 $0xFFFFC180  }
0x167: {  	[spmem:s1] =	stream.indirect.scatter.add.f32 [tilespmem:s19], [sflag:$0x3], $0x80, s12, s18, $0xb8;
	[tilespmem:$0x1D000] =	vst v63  }
0x168: {  	_ =	swait.ge [sflag:s22], $0x3E80  }
0x169: {  	[sflag:s22] =	ssyncset.done $0x0  }
0x16a: {  	s9 =	rddreg [dreg:$0x4];
	[sflag:s22] =	ssyncadd.s32 $0xFFFFC180  }
0x16b: {  	[tilespmem:s19], [sflag:$0x1] =	stream.indirect.gather [hbm4b:s4+s18], $0x80, s9, s18, $0xb8;
	[tilespmem:$0x1D000] =	vst v63  }
0x16c: {  	_ =	swait.ge [sflag:s23], $0x3E80  }
0x16d: {  	[sflag:s23] =	ssyncset.done $0x0  }
0x16e: {  	s24 =	rddreg [dreg:$0x5];
	[sflag:s23] =	ssyncadd.s32 $0xFFFFC180  }
0x16f: {  	[spmem:s1] =	stream.indirect.scatter.add.f32 [tilespmem:s20], [sflag:$0x4], $0x80, s24, s18, $0xb8;
	[tilespmem:$0x1D000] =	vst v63  }
0x170: {  	_ =	swait.ge [sflag:s25], $0x3E80  }
0x171: {  	[sflag:s25] =	ssyncset.done $0x0  }
0x172: {  	s6 =	rddreg [dreg:$0x6];
	[sflag:s25] =	ssyncadd.s32 $0xFFFFC180  }
0x173: {  	[tilespmem:s20], [sflag:$0x2] =	stream.indirect.gather [hbm4b:s4+s18], $0x80, s6, s18, $0xb8;
	[tilespmem:$0x1D000] =	vst v63  }
0x174: {  	_ =	swait.ge [sflag:s21], $0x3E80  }
0x175: {  	[sflag:s21] =	ssyncset.done $0x0  }
0x176: {  	s7 =	rddreg [dreg:$0x7];
	[sflag:s21] =	ssyncadd.s32 $0xFFFFC180  }
0x177: {  	[spmem:s1] =	stream.indirect.scatter.add.f32 [tilespmem:s19], [sflag:$0x3], $0x80, s7, s18, $0xb8;
	[tilespmem:$0x1D000] =	vst v63  }
0x178: {  	_ =	swait.ge [sflag:s22], $0x3E80  }
0x179: {  	[sflag:s22] =	ssyncset.done $0x0  }
0x17a: {  	s9 =	rddreg [dreg:$0x8];
	[sflag:s22] =	ssyncadd.s32 $0xFFFFC180  }
0x17b: {  	[tilespmem:s19], [sflag:$0x1] =	stream.indirect.gather [hbm4b:s4+s18], $0x80, s9, s18, $0xb8;
	[tilespmem:$0x1D000] =	vst v63  }
0x17c: {  	_ =	swait.ge [sflag:s23], $0x3E80  }
0x17d: {  	[sflag:s23] =	ssyncset.done $0x0  }
0x17e: {  	s24 =	rddreg [dreg:$0x9];
	[sflag:s23] =	ssyncadd.s32 $0xFFFFC180  }
0x17f: {  	[spmem:s1] =	stream.indirect.scatter.add.f32 [tilespmem:s20], [sflag:$0x4], $0x80, s24, s18, $0xb8;
	[tilespmem:$0x1D000] =	vst v63  }
0x180: {  	_ =	swait.ge [sflag:s25], $0x3E80  }
0x181: {  	[sflag:s25] =	ssyncset.done $0x0  }
0x182: {  	s6 =	rddreg [dreg:$0xa];
	[sflag:s25] =	ssyncadd.s32 $0xFFFFC180  }
0x183: {  	[tilespmem:s20], [sflag:$0x2] =	stream.indirect.gather [hbm4b:s4+s18], $0x80, s6, s18, $0xb8;
	[tilespmem:$0x1D000] =	vst v63  }
0x184: {  	_ =	swait.ge [sflag:s21], $0x3E80  }
0x185: {  	[sflag:s21] =	ssyncset.done $0x0  }
0x186: {  	s7 =	rddreg [dreg:$0xb];
	[sflag:s21] =	ssyncadd.s32 $0xFFFFC180  }
0x187: {  	[spmem:s1] =	stream.indirect.scatter.add.f32 [tilespmem:s19], [sflag:$0x3], $0x80, s7, s18, $0xb8;
	[tilespmem:$0x1D000] =	vst v63  }
0x188: {  	_ =	swait.ge [sflag:s22], $0x3E80  }
0x189: {  	[sflag:s22] =	ssyncset.done $0x0  }
0x18a: {  	s9 =	rddreg [dreg:$0xc];
	[sflag:s22] =	ssyncadd.s32 $0xFFFFC180  }
0x18b: {  	[tilespmem:s19], [sflag:$0x1] =	stream.indirect.gather [hbm4b:s4+s18], $0x80, s9, s18, $0xb8;
	[tilespmem:$0x1D000] =	vst v63  }
0x18c: {  	_ =	swait.ge [sflag:s23], $0x3E80  }
0x18d: {  	[sflag:s23] =	ssyncset.done $0x0  }
0x18e: {  	s24 =	rddreg [dreg:$0xd];
	[sflag:s23] =	ssyncadd.s32 $0xFFFFC180  }
0x18f: {  	[spmem:s1] =	stream.indirect.scatter.add.f32 [tilespmem:s20], [sflag:$0x4], $0x80, s24, s18, $0xb8;
	[tilespmem:$0x1D000] =	vst v63  }
0x190: {  	_ =	swait.ge [sflag:s25], $0x3E80  }
0x191: {  	[sflag:s25] =	ssyncset.done $0x0  }
0x192: {  	s6 =	rddreg [dreg:$0xe];
	[sflag:s25] =	ssyncadd.s32 $0xFFFFC180  }
0x193: {  	[tilespmem:s20], [sflag:$0x2] =	stream.indirect.gather [hbm4b:s4+s18], $0x80, s6, s18, $0xb8;
	[tilespmem:$0x1D000] =	vst v63  }
0x194: {  	_ =	swait.ge [sflag:s21], $0x3E80  }
0x195: {  	[sflag:s21] =	ssyncset.done $0x0  }
0x196: {  	s7 =	rddreg [dreg:$0xf];
	[sflag:s21] =	ssyncadd.s32 $0xFFFFC180  }
0x197: {  	[spmem:s1] =	stream.indirect.scatter.add.f32 [tilespmem:s19], [sflag:$0x3], $0x80, s7, s18, $0xb8;
	[tilespmem:$0x1D000] =	vst v63  }
0x198: {  	_ =	swait.ge [sflag:s26], $0x400  }
0x199: {  	[sflag:s26] =	ssyncset.done $0x0  }
0x19a: {  	[sflag:s26] =	ssyncadd.s32 $0xFFFFFC00  }
0x19b: {  	_ =	swait.ge [sflag:s26], $0x400  }
0x19c: {  	[sflag:s26] =	ssyncset.done $0x0  }
0x19d: {  	[sflag:s26] =	ssyncadd.s32 $0xFFFFFC00  }
0x19e: {  	_ =	swait.ge [sflag:s22], $0x3E80  }
0x19f: {  	[sflag:s22] =	ssyncset.done $0x0  }
0x1a0: {  	[sflag:s22] =	ssyncadd.s32 $0xFFFFC180  }
0x1a1: {  	[tilespmem:s19], [sflag:$0x1] =	stream.indirect.gather [hbm4b:s4+s18], $0x80, s15, s18, $0xb8;
	[tilespmem:$0x1D000] =	vst v63  }
0x1a2: {  	p0 =	seq.s32 s3, $0x400;
	_ =	swait.ge [sflag:s23], $0x3E80  }
0x1a3: {  	s5 =	sadd.s32 @!p0 s3, s10;
	s3 =	sadd.s32 @!p0 s3, s11;
	[sflag:s23] =	ssyncset.done $0x0  }
0x1a4: {  	s5 =	sadd.s32 @!p0 $0x100, s5;
	s6 =	simm.s32 @!p0 $0x0;
	[sflag:s23] =	ssyncadd.s32 $0xFFFFC180  }
0x1a5: {  	[tilespmem:s6], [sflag:$0x5] =	stream.linear.gather @!p0 [hbm4b:s5+s6], $0x400, $0x38;
	[tilespmem:$0x1D000] =	vst v63  }
0x1a6: {  	s3 =	sadd.s32 @!p0 $0x100, s3;
	s5 =	simm.s32 @!p0 $0x800  }
0x1a7: {  	[tilespmem:s5], [sflag:$0x5] =	stream.linear.gather @!p0 [hbm4b:s3+s6], $0x400, $0x38;
	[tilespmem:$0x1D000] =	vst v63  }
0x1a8: {  	s7 =	rddreg [dreg:$0x10]  }
0x1a9: {  	[spmem:s1] =	stream.indirect.scatter.add.f32 [tilespmem:s20], [sflag:$0x4], $0x80, s7, s18, $0xb8;
	[tilespmem:$0x1D000] =	vst v63  }
0x1aa: {  	_ =	swait.ge [sflag:s25], $0x3E80  }
0x1ab: {  	[sflag:s25] =	ssyncset.done $0x0  }
0x1ac: {  	s9 =	rddreg [dreg:$0x11];
	[sflag:s25] =	ssyncadd.s32 $0xFFFFC180  }
0x1ad: {  	[tilespmem:s20], [sflag:$0x2] =	stream.indirect.gather [hbm4b:s4+s18], $0x80, s9, s18, $0xb8;
	[tilespmem:$0x1D000] =	vst v63  }
0x1ae: {  	_ =	swait.ge [sflag:s21], $0x3E80  }
0x1af: {  	[sflag:s21] =	ssyncset.done $0x0  }
0x1b0: {  	[sflag:s21] =	ssyncadd.s32 $0xFFFFC180  }
0x1b1: {  	[spmem:s1] =	stream.indirect.scatter.add.f32 [tilespmem:s19], [sflag:$0x3], $0x80, s16, s18, $0xb8;
	[tilespmem:$0x1D000] =	vst v63  }
0x1b2: {  	_ =	swait.ge [sflag:s22], $0x3E80  }
0x1b3: {  	[sflag:s22] =	ssyncset.done $0x0  }
0x1b4: {  	s24 =	rddreg [dreg:$0x12];
	[sflag:s22] =	ssyncadd.s32 $0xFFFFC180  }
0x1b5: {  	[tilespmem:s19], [sflag:$0x1] =	stream.indirect.gather [hbm4b:s4+s18], $0x80, s24, s18, $0xb8;
	[tilespmem:$0x1D000] =	vst v63  }
0x1b6: {  	_ =	swait.ge [sflag:s23], $0x3E80  }
0x1b7: {  	[sflag:s23] =	ssyncset.done $0x0  }
0x1b8: {  	s5 =	rddreg [dreg:$0x13];
	[sflag:s23] =	ssyncadd.s32 $0xFFFFC180  }
0x1b9: {  	[spmem:s1] =	stream.indirect.scatter.add.f32 [tilespmem:s20], [sflag:$0x4], $0x80, s5, s18, $0xb8;
	[tilespmem:$0x1D000] =	vst v63  }
0x1ba: {  	_ =	swait.ge [sflag:s25], $0x3E80  }
0x1bb: {  	[sflag:s25] =	ssyncset.done $0x0  }
0x1bc: {  	s6 =	rddreg [dreg:$0x14];
	[sflag:s25] =	ssyncadd.s32 $0xFFFFC180  }
0x1bd: {  	[tilespmem:s20], [sflag:$0x2] =	stream.indirect.gather [hbm4b:s4+s18], $0x80, s6, s18, $0xb8;
	[tilespmem:$0x1D000] =	vst v63  }
0x1be: {  	_ =	swait.ge [sflag:s21], $0x3E80  }
0x1bf: {  	[sflag:s21] =	ssyncset.done $0x0  }
0x1c0: {  	s7 =	rddreg [dreg:$0x15];
	[sflag:s21] =	ssyncadd.s32 $0xFFFFC180  }
0x1c1: {  	[spmem:s1] =	stream.indirect.scatter.add.f32 [tilespmem:s19], [sflag:$0x3], $0x80, s7, s18, $0xb8;
	[tilespmem:$0x1D000] =	vst v63  }
0x1c2: {  	_ =	swait.ge [sflag:s22], $0x3E80  }
0x1c3: {  	[sflag:s22] =	ssyncset.done $0x0  }
0x1c4: {  	s9 =	rddreg [dreg:$0x16];
	[sflag:s22] =	ssyncadd.s32 $0xFFFFC180  }
0x1c5: {  	[tilespmem:s19], [sflag:$0x1] =	stream.indirect.gather [hbm4b:s4+s18], $0x80, s9, s18, $0xb8;
	[tilespmem:$0x1D000] =	vst v63  }
0x1c6: {  	_ =	swait.ge [sflag:s23], $0x3E80  }
0x1c7: {  	[sflag:s23] =	ssyncset.done $0x0  }
0x1c8: {  	s24 =	rddreg [dreg:$0x17];
	[sflag:s23] =	ssyncadd.s32 $0xFFFFC180  }
0x1c9: {  	[spmem:s1] =	stream.indirect.scatter.add.f32 [tilespmem:s20], [sflag:$0x4], $0x80, s24, s18, $0xb8;
	[tilespmem:$0x1D000] =	vst v63  }
0x1ca: {  	_ =	swait.ge [sflag:s25], $0x3E80  }
0x1cb: {  	[sflag:s25] =	ssyncset.done $0x0  }
0x1cc: {  	s5 =	rddreg [dreg:$0x18];
	[sflag:s25] =	ssyncadd.s32 $0xFFFFC180  }
0x1cd: {  	[tilespmem:s20], [sflag:$0x2] =	stream.indirect.gather [hbm4b:s4+s18], $0x80, s5, s18, $0xb8;
	[tilespmem:$0x1D000] =	vst v63  }
0x1ce: {  	_ =	swait.ge [sflag:s21], $0x3E80  }
0x1cf: {  	[sflag:s21] =	ssyncset.done $0x0  }
0x1d0: {  	s6 =	rddreg [dreg:$0x19];
	[sflag:s21] =	ssyncadd.s32 $0xFFFFC180  }
0x1d1: {  	[spmem:s1] =	stream.indirect.scatter.add.f32 [tilespmem:s19], [sflag:$0x3], $0x80, s6, s18, $0xb8;
	[tilespmem:$0x1D000] =	vst v63  }
0x1d2: {  	_ =	swait.ge [sflag:s22], $0x3E80  }
0x1d3: {  	[sflag:s22] =	ssyncset.done $0x0  }
0x1d4: {  	s7 =	rddreg [dreg:$0x1a];
	[sflag:s22] =	ssyncadd.s32 $0xFFFFC180  }
0x1d5: {  	[tilespmem:s19], [sflag:$0x1] =	stream.indirect.gather [hbm4b:s4+s18], $0x80, s7, s18, $0xb8;
	[tilespmem:$0x1D000] =	vst v63  }
0x1d6: {  	_ =	swait.ge [sflag:s23], $0x3E80  }
0x1d7: {  	[sflag:s23] =	ssyncset.done $0x0  }
0x1d8: {  	[sflag:s23] =	ssyncadd.s32 $0xFFFFC180  }
0x1d9: {  	[spmem:s1] =	stream.indirect.scatter.add.f32 [tilespmem:s20], [sflag:$0x4], $0x80, s28, s18, $0xb8;
	[tilespmem:$0x1D000] =	vst v63  }
0x1da: {  	_ =	swait.ge [sflag:s25], $0x3E80  }
0x1db: {  	[sflag:s25] =	ssyncset.done $0x0  }
0x1dc: {  	[sflag:s25] =	ssyncadd.s32 $0xFFFFC180  }
0x1dd: {  	[tilespmem:s20], [sflag:$0x2] =	stream.indirect.gather [hbm4b:s4+s18], $0x80, s29, s18, $0xb8;
	[tilespmem:$0x1D000] =	vst v63  }
0x1de: {  	_ =	swait.ge [sflag:s21], $0x3E80  }
0x1df: {  	[sflag:s21] =	ssyncset.done $0x0  }
0x1e0: {  	[sflag:s21] =	ssyncadd.s32 $0xFFFFC180  }
0x1e1: {  	[spmem:s1] =	stream.indirect.scatter.add.f32 [tilespmem:s19], [sflag:$0x3], $0x80, s30, s18, $0xb8;
	[tilespmem:$0x1D000] =	vst v63  }
0x1e2: {  	_ =	swait.ge [sflag:s23], $0x3E80  }
0x1e3: {  	[sflag:s23] =	ssyncset.done $0x0  }
0x1e4: {  	[sflag:s23] =	ssyncadd.s32 $0xFFFFC180  }
0x1e5: {  	[spmem:s1] =	stream.indirect.scatter.add.f32 [tilespmem:s20], [sflag:$0x4], $0x80, s31, s18, $0xb8;
	[tilespmem:$0x1D000] =	vst v63  }
0x1e6: {  	_ =	swait.ge [sflag:s22], $0x3E80  }
0x1e7: {  	[sflag:s22] =	ssyncset.done $0x0  }
0x1e8: {  	[sflag:s22] =	ssyncadd.s32 $0xFFFFC180  }
0x1e9: {  	_ =	swait.ge [sflag:s25], $0x3E80  }
0x1ea: {  	[sflag:s25] =	ssyncset.done $0x0  }
0x1eb: {  	[sflag:s25] =	ssyncadd.s32 $0xFFFFC180  }
0x1ec: {  	[bflag:$0x0] =	sbarrier.arrive $0xFFFF  }
0x1ed: {  	s9 =	rddreg [dreg:$0x1f]  }
0x1ee: {  	[hbm:s9], [sflag:s8] =	dma.local [spmem:s13], $0x2800  }
0x1ef: {  	_ =	swait.ge [sflag:s14], $0x2800  }
0x1f0: {  	s0 =	sadd.s32 $0x1, s0;
	s24 =	rddreg [dreg:$0x1e]  }
0x1f1: {  	p0 =	sne.s32 s0, s24  }
.Ltmp1:
0x1f2: {  	_ = 	snop;
	(pc) =	sbr.rel @p0 .LBB2_1-.Ltmp1, $3  }
0x1f3: {  	_ =	sdelay $0x1  }
0x1f4: {  	[sflag:s14] =	ssyncset.done $0x0  }
0x1f5: {  	[sflag:s14] =	ssyncadd.s32 $0xFFFFD800  }
0x1f6: {  	_ =	sfence.sel $0x180000  }
0x1f7: {  	[bflag:$0x0] =	sbarrier.arrive $0xFFFF  }
0x1f8: {  	_ =	strace $0x9000004A  }
0x1f9: {  	s0 =	stileid.u32;
	[bflag:$0x2] =	sbarrier.arrive $0xFFFF  }
0x1fa: {  	p0 =	sne.s32 s0, $0x0;
	s0 =	rddreg [dreg:$0x2]  }
0x1fb: {  	s0 =	sadd.s32 @!p0 $0x100000, s0  }
0x1fc: {  	[sflag:s0] =	ssyncadd.tile.s32 @!p0 $0x1;
	_ =	shalt  }
.Lfunc_end2:
_tile_overlayer_lowered:
.L_overlay_start_2:
0x1fd: {  	(tag) =	ssettag $0x2  }
0x1fe: {  	s0 =	rddreg [dreg:$0x0];
	s2 =	stileid.u32  }
0x1ff: {  	s1 =	rddreg [dreg:$0x1];
	p0 =	sne.s32 s2, $0x0  }
0x200: {  	s3 =	rddreg [dreg:$0x2];
	[bflag:$0x3] =	sbarrier.arrive $0xFFFF;
	s2 =	simm.s32 @!p0 $0x1C07  }
0x201: {  	[timem:s3], [sflag:s2] =	dma.local @!p0 [hbm:s0], s1  }
0x202: {  	s0 =	simm.s32 @!p0 $0x7  }
0x203: {  	_ =	swait.ge @!p0 [sflag:s0], s1  }
0x204: {  	s1 =	ssub.s32 @!p0 $0x0, s1;
	[sflag:s0] =	ssyncset.done @!p0 $0x0  }
0x205: {  	[sflag:s0] =	ssyncadd.s32 @!p0 s1  }
0x206: {  	[bflag:$0x3] =	sbarrier.arrive $0xFFFF  }
0x207: {  	_ =	shalt  }

// kernel: kernel.15.cloned.1.call-start
scs
__scs_entry_jumppad:
0x0: {  	(pc) =	sbr.rel $0x88, $3  }
0x1: {  	(tag) =	ssettag $0x0;
	lr =	simm.s32 $0x1  }
0x2: {  	[smem:$0x3F99] =	sst lr;
	_ =	strace $0xD0000000  }
0x3: {  	_ = 	snop  }
0x4: {  	_ = 	snop  }
0x5: {  	_ = 	snop  }
0x6: {  	_ = 	snop  }
0x7: {  	_ = 	snop  }
__scs_overlays_trampoline_lowered:
0x8: {  	[smem:$0x3FA8] =	sst s0  }
0x9: {  	[smem:$0x3FA9] =	sst s1  }
0xa: {  	[smem:$0x3FAA] =	sst s2  }
0xb: {  	[smem:$0x3FAB] =	sst s3  }
0xc: {  	[smem:$0x3FAC] =	sst s4  }
0xd: {  	[smem:$0x3FAD] =	sst s5  }
0xe: {  	[smem:$0x3FAE] =	sst s6  }
0xf: {  	[smem:$0x3FAF] =	sst s7  }
0x10: {  	[smem:$0x3FB0] =	sst s8  }
0x11: {  	[smem:$0x3FB1] =	sst s9;
	s0 =	simm.s32 @!p0 $0x0  }
0x12: {  	s1 =	sld [smem:$0x3F97];
	s0 =	simm.s32 @p0 $0x1  }
0x13: {  	[smem:$0x3FB2] =	sst s0;
	s0 =	simm.s32 @!p1 $0x0  }
0x14: {  	s2 =	sld [smem:$0x3F96];
	s0 =	simm.s32 @p1 $0x1  }
0x15: {  	[smem:$0x3FB3] =	sst s0;
	s0 =	simm.s32 @!p2 $0x0  }
0x16: {  	s3 =	sld [smem:$0x3FDB];
	s0 =	simm.s32 @p2 $0x1  }
0x17: {  	s4 =	simm.s32 $0x1BF5;
	[smem:$0x3FB5] =	sst s0  }
0x18: {  	s0 =	sld [smem:$0x3F98];
	_ =	swait.ge [sflag:s4], $0x0  }
0x19: {  	s7 =	sld [smem:$0x3F99]  }
0x1a: {  	s8 =	sadd.s32 $0xFFFFE003, lr  }
0x1b: {  	s9 =	sadd.s32 $0xFFFFFEF7, lr;
	s5 =	simm.s32 $0xFFFFFFFF;
	p2 =	slt.u32 s8, $0xFFFFF086  }
0x1c: {  	p1 =	slt.u32 s9, $0xF7A;
	s5 =	simm.s32 @!p2 $0x0  }
0x1d: {  	s5 =	simm.s32 @p1 $0x1;
	p0 =	seq.s32 s7, s2  }
0x1e: {  	s7 =	smul.u32 @!p0 $0xF7A, s2;
	p2 =	seq.s32 @!p0 s5, $0x0  }
0x1f: {  	s9 =	smul.u32 $0xF7A, s1;
	s8 =	simm.s32 @!p0 $0x1BF5;
	p2 =	por !p2, p0  }
0x20: {  	[sflag:s8] =	ssyncset.s32 @!p0 $0xFFFFF086;
	s6 =	sadd.s32 @!p0 s3, s7;
	s7 =	simm.s32 @!p0 $0x108  }
0x21: {  	s3 =	sadd.s32 s3, s9;
	s6 =	sadd.s32 @!p0 $0x88, s6;
	s7 =	simm.s32 @p2 $0x1082  }
0x22: {  	[simem:s7], [sflag:s8] =	dma.local @!p0 [hbm:s6], $0xF7A  }
0x23: {  	s9 =	sor.u32 $0xD0000000, s2;
	s6 =	simm.s32 $0x108;
	_ =	swait.ge @!p0 [sflag:s8], $0x0  }
0x24: {  	s3 =	sadd.s32 $0x88, s3;
	s6 =	simm.s32 @!p1 $0x1082;
	[sflag:s4] =	ssyncset.s32 $0xFFFFF086  }
0x25: {  	[simem:s6], [sflag:s4] =	dma.local [hbm:s3], $0xF7A  }
0x26: {  	[smem:$0x3F99] =	sst s1;
	(tag) =	ssettag s2;
	_ =	strace s9  }
0x27: {  	s1 =	sld [smem:$0x3FA9]  }
0x28: {  	s2 =	sld [smem:$0x3FAA]  }
0x29: {  	s4 =	sld [smem:$0x3FAC]  }
0x2a: {  	p0 =	seq.s32 s5, $0x0;
	s5 =	sld [smem:$0x3FAD]  }
0x2b: {  	s6 =	sld [smem:$0x3FAE]  }
0x2c: {  	s7 =	sld [smem:$0x3FAF]  }
0x2d: {  	s3 =	simm.s32 $0x108;
	s8 =	sld [smem:$0x3FB0]  }
0x2e: {  	s3 =	simm.s32 @!p0 $0x1082;
	s9 =	sld [smem:$0x3FB1]  }
0x2f: {  	lr =	sadd.s32 s0, s3;
	s0 =	sld [smem:$0x3FA8]  }
0x30: {  	s3 =	sld [smem:$0x3FAB]  }
0x31: {  	[smem:$0x3FB4] =	sst s10  }
0x32: {  	s10 =	sld [smem:$0x3FB2];
	_ =	sdelay $0x3  }
0x33: {  	p0 =	seq.s32 s10, $0x1;
	s10 =	sld [smem:$0x3FB4];
	_ =	sdelay $0x3  }
0x34: {  	[smem:$0x3FB4] =	sst s10  }
0x35: {  	s10 =	sld [smem:$0x3FB3];
	_ =	sdelay $0x3  }
0x36: {  	p1 =	seq.s32 s10, $0x1;
	s10 =	sld [smem:$0x3FB4];
	_ =	sdelay $0x3  }
0x37: {  	[smem:$0x3FB4] =	sst s10  }
0x38: {  	s10 =	sld [smem:$0x3FB5]  }
0x39: {  	_ = 	snop;
	(pc) =	sbr.ind lr, $3  }
0x3a: {  	_ = 	snop  }
0x3b: {  	_ = 	snop  }
0x3c: {  	p2 =	seq.s32 s10, $0x1;
	s10 =	sld [smem:$0x3FB4]  }
0x3d: {  	_ =	shalt  }
0x3e: {  	_ =	shalt  }
0x3f: {  	_ =	shalt  }
0x40: {  	_ =	shalt  }
0x41: {  	_ =	shalt  }
0x42: {  	_ =	shalt  }
0x43: {  	_ =	shalt  }
0x44: {  	_ =	shalt  }
0x45: {  	_ =	shalt  }
0x46: {  	_ =	shalt  }
0x47: {  	_ =	shalt  }
0x48: {  	_ =	shalt  }
0x49: {  	_ =	shalt  }
0x4a: {  	_ =	shalt  }
0x4b: {  	_ =	shalt  }
0x4c: {  	_ =	shalt  }
0x4d: {  	_ =	shalt  }
0x4e: {  	_ =	shalt  }
0x4f: {  	_ =	shalt  }
0x50: {  	_ =	shalt  }
0x51: {  	_ =	shalt  }
0x52: {  	_ =	shalt  }
0x53: {  	_ =	shalt  }
0x54: {  	_ =	shalt  }
0x55: {  	_ =	shalt  }
0x56: {  	_ =	shalt  }
0x57: {  	_ =	shalt  }
0x58: {  	_ =	shalt  }
0x59: {  	_ =	shalt  }
0x5a: {  	_ =	shalt  }
0x5b: {  	_ =	shalt  }
0x5c: {  	_ =	shalt  }
0x5d: {  	_ =	shalt  }
0x5e: {  	_ =	shalt  }
0x5f: {  	_ =	shalt  }
0x60: {  	_ =	shalt  }
0x61: {  	_ =	shalt  }
0x62: {  	_ =	shalt  }
0x63: {  	_ =	shalt  }
0x64: {  	_ =	shalt  }
0x65: {  	_ =	shalt  }
0x66: {  	_ =	shalt  }
0x67: {  	_ =	shalt  }
0x68: {  	_ =	shalt  }
0x69: {  	_ =	shalt  }
0x6a: {  	_ =	shalt  }
0x6b: {  	_ =	shalt  }
0x6c: {  	_ =	shalt  }
0x6d: {  	_ =	shalt  }
0x6e: {  	_ =	shalt  }
0x6f: {  	_ =	shalt  }
0x70: {  	_ =	shalt  }
0x71: {  	_ =	shalt  }
0x72: {  	_ =	shalt  }
0x73: {  	_ =	shalt  }
0x74: {  	_ =	shalt  }
0x75: {  	_ =	shalt  }
0x76: {  	_ =	shalt  }
0x77: {  	_ =	shalt  }
0x78: {  	_ =	shalt  }
0x79: {  	_ =	shalt  }
0x7a: {  	_ =	shalt  }
0x7b: {  	_ =	shalt  }
0x7c: {  	_ =	shalt  }
0x7d: {  	_ =	shalt  }
0x7e: {  	_ =	shalt  }
0x7f: {  	_ =	shalt  }
0x80: {  	_ =	shalt  }
0x81: {  	_ =	shalt  }
0x82: {  	_ =	shalt  }
0x83: {  	_ =	shalt  }
0x84: {  	_ =	shalt  }
0x85: {  	_ =	shalt  }
0x86: {  	_ =	shalt  }
0x87: {  	_ =	shalt  }
.Lfunc_end0:
.L_simem_size_0:
called_computation.2_lowered:
.L_overlay_start_0:
0x88: {  	s2 =	sld [smem:$0x3FD9]  }
0x89: {  	s3 =	sld [smem:$0x3FFE];
	_ =	sdelay $0x1  }
0x8a: {  	s1 =	srdreg.scid  }
0x8b: {  	s0 =	sand.u32 $0x1, s1  }
0x8c: {  	s17 =	sshll.u32 s0, $0xA;
	s2 =	sadd.s32 s3, s2  }
0x8d: {  	s2 =	sadd.s32 s2, s17  }
0x8e: {  	[smem:$0x3FC0] =	sst s2  }
0x8f: {  	_ = 	snop  }
0x90: {  	s2 =	sld [smem:$0x3FD0];
	(tm) =	ssettm $0x1  }
0x91: {  	s18 =	sld [smem:$0x3FFB];
	_ =	sdelay $0x3  }
0x92: {  	_ =	strace s18  }
0x93: {  	s3 =	sld [smem:$0x3FFC];
	_ =	sdelay $0x3  }
0x94: {  	_ =	strace s3  }
0x95: {  	s3 =	sld [smem:$0x3FFD];
	_ =	sdelay $0x3  }
0x96: {  	_ =	strace s3  }
0x97: {  	_ =	strace $0x8FFFFFFF  }
0x98: {  	s19 =	sld [smem:$0x3FDB];
	_ =	sdelay $0x1  }
0x99: {  	s4 =	simm.s32 $_scs_section_size  }
0x9a: {  	s5 =	simm.s32 $_size__tile_overlayer_lowered;
	s6 =	simm.s32 $_tile_overlayer_lowered  }
0x9b: {  	s22 =	simm.s32 $0x1BFF;
	s21 =	sshll.u32 s6, $0x1;
	s3 =	sadd.s32 s4, s19  }
0x9c: {  	s7 =	simm.s32 $0x0;
	s20 =	sshll.u32 s5, $0x1;
	s5 =	sadd.s32 s21, s3  }
0x9d: {  	[timem:s7], [sflag:s22] =	dma.local [hbm:s5], s20  }
0x9e: {  	_ =	swait.ge [sflag:s22], s20  }
0x9f: {  	s4 =	ssub.s32 $0x0, s20;
	[sflag:s22] =	ssyncset.done $0x0  }
0xa0: {  	[sflag:s22] =	ssyncadd.s32 s4;
	_ =	sdelay $0x1  }
0xa1: {  	s23 =	simm.s32 $0x1B8B  }
0xa2: {  	_ =	swait.ge [sflag:s23], $0x1  }
0xa3: {  	[sflag:s23] =	ssyncset.done $0x0  }
0xa4: {  	s25 =	simm.s32 $0x1B8E;
	s24 =	sld [smem:$0x3FFE];
	[sflag:s23] =	ssyncadd.s32 $0xFFFFFFFF  }
0xa5: {  	s26 =	simm.s32 $execute0_lowered;
	[smem:$0x3FD2] =	sst s25  }
0xa6: {  	s5 =	sshll.u32 s26, $0x1;
	_ =	strace $0x8000004C;
	[dreg:$0x1] =	wrdreg $0xFFFFFFFF  }
0xa7: {  	s28 =	simm.s32 $_size_execute0_lowered;
	s3 =	sadd.s32 s3, s5;
	[dreg:$0x0] =	wrdreg $0x0  }
0xa8: {  	s5 =	sshll.u32 s28, $0x1;
	[dreg:$0x2] =	wrdreg s3  }
0xa9: {  	[dreg:$0x3] =	wrdreg s5  }
0xaa: {  	[dreg:$0x4] =	wrdreg $0xC0  }
0xab: {  	_ =	task [dreg:s7], $0x5FFFF  }
0xac: {  	[dreg:$0x1] =	wrdreg $0xFFFFFFFF  }
0xad: {  	[dreg:$0x0] =	wrdreg $0x60  }
0xae: {  	[dreg:$0x2] =	wrdreg s24  }
0xaf: {  	[dreg:$0x3] =	wrdreg s2  }
0xb0: {  	[dreg:$0x4] =	wrdreg $0x12000  }
0xb1: {  	[dreg:$0x5] =	wrdreg $0x14800  }
0xb2: {  	[dreg:$0x6] =	wrdreg $0x9  }
0xb3: {  	_ =	task.clear_ibuf [dreg:s7], $0x7FFFF;
	_ =	strace $0x9000004C  }
0xb4: {  	s29 =	simm.s32 $0x9;
	_ =	strace $0x8000004E  }
0xb5: {  	_ =	swait.ge [sflag:s29], $0x1  }
0xb6: {  	[sflag:s29] =	ssyncadd.s32 $0xFFFFFFFF  }
0xb7: {  	_ =	strace $0x9000004E  }
0xb8: {  	_ =	sfence  }
0xb9: {  	s30 =	sld [smem:$0x0];
	_ =	sdelay $0x2  }
0xba: {  	s31 =	sshll.u32 s1, $0xD;
	s1 =	sshrl.u32 s1, $0x2  }
0xbb: {  	s3 =	sand.u32 $0x4000, s31;
	s1 =	sadd.s32 s1, s30  }
0xbc: {  	s0 =	sor.u32 s3, s0;
	s1 =	sshll.u32 s1, $0x11  }
0xbd: {  	s0 =	sor.u32 s1, s0  }
0xbe: {  	s0 =	sadd.s32 $0x8F2B, s0  }
0xbf: {  	[sflag:s0] =	ssyncadd.remote.s32 $0x1  }
0xc0: {  	_ =	sfence.sel $0xFFFF  }
0xc1: {  	[dreg:$0x0] =	wrdreg $0xFFFFFFFF;
	(pc) =	sbr.abs _section_cstart, $3  }
0xc2: {  	[dreg:$0x1] =	wrdreg $0xFFFFFFFF  }
0xc3: {  	_ =	task.clear_ibuf [dreg:s7], $0x2FFFF;
	_ =	strace $0x9FFFFFFF  }
0xc4: {  	(tm) =	ssettm $0x7FFFFFFF  }
0xc5: {  	_ =	shalt  }
tec
execute0_lowered:
.L_overlay_start_1:
0x0: {  	(tag) =	ssettag $0x1  }
0x1: {  	s0 =	rddreg [dreg:$0x0]  }
0x2: {  	s3 =	rddreg [dreg:$0x2]  }
0x3: {  	s4 =	rddreg [dreg:$0x3];
	s13 =	stileid.u32;
	s5 =	simm.s32 $0x0  }
0x4: {  	s2 =	srdreg.scid;
	s12 =	simm.s32 $0x80;
	s21 =	simm.s32 $0x100  }
0x5: {  	s22 =	simm.s32 $0x180;
	s23 =	simm.s32 $0x200;
	[smem:$0x7FF] =	sst s5  }
0x6: {  	s25 =	simm.s32 $0x880;
	_ =	strace $0x8000004D;
	[dreg:$0x5] =	wrdreg s12  }
0x7: {  	s26 =	simm.s32 $0x280;
	s15 =	simm.s32 $0x300;
	[dreg:$0x6] =	wrdreg s21  }
0x8: {  	s16 =	simm.s32 $0x980;
	s17 =	simm.s32 $0x380;
	[dreg:$0x7] =	wrdreg s22  }
0x9: {  	s18 =	simm.s32 $0xA00;
	s19 =	simm.s32 $0xA80;
	[dreg:$0x8] =	wrdreg s23  }
0xa: {  	s28 =	simm.s32 $0x5;
	s29 =	simm.s32 $0x2;
	[dreg:$0x9] =	wrdreg s25  }
0xb: {  	s30 =	simm.s32 $0x6;
	s31 =	simm.s32 $0x3;
	[dreg:$0xa] =	wrdreg s26  }
0xc: {  	s1 =	smul.u32 $0x280, s13;
	s2 =	sand.u32 $0x1, s2;
	[dreg:$0xc] =	wrdreg s15  }
0xd: {  	s7 =	sadd.s32 $0xC800, s0;
	s9 =	sadd.s32 $0x1C00, s0;
	[dreg:$0xd] =	wrdreg s16  }
0xe: {  	s11 =	sshll.u32 s13, $0x1;
	s8 =	sshll.u32 s2, $0x4;
	[dreg:$0xe] =	wrdreg s17  }
0xf: {  	s20 =	ssub.s32 $0x2, s2;
	s11 =	sor.u32 s2, s11;
	[dreg:$0xf] =	wrdreg s18  }
0x10: {  	s12 =	sshll.u32 s13, $0x6;
	s16 =	smul.u32 $0xA0, s13;
	[dreg:$0x10] =	wrdreg s19  }
0x11: {  	s22 =	simm.s32 $0xB00;
	s23 =	smul.u32 $0xA00, s13;
	s25 =	simm.s32 $0x500  }
0x12: {  	s2 =	smul.u32 $0x500, s2;
	s26 =	simm.s32 $0xB80;
	[dreg:$0x12] =	wrdreg s22  }
0x13: {  	s15 =	simm.s32 $0xC80;
	s17 =	simm.s32 $0x680;
	[dreg:$0x13] =	wrdreg s25  }
0x14: {  	s18 =	simm.s32 $0xD00;
	s19 =	simm.s32 $0x700;
	[dreg:$0x14] =	wrdreg s26  }
0x15: {  	s6 =	sshrl.u32 s1, $0x3;
	s10 =	sshrl.u32 s20, $0x1;
	[dreg:$0x17] =	wrdreg s15  }
0x16: {  	s11 =	smul.u32 $0x500, s11;
	s14 =	sadd.s32 s1, s3;
	[dreg:$0x18] =	wrdreg s17  }
0x17: {  	s1 =	sadd.s32 s1, s4;
	[dreg:$0x19] =	wrdreg s18;
	s15 =	simm.s32 $0xB  }
0x18: {  	[dreg:$0x1a] =	wrdreg s19;
	s17 =	simm.s32 $0x400;
	s22 =	simm.s32 $0xE00  }
0x19: {  	s18 =	simm.s32 $0xC00;
	s19 =	simm.s32 $0x9;
	s25 =	simm.s32 $0xF00  }
0x1a: {  	s26 =	simm.s32 $0xF80;
	s6 =	sadd.s32 s6, s0;
	[dreg:$0x1d] =	wrdreg s22  }
0x1b: {  	s0 =	sadd.s32 s8, s0;
	s10 =	ssub.s32 s20, s10;
	[dreg:$0x1f] =	wrdreg s25  }
0x1c: {  	s20 =	simm.s32 $0x480;
	s8 =	simm.s32 $0x580;
	[smem:$0x7FA] =	sst s26  }
0x1d: {  	s13 =	sadd.s32 s23, s9;
	s1 =	sshrl.u32 s1, $0x3;
	[dreg:$0x11] =	wrdreg s20  }
0x1e: {  	s22 =	simm.s32 $0x1080;
	s25 =	simm.s32 $0x1180;
	[dreg:$0x15] =	wrdreg s8  }
0x1f: {  	s26 =	simm.s32 $0x1;
	s24 =	sadd.s32 s7, s11;
	[smem:$0x7F9] =	sst s1  }
0x20: {  	s11 =	sadd.s32 s9, s11;
	s6 =	sadd.s32 $0xBC00, s6;
	[smem:$0x7F5] =	sst s24  }
0x21: {  	s0 =	sadd.s32 $0x16800, s0;
	s21 =	smax.u32 s10, $0x1;
	[smem:$0x7F6] =	sst s11  }
0x22: {  	s7 =	sadd.s32 s23, s7;
	s9 =	sshrl.u32 s14, $0x3;
	[smem:$0x7F7] =	sst s6  }
0x23: {  	s20 =	simm.s32 $0xD80;
	s23 =	simm.s32 $0xE80;
	[smem:$0x7F8] =	sst s21  }
0x24: {  	s1 =	simm.s32 $0x4;
	s11 =	simm.s32 $0x900;
	[dreg:$0x1b] =	wrdreg s20  }
0x25: {  	s24 =	sor.u32 $0x1C0B, s12;
	s12 =	simm.s32 $0x600;
	[dreg:$0x1e] =	wrdreg s23  }
0x26: {  	s21 =	simm.s32 $0x780;
	s20 =	simm.s32 $0x7D;
	[smem:$0x7FD] =	sst s9  }
0x27: {  	s23 =	simm.s32 $0x1100;
	s0 =	sadd.s32 s16, s0;
	[dreg:$0xb] =	wrdreg s11  }
0x28: {  	s6 =	simm.s32 $0xA;
	s11 =	sadd.s32 s2, s7;
	[dreg:$0x16] =	wrdreg s12  }
0x29: {  	s12 =	sadd.s32 s2, s13;
	s13 =	simm.s32 $0x800;
	[dreg:$0x1c] =	wrdreg s21  }
0x2a: {  	s21 =	simm.s32 $0x1000;
	[smem:$0x7FB] =	sst s0;
	s0 =	simm.s32 $0x7  }
0x2b: {  	s2 =	simm.s32 $0x8;
	s7 =	simm.s32 $0x0;
	[smem:$0x7FC] =	sst s24  }
.LBB2_1:
0x2c: {  	s8 =	sld [smem:$0x7F5];
	_ =	sdelay $0x1  }
0x2d: {  	s16 =	sld [smem:$0x7F6]  }
0x2e: {  	[tilespmem:s5], [sflag:$0x9] =	stream.linear.gather [hbm4b:s8+s5], $0x400, $0x38;
	[tilespmem:$0x1700] =	vst v63  }
0x2f: {  	s10 =	rddreg [dreg:$0x1]  }
0x30: {  	[tilespmem:s13], [sflag:$0x9] =	stream.linear.gather [hbm4b:s16+s5], $0x400, $0x38;
	[tilespmem:$0x1700] =	vst v63  }
0x31: {  	[spmem:s9], [sflag:s24] =	dma.local [hbm:s10], $0x50  }
0x32: {  	_ =	swait.ge [sflag:s15], $0x50  }
0x33: {  	s14 =	sld [smem:$0x7F7]  }
0x34: {  	s16 =	sld [smem:$0x7F9]  }
0x35: {  	[sflag:s15] =	ssyncset.done $0x0  }
0x36: {  	[sflag:s15] =	ssyncadd.s32 $0xFFFFFFB0  }
0x37: {  	[spmem:s16], [sflag:s24] =	dma.local [hbm:s14], $0x50  }
0x38: {  	_ =	swait.ge [sflag:s15], $0x50  }
0x39: {  	[sflag:s15] =	ssyncset.done $0x0  }
0x3a: {  	s8 =	sadd.s32 $0x0, s11;
	[sflag:s15] =	ssyncadd.s32 $0xFFFFFFB0  }
0x3b: {  	s9 =	sadd.s32 $0x80, s8;
	s10 =	sadd.s32 $0x0, s12;
	[bflag:$0x0] =	sbarrier.arrive $0xFFFF  }
0x3c: {  	[tilespmem:s17], [sflag:$0xA] =	stream.linear.gather [hbm4b:s9+s5], $0x400, $0x38;
	[tilespmem:$0x1700] =	vst v63  }
0x3d: {  	s10 =	sadd.s32 $0x80, s10  }
0x3e: {  	[tilespmem:s18], [sflag:$0xA] =	stream.linear.gather [hbm4b:s10+s5], $0x400, $0x38;
	[tilespmem:$0x1700] =	vst v63  }
0x3f: {  	_ =	swait.ge [sflag:s19], $0x400  }
0x40: {  	[sflag:s19] =	ssyncset.done $0x0  }
0x41: {  	[sflag:s19] =	ssyncadd.s32 $0xFFFFFC00  }
0x42: {  	_ =	swait.ge [sflag:s19], $0x400  }
0x43: {  	[sflag:s19] =	ssyncset.done $0x0  }
0x44: {  	[sflag:s19] =	ssyncadd.s32 $0xFFFFFC00  }
0x45: {  	[tilespmem:s21], [sflag:$0x1] =	stream.indirect.gather [spmem:s4], $0x1, s5, s20, $0xb8;
	[tilespmem:$0x1700] =	vst v63  }
0x46: {  	s14 =	rddreg [dreg:$0x5]  }
0x47: {  	[tilespmem:s22], [sflag:$0x2] =	stream.indirect.gather [spmem:s4], $0x1, s14, s20, $0xb8;
	[tilespmem:$0x1700] =	vst v63  }
0x48: {  	s16 =	rddreg [dreg:$0x6]  }
0x49: {  	[tilespmem:s23], [sflag:$0x3] =	stream.indirect.gather [spmem:s4], $0x1, s16, s20, $0xb8;
	[tilespmem:$0x1700] =	vst v63  }
0x4a: {  	s24 =	rddreg [dreg:$0x7]  }
0x4b: {  	[tilespmem:s25], [sflag:$0x4] =	stream.indirect.gather [spmem:s4], $0x1, s24, s20, $0xb8;
	[tilespmem:$0x1700] =	vst v63  }
0x4c: {  	_ =	swait.ge [sflag:s26], $0x7D  }
0x4d: {  	[sflag:s26] =	ssyncset.done $0x0  }
0x4e: {  	[sflag:s26] =	ssyncadd.s32 $0xFFFFFF83  }
0x4f: {  	[spmem:s3] =	stream.indirect.scatter.add.f32 [tilespmem:s21], [sflag:$0x5], $0x1, s13, s20, $0xb8;
	[tilespmem:$0x1700] =	vst v63  }
0x50: {  	_ =	swait.ge [sflag:s28], $0x7D  }
0x51: {  	[sflag:s28] =	ssyncset.done $0x0  }
0x52: {  	s8 =	rddreg [dreg:$0x8];
	[sflag:s28] =	ssyncadd.s32 $0xFFFFFF83  }
0x53: {  	[tilespmem:s21], [sflag:$0x1] =	stream.indirect.gather [spmem:s4], $0x1, s8, s20, $0xb8;
	[tilespmem:$0x1700] =	vst v63  }
0x54: {  	_ =	swait.ge [sflag:s29], $0x7D  }
0x55: {  	[sflag:s29] =	ssyncset.done $0x0  }
0x56: {  	s10 =	rddreg [dreg:$0x9];
	[sflag:s29] =	ssyncadd.s32 $0xFFFFFF83  }
0x57: {  	[spmem:s3] =	stream.indirect.scatter.add.f32 [tilespmem:s22], [sflag:$0x6], $0x1, s10, s20, $0xb8;
	[tilespmem:$0x1700] =	vst v63  }
0x58: {  	_ =	swait.ge [sflag:s30], $0x7D  }
0x59: {  	[sflag:s30] =	ssyncset.done $0x0  }
0x5a: {  	s14 =	rddreg [dreg:$0xa];
	[sflag:s30] =	ssyncadd.s32 $0xFFFFFF83  }
0x5b: {  	[tilespmem:s22], [sflag:$0x2] =	stream.indirect.gather [spmem:s4], $0x1, s14, s20, $0xb8;
	[tilespmem:$0x1700] =	vst v63  }
0x5c: {  	_ =	swait.ge [sflag:s31], $0x7D  }
0x5d: {  	[sflag:s31] =	ssyncset.done $0x0  }
0x5e: {  	s16 =	rddreg [dreg:$0xb];
	[sflag:s31] =	ssyncadd.s32 $0xFFFFFF83  }
0x5f: {  	[spmem:s3] =	stream.indirect.scatter.add.f32 [tilespmem:s23], [sflag:$0x7], $0x1, s16, s20, $0xb8;
	[tilespmem:$0x1700] =	vst v63  }
0x60: {  	_ =	swait.ge [sflag:s0], $0x7D  }
0x61: {  	[sflag:s0] =	ssyncset.done $0x0  }
0x62: {  	s24 =	rddreg [dreg:$0xc];
	[sflag:s0] =	ssyncadd.s32 $0xFFFFFF83  }
0x63: {  	[tilespmem:s23], [sflag:$0x3] =	stream.indirect.gather [spmem:s4], $0x1, s24, s20, $0xb8;
	[tilespmem:$0x1700] =	vst v63  }
0x64: {  	_ =	swait.ge [sflag:s1], $0x7D  }
0x65: {  	[sflag:s1] =	ssyncset.done $0x0  }
0x66: {  	s8 =	rddreg [dreg:$0xd];
	[sflag:s1] =	ssyncadd.s32 $0xFFFFFF83  }
0x67: {  	[spmem:s3] =	stream.indirect.scatter.add.f32 [tilespmem:s25], [sflag:$0x8], $0x1, s8, s20, $0xb8;
	[tilespmem:$0x1700] =	vst v63  }
0x68: {  	_ =	swait.ge [sflag:s2], $0x7D  }
0x69: {  	[sflag:s2] =	ssyncset.done $0x0  }
0x6a: {  	s10 =	rddreg [dreg:$0xe];
	[sflag:s2] =	ssyncadd.s32 $0xFFFFFF83  }
0x6b: {  	[tilespmem:s25], [sflag:$0x4] =	stream.indirect.gather [spmem:s4], $0x1, s10, s20, $0xb8;
	[tilespmem:$0x1700] =	vst v63  }
0x6c: {  	_ =	swait.ge [sflag:s26], $0x7D  }
0x6d: {  	[sflag:s26] =	ssyncset.done $0x0  }
0x6e: {  	s14 =	rddreg [dreg:$0xf];
	[sflag:s26] =	ssyncadd.s32 $0xFFFFFF83  }
0x6f: {  	[spmem:s3] =	stream.indirect.scatter.add.f32 [tilespmem:s21], [sflag:$0x5], $0x1, s14, s20, $0xb8;
	[tilespmem:$0x1700] =	vst v63  }
0x70: {  	_ =	swait.ge [sflag:s6], $0x400  }
0x71: {  	[sflag:s6] =	ssyncset.done $0x0  }
0x72: {  	[sflag:s6] =	ssyncadd.s32 $0xFFFFFC00  }
0x73: {  	_ =	swait.ge [sflag:s6], $0x400  }
0x74: {  	[sflag:s6] =	ssyncset.done $0x0  }
0x75: {  	[sflag:s6] =	ssyncadd.s32 $0xFFFFFC00  }
0x76: {  	_ =	swait.ge [sflag:s28], $0x7D  }
0x77: {  	[sflag:s28] =	ssyncset.done $0x0  }
0x78: {  	[sflag:s28] =	ssyncadd.s32 $0xFFFFFF83  }
0x79: {  	[tilespmem:s21], [sflag:$0x1] =	stream.indirect.gather [spmem:s4], $0x1, s17, s20, $0xb8;
	[tilespmem:$0x1700] =	vst v63  }
0x7a: {  	_ =	swait.ge [sflag:s29], $0x7D  }
0x7b: {  	[sflag:s29] =	ssyncset.done $0x0  }
0x7c: {  	s16 =	rddreg [dreg:$0x10];
	[sflag:s29] =	ssyncadd.s32 $0xFFFFFF83  }
0x7d: {  	[spmem:s3] =	stream.indirect.scatter.add.f32 [tilespmem:s22], [sflag:$0x6], $0x1, s16, s20, $0xb8;
	[tilespmem:$0x1700] =	vst v63  }
0x7e: {  	_ =	swait.ge [sflag:s30], $0x7D  }
0x7f: {  	[sflag:s30] =	ssyncset.done $0x0  }
0x80: {  	s24 =	rddreg [dreg:$0x11];
	[sflag:s30] =	ssyncadd.s32 $0xFFFFFF83  }
0x81: {  	[tilespmem:s22], [sflag:$0x2] =	stream.indirect.gather [spmem:s4], $0x1, s24, s20, $0xb8;
	[tilespmem:$0x1700] =	vst v63  }
0x82: {  	_ =	swait.ge [sflag:s31], $0x7D  }
0x83: {  	[sflag:s31] =	ssyncset.done $0x0  }
0x84: {  	s8 =	rddreg [dreg:$0x12];
	[sflag:s31] =	ssyncadd.s32 $0xFFFFFF83  }
0x85: {  	[spmem:s3] =	stream.indirect.scatter.add.f32 [tilespmem:s23], [sflag:$0x7], $0x1, s8, s20, $0xb8;
	[tilespmem:$0x1700] =	vst v63  }
0x86: {  	_ =	swait.ge [sflag:s0], $0x7D  }
0x87: {  	[sflag:s0] =	ssyncset.done $0x0  }
0x88: {  	p0 =	por $0x0, $0x0;
	s10 =	rddreg [dreg:$0x13];
	[sflag:s0] =	ssyncadd.s32 $0xFFFFFF83  }
0x89: {  	[tilespmem:s23], [sflag:$0x3] =	stream.indirect.gather [spmem:s4], $0x1, s10, s20, $0xb8;
	[tilespmem:$0x1700] =	vst v63  }
0x8a: {  	s9 =	sadd.s32 @!p0 $0x0, s11;
	_ =	swait.ge [sflag:s1], $0x7D  }
0x8b: {  	s9 =	sadd.s32 @!p0 $0x100, s9;
	[sflag:s1] =	ssyncset.done $0x0  }
0x8c: {  	s16 =	simm.s32 @!p0 $0x0;
	s10 =	sadd.s32 @!p0 $0x0, s12;
	[sflag:s1] =	ssyncadd.s32 $0xFFFFFF83  }
0x8d: {  	[tilespmem:s16], [sflag:$0x9] =	stream.linear.gather @!p0 [hbm4b:s9+s16], $0x400, $0x38;
	[tilespmem:$0x1700] =	vst v63  }
0x8e: {  	s9 =	sadd.s32 @!p0 $0x100, s10;
	s10 =	simm.s32 @!p0 $0x800  }
0x8f: {  	[tilespmem:s10], [sflag:$0x9] =	stream.linear.gather @!p0 [hbm4b:s9+s16], $0x400, $0x38;
	[tilespmem:$0x1700] =	vst v63  }
0x90: {  	s14 =	rddreg [dreg:$0x14]  }
0x91: {  	[spmem:s3] =	stream.indirect.scatter.add.f32 [tilespmem:s25], [sflag:$0x8], $0x1, s14, s20, $0xb8;
	[tilespmem:$0x1700] =	vst v63  }
0x92: {  	_ =	swait.ge [sflag:s2], $0x7D  }
0x93: {  	[sflag:s2] =	ssyncset.done $0x0  }
0x94: {  	s16 =	rddreg [dreg:$0x15];
	[sflag:s2] =	ssyncadd.s32 $0xFFFFFF83  }
0x95: {  	[tilespmem:s25], [sflag:$0x4] =	stream.indirect.gather [spmem:s4], $0x1, s16, s20, $0xb8;
	[tilespmem:$0x1700] =	vst v63  }
0x96: {  	_ =	swait.ge [sflag:s26], $0x7D  }
0x97: {  	[sflag:s26] =	ssyncset.done $0x0  }
0x98: {  	[sflag:s26] =	ssyncadd.s32 $0xFFFFFF83  }
0x99: {  	[spmem:s3] =	stream.indirect.scatter.add.f32 [tilespmem:s21], [sflag:$0x5], $0x1, s18, s20, $0xb8;
	[tilespmem:$0x1700] =	vst v63  }
0x9a: {  	_ =	swait.ge [sflag:s28], $0x7D  }
0x9b: {  	[sflag:s28] =	ssyncset.done $0x0  }
0x9c: {  	s24 =	rddreg [dreg:$0x16];
	[sflag:s28] =	ssyncadd.s32 $0xFFFFFF83  }
0x9d: {  	[tilespmem:s21], [sflag:$0x1] =	stream.indirect.gather [spmem:s4], $0x1, s24, s20, $0xb8;
	[tilespmem:$0x1700] =	vst v63  }
0x9e: {  	_ =	swait.ge [sflag:s29], $0x7D  }
0x9f: {  	[sflag:s29] =	ssyncset.done $0x0  }
0xa0: {  	s8 =	rddreg [dreg:$0x17];
	[sflag:s29] =	ssyncadd.s32 $0xFFFFFF83  }
0xa1: {  	[spmem:s3] =	stream.indirect.scatter.add.f32 [tilespmem:s22], [sflag:$0x6], $0x1, s8, s20, $0xb8;
	[tilespmem:$0x1700] =	vst v63  }
0xa2: {  	_ =	swait.ge [sflag:s30], $0x7D  }
0xa3: {  	[sflag:s30] =	ssyncset.done $0x0  }
0xa4: {  	s10 =	rddreg [dreg:$0x18];
	[sflag:s30] =	ssyncadd.s32 $0xFFFFFF83  }
0xa5: {  	[tilespmem:s22], [sflag:$0x2] =	stream.indirect.gather [spmem:s4], $0x1, s10, s20, $0xb8;
	[tilespmem:$0x1700] =	vst v63  }
0xa6: {  	_ =	swait.ge [sflag:s31], $0x7D  }
0xa7: {  	[sflag:s31] =	ssyncset.done $0x0  }
0xa8: {  	s14 =	rddreg [dreg:$0x19];
	[sflag:s31] =	ssyncadd.s32 $0xFFFFFF83  }
0xa9: {  	[spmem:s3] =	stream.indirect.scatter.add.f32 [tilespmem:s23], [sflag:$0x7], $0x1, s14, s20, $0xb8;
	[tilespmem:$0x1700] =	vst v63  }
0xaa: {  	_ =	swait.ge [sflag:s0], $0x7D  }
0xab: {  	[sflag:s0] =	ssyncset.done $0x0  }
0xac: {  	s16 =	rddreg [dreg:$0x1a];
	[sflag:s0] =	ssyncadd.s32 $0xFFFFFF83  }
0xad: {  	[tilespmem:s23], [sflag:$0x3] =	stream.indirect.gather [spmem:s4], $0x1, s16, s20, $0xb8;
	[tilespmem:$0x1700] =	vst v63  }
0xae: {  	_ =	swait.ge [sflag:s1], $0x7D  }
0xaf: {  	[sflag:s1] =	ssyncset.done $0x0  }
0xb0: {  	s24 =	rddreg [dreg:$0x1b];
	[sflag:s1] =	ssyncadd.s32 $0xFFFFFF83  }
0xb1: {  	[spmem:s3] =	stream.indirect.scatter.add.f32 [tilespmem:s25], [sflag:$0x8], $0x1, s24, s20, $0xb8;
	[tilespmem:$0x1700] =	vst v63  }
0xb2: {  	_ =	swait.ge [sflag:s2], $0x7D  }
0xb3: {  	[sflag:s2] =	ssyncset.done $0x0  }
0xb4: {  	s8 =	rddreg [dreg:$0x1c];
	[sflag:s2] =	ssyncadd.s32 $0xFFFFFF83  }
0xb5: {  	[tilespmem:s25], [sflag:$0x4] =	stream.indirect.gather [spmem:s4], $0x1, s8, s20, $0xb8;
	[tilespmem:$0x1700] =	vst v63  }
0xb6: {  	_ =	swait.ge [sflag:s26], $0x7D  }
0xb7: {  	[sflag:s26] =	ssyncset.done $0x0  }
0xb8: {  	s10 =	rddreg [dreg:$0x1d];
	[sflag:s26] =	ssyncadd.s32 $0xFFFFFF83  }
0xb9: {  	[spmem:s3] =	stream.indirect.scatter.add.f32 [tilespmem:s21], [sflag:$0x5], $0x1, s10, s20, $0xb8;
	[tilespmem:$0x1700] =	vst v63  }
0xba: {  	_ =	swait.ge [sflag:s29], $0x7D  }
0xbb: {  	[sflag:s29] =	ssyncset.done $0x0  }
0xbc: {  	s14 =	rddreg [dreg:$0x1e];
	[sflag:s29] =	ssyncadd.s32 $0xFFFFFF83  }
0xbd: {  	[spmem:s3] =	stream.indirect.scatter.add.f32 [tilespmem:s22], [sflag:$0x6], $0x1, s14, s20, $0xb8;
	[tilespmem:$0x1700] =	vst v63  }
0xbe: {  	_ =	swait.ge [sflag:s31], $0x7D  }
0xbf: {  	[sflag:s31] =	ssyncset.done $0x0  }
0xc0: {  	s16 =	rddreg [dreg:$0x1f];
	[sflag:s31] =	ssyncadd.s32 $0xFFFFFF83  }
0xc1: {  	[spmem:s3] =	stream.indirect.scatter.add.f32 [tilespmem:s23], [sflag:$0x7], $0x1, s16, s20, $0xb8;
	[tilespmem:$0x1700] =	vst v63  }
0xc2: {  	_ =	swait.ge [sflag:s1], $0x7D  }
0xc3: {  	s24 =	sld [smem:$0x7FA]  }
0xc4: {  	[sflag:s1] =	ssyncset.done $0x0  }
0xc5: {  	[sflag:s1] =	ssyncadd.s32 $0xFFFFFF83  }
0xc6: {  	[spmem:s3] =	stream.indirect.scatter.add.f32 [tilespmem:s25], [sflag:$0x8], $0x1, s24, s20, $0xb8;
	[tilespmem:$0x1700] =	vst v63  }
0xc7: {  	_ =	swait.ge [sflag:s28], $0x7D  }
0xc8: {  	[sflag:s28] =	ssyncset.done $0x0  }
0xc9: {  	[sflag:s28] =	ssyncadd.s32 $0xFFFFFF83  }
0xca: {  	_ =	swait.ge [sflag:s30], $0x7D  }
0xcb: {  	[sflag:s30] =	ssyncset.done $0x0  }
0xcc: {  	[sflag:s30] =	ssyncadd.s32 $0xFFFFFF83  }
0xcd: {  	_ =	swait.ge [sflag:s0], $0x7D  }
0xce: {  	[sflag:s0] =	ssyncset.done $0x0  }
0xcf: {  	[sflag:s0] =	ssyncadd.s32 $0xFFFFFF83  }
0xd0: {  	s9 =	simm.s32 $0x100;
	_ =	swait.ge [sflag:s2], $0x7D  }
0xd1: {  	s10 =	simm.s32 $0x200;
	s16 =	sadd.s32 $0x100, s11;
	[sflag:s2] =	ssyncset.done $0x0  }
.LBB2_2:
0xd2: {  	s16 =	sadd.s32 $0x80, s16;
	s24 =	sadd.s32 s9, s12;
	[sflag:s2] =	ssyncadd.s32 $0xFFFFFF83  }
0xd3: {  	[tilespmem:s17], [sflag:$0xA] =	stream.linear.gather [hbm4b:s16+s5], $0x400, $0x38;
	[tilespmem:$0x1700] =	vst v63  }
0xd4: {  	s24 =	sadd.s32 $0x80, s24  }
0xd5: {  	[tilespmem:s18], [sflag:$0xA] =	stream.linear.gather [hbm4b:s24+s5], $0x400, $0x38;
	[tilespmem:$0x1700] =	vst v63  }
0xd6: {  	_ =	swait.ge [sflag:s19], $0x400  }
0xd7: {  	[sflag:s19] =	ssyncset.done $0x0  }
0xd8: {  	[sflag:s19] =	ssyncadd.s32 $0xFFFFFC00  }
0xd9: {  	_ =	swait.ge [sflag:s19], $0x400  }
0xda: {  	[sflag:s19] =	ssyncset.done $0x0  }
0xdb: {  	[sflag:s19] =	ssyncadd.s32 $0xFFFFFC00  }
0xdc: {  	[tilespmem:s21], [sflag:$0x1] =	stream.indirect.gather [spmem:s4], $0x1, s5, s20, $0xb8;
	[tilespmem:$0x1700] =	vst v63  }
0xdd: {  	s8 =	rddreg [dreg:$0x5]  }
0xde: {  	[tilespmem:s22], [sflag:$0x2] =	stream.indirect.gather [spmem:s4], $0x1, s8, s20, $0xb8;
	[tilespmem:$0x1700] =	vst v63  }
0xdf: {  	s14 =	rddreg [dreg:$0x6]  }
0xe0: {  	[tilespmem:s23], [sflag:$0x3] =	stream.indirect.gather [spmem:s4], $0x1, s14, s20, $0xb8;
	[tilespmem:$0x1700] =	vst v63  }
0xe1: {  	s8 =	rddreg [dreg:$0x7]  }
0xe2: {  	[tilespmem:s25], [sflag:$0x4] =	stream.indirect.gather [spmem:s4], $0x1, s8, s20, $0xb8;
	[tilespmem:$0x1700] =	vst v63  }
0xe3: {  	_ =	swait.ge [sflag:s26], $0x7D  }
0xe4: {  	[sflag:s26] =	ssyncset.done $0x0  }
0xe5: {  	[sflag:s26] =	ssyncadd.s32 $0xFFFFFF83  }
0xe6: {  	[spmem:s3] =	stream.indirect.scatter.add.f32 [tilespmem:s21], [sflag:$0x5], $0x1, s13, s20, $0xb8;
	[tilespmem:$0x1700] =	vst v63  }
0xe7: {  	_ =	swait.ge [sflag:s28], $0x7D  }
0xe8: {  	[sflag:s28] =	ssyncset.done $0x0  }
0xe9: {  	s24 =	rddreg [dreg:$0x8];
	[sflag:s28] =	ssyncadd.s32 $0xFFFFFF83  }
0xea: {  	[tilespmem:s21], [sflag:$0x1] =	stream.indirect.gather [spmem:s4], $0x1, s24, s20, $0xb8;
	[tilespmem:$0x1700] =	vst v63  }
0xeb: {  	_ =	swait.ge [sflag:s29], $0x7D  }
0xec: {  	[sflag:s29] =	ssyncset.done $0x0  }
0xed: {  	s8 =	rddreg [dreg:$0x9];
	[sflag:s29] =	ssyncadd.s32 $0xFFFFFF83  }
0xee: {  	[spmem:s3] =	stream.indirect.scatter.add.f32 [tilespmem:s22], [sflag:$0x6], $0x1, s8, s20, $0xb8;
	[tilespmem:$0x1700] =	vst v63  }
0xef: {  	_ =	swait.ge [sflag:s30], $0x7D  }
0xf0: {  	[sflag:s30] =	ssyncset.done $0x0  }
0xf1: {  	s24 =	rddreg [dreg:$0xa];
	[sflag:s30] =	ssyncadd.s32 $0xFFFFFF83  }
0xf2: {  	[tilespmem:s22], [sflag:$0x2] =	stream.indirect.gather [spmem:s4], $0x1, s24, s20, $0xb8;
	[tilespmem:$0x1700] =	vst v63  }
0xf3: {  	_ =	swait.ge [sflag:s31], $0x7D  }
0xf4: {  	[sflag:s31] =	ssyncset.done $0x0  }
0xf5: {  	s8 =	rddreg [dreg:$0xb];
	[sflag:s31] =	ssyncadd.s32 $0xFFFFFF83  }
0xf6: {  	[spmem:s3] =	stream.indirect.scatter.add.f32 [tilespmem:s23], [sflag:$0x7], $0x1, s8, s20, $0xb8;
	[tilespmem:$0x1700] =	vst v63  }
0xf7: {  	_ =	swait.ge [sflag:s0], $0x7D  }
0xf8: {  	[sflag:s0] =	ssyncset.done $0x0  }
0xf9: {  	s24 =	rddreg [dreg:$0xc];
	[sflag:s0] =	ssyncadd.s32 $0xFFFFFF83  }
0xfa: {  	[tilespmem:s23], [sflag:$0x3] =	stream.indirect.gather [spmem:s4], $0x1, s24, s20, $0xb8;
	[tilespmem:$0x1700] =	vst v63  }
0xfb: {  	_ =	swait.ge [sflag:s1], $0x7D  }
0xfc: {  	[sflag:s1] =	ssyncset.done $0x0  }
0xfd: {  	s8 =	rddreg [dreg:$0xd];
	[sflag:s1] =	ssyncadd.s32 $0xFFFFFF83  }
0xfe: {  	[spmem:s3] =	stream.indirect.scatter.add.f32 [tilespmem:s25], [sflag:$0x8], $0x1, s8, s20, $0xb8;
	[tilespmem:$0x1700] =	vst v63  }
0xff: {  	_ =	swait.ge [sflag:s2], $0x7D  }
0x100: {  	[sflag:s2] =	ssyncset.done $0x0  }
0x101: {  	s24 =	rddreg [dreg:$0xe];
	[sflag:s2] =	ssyncadd.s32 $0xFFFFFF83  }
0x102: {  	[tilespmem:s25], [sflag:$0x4] =	stream.indirect.gather [spmem:s4], $0x1, s24, s20, $0xb8;
	[tilespmem:$0x1700] =	vst v63  }
0x103: {  	_ =	swait.ge [sflag:s26], $0x7D  }
0x104: {  	[sflag:s26] =	ssyncset.done $0x0  }
0x105: {  	s8 =	rddreg [dreg:$0xf];
	[sflag:s26] =	ssyncadd.s32 $0xFFFFFF83  }
0x106: {  	[spmem:s3] =	stream.indirect.scatter.add.f32 [tilespmem:s21], [sflag:$0x5], $0x1, s8, s20, $0xb8;
	[tilespmem:$0x1700] =	vst v63  }
0x107: {  	_ =	swait.ge [sflag:s6], $0x400  }
0x108: {  	[sflag:s6] =	ssyncset.done $0x0  }
0x109: {  	[sflag:s6] =	ssyncadd.s32 $0xFFFFFC00  }
0x10a: {  	_ =	swait.ge [sflag:s6], $0x400  }
0x10b: {  	[sflag:s6] =	ssyncset.done $0x0  }
0x10c: {  	[sflag:s6] =	ssyncadd.s32 $0xFFFFFC00  }
0x10d: {  	_ =	swait.ge [sflag:s28], $0x7D  }
0x10e: {  	[sflag:s28] =	ssyncset.done $0x0  }
0x10f: {  	[sflag:s28] =	ssyncadd.s32 $0xFFFFFF83  }
0x110: {  	[tilespmem:s21], [sflag:$0x1] =	stream.indirect.gather [spmem:s4], $0x1, s17, s20, $0xb8;
	[tilespmem:$0x1700] =	vst v63  }
0x111: {  	_ =	swait.ge [sflag:s29], $0x7D  }
0x112: {  	[sflag:s29] =	ssyncset.done $0x0  }
0x113: {  	s24 =	rddreg [dreg:$0x10];
	[sflag:s29] =	ssyncadd.s32 $0xFFFFFF83  }
0x114: {  	[spmem:s3] =	stream.indirect.scatter.add.f32 [tilespmem:s22], [sflag:$0x6], $0x1, s24, s20, $0xb8;
	[tilespmem:$0x1700] =	vst v63  }
0x115: {  	_ =	swait.ge [sflag:s30], $0x7D  }
0x116: {  	[sflag:s30] =	ssyncset.done $0x0  }
0x117: {  	s8 =	rddreg [dreg:$0x11];
	[sflag:s30] =	ssyncadd.s32 $0xFFFFFF83  }
0x118: {  	[tilespmem:s22], [sflag:$0x2] =	stream.indirect.gather [spmem:s4], $0x1, s8, s20, $0xb8;
	[tilespmem:$0x1700] =	vst v63  }
0x119: {  	_ =	swait.ge [sflag:s31], $0x7D  }
0x11a: {  	[sflag:s31] =	ssyncset.done $0x0  }
0x11b: {  	s24 =	rddreg [dreg:$0x12];
	[sflag:s31] =	ssyncadd.s32 $0xFFFFFF83  }
0x11c: {  	[spmem:s3] =	stream.indirect.scatter.add.f32 [tilespmem:s23], [sflag:$0x7], $0x1, s24, s20, $0xb8;
	[tilespmem:$0x1700] =	vst v63  }
0x11d: {  	_ =	swait.ge [sflag:s0], $0x7D  }
0x11e: {  	[sflag:s0] =	ssyncset.done $0x0  }
0x11f: {  	s8 =	rddreg [dreg:$0x13];
	[sflag:s0] =	ssyncadd.s32 $0xFFFFFF83  }
0x120: {  	[tilespmem:s23], [sflag:$0x3] =	stream.indirect.gather [spmem:s4], $0x1, s8, s20, $0xb8;
	[tilespmem:$0x1700] =	vst v63  }
0x121: {  	p1 =	seq.s32 s9, $0x400;
	_ =	swait.ge [sflag:s1], $0x7D  }
0x122: {  	s14 =	sadd.s32 @!p1 s9, s11;
	s9 =	sadd.s32 @!p1 s9, s12;
	[sflag:s1] =	ssyncset.done $0x0  }
0x123: {  	s14 =	sadd.s32 @!p1 $0x100, s14;
	s24 =	simm.s32 @!p1 $0x0;
	[sflag:s1] =	ssyncadd.s32 $0xFFFFFF83  }
0x124: {  	[tilespmem:s24], [sflag:$0x9] =	stream.linear.gather @!p1 [hbm4b:s14+s24], $0x400, $0x38;
	[tilespmem:$0x1700] =	vst v63  }
0x125: {  	s9 =	sadd.s32 @!p1 $0x100, s9;
	s14 =	simm.s32 @!p1 $0x800  }
0x126: {  	[tilespmem:s14], [sflag:$0x9] =	stream.linear.gather @!p1 [hbm4b:s9+s24], $0x400, $0x38;
	[tilespmem:$0x1700] =	vst v63  }
0x127: {  	s8 =	rddreg [dreg:$0x14]  }
0x128: {  	[spmem:s3] =	stream.indirect.scatter.add.f32 [tilespmem:s25], [sflag:$0x8], $0x1, s8, s20, $0xb8;
	[tilespmem:$0x1700] =	vst v63  }
0x129: {  	_ =	swait.ge [sflag:s2], $0x7D  }
0x12a: {  	[sflag:s2] =	ssyncset.done $0x0  }
0x12b: {  	s14 =	rddreg [dreg:$0x15];
	[sflag:s2] =	ssyncadd.s32 $0xFFFFFF83  }
0x12c: {  	[tilespmem:s25], [sflag:$0x4] =	stream.indirect.gather [spmem:s4], $0x1, s14, s20, $0xb8;
	[tilespmem:$0x1700] =	vst v63  }
0x12d: {  	_ =	swait.ge [sflag:s26], $0x7D  }
0x12e: {  	[sflag:s26] =	ssyncset.done $0x0  }
0x12f: {  	[sflag:s26] =	ssyncadd.s32 $0xFFFFFF83  }
0x130: {  	[spmem:s3] =	stream.indirect.scatter.add.f32 [tilespmem:s21], [sflag:$0x5], $0x1, s18, s20, $0xb8;
	[tilespmem:$0x1700] =	vst v63  }
0x131: {  	_ =	swait.ge [sflag:s28], $0x7D  }
0x132: {  	s16 =	smov.u32 s10;
	[sflag:s28] =	ssyncset.done $0x0  }
0x133: {  	s9 =	smov.u32 s16;
	s16 =	rddreg [dreg:$0x16];
	[sflag:s28] =	ssyncadd.s32 $0xFFFFFF83  }
0x134: {  	[tilespmem:s21], [sflag:$0x1] =	stream.indirect.gather [spmem:s4], $0x1, s16, s20, $0xb8;
	[tilespmem:$0x1700] =	vst v63  }
0x135: {  	_ =	swait.ge [sflag:s29], $0x7D  }
0x136: {  	[sflag:s29] =	ssyncset.done $0x0  }
0x137: {  	s24 =	rddreg [dreg:$0x17];
	[sflag:s29] =	ssyncadd.s32 $0xFFFFFF83  }
0x138: {  	[spmem:s3] =	stream.indirect.scatter.add.f32 [tilespmem:s22], [sflag:$0x6], $0x1, s24, s20, $0xb8;
	[tilespmem:$0x1700] =	vst v63  }
0x139: {  	_ =	swait.ge [sflag:s30], $0x7D  }
0x13a: {  	[sflag:s30] =	ssyncset.done $0x0  }
0x13b: {  	s14 =	rddreg [dreg:$0x18];
	[sflag:s30] =	ssyncadd.s32 $0xFFFFFF83  }
0x13c: {  	[tilespmem:s22], [sflag:$0x2] =	stream.indirect.gather [spmem:s4], $0x1, s14, s20, $0xb8;
	[tilespmem:$0x1700] =	vst v63  }
0x13d: {  	_ =	swait.ge [sflag:s31], $0x7D  }
0x13e: {  	[sflag:s31] =	ssyncset.done $0x0  }
0x13f: {  	s16 =	rddreg [dreg:$0x19];
	[sflag:s31] =	ssyncadd.s32 $0xFFFFFF83  }
0x140: {  	[spmem:s3] =	stream.indirect.scatter.add.f32 [tilespmem:s23], [sflag:$0x7], $0x1, s16, s20, $0xb8;
	[tilespmem:$0x1700] =	vst v63  }
0x141: {  	_ =	swait.ge [sflag:s0], $0x7D  }
0x142: {  	[sflag:s0] =	ssyncset.done $0x0  }
0x143: {  	s24 =	rddreg [dreg:$0x1a];
	[sflag:s0] =	ssyncadd.s32 $0xFFFFFF83  }
0x144: {  	[tilespmem:s23], [sflag:$0x3] =	stream.indirect.gather [spmem:s4], $0x1, s24, s20, $0xb8;
	[tilespmem:$0x1700] =	vst v63  }
0x145: {  	_ =	swait.ge [sflag:s1], $0x7D  }
0x146: {  	[sflag:s1] =	ssyncset.done $0x0  }
0x147: {  	s14 =	rddreg [dreg:$0x1b];
	[sflag:s1] =	ssyncadd.s32 $0xFFFFFF83  }
0x148: {  	[spmem:s3] =	stream.indirect.scatter.add.f32 [tilespmem:s25], [sflag:$0x8], $0x1, s14, s20, $0xb8;
	[tilespmem:$0x1700] =	vst v63  }
0x149: {  	_ =	swait.ge [sflag:s2], $0x7D  }
0x14a: {  	[sflag:s2] =	ssyncset.done $0x0  }
0x14b: {  	s16 =	rddreg [dreg:$0x1c];
	[sflag:s2] =	ssyncadd.s32 $0xFFFFFF83  }
0x14c: {  	[tilespmem:s25], [sflag:$0x4] =	stream.indirect.gather [spmem:s4], $0x1, s16, s20, $0xb8;
	[tilespmem:$0x1700] =	vst v63  }
0x14d: {  	_ =	swait.ge [sflag:s26], $0x7D  }
0x14e: {  	[sflag:s26] =	ssyncset.done $0x0  }
0x14f: {  	s24 =	rddreg [dreg:$0x1d];
	[sflag:s26] =	ssyncadd.s32 $0xFFFFFF83  }
0x150: {  	[spmem:s3] =	stream.indirect.scatter.add.f32 [tilespmem:s21], [sflag:$0x5], $0x1, s24, s20, $0xb8;
	[tilespmem:$0x1700] =	vst v63  }
0x151: {  	_ =	swait.ge [sflag:s29], $0x7D  }
0x152: {  	[sflag:s29] =	ssyncset.done $0x0  }
0x153: {  	s14 =	rddreg [dreg:$0x1e];
	[sflag:s29] =	ssyncadd.s32 $0xFFFFFF83  }
0x154: {  	[spmem:s3] =	stream.indirect.scatter.add.f32 [tilespmem:s22], [sflag:$0x6], $0x1, s14, s20, $0xb8;
	[tilespmem:$0x1700] =	vst v63  }
0x155: {  	_ =	swait.ge [sflag:s31], $0x7D  }
0x156: {  	[sflag:s31] =	ssyncset.done $0x0  }
0x157: {  	s16 =	rddreg [dreg:$0x1f];
	[sflag:s31] =	ssyncadd.s32 $0xFFFFFF83  }
0x158: {  	[spmem:s3] =	stream.indirect.scatter.add.f32 [tilespmem:s23], [sflag:$0x7], $0x1, s16, s20, $0xb8;
	[tilespmem:$0x1700] =	vst v63  }
0x159: {  	_ =	swait.ge [sflag:s1], $0x7D  }
0x15a: {  	s24 =	sld [smem:$0x7FA]  }
0x15b: {  	[sflag:s1] =	ssyncset.done $0x0  }
0x15c: {  	[sflag:s1] =	ssyncadd.s32 $0xFFFFFF83  }
0x15d: {  	[spmem:s3] =	stream.indirect.scatter.add.f32 [tilespmem:s25], [sflag:$0x8], $0x1, s24, s20, $0xb8;
	[tilespmem:$0x1700] =	vst v63  }
0x15e: {  	_ =	swait.ge [sflag:s28], $0x7D  }
0x15f: {  	[sflag:s28] =	ssyncset.done $0x0  }
0x160: {  	[sflag:s28] =	ssyncadd.s32 $0xFFFFFF83  }
0x161: {  	_ =	swait.ge [sflag:s30], $0x7D  }
0x162: {  	s10 =	sadd.s32 $0x100, s10;
	[sflag:s30] =	ssyncset.done $0x0  }
0x163: {  	p0 =	sne.s32 s10, $0x500;
	[sflag:s30] =	ssyncadd.s32 $0xFFFFFF83  }
.Ltmp0:
0x164: {  	_ =	swait.ge [sflag:s0], $0x7D;
	(pc) =	sbr.rel @p0 .LBB2_2-.Ltmp0, $4  }
0x165: {  	[sflag:s0] =	ssyncset.done $0x0  }
0x166: {  	[sflag:s0] =	ssyncadd.s32 $0xFFFFFF83  }
0x167: {  	_ =	swait.ge [sflag:s2], $0x7D  }
0x168: {  	s16 =	sadd.s32 s9, s11;
	[sflag:s2] =	ssyncset.done $0x0  }
0x169: {  	s8 =	sadd.s32 $0x80, s16;
	s10 =	sadd.s32 s9, s12;
	[sflag:s2] =	ssyncadd.s32 $0xFFFFFF83  }
0x16a: {  	[tilespmem:s17], [sflag:$0xA] =	stream.linear.gather [hbm4b:s8+s5], $0x400, $0x38;
	[tilespmem:$0x1700] =	vst v63  }
0x16b: {  	s24 =	sadd.s32 $0x80, s10  }
0x16c: {  	[tilespmem:s18], [sflag:$0xA] =	stream.linear.gather [hbm4b:s24+s5], $0x400, $0x38;
	[tilespmem:$0x1700] =	vst v63  }
0x16d: {  	_ =	swait.ge [sflag:s19], $0x400  }
0x16e: {  	[sflag:s19] =	ssyncset.done $0x0  }
0x16f: {  	[sflag:s19] =	ssyncadd.s32 $0xFFFFFC00  }
0x170: {  	_ =	swait.ge [sflag:s19], $0x400  }
0x171: {  	[sflag:s19] =	ssyncset.done $0x0  }
0x172: {  	[sflag:s19] =	ssyncadd.s32 $0xFFFFFC00  }
0x173: {  	[tilespmem:s21], [sflag:$0x1] =	stream.indirect.gather [spmem:s4], $0x1, s5, s20, $0xb8;
	[tilespmem:$0x1700] =	vst v63  }
0x174: {  	s10 =	rddreg [dreg:$0x5]  }
0x175: {  	[tilespmem:s22], [sflag:$0x2] =	stream.indirect.gather [spmem:s4], $0x1, s10, s20, $0xb8;
	[tilespmem:$0x1700] =	vst v63  }
0x176: {  	s14 =	rddreg [dreg:$0x6]  }
0x177: {  	[tilespmem:s23], [sflag:$0x3] =	stream.indirect.gather [spmem:s4], $0x1, s14, s20, $0xb8;
	[tilespmem:$0x1700] =	vst v63  }
0x178: {  	s16 =	rddreg [dreg:$0x7]  }
0x179: {  	[tilespmem:s25], [sflag:$0x4] =	stream.indirect.gather [spmem:s4], $0x1, s16, s20, $0xb8;
	[tilespmem:$0x1700] =	vst v63  }
0x17a: {  	_ =	swait.ge [sflag:s26], $0x7D  }
0x17b: {  	[sflag:s26] =	ssyncset.done $0x0  }
0x17c: {  	[sflag:s26] =	ssyncadd.s32 $0xFFFFFF83  }
0x17d: {  	[spmem:s3] =	stream.indirect.scatter.add.f32 [tilespmem:s21], [sflag:$0x5], $0x1, s13, s20, $0xb8;
	[tilespmem:$0x1700] =	vst v63  }
0x17e: {  	_ =	swait.ge [sflag:s28], $0x7D  }
0x17f: {  	[sflag:s28] =	ssyncset.done $0x0  }
0x180: {  	s24 =	rddreg [dreg:$0x8];
	[sflag:s28] =	ssyncadd.s32 $0xFFFFFF83  }
0x181: {  	[tilespmem:s21], [sflag:$0x1] =	stream.indirect.gather [spmem:s4], $0x1, s24, s20, $0xb8;
	[tilespmem:$0x1700] =	vst v63  }
0x182: {  	_ =	swait.ge [sflag:s29], $0x7D  }
0x183: {  	[sflag:s29] =	ssyncset.done $0x0  }
0x184: {  	s10 =	rddreg [dreg:$0x9];
	[sflag:s29] =	ssyncadd.s32 $0xFFFFFF83  }
0x185: {  	[spmem:s3] =	stream.indirect.scatter.add.f32 [tilespmem:s22], [sflag:$0x6], $0x1, s10, s20, $0xb8;
	[tilespmem:$0x1700] =	vst v63  }
0x186: {  	_ =	swait.ge [sflag:s30], $0x7D  }
0x187: {  	[sflag:s30] =	ssyncset.done $0x0  }
0x188: {  	s14 =	rddreg [dreg:$0xa];
	[sflag:s30] =	ssyncadd.s32 $0xFFFFFF83  }
0x189: {  	[tilespmem:s22], [sflag:$0x2] =	stream.indirect.gather [spmem:s4], $0x1, s14, s20, $0xb8;
	[tilespmem:$0x1700] =	vst v63  }
0x18a: {  	_ =	swait.ge [sflag:s31], $0x7D  }
0x18b: {  	[sflag:s31] =	ssyncset.done $0x0  }
0x18c: {  	s16 =	rddreg [dreg:$0xb];
	[sflag:s31] =	ssyncadd.s32 $0xFFFFFF83  }
0x18d: {  	[spmem:s3] =	stream.indirect.scatter.add.f32 [tilespmem:s23], [sflag:$0x7], $0x1, s16, s20, $0xb8;
	[tilespmem:$0x1700] =	vst v63  }
0x18e: {  	_ =	swait.ge [sflag:s0], $0x7D  }
0x18f: {  	[sflag:s0] =	ssyncset.done $0x0  }
0x190: {  	s24 =	rddreg [dreg:$0xc];
	[sflag:s0] =	ssyncadd.s32 $0xFFFFFF83  }
0x191: {  	[tilespmem:s23], [sflag:$0x3] =	stream.indirect.gather [spmem:s4], $0x1, s24, s20, $0xb8;
	[tilespmem:$0x1700] =	vst v63  }
0x192: {  	_ =	swait.ge [sflag:s1], $0x7D  }
0x193: {  	[sflag:s1] =	ssyncset.done $0x0  }
0x194: {  	s10 =	rddreg [dreg:$0xd];
	[sflag:s1] =	ssyncadd.s32 $0xFFFFFF83  }
0x195: {  	[spmem:s3] =	stream.indirect.scatter.add.f32 [tilespmem:s25], [sflag:$0x8], $0x1, s10, s20, $0xb8;
	[tilespmem:$0x1700] =	vst v63  }
0x196: {  	_ =	swait.ge [sflag:s2], $0x7D  }
0x197: {  	[sflag:s2] =	ssyncset.done $0x0  }
0x198: {  	s14 =	rddreg [dreg:$0xe];
	[sflag:s2] =	ssyncadd.s32 $0xFFFFFF83  }
0x199: {  	[tilespmem:s25], [sflag:$0x4] =	stream.indirect.gather [spmem:s4], $0x1, s14, s20, $0xb8;
	[tilespmem:$0x1700] =	vst v63  }
0x19a: {  	_ =	swait.ge [sflag:s26], $0x7D  }
0x19b: {  	[sflag:s26] =	ssyncset.done $0x0  }
0x19c: {  	s16 =	rddreg [dreg:$0xf];
	[sflag:s26] =	ssyncadd.s32 $0xFFFFFF83  }
0x19d: {  	[spmem:s3] =	stream.indirect.scatter.add.f32 [tilespmem:s21], [sflag:$0x5], $0x1, s16, s20, $0xb8;
	[tilespmem:$0x1700] =	vst v63  }
0x19e: {  	_ =	swait.ge [sflag:s6], $0x400  }
0x19f: {  	[sflag:s6] =	ssyncset.done $0x0  }
0x1a0: {  	[sflag:s6] =	ssyncadd.s32 $0xFFFFFC00  }
0x1a1: {  	_ =	swait.ge [sflag:s6], $0x400  }
0x1a2: {  	[sflag:s6] =	ssyncset.done $0x0  }
0x1a3: {  	[sflag:s6] =	ssyncadd.s32 $0xFFFFFC00  }
0x1a4: {  	_ =	swait.ge [sflag:s28], $0x7D  }
0x1a5: {  	[sflag:s28] =	ssyncset.done $0x0  }
0x1a6: {  	[sflag:s28] =	ssyncadd.s32 $0xFFFFFF83  }
0x1a7: {  	[tilespmem:s21], [sflag:$0x1] =	stream.indirect.gather [spmem:s4], $0x1, s17, s20, $0xb8;
	[tilespmem:$0x1700] =	vst v63  }
0x1a8: {  	_ =	swait.ge [sflag:s29], $0x7D  }
0x1a9: {  	[sflag:s29] =	ssyncset.done $0x0  }
0x1aa: {  	s24 =	rddreg [dreg:$0x10];
	[sflag:s29] =	ssyncadd.s32 $0xFFFFFF83  }
0x1ab: {  	[spmem:s3] =	stream.indirect.scatter.add.f32 [tilespmem:s22], [sflag:$0x6], $0x1, s24, s20, $0xb8;
	[tilespmem:$0x1700] =	vst v63  }
0x1ac: {  	_ =	swait.ge [sflag:s30], $0x7D  }
0x1ad: {  	[sflag:s30] =	ssyncset.done $0x0  }
0x1ae: {  	s10 =	rddreg [dreg:$0x11];
	[sflag:s30] =	ssyncadd.s32 $0xFFFFFF83  }
0x1af: {  	[tilespmem:s22], [sflag:$0x2] =	stream.indirect.gather [spmem:s4], $0x1, s10, s20, $0xb8;
	[tilespmem:$0x1700] =	vst v63  }
0x1b0: {  	_ =	swait.ge [sflag:s31], $0x7D  }
0x1b1: {  	[sflag:s31] =	ssyncset.done $0x0  }
0x1b2: {  	s14 =	rddreg [dreg:$0x12];
	[sflag:s31] =	ssyncadd.s32 $0xFFFFFF83  }
0x1b3: {  	[spmem:s3] =	stream.indirect.scatter.add.f32 [tilespmem:s23], [sflag:$0x7], $0x1, s14, s20, $0xb8;
	[tilespmem:$0x1700] =	vst v63  }
0x1b4: {  	_ =	swait.ge [sflag:s0], $0x7D  }
0x1b5: {  	[sflag:s0] =	ssyncset.done $0x0  }
0x1b6: {  	s16 =	rddreg [dreg:$0x13];
	[sflag:s0] =	ssyncadd.s32 $0xFFFFFF83  }
0x1b7: {  	[tilespmem:s23], [sflag:$0x3] =	stream.indirect.gather [spmem:s4], $0x1, s16, s20, $0xb8;
	[tilespmem:$0x1700] =	vst v63  }
0x1b8: {  	p0 =	seq.s32 s9, $0x400;
	_ =	swait.ge [sflag:s1], $0x7D  }
0x1b9: {  	s8 =	sadd.s32 @!p0 s9, s11;
	s9 =	sadd.s32 @!p0 s9, s12;
	[sflag:s1] =	ssyncset.done $0x0  }
0x1ba: {  	s8 =	sadd.s32 @!p0 $0x100, s8;
	s10 =	simm.s32 @!p0 $0x0;
	[sflag:s1] =	ssyncadd.s32 $0xFFFFFF83  }
0x1bb: {  	[tilespmem:s10], [sflag:$0x9] =	stream.linear.gather @!p0 [hbm4b:s8+s10], $0x400, $0x38;
	[tilespmem:$0x1700] =	vst v63  }
0x1bc: {  	s8 =	sadd.s32 @!p0 $0x100, s9;
	s9 =	simm.s32 @!p0 $0x800  }
0x1bd: {  	[tilespmem:s9], [sflag:$0x9] =	stream.linear.gather @!p0 [hbm4b:s8+s10], $0x400, $0x38;
	[tilespmem:$0x1700] =	vst v63  }
0x1be: {  	s14 =	rddreg [dreg:$0x14]  }
0x1bf: {  	[spmem:s3] =	stream.indirect.scatter.add.f32 [tilespmem:s25], [sflag:$0x8], $0x1, s14, s20, $0xb8;
	[tilespmem:$0x1700] =	vst v63  }
0x1c0: {  	_ =	swait.ge [sflag:s2], $0x7D  }
0x1c1: {  	[sflag:s2] =	ssyncset.done $0x0  }
0x1c2: {  	s24 =	rddreg [dreg:$0x15];
	[sflag:s2] =	ssyncadd.s32 $0xFFFFFF83  }
0x1c3: {  	[tilespmem:s25], [sflag:$0x4] =	stream.indirect.gather [spmem:s4], $0x1, s24, s20, $0xb8;
	[tilespmem:$0x1700] =	vst v63  }
0x1c4: {  	_ =	swait.ge [sflag:s26], $0x7D  }
0x1c5: {  	[sflag:s26] =	ssyncset.done $0x0  }
0x1c6: {  	[sflag:s26] =	ssyncadd.s32 $0xFFFFFF83  }
0x1c7: {  	[spmem:s3] =	stream.indirect.scatter.add.f32 [tilespmem:s21], [sflag:$0x5], $0x1, s18, s20, $0xb8;
	[tilespmem:$0x1700] =	vst v63  }
0x1c8: {  	_ =	swait.ge [sflag:s28], $0x7D  }
0x1c9: {  	[sflag:s28] =	ssyncset.done $0x0  }
0x1ca: {  	s9 =	rddreg [dreg:$0x16];
	[sflag:s28] =	ssyncadd.s32 $0xFFFFFF83  }
0x1cb: {  	[tilespmem:s21], [sflag:$0x1] =	stream.indirect.gather [spmem:s4], $0x1, s9, s20, $0xb8;
	[tilespmem:$0x1700] =	vst v63  }
0x1cc: {  	_ =	swait.ge [sflag:s29], $0x7D  }
0x1cd: {  	[sflag:s29] =	ssyncset.done $0x0  }
0x1ce: {  	s10 =	rddreg [dreg:$0x17];
	[sflag:s29] =	ssyncadd.s32 $0xFFFFFF83  }
0x1cf: {  	[spmem:s3] =	stream.indirect.scatter.add.f32 [tilespmem:s22], [sflag:$0x6], $0x1, s10, s20, $0xb8;
	[tilespmem:$0x1700] =	vst v63  }
0x1d0: {  	_ =	swait.ge [sflag:s30], $0x7D  }
0x1d1: {  	[sflag:s30] =	ssyncset.done $0x0  }
0x1d2: {  	s14 =	rddreg [dreg:$0x18];
	[sflag:s30] =	ssyncadd.s32 $0xFFFFFF83  }
0x1d3: {  	[tilespmem:s22], [sflag:$0x2] =	stream.indirect.gather [spmem:s4], $0x1, s14, s20, $0xb8;
	[tilespmem:$0x1700] =	vst v63  }
0x1d4: {  	_ =	swait.ge [sflag:s31], $0x7D  }
0x1d5: {  	[sflag:s31] =	ssyncset.done $0x0  }
0x1d6: {  	s16 =	rddreg [dreg:$0x19];
	[sflag:s31] =	ssyncadd.s32 $0xFFFFFF83  }
0x1d7: {  	[spmem:s3] =	stream.indirect.scatter.add.f32 [tilespmem:s23], [sflag:$0x7], $0x1, s16, s20, $0xb8;
	[tilespmem:$0x1700] =	vst v63  }
0x1d8: {  	_ =	swait.ge [sflag:s0], $0x7D  }
0x1d9: {  	[sflag:s0] =	ssyncset.done $0x0  }
0x1da: {  	s24 =	rddreg [dreg:$0x1a];
	[sflag:s0] =	ssyncadd.s32 $0xFFFFFF83  }
0x1db: {  	[tilespmem:s23], [sflag:$0x3] =	stream.indirect.gather [spmem:s4], $0x1, s24, s20, $0xb8;
	[tilespmem:$0x1700] =	vst v63  }
0x1dc: {  	_ =	swait.ge [sflag:s1], $0x7D  }
0x1dd: {  	[sflag:s1] =	ssyncset.done $0x0  }
0x1de: {  	s9 =	rddreg [dreg:$0x1b];
	[sflag:s1] =	ssyncadd.s32 $0xFFFFFF83  }
0x1df: {  	[spmem:s3] =	stream.indirect.scatter.add.f32 [tilespmem:s25], [sflag:$0x8], $0x1, s9, s20, $0xb8;
	[tilespmem:$0x1700] =	vst v63  }
0x1e0: {  	_ =	swait.ge [sflag:s2], $0x7D  }
0x1e1: {  	[sflag:s2] =	ssyncset.done $0x0  }
0x1e2: {  	s10 =	rddreg [dreg:$0x1c];
	[sflag:s2] =	ssyncadd.s32 $0xFFFFFF83  }
0x1e3: {  	[tilespmem:s25], [sflag:$0x4] =	stream.indirect.gather [spmem:s4], $0x1, s10, s20, $0xb8;
	[tilespmem:$0x1700] =	vst v63  }
0x1e4: {  	_ =	swait.ge [sflag:s26], $0x7D  }
0x1e5: {  	[sflag:s26] =	ssyncset.done $0x0  }
0x1e6: {  	s14 =	rddreg [dreg:$0x1d];
	[sflag:s26] =	ssyncadd.s32 $0xFFFFFF83  }
0x1e7: {  	[spmem:s3] =	stream.indirect.scatter.add.f32 [tilespmem:s21], [sflag:$0x5], $0x1, s14, s20, $0xb8;
	[tilespmem:$0x1700] =	vst v63  }
0x1e8: {  	_ =	swait.ge [sflag:s29], $0x7D  }
0x1e9: {  	[sflag:s29] =	ssyncset.done $0x0  }
0x1ea: {  	s16 =	rddreg [dreg:$0x1e];
	[sflag:s29] =	ssyncadd.s32 $0xFFFFFF83  }
0x1eb: {  	[spmem:s3] =	stream.indirect.scatter.add.f32 [tilespmem:s22], [sflag:$0x6], $0x1, s16, s20, $0xb8;
	[tilespmem:$0x1700] =	vst v63  }
0x1ec: {  	_ =	swait.ge [sflag:s31], $0x7D  }
0x1ed: {  	[sflag:s31] =	ssyncset.done $0x0  }
0x1ee: {  	s24 =	rddreg [dreg:$0x1f];
	[sflag:s31] =	ssyncadd.s32 $0xFFFFFF83  }
0x1ef: {  	[spmem:s3] =	stream.indirect.scatter.add.f32 [tilespmem:s23], [sflag:$0x7], $0x1, s24, s20, $0xb8;
	[tilespmem:$0x1700] =	vst v63  }
0x1f0: {  	_ =	swait.ge [sflag:s1], $0x7D  }
0x1f1: {  	s9 =	sld [smem:$0x7FA]  }
0x1f2: {  	[sflag:s1] =	ssyncset.done $0x0  }
0x1f3: {  	[sflag:s1] =	ssyncadd.s32 $0xFFFFFF83  }
0x1f4: {  	[spmem:s3] =	stream.indirect.scatter.add.f32 [tilespmem:s25], [sflag:$0x8], $0x1, s9, s20, $0xb8;
	[tilespmem:$0x1700] =	vst v63  }
0x1f5: {  	_ =	swait.ge [sflag:s28], $0x7D  }
0x1f6: {  	[sflag:s28] =	ssyncset.done $0x0  }
0x1f7: {  	[sflag:s28] =	ssyncadd.s32 $0xFFFFFF83  }
0x1f8: {  	_ =	swait.ge [sflag:s30], $0x7D  }
0x1f9: {  	[sflag:s30] =	ssyncset.done $0x0  }
0x1fa: {  	[sflag:s30] =	ssyncadd.s32 $0xFFFFFF83  }
0x1fb: {  	_ =	swait.ge [sflag:s0], $0x7D  }
0x1fc: {  	[sflag:s0] =	ssyncset.done $0x0  }
0x1fd: {  	[sflag:s0] =	ssyncadd.s32 $0xFFFFFF83  }
0x1fe: {  	_ =	swait.ge [sflag:s2], $0x7D  }
0x1ff: {  	[sflag:s2] =	ssyncset.done $0x0  }
0x200: {  	[sflag:s2] =	ssyncadd.s32 $0xFFFFFF83  }
0x201: {  	[bflag:$0x0] =	sbarrier.arrive $0xFFFF  }
0x202: {  	s24 =	sld [smem:$0x7FC]  }
0x203: {  	s9 =	sld [smem:$0x7FD]  }
0x204: {  	s10 =	sld [smem:$0x7FB];
	_ =	sdelay $0x1  }
0x205: {  	s14 =	simm.s32 $0x20;
	s16 =	simm.s32 $0x10  }
0x206: {  	[hbm:s10@s14], [sflag:s24] =	dma.strided [spmem:s9@s16], $0x50, s26, $0x10   }
0x207: {  	_ =	swait.ge [sflag:s15], $0x50  }
0x208: {  	s16 =	sld [smem:$0x7F8];
	_ =	sdelay $0x1  }
0x209: {  	s7 =	sadd.s32 $0x1, s7  }
0x20a: {  	p0 =	sne.s32 s7, s16  }
.Ltmp1:
0x20b: {  	_ = 	snop;
	(pc) =	sbr.rel @p0 .LBB2_1-.Ltmp1, $3  }
0x20c: {  	_ =	sdelay $0x1  }
0x20d: {  	[sflag:s15] =	ssyncset.done $0x0  }
0x20e: {  	[sflag:s15] =	ssyncadd.s32 $0xFFFFFFB0  }
0x20f: {  	_ =	sfence.sel $0x180000  }
0x210: {  	[bflag:$0x0] =	sbarrier.arrive $0xFFFF  }
0x211: {  	_ =	strace $0x9000004D  }
0x212: {  	s0 =	stileid.u32;
	[bflag:$0x2] =	sbarrier.arrive $0xFFFF  }
0x213: {  	p0 =	sne.s32 s0, $0x0;
	s0 =	rddreg [dreg:$0x4]  }
0x214: {  	s0 =	sadd.s32 @!p0 $0x100000, s0  }
0x215: {  	[sflag:s0] =	ssyncadd.tile.s32 @!p0 $0x1;
	_ =	shalt  }
.Lfunc_end2:
_tile_overlayer_lowered:
.L_overlay_start_2:
0x216: {  	(tag) =	ssettag $0x2  }
0x217: {  	s0 =	rddreg [dreg:$0x0];
	s2 =	stileid.u32  }
0x218: {  	s1 =	rddreg [dreg:$0x1];
	p0 =	sne.s32 s2, $0x0  }
0x219: {  	s3 =	rddreg [dreg:$0x2];
	[bflag:$0x3] =	sbarrier.arrive $0xFFFF;
	s2 =	simm.s32 @!p0 $0x1C0B  }
0x21a: {  	[timem:s3], [sflag:s2] =	dma.local @!p0 [hbm:s0], s1  }
0x21b: {  	s0 =	simm.s32 @!p0 $0xB  }
0x21c: {  	_ =	swait.ge @!p0 [sflag:s0], s1  }
0x21d: {  	s1 =	ssub.s32 @!p0 $0x0, s1;
	[sflag:s0] =	ssyncset.done @!p0 $0x0  }
0x21e: {  	[sflag:s0] =	ssyncadd.s32 @!p0 s1  }
0x21f: {  	[bflag:$0x3] =	sbarrier.arrive $0xFFFF  }
0x220: {  	_ =	shalt  }

// kernel: kernel.9.cloned.1.call-start
scs
__scs_entry_jumppad:
0x0: {  	(pc) =	sbr.rel $0x88, $3  }
0x1: {  	(tag) =	ssettag $0x0;
	lr =	simm.s32 $0x1  }
0x2: {  	[smem:$0x3F99] =	sst lr;
	_ =	strace $0xD0000000  }
0x3: {  	_ = 	snop  }
0x4: {  	_ = 	snop  }
0x5: {  	_ = 	snop  }
0x6: {  	_ = 	snop  }
0x7: {  	_ = 	snop  }
__scs_overlays_trampoline_lowered:
0x8: {  	[smem:$0x3FA8] =	sst s0  }
0x9: {  	[smem:$0x3FA9] =	sst s1  }
0xa: {  	[smem:$0x3FAA] =	sst s2  }
0xb: {  	[smem:$0x3FAB] =	sst s3  }
0xc: {  	[smem:$0x3FAC] =	sst s4  }
0xd: {  	[smem:$0x3FAD] =	sst s5  }
0xe: {  	[smem:$0x3FAE] =	sst s6  }
0xf: {  	[smem:$0x3FAF] =	sst s7  }
0x10: {  	[smem:$0x3FB0] =	sst s8  }
0x11: {  	[smem:$0x3FB1] =	sst s9;
	s0 =	simm.s32 @!p0 $0x0  }
0x12: {  	s1 =	sld [smem:$0x3F97];
	s0 =	simm.s32 @p0 $0x1  }
0x13: {  	[smem:$0x3FB2] =	sst s0;
	s0 =	simm.s32 @!p1 $0x0  }
0x14: {  	s2 =	sld [smem:$0x3F96];
	s0 =	simm.s32 @p1 $0x1  }
0x15: {  	[smem:$0x3FB3] =	sst s0;
	s0 =	simm.s32 @!p2 $0x0  }
0x16: {  	s3 =	sld [smem:$0x3FDB];
	s0 =	simm.s32 @p2 $0x1  }
0x17: {  	s4 =	simm.s32 $0x1BF5;
	[smem:$0x3FB5] =	sst s0  }
0x18: {  	s0 =	sld [smem:$0x3F98];
	_ =	swait.ge [sflag:s4], $0x0  }
0x19: {  	s7 =	sld [smem:$0x3F99]  }
0x1a: {  	s8 =	sadd.s32 $0xFFFFE003, lr  }
0x1b: {  	s9 =	sadd.s32 $0xFFFFFEF7, lr;
	s5 =	simm.s32 $0xFFFFFFFF;
	p2 =	slt.u32 s8, $0xFFFFF086  }
0x1c: {  	p1 =	slt.u32 s9, $0xF7A;
	s5 =	simm.s32 @!p2 $0x0  }
0x1d: {  	s5 =	simm.s32 @p1 $0x1;
	p0 =	seq.s32 s7, s2  }
0x1e: {  	s7 =	smul.u32 @!p0 $0xF7A, s2;
	p2 =	seq.s32 @!p0 s5, $0x0  }
0x1f: {  	s9 =	smul.u32 $0xF7A, s1;
	s8 =	simm.s32 @!p0 $0x1BF5;
	p2 =	por !p2, p0  }
0x20: {  	[sflag:s8] =	ssyncset.s32 @!p0 $0xFFFFF086;
	s6 =	sadd.s32 @!p0 s3, s7;
	s7 =	simm.s32 @!p0 $0x108  }
0x21: {  	s3 =	sadd.s32 s3, s9;
	s6 =	sadd.s32 @!p0 $0x88, s6;
	s7 =	simm.s32 @p2 $0x1082  }
0x22: {  	[simem:s7], [sflag:s8] =	dma.local @!p0 [hbm:s6], $0xF7A  }
0x23: {  	s9 =	sor.u32 $0xD0000000, s2;
	s6 =	simm.s32 $0x108;
	_ =	swait.ge @!p0 [sflag:s8], $0x0  }
0x24: {  	s3 =	sadd.s32 $0x88, s3;
	s6 =	simm.s32 @!p1 $0x1082;
	[sflag:s4] =	ssyncset.s32 $0xFFFFF086  }
0x25: {  	[simem:s6], [sflag:s4] =	dma.local [hbm:s3], $0xF7A  }
0x26: {  	[smem:$0x3F99] =	sst s1;
	(tag) =	ssettag s2;
	_ =	strace s9  }
0x27: {  	s1 =	sld [smem:$0x3FA9]  }
0x28: {  	s2 =	sld [smem:$0x3FAA]  }
0x29: {  	s4 =	sld [smem:$0x3FAC]  }
0x2a: {  	p0 =	seq.s32 s5, $0x0;
	s5 =	sld [smem:$0x3FAD]  }
0x2b: {  	s6 =	sld [smem:$0x3FAE]  }
0x2c: {  	s7 =	sld [smem:$0x3FAF]  }
0x2d: {  	s3 =	simm.s32 $0x108;
	s8 =	sld [smem:$0x3FB0]  }
0x2e: {  	s3 =	simm.s32 @!p0 $0x1082;
	s9 =	sld [smem:$0x3FB1]  }
0x2f: {  	lr =	sadd.s32 s0, s3;
	s0 =	sld [smem:$0x3FA8]  }
0x30: {  	s3 =	sld [smem:$0x3FAB]  }
0x31: {  	[smem:$0x3FB4] =	sst s10  }
0x32: {  	s10 =	sld [smem:$0x3FB2];
	_ =	sdelay $0x3  }
0x33: {  	p0 =	seq.s32 s10, $0x1;
	s10 =	sld [smem:$0x3FB4];
	_ =	sdelay $0x3  }
0x34: {  	[smem:$0x3FB4] =	sst s10  }
0x35: {  	s10 =	sld [smem:$0x3FB3];
	_ =	sdelay $0x3  }
0x36: {  	p1 =	seq.s32 s10, $0x1;
	s10 =	sld [smem:$0x3FB4];
	_ =	sdelay $0x3  }
0x37: {  	[smem:$0x3FB4] =	sst s10  }
0x38: {  	s10 =	sld [smem:$0x3FB5]  }
0x39: {  	_ = 	snop;
	(pc) =	sbr.ind lr, $3  }
0x3a: {  	_ = 	snop  }
0x3b: {  	_ = 	snop  }
0x3c: {  	p2 =	seq.s32 s10, $0x1;
	s10 =	sld [smem:$0x3FB4]  }
0x3d: {  	_ =	shalt  }
0x3e: {  	_ =	shalt  }
0x3f: {  	_ =	shalt  }
0x40: {  	_ =	shalt  }
0x41: {  	_ =	shalt  }
0x42: {  	_ =	shalt  }
0x43: {  	_ =	shalt  }
0x44: {  	_ =	shalt  }
0x45: {  	_ =	shalt  }
0x46: {  	_ =	shalt  }
0x47: {  	_ =	shalt  }
0x48: {  	_ =	shalt  }
0x49: {  	_ =	shalt  }
0x4a: {  	_ =	shalt  }
0x4b: {  	_ =	shalt  }
0x4c: {  	_ =	shalt  }
0x4d: {  	_ =	shalt  }
0x4e: {  	_ =	shalt  }
0x4f: {  	_ =	shalt  }
0x50: {  	_ =	shalt  }
0x51: {  	_ =	shalt  }
0x52: {  	_ =	shalt  }
0x53: {  	_ =	shalt  }
0x54: {  	_ =	shalt  }
0x55: {  	_ =	shalt  }
0x56: {  	_ =	shalt  }
0x57: {  	_ =	shalt  }
0x58: {  	_ =	shalt  }
0x59: {  	_ =	shalt  }
0x5a: {  	_ =	shalt  }
0x5b: {  	_ =	shalt  }
0x5c: {  	_ =	shalt  }
0x5d: {  	_ =	shalt  }
0x5e: {  	_ =	shalt  }
0x5f: {  	_ =	shalt  }
0x60: {  	_ =	shalt  }
0x61: {  	_ =	shalt  }
0x62: {  	_ =	shalt  }
0x63: {  	_ =	shalt  }
0x64: {  	_ =	shalt  }
0x65: {  	_ =	shalt  }
0x66: {  	_ =	shalt  }
0x67: {  	_ =	shalt  }
0x68: {  	_ =	shalt  }
0x69: {  	_ =	shalt  }
0x6a: {  	_ =	shalt  }
0x6b: {  	_ =	shalt  }
0x6c: {  	_ =	shalt  }
0x6d: {  	_ =	shalt  }
0x6e: {  	_ =	shalt  }
0x6f: {  	_ =	shalt  }
0x70: {  	_ =	shalt  }
0x71: {  	_ =	shalt  }
0x72: {  	_ =	shalt  }
0x73: {  	_ =	shalt  }
0x74: {  	_ =	shalt  }
0x75: {  	_ =	shalt  }
0x76: {  	_ =	shalt  }
0x77: {  	_ =	shalt  }
0x78: {  	_ =	shalt  }
0x79: {  	_ =	shalt  }
0x7a: {  	_ =	shalt  }
0x7b: {  	_ =	shalt  }
0x7c: {  	_ =	shalt  }
0x7d: {  	_ =	shalt  }
0x7e: {  	_ =	shalt  }
0x7f: {  	_ =	shalt  }
0x80: {  	_ =	shalt  }
0x81: {  	_ =	shalt  }
0x82: {  	_ =	shalt  }
0x83: {  	_ =	shalt  }
0x84: {  	_ =	shalt  }
0x85: {  	_ =	shalt  }
0x86: {  	_ =	shalt  }
0x87: {  	_ =	shalt  }
.Lfunc_end0:
.L_simem_size_0:
called_computation_lowered:
.L_overlay_start_0:
0x88: {  	s2 =	sld [smem:$0x3FD9]  }
0x89: {  	s3 =	sld [smem:$0x3FFE];
	_ =	sdelay $0x1  }
0x8a: {  	s1 =	srdreg.scid  }
0x8b: {  	s0 =	sand.u32 $0x1, s1  }
0x8c: {  	s17 =	sshll.u32 s0, $0xA;
	s2 =	sadd.s32 s3, s2  }
0x8d: {  	s2 =	sadd.s32 s2, s17  }
0x8e: {  	[smem:$0x3FC0] =	sst s2  }
0x8f: {  	_ = 	snop  }
0x90: {  	s2 =	sld [smem:$0x3FD0];
	(tm) =	ssettm $0x1  }
0x91: {  	s18 =	sld [smem:$0x3FFB];
	_ =	sdelay $0x3  }
0x92: {  	_ =	strace s18  }
0x93: {  	s3 =	sld [smem:$0x3FFC];
	_ =	sdelay $0x3  }
0x94: {  	_ =	strace s3  }
0x95: {  	s3 =	sld [smem:$0x3FFD];
	_ =	sdelay $0x3  }
0x96: {  	_ =	strace s3  }
0x97: {  	_ =	strace $0x8FFFFFFF  }
0x98: {  	s19 =	sld [smem:$0x3FDB];
	_ =	sdelay $0x1  }
0x99: {  	s4 =	simm.s32 $_scs_section_size  }
0x9a: {  	s5 =	simm.s32 $_size__tile_overlayer_lowered;
	s6 =	simm.s32 $_tile_overlayer_lowered  }
0x9b: {  	s22 =	simm.s32 $0x1BFF;
	s21 =	sshll.u32 s6, $0x1;
	s3 =	sadd.s32 s4, s19  }
0x9c: {  	s7 =	simm.s32 $0x0;
	s20 =	sshll.u32 s5, $0x1;
	s5 =	sadd.s32 s21, s3  }
0x9d: {  	[timem:s7], [sflag:s22] =	dma.local [hbm:s5], s20  }
0x9e: {  	_ =	swait.ge [sflag:s22], s20  }
0x9f: {  	s4 =	ssub.s32 $0x0, s20;
	[sflag:s22] =	ssyncset.done $0x0  }
0xa0: {  	[sflag:s22] =	ssyncadd.s32 s4;
	_ =	sdelay $0x1  }
0xa1: {  	s23 =	simm.s32 $0x1B8B  }
0xa2: {  	_ =	swait.ge [sflag:s23], $0x1  }
0xa3: {  	[sflag:s23] =	ssyncset.done $0x0  }
0xa4: {  	s25 =	simm.s32 $0x1B8E;
	s24 =	sld [smem:$0x3FFE];
	[sflag:s23] =	ssyncadd.s32 $0xFFFFFFFF  }
0xa5: {  	s26 =	simm.s32 $execute0_lowered;
	[smem:$0x3FD2] =	sst s25  }
0xa6: {  	s5 =	sshll.u32 s26, $0x1;
	_ =	strace $0x80000046;
	[dreg:$0x1] =	wrdreg $0xFFFFFFFF  }
0xa7: {  	s28 =	simm.s32 $_size_execute0_lowered;
	s3 =	sadd.s32 s3, s5;
	[dreg:$0x0] =	wrdreg $0x0  }
0xa8: {  	s5 =	sshll.u32 s28, $0x1;
	[dreg:$0x2] =	wrdreg s3  }
0xa9: {  	[dreg:$0x3] =	wrdreg s5  }
0xaa: {  	[dreg:$0x4] =	wrdreg $0xC0  }
0xab: {  	_ =	task [dreg:s7], $0x5FFFF  }
0xac: {  	[dreg:$0x1] =	wrdreg $0xFFFFFFFF  }
0xad: {  	[dreg:$0x0] =	wrdreg $0x60  }
0xae: {  	[dreg:$0x2] =	wrdreg s24  }
0xaf: {  	[dreg:$0x3] =	wrdreg s2  }
0xb0: {  	[dreg:$0x4] =	wrdreg $0x8800  }
0xb1: {  	[dreg:$0x5] =	wrdreg $0x9  }
0xb2: {  	_ =	task.clear_ibuf [dreg:s7], $0x6FFFF;
	_ =	strace $0x90000046  }
0xb3: {  	s29 =	simm.s32 $0x9;
	_ =	strace $0x80000048  }
0xb4: {  	_ =	swait.ge [sflag:s29], $0x1  }
0xb5: {  	[sflag:s29] =	ssyncadd.s32 $0xFFFFFFFF  }
0xb6: {  	_ =	strace $0x90000048  }
0xb7: {  	_ =	sfence  }
0xb8: {  	s30 =	sld [smem:$0x0];
	_ =	sdelay $0x2  }
0xb9: {  	s31 =	sshll.u32 s1, $0xD;
	s1 =	sshrl.u32 s1, $0x2  }
0xba: {  	s3 =	sand.u32 $0x4000, s31;
	s1 =	sadd.s32 s1, s30  }
0xbb: {  	s0 =	sor.u32 s3, s0;
	s1 =	sshll.u32 s1, $0x11  }
0xbc: {  	s0 =	sor.u32 s1, s0  }
0xbd: {  	s0 =	sadd.s32 $0x8F2B, s0  }
0xbe: {  	[sflag:s0] =	ssyncadd.remote.s32 $0x1  }
0xbf: {  	_ =	sfence.sel $0xFFFF  }
0xc0: {  	[dreg:$0x0] =	wrdreg $0xFFFFFFFF;
	(pc) =	sbr.abs _section_cstart, $3  }
0xc1: {  	[dreg:$0x1] =	wrdreg $0xFFFFFFFF  }
0xc2: {  	_ =	task.clear_ibuf [dreg:s7], $0x2FFFF;
	_ =	strace $0x9FFFFFFF  }
0xc3: {  	(tm) =	ssettm $0x7FFFFFFF  }
tec
execute0_lowered:
.L_overlay_start_1:
0x0: {  	(tag) =	ssettag $0x1  }
0x1: {  	s0 =	rddreg [dreg:$0x0]  }
0x2: {  	s2 =	rddreg [dreg:$0x2];
	s3 =	simm.s32 $0x0;
	s1 =	srdreg.scid  }
0x3: {  	s12 =	stileid.u32;
	s13 =	simm.s32 $0x400;
	s14 =	simm.s32 $0x2  }
0x4: {  	s15 =	simm.s32 $0x7D;
	s16 =	simm.s32 $0x80;
	s17 =	simm.s32 $0x100  }
0x5: {  	s18 =	simm.s32 $0x180;
	s19 =	simm.s32 $0x200;
	s20 =	simm.s32 $0x280  }
0x6: {  	s21 =	simm.s32 $0x300;
	s22 =	simm.s32 $0x380;
	s23 =	simm.s32 $0x1  }
0x7: {  	s28 =	simm.s32 $0x500;
	s29 =	simm.s32 $0x580;
	s30 =	simm.s32 $0x600  }
0x8: {  	s31 =	simm.s32 $0x680;
	[smem:$0x7FF] =	sst s3;
	s4 =	sadd.s32 $0x1C00, s0  }
0x9: {  	s1 =	sand.u32 $0x1, s1;
	s5 =	sadd.s32 $0xBC00, s0;
	s8 =	smul.u32 $0xA00, s12  }
0xa: {  	s7 =	sshll.u32 s12, $0x1;
	s10 =	sshll.u32 s12, $0x6;
	s26 =	smul.u32 $0xA0, s12  }
0xb: {  	s12 =	simm.s32 $0x800;
	_ =	strace $0x80000047;
	[dreg:$0x4] =	wrdreg s5  }
0xc: {  	s24 =	sshll.u32 s1, $0x4;
	s6 =	ssub.s32 $0x2, s1;
	s7 =	sor.u32 s1, s7  }
0xd: {  	s1 =	smul.u32 $0x500, s1;
	s0 =	sadd.s32 s24, s0;
	s25 =	sshrl.u32 s6, $0x1  }
0xe: {  	s9 =	sshrl.u32 s8, $0x2;
	s7 =	smul.u32 $0x500, s7;
	s5 =	ssub.s32 s6, s25  }
0xf: {  	s11 =	sadd.s32 s9, s2;
	s6 =	sor.u32 $0x1C04, s10;
	s0 =	sadd.s32 $0xBE00, s0  }
0x10: {  	s25 =	simm.s32 $0x3;
	s7 =	sadd.s32 s4, s7;
	s5 =	smax.u32 s5, $0x1  }
0x11: {  	s4 =	sadd.s32 s8, s4;
	s10 =	sshrl.u32 s11, $0x3;
	[dreg:$0x5] =	wrdreg s7  }
0x12: {  	s11 =	simm.s32 $0x4;
	s0 =	sadd.s32 s26, s0;
	[dreg:$0x6] =	wrdreg s5  }
0x13: {  	s26 =	simm.s32 $0x480;
	s9 =	sadd.s32 s1, s4;
	[dreg:$0x7] =	wrdreg s0  }
0x14: {  	s0 =	simm.s32 $0x700;
	s4 =	simm.s32 $0x780;
	s1 =	simm.s32 $0x0  }
.LBB2_1:
0x15: {  	s5 =	rddreg [dreg:$0x1]  }
0x16: {  	[spmem:s10], [sflag:s6] =	dma.local [hbm:s5], $0x50  }
0x17: {  	_ =	swait.ge [sflag:s11], $0x50  }
0x18: {  	[sflag:s11] =	ssyncset.done $0x0  }
0x19: {  	s7 =	rddreg [dreg:$0x4];
	[sflag:s11] =	ssyncadd.s32 $0xFFFFFFB0  }
0x1a: {  	[tilespmem:s12], [sflag:$0x4] =	stream.linear.gather [hbm4b:s7+s3], $0x80, $0x38;
	[tilespmem:$0xB00] =	vst v63  }
0x1b: {  	_ =	swait.ge [sflag:s11], $0x80  }
0x1c: {  	[sflag:s11] =	ssyncset.done $0x0  }
0x1d: {  	[sflag:s11] =	ssyncadd.s32 $0xFFFFFF80  }
0x1e: {  	[bflag:$0x0] =	sbarrier.arrive $0xFFFF  }
0x1f: {  	s24 =	sadd.s32 $0xFFFFFB00, s9;
	s8 =	rddreg [dreg:$0x5]  }
0x20: {  	[tilespmem:s3], [sflag:$0x2] =	stream.linear.gather [hbm4b:s8+s3], $0x400, $0x38;
	[tilespmem:$0xB00] =	vst v63  }
0x21: {  	s5 =	sadd.s32 $0x580, s24  }
0x22: {  	[tilespmem:s13], [sflag:$0x3] =	stream.linear.gather [hbm4b:s5+s3], $0x400, $0x38;
	[tilespmem:$0xB00] =	vst v63  }
0x23: {  	_ =	swait.ge [sflag:s14], $0x400  }
0x24: {  	[sflag:s14] =	ssyncset.done $0x0  }
0x25: {  	[sflag:s14] =	ssyncadd.s32 $0xFFFFFC00  }
0x26: {  	[spmem:s2] =	stream.indirect.scatter.add.f32 [tilespmem:s12], [sflag:$0x1], $0x1, s3, s15, $0xb8;
	[tilespmem:$0xB00] =	vst v63  }
0x27: {  	_ = 	snop  }
0x28: {  	[spmem:s2] =	stream.indirect.scatter.add.f32 [tilespmem:s12], [sflag:$0x1], $0x1, s16, s15, $0xb8;
	[tilespmem:$0xB00] =	vst v63  }
0x29: {  	_ = 	snop  }
0x2a: {  	[spmem:s2] =	stream.indirect.scatter.add.f32 [tilespmem:s12], [sflag:$0x1], $0x1, s17, s15, $0xb8;
	[tilespmem:$0xB00] =	vst v63  }
0x2b: {  	_ = 	snop  }
0x2c: {  	[spmem:s2] =	stream.indirect.scatter.add.f32 [tilespmem:s12], [sflag:$0x1], $0x1, s18, s15, $0xb8;
	[tilespmem:$0xB00] =	vst v63  }
0x2d: {  	_ = 	snop  }
0x2e: {  	[spmem:s2] =	stream.indirect.scatter.add.f32 [tilespmem:s12], [sflag:$0x1], $0x1, s19, s15, $0xb8;
	[tilespmem:$0xB00] =	vst v63  }
0x2f: {  	_ = 	snop  }
0x30: {  	[spmem:s2] =	stream.indirect.scatter.add.f32 [tilespmem:s12], [sflag:$0x1], $0x1, s20, s15, $0xb8;
	[tilespmem:$0xB00] =	vst v63  }
0x31: {  	_ = 	snop  }
0x32: {  	[spmem:s2] =	stream.indirect.scatter.add.f32 [tilespmem:s12], [sflag:$0x1], $0x1, s21, s15, $0xb8;
	[tilespmem:$0xB00] =	vst v63  }
0x33: {  	_ = 	snop  }
0x34: {  	[spmem:s2] =	stream.indirect.scatter.add.f32 [tilespmem:s12], [sflag:$0x1], $0x1, s22, s15, $0xb8;
	[tilespmem:$0xB00] =	vst v63  }
0x35: {  	_ =	swait.ge [sflag:s23], $0x7D  }
0x36: {  	[sflag:s23] =	ssyncset.done $0x0  }
0x37: {  	[sflag:s23] =	ssyncadd.s32 $0xFFFFFF83  }
0x38: {  	_ =	swait.ge [sflag:s23], $0x7D  }
0x39: {  	[sflag:s23] =	ssyncset.done $0x0  }
0x3a: {  	[sflag:s23] =	ssyncadd.s32 $0xFFFFFF83  }
0x3b: {  	_ =	swait.ge [sflag:s23], $0x7D  }
0x3c: {  	[sflag:s23] =	ssyncset.done $0x0  }
0x3d: {  	[sflag:s23] =	ssyncadd.s32 $0xFFFFFF83  }
0x3e: {  	_ =	swait.ge [sflag:s23], $0x7D  }
0x3f: {  	[sflag:s23] =	ssyncset.done $0x0  }
0x40: {  	[sflag:s23] =	ssyncadd.s32 $0xFFFFFF83  }
0x41: {  	_ =	swait.ge [sflag:s23], $0x7D  }
0x42: {  	[sflag:s23] =	ssyncset.done $0x0  }
0x43: {  	[sflag:s23] =	ssyncadd.s32 $0xFFFFFF83  }
0x44: {  	_ =	swait.ge [sflag:s23], $0x7D  }
0x45: {  	[sflag:s23] =	ssyncset.done $0x0  }
0x46: {  	[sflag:s23] =	ssyncadd.s32 $0xFFFFFF83  }
0x47: {  	_ =	swait.ge [sflag:s23], $0x7D  }
0x48: {  	[sflag:s23] =	ssyncset.done $0x0  }
0x49: {  	[sflag:s23] =	ssyncadd.s32 $0xFFFFFF83  }
0x4a: {  	p0 =	por $0x0, $0x0;
	_ =	swait.ge [sflag:s23], $0x7D  }
0x4b: {  	s5 =	sadd.s32 @!p0 $0xFFFFFB00, s9;
	[sflag:s23] =	ssyncset.done $0x0  }
0x4c: {  	s7 =	simm.s32 @!p0 $0x0;
	s5 =	sadd.s32 @!p0 $0x600, s5;
	[sflag:s23] =	ssyncadd.s32 $0xFFFFFF83  }
0x4d: {  	[tilespmem:s7], [sflag:$0x2] =	stream.linear.gather @!p0 [hbm4b:s5+s7], $0x400, $0x38;
	[tilespmem:$0xB00] =	vst v63  }
0x4e: {  	_ =	swait.ge [sflag:s25], $0x400  }
0x4f: {  	[sflag:s25] =	ssyncset.done $0x0  }
0x50: {  	[sflag:s25] =	ssyncadd.s32 $0xFFFFFC00  }
0x51: {  	[spmem:s2] =	stream.indirect.scatter.add.f32 [tilespmem:s12], [sflag:$0x1], $0x1, s13, s15, $0xb8;
	[tilespmem:$0xB00] =	vst v63  }
0x52: {  	_ = 	snop  }
0x53: {  	[spmem:s2] =	stream.indirect.scatter.add.f32 [tilespmem:s12], [sflag:$0x1], $0x1, s26, s15, $0xb8;
	[tilespmem:$0xB00] =	vst v63  }
0x54: {  	_ = 	snop  }
0x55: {  	[spmem:s2] =	stream.indirect.scatter.add.f32 [tilespmem:s12], [sflag:$0x1], $0x1, s28, s15, $0xb8;
	[tilespmem:$0xB00] =	vst v63  }
0x56: {  	_ = 	snop  }
0x57: {  	[spmem:s2] =	stream.indirect.scatter.add.f32 [tilespmem:s12], [sflag:$0x1], $0x1, s29, s15, $0xb8;
	[tilespmem:$0xB00] =	vst v63  }
0x58: {  	_ = 	snop  }
0x59: {  	[spmem:s2] =	stream.indirect.scatter.add.f32 [tilespmem:s12], [sflag:$0x1], $0x1, s30, s15, $0xb8;
	[tilespmem:$0xB00] =	vst v63  }
0x5a: {  	_ = 	snop  }
0x5b: {  	[spmem:s2] =	stream.indirect.scatter.add.f32 [tilespmem:s12], [sflag:$0x1], $0x1, s31, s15, $0xb8;
	[tilespmem:$0xB00] =	vst v63  }
0x5c: {  	_ = 	snop  }
0x5d: {  	[spmem:s2] =	stream.indirect.scatter.add.f32 [tilespmem:s12], [sflag:$0x1], $0x1, s0, s15, $0xb8;
	[tilespmem:$0xB00] =	vst v63  }
0x5e: {  	_ = 	snop  }
0x5f: {  	[spmem:s2] =	stream.indirect.scatter.add.f32 [tilespmem:s12], [sflag:$0x1], $0x1, s4, s15, $0xb8;
	[tilespmem:$0xB00] =	vst v63  }
0x60: {  	_ =	swait.ge [sflag:s23], $0x7D  }
0x61: {  	[sflag:s23] =	ssyncset.done $0x0  }
0x62: {  	[sflag:s23] =	ssyncadd.s32 $0xFFFFFF83  }
0x63: {  	_ =	swait.ge [sflag:s23], $0x7D  }
0x64: {  	[sflag:s23] =	ssyncset.done $0x0  }
0x65: {  	[sflag:s23] =	ssyncadd.s32 $0xFFFFFF83  }
0x66: {  	_ =	swait.ge [sflag:s23], $0x7D  }
0x67: {  	[sflag:s23] =	ssyncset.done $0x0  }
0x68: {  	[sflag:s23] =	ssyncadd.s32 $0xFFFFFF83  }
0x69: {  	_ =	swait.ge [sflag:s23], $0x7D  }
0x6a: {  	[sflag:s23] =	ssyncset.done $0x0  }
0x6b: {  	[sflag:s23] =	ssyncadd.s32 $0xFFFFFF83  }
0x6c: {  	_ =	swait.ge [sflag:s23], $0x7D  }
0x6d: {  	[sflag:s23] =	ssyncset.done $0x0  }
0x6e: {  	[sflag:s23] =	ssyncadd.s32 $0xFFFFFF83  }
0x6f: {  	_ =	swait.ge [sflag:s23], $0x7D  }
0x70: {  	[sflag:s23] =	ssyncset.done $0x0  }
0x71: {  	[sflag:s23] =	ssyncadd.s32 $0xFFFFFF83  }
0x72: {  	_ =	swait.ge [sflag:s23], $0x7D  }
0x73: {  	[sflag:s23] =	ssyncset.done $0x0  }
0x74: {  	[sflag:s23] =	ssyncadd.s32 $0xFFFFFF83  }
0x75: {  	s8 =	sadd.s32 $0xFFFFFC00, s9;
	_ =	swait.ge [sflag:s23], $0x7D  }
0x76: {  	s5 =	simm.s32 $0xFFFFFC00;
	s7 =	simm.s32 $0xFFFFFD00;
	[sflag:s23] =	ssyncset.done $0x0  }
.LBB2_2:
0x77: {  	s24 =	sadd.s32 $0x580, s8  }
0x78: {  	[sflag:s23] =	ssyncadd.s32 $0xFFFFFF83;
	s8 =	smov.u32 s7;
	s7 =	sadd.s32 $0x100, s7  }
0x79: {  	[tilespmem:s13], [sflag:$0x3] =	stream.linear.gather [hbm4b:s24+s3], $0x400, $0x38;
	[tilespmem:$0xB00] =	vst v63  }
0x7a: {  	p0 =	sne.s32 s7, $0x0;
	_ =	swait.ge [sflag:s14], $0x400  }
0x7b: {  	[sflag:s14] =	ssyncset.done $0x0  }
0x7c: {  	[sflag:s14] =	ssyncadd.s32 $0xFFFFFC00  }
0x7d: {  	[spmem:s2] =	stream.indirect.scatter.add.f32 [tilespmem:s12], [sflag:$0x1], $0x1, s3, s15, $0xb8;
	[tilespmem:$0xB00] =	vst v63  }
0x7e: {  	_ = 	snop  }
0x7f: {  	[spmem:s2] =	stream.indirect.scatter.add.f32 [tilespmem:s12], [sflag:$0x1], $0x1, s16, s15, $0xb8;
	[tilespmem:$0xB00] =	vst v63  }
0x80: {  	_ = 	snop  }
0x81: {  	[spmem:s2] =	stream.indirect.scatter.add.f32 [tilespmem:s12], [sflag:$0x1], $0x1, s17, s15, $0xb8;
	[tilespmem:$0xB00] =	vst v63  }
0x82: {  	_ = 	snop  }
0x83: {  	[spmem:s2] =	stream.indirect.scatter.add.f32 [tilespmem:s12], [sflag:$0x1], $0x1, s18, s15, $0xb8;
	[tilespmem:$0xB00] =	vst v63  }
0x84: {  	_ = 	snop  }
0x85: {  	[spmem:s2] =	stream.indirect.scatter.add.f32 [tilespmem:s12], [sflag:$0x1], $0x1, s19, s15, $0xb8;
	[tilespmem:$0xB00] =	vst v63  }
0x86: {  	_ = 	snop  }
0x87: {  	[spmem:s2] =	stream.indirect.scatter.add.f32 [tilespmem:s12], [sflag:$0x1], $0x1, s20, s15, $0xb8;
	[tilespmem:$0xB00] =	vst v63  }
0x88: {  	_ = 	snop  }
0x89: {  	[spmem:s2] =	stream.indirect.scatter.add.f32 [tilespmem:s12], [sflag:$0x1], $0x1, s21, s15, $0xb8;
	[tilespmem:$0xB00] =	vst v63  }
0x8a: {  	_ = 	snop  }
0x8b: {  	[spmem:s2] =	stream.indirect.scatter.add.f32 [tilespmem:s12], [sflag:$0x1], $0x1, s22, s15, $0xb8;
	[tilespmem:$0xB00] =	vst v63  }
0x8c: {  	_ =	swait.ge [sflag:s23], $0x7D  }
0x8d: {  	[sflag:s23] =	ssyncset.done $0x0  }
0x8e: {  	[sflag:s23] =	ssyncadd.s32 $0xFFFFFF83  }
0x8f: {  	_ =	swait.ge [sflag:s23], $0x7D  }
0x90: {  	[sflag:s23] =	ssyncset.done $0x0  }
0x91: {  	[sflag:s23] =	ssyncadd.s32 $0xFFFFFF83  }
0x92: {  	_ =	swait.ge [sflag:s23], $0x7D  }
0x93: {  	[sflag:s23] =	ssyncset.done $0x0  }
0x94: {  	[sflag:s23] =	ssyncadd.s32 $0xFFFFFF83  }
0x95: {  	_ =	swait.ge [sflag:s23], $0x7D  }
0x96: {  	[sflag:s23] =	ssyncset.done $0x0  }
0x97: {  	[sflag:s23] =	ssyncadd.s32 $0xFFFFFF83  }
0x98: {  	_ =	swait.ge [sflag:s23], $0x7D  }
0x99: {  	[sflag:s23] =	ssyncset.done $0x0  }
0x9a: {  	[sflag:s23] =	ssyncadd.s32 $0xFFFFFF83  }
0x9b: {  	_ =	swait.ge [sflag:s23], $0x7D  }
0x9c: {  	[sflag:s23] =	ssyncset.done $0x0  }
0x9d: {  	[sflag:s23] =	ssyncadd.s32 $0xFFFFFF83  }
0x9e: {  	_ =	swait.ge [sflag:s23], $0x7D  }
0x9f: {  	[sflag:s23] =	ssyncset.done $0x0  }
0xa0: {  	[sflag:s23] =	ssyncadd.s32 $0xFFFFFF83  }
0xa1: {  	p1 =	seq.s32 s5, $0xFFFFFF00;
	_ =	swait.ge [sflag:s23], $0x7D  }
0xa2: {  	s24 =	sadd.s32 @!p1 s5, s9;
	s5 =	smov.u32 s8;
	[sflag:s23] =	ssyncset.done $0x0  }
0xa3: {  	s8 =	sadd.s32 @!p1 $0x600, s24;
	s24 =	simm.s32 @!p1 $0x0;
	[sflag:s23] =	ssyncadd.s32 $0xFFFFFF83  }
0xa4: {  	[tilespmem:s24], [sflag:$0x2] =	stream.linear.gather @!p1 [hbm4b:s8+s24], $0x400, $0x38;
	[tilespmem:$0xB00] =	vst v63  }
0xa5: {  	_ =	swait.ge [sflag:s25], $0x400  }
0xa6: {  	[sflag:s25] =	ssyncset.done $0x0  }
0xa7: {  	[sflag:s25] =	ssyncadd.s32 $0xFFFFFC00  }
0xa8: {  	[spmem:s2] =	stream.indirect.scatter.add.f32 [tilespmem:s12], [sflag:$0x1], $0x1, s13, s15, $0xb8;
	[tilespmem:$0xB00] =	vst v63  }
0xa9: {  	_ = 	snop  }
0xaa: {  	[spmem:s2] =	stream.indirect.scatter.add.f32 [tilespmem:s12], [sflag:$0x1], $0x1, s26, s15, $0xb8;
	[tilespmem:$0xB00] =	vst v63  }
0xab: {  	_ = 	snop  }
0xac: {  	[spmem:s2] =	stream.indirect.scatter.add.f32 [tilespmem:s12], [sflag:$0x1], $0x1, s28, s15, $0xb8;
	[tilespmem:$0xB00] =	vst v63  }
0xad: {  	_ = 	snop  }
0xae: {  	[spmem:s2] =	stream.indirect.scatter.add.f32 [tilespmem:s12], [sflag:$0x1], $0x1, s29, s15, $0xb8;
	[tilespmem:$0xB00] =	vst v63  }
0xaf: {  	_ = 	snop  }
0xb0: {  	[spmem:s2] =	stream.indirect.scatter.add.f32 [tilespmem:s12], [sflag:$0x1], $0x1, s30, s15, $0xb8;
	[tilespmem:$0xB00] =	vst v63  }
0xb1: {  	_ = 	snop  }
0xb2: {  	[spmem:s2] =	stream.indirect.scatter.add.f32 [tilespmem:s12], [sflag:$0x1], $0x1, s31, s15, $0xb8;
	[tilespmem:$0xB00] =	vst v63  }
0xb3: {  	_ = 	snop  }
0xb4: {  	[spmem:s2] =	stream.indirect.scatter.add.f32 [tilespmem:s12], [sflag:$0x1], $0x1, s0, s15, $0xb8;
	[tilespmem:$0xB00] =	vst v63  }
0xb5: {  	_ = 	snop  }
0xb6: {  	[spmem:s2] =	stream.indirect.scatter.add.f32 [tilespmem:s12], [sflag:$0x1], $0x1, s4, s15, $0xb8;
	[tilespmem:$0xB00] =	vst v63  }
0xb7: {  	_ =	swait.ge [sflag:s23], $0x7D  }
0xb8: {  	[sflag:s23] =	ssyncset.done $0x0  }
0xb9: {  	[sflag:s23] =	ssyncadd.s32 $0xFFFFFF83  }
0xba: {  	_ =	swait.ge [sflag:s23], $0x7D  }
0xbb: {  	[sflag:s23] =	ssyncset.done $0x0  }
0xbc: {  	[sflag:s23] =	ssyncadd.s32 $0xFFFFFF83  }
0xbd: {  	_ =	swait.ge [sflag:s23], $0x7D  }
0xbe: {  	[sflag:s23] =	ssyncset.done $0x0  }
0xbf: {  	[sflag:s23] =	ssyncadd.s32 $0xFFFFFF83  }
0xc0: {  	_ =	swait.ge [sflag:s23], $0x7D  }
0xc1: {  	[sflag:s23] =	ssyncset.done $0x0  }
0xc2: {  	[sflag:s23] =	ssyncadd.s32 $0xFFFFFF83  }
0xc3: {  	_ =	swait.ge [sflag:s23], $0x7D  }
0xc4: {  	[sflag:s23] =	ssyncset.done $0x0  }
0xc5: {  	[sflag:s23] =	ssyncadd.s32 $0xFFFFFF83  }
0xc6: {  	_ =	swait.ge [sflag:s23], $0x7D  }
0xc7: {  	[sflag:s23] =	ssyncset.done $0x0  }
0xc8: {  	[sflag:s23] =	ssyncadd.s32 $0xFFFFFF83  }
.Ltmp0:
0xc9: {  	_ =	swait.ge [sflag:s23], $0x7D;
	(pc) =	sbr.rel @p0 .LBB2_2-.Ltmp0, $4  }
0xca: {  	[sflag:s23] =	ssyncset.done $0x0  }
0xcb: {  	[sflag:s23] =	ssyncadd.s32 $0xFFFFFF83  }
0xcc: {  	_ =	swait.ge [sflag:s23], $0x7D  }
0xcd: {  	s8 =	sadd.s32 s5, s9;
	[sflag:s23] =	ssyncset.done $0x0  }
0xce: {  	s7 =	sadd.s32 $0x580, s8;
	[sflag:s23] =	ssyncadd.s32 $0xFFFFFF83  }
0xcf: {  	[tilespmem:s13], [sflag:$0x3] =	stream.linear.gather [hbm4b:s7+s3], $0x400, $0x38;
	[tilespmem:$0xB00] =	vst v63  }
0xd0: {  	_ =	swait.ge [sflag:s14], $0x400  }
0xd1: {  	[sflag:s14] =	ssyncset.done $0x0  }
0xd2: {  	[sflag:s14] =	ssyncadd.s32 $0xFFFFFC00  }
0xd3: {  	[spmem:s2] =	stream.indirect.scatter.add.f32 [tilespmem:s12], [sflag:$0x1], $0x1, s3, s15, $0xb8;
	[tilespmem:$0xB00] =	vst v63  }
0xd4: {  	_ = 	snop  }
0xd5: {  	[spmem:s2] =	stream.indirect.scatter.add.f32 [tilespmem:s12], [sflag:$0x1], $0x1, s16, s15, $0xb8;
	[tilespmem:$0xB00] =	vst v63  }
0xd6: {  	_ = 	snop  }
0xd7: {  	[spmem:s2] =	stream.indirect.scatter.add.f32 [tilespmem:s12], [sflag:$0x1], $0x1, s17, s15, $0xb8;
	[tilespmem:$0xB00] =	vst v63  }
0xd8: {  	_ = 	snop  }
0xd9: {  	[spmem:s2] =	stream.indirect.scatter.add.f32 [tilespmem:s12], [sflag:$0x1], $0x1, s18, s15, $0xb8;
	[tilespmem:$0xB00] =	vst v63  }
0xda: {  	_ = 	snop  }
0xdb: {  	[spmem:s2] =	stream.indirect.scatter.add.f32 [tilespmem:s12], [sflag:$0x1], $0x1, s19, s15, $0xb8;
	[tilespmem:$0xB00] =	vst v63  }
0xdc: {  	_ = 	snop  }
0xdd: {  	[spmem:s2] =	stream.indirect.scatter.add.f32 [tilespmem:s12], [sflag:$0x1], $0x1, s20, s15, $0xb8;
	[tilespmem:$0xB00] =	vst v63  }
0xde: {  	_ = 	snop  }
0xdf: {  	[spmem:s2] =	stream.indirect.scatter.add.f32 [tilespmem:s12], [sflag:$0x1], $0x1, s21, s15, $0xb8;
	[tilespmem:$0xB00] =	vst v63  }
0xe0: {  	_ = 	snop  }
0xe1: {  	[spmem:s2] =	stream.indirect.scatter.add.f32 [tilespmem:s12], [sflag:$0x1], $0x1, s22, s15, $0xb8;
	[tilespmem:$0xB00] =	vst v63  }
0xe2: {  	_ =	swait.ge [sflag:s23], $0x7D  }
0xe3: {  	[sflag:s23] =	ssyncset.done $0x0  }
0xe4: {  	[sflag:s23] =	ssyncadd.s32 $0xFFFFFF83  }
0xe5: {  	_ =	swait.ge [sflag:s23], $0x7D  }
0xe6: {  	[sflag:s23] =	ssyncset.done $0x0  }
0xe7: {  	[sflag:s23] =	ssyncadd.s32 $0xFFFFFF83  }
0xe8: {  	_ =	swait.ge [sflag:s23], $0x7D  }
0xe9: {  	[sflag:s23] =	ssyncset.done $0x0  }
0xea: {  	[sflag:s23] =	ssyncadd.s32 $0xFFFFFF83  }
0xeb: {  	_ =	swait.ge [sflag:s23], $0x7D  }
0xec: {  	[sflag:s23] =	ssyncset.done $0x0  }
0xed: {  	[sflag:s23] =	ssyncadd.s32 $0xFFFFFF83  }
0xee: {  	_ =	swait.ge [sflag:s23], $0x7D  }
0xef: {  	[sflag:s23] =	ssyncset.done $0x0  }
0xf0: {  	[sflag:s23] =	ssyncadd.s32 $0xFFFFFF83  }
0xf1: {  	_ =	swait.ge [sflag:s23], $0x7D  }
0xf2: {  	[sflag:s23] =	ssyncset.done $0x0  }
0xf3: {  	[sflag:s23] =	ssyncadd.s32 $0xFFFFFF83  }
0xf4: {  	_ =	swait.ge [sflag:s23], $0x7D  }
0xf5: {  	[sflag:s23] =	ssyncset.done $0x0  }
0xf6: {  	[sflag:s23] =	ssyncadd.s32 $0xFFFFFF83  }
0xf7: {  	p0 =	seq.s32 s5, $0xFFFFFF00;
	_ =	swait.ge [sflag:s23], $0x7D  }
0xf8: {  	s5 =	sadd.s32 @!p0 s5, s9;
	[sflag:s23] =	ssyncset.done $0x0  }
0xf9: {  	s7 =	simm.s32 @!p0 $0x0;
	s5 =	sadd.s32 @!p0 $0x600, s5;
	[sflag:s23] =	ssyncadd.s32 $0xFFFFFF83  }
0xfa: {  	[tilespmem:s7], [sflag:$0x2] =	stream.linear.gather @!p0 [hbm4b:s5+s7], $0x400, $0x38;
	[tilespmem:$0xB00] =	vst v63  }
0xfb: {  	_ =	swait.ge [sflag:s25], $0x400  }
0xfc: {  	[sflag:s25] =	ssyncset.done $0x0  }
0xfd: {  	[sflag:s25] =	ssyncadd.s32 $0xFFFFFC00  }
0xfe: {  	[spmem:s2] =	stream.indirect.scatter.add.f32 [tilespmem:s12], [sflag:$0x1], $0x1, s13, s15, $0xb8;
	[tilespmem:$0xB00] =	vst v63  }
0xff: {  	_ = 	snop  }
0x100: {  	[spmem:s2] =	stream.indirect.scatter.add.f32 [tilespmem:s12], [sflag:$0x1], $0x1, s26, s15, $0xb8;
	[tilespmem:$0xB00] =	vst v63  }
0x101: {  	_ = 	snop  }
0x102: {  	[spmem:s2] =	stream.indirect.scatter.add.f32 [tilespmem:s12], [sflag:$0x1], $0x1, s28, s15, $0xb8;
	[tilespmem:$0xB00] =	vst v63  }
0x103: {  	_ = 	snop  }
0x104: {  	[spmem:s2] =	stream.indirect.scatter.add.f32 [tilespmem:s12], [sflag:$0x1], $0x1, s29, s15, $0xb8;
	[tilespmem:$0xB00] =	vst v63  }
0x105: {  	_ = 	snop  }
0x106: {  	[spmem:s2] =	stream.indirect.scatter.add.f32 [tilespmem:s12], [sflag:$0x1], $0x1, s30, s15, $0xb8;
	[tilespmem:$0xB00] =	vst v63  }
0x107: {  	_ = 	snop  }
0x108: {  	[spmem:s2] =	stream.indirect.scatter.add.f32 [tilespmem:s12], [sflag:$0x1], $0x1, s31, s15, $0xb8;
	[tilespmem:$0xB00] =	vst v63  }
0x109: {  	_ = 	snop  }
0x10a: {  	[spmem:s2] =	stream.indirect.scatter.add.f32 [tilespmem:s12], [sflag:$0x1], $0x1, s0, s15, $0xb8;
	[tilespmem:$0xB00] =	vst v63  }
0x10b: {  	_ = 	snop  }
0x10c: {  	[spmem:s2] =	stream.indirect.scatter.add.f32 [tilespmem:s12], [sflag:$0x1], $0x1, s4, s15, $0xb8;
	[tilespmem:$0xB00] =	vst v63  }
0x10d: {  	_ =	swait.ge [sflag:s23], $0x7D  }
0x10e: {  	[sflag:s23] =	ssyncset.done $0x0  }
0x10f: {  	[sflag:s23] =	ssyncadd.s32 $0xFFFFFF83  }
0x110: {  	_ =	swait.ge [sflag:s23], $0x7D  }
0x111: {  	[sflag:s23] =	ssyncset.done $0x0  }
0x112: {  	[sflag:s23] =	ssyncadd.s32 $0xFFFFFF83  }
0x113: {  	_ =	swait.ge [sflag:s23], $0x7D  }
0x114: {  	[sflag:s23] =	ssyncset.done $0x0  }
0x115: {  	[sflag:s23] =	ssyncadd.s32 $0xFFFFFF83  }
0x116: {  	_ =	swait.ge [sflag:s23], $0x7D  }
0x117: {  	[sflag:s23] =	ssyncset.done $0x0  }
0x118: {  	[sflag:s23] =	ssyncadd.s32 $0xFFFFFF83  }
0x119: {  	_ =	swait.ge [sflag:s23], $0x7D  }
0x11a: {  	[sflag:s23] =	ssyncset.done $0x0  }
0x11b: {  	[sflag:s23] =	ssyncadd.s32 $0xFFFFFF83  }
0x11c: {  	_ =	swait.ge [sflag:s23], $0x7D  }
0x11d: {  	[sflag:s23] =	ssyncset.done $0x0  }
0x11e: {  	[sflag:s23] =	ssyncadd.s32 $0xFFFFFF83  }
0x11f: {  	_ =	swait.ge [sflag:s23], $0x7D  }
0x120: {  	[sflag:s23] =	ssyncset.done $0x0  }
0x121: {  	[sflag:s23] =	ssyncadd.s32 $0xFFFFFF83  }
0x122: {  	_ =	swait.ge [sflag:s23], $0x7D  }
0x123: {  	[sflag:s23] =	ssyncset.done $0x0  }
0x124: {  	[sflag:s23] =	ssyncadd.s32 $0xFFFFFF83  }
0x125: {  	[bflag:$0x0] =	sbarrier.arrive $0xFFFF  }
0x126: {  	s8 =	simm.s32 $0x20;
	s24 =	simm.s32 $0x10;
	s7 =	rddreg [dreg:$0x7]  }
0x127: {  	[hbm:s7@s8], [sflag:s6] =	dma.strided [spmem:s10@s24], $0x50, s23, $0x10   }
0x128: {  	_ =	swait.ge [sflag:s11], $0x50  }
0x129: {  	s1 =	sadd.s32 $0x1, s1;
	s24 =	rddreg [dreg:$0x6]  }
0x12a: {  	p0 =	sne.s32 s1, s24  }
.Ltmp1:
0x12b: {  	_ = 	snop;
	(pc) =	sbr.rel @p0 .LBB2_1-.Ltmp1, $3  }
0x12c: {  	_ =	sdelay $0x1  }
0x12d: {  	[sflag:s11] =	ssyncset.done $0x0  }
0x12e: {  	[sflag:s11] =	ssyncadd.s32 $0xFFFFFFB0  }
0x12f: {  	_ =	sfence.sel $0x180000  }
0x130: {  	[bflag:$0x0] =	sbarrier.arrive $0xFFFF  }
0x131: {  	_ =	strace $0x90000047  }
0x132: {  	s0 =	stileid.u32;
	[bflag:$0x2] =	sbarrier.arrive $0xFFFF  }
0x133: {  	p0 =	sne.s32 s0, $0x0;
	s0 =	rddreg [dreg:$0x3]  }
0x134: {  	s0 =	sadd.s32 @!p0 $0x100000, s0  }
0x135: {  	[sflag:s0] =	ssyncadd.tile.s32 @!p0 $0x1;
	_ =	shalt  }
.Lfunc_end2:
_tile_overlayer_lowered:
.L_overlay_start_2:
0x136: {  	(tag) =	ssettag $0x2  }
0x137: {  	s0 =	rddreg [dreg:$0x0];
	s2 =	stileid.u32  }
0x138: {  	s1 =	rddreg [dreg:$0x1];
	p0 =	sne.s32 s2, $0x0  }
0x139: {  	s3 =	rddreg [dreg:$0x2];
	[bflag:$0x3] =	sbarrier.arrive $0xFFFF;
	s2 =	simm.s32 @!p0 $0x1C04  }
0x13a: {  	[timem:s3], [sflag:s2] =	dma.local @!p0 [hbm:s0], s1  }
0x13b: {  	s0 =	simm.s32 @!p0 $0x4  }
0x13c: {  	_ =	swait.ge @!p0 [sflag:s0], s1  }
0x13d: {  	s1 =	ssub.s32 @!p0 $0x0, s1;
	[sflag:s0] =	ssyncset.done @!p0 $0x0  }
0x13e: {  	[sflag:s0] =	ssyncadd.s32 @!p0 s1  }
0x13f: {  	[bflag:$0x3] =	sbarrier.arrive $0xFFFF  }
0x140: {  	_ =	shalt  }

</sc_bundles>
